<compile_context>
chip_gen: v7x
topology: tpu7x:2x2x1
jax: 0.10.2.dev20260603
libtpu: 0.0.44.dev20260713+nightly
codegen_flags: <defaults>
</compile_context>

<pallas_src>
import functools

import jax
import jax.numpy as jnp
from jax import lax
from jax.experimental import pallas as pl
from jax.experimental.pallas import tpu as pltpu
from jax.experimental.pallas import tpu_sc as plsc

HIDDEN = 64
LANES = 16
BT = 128
TPAD = 131
NBUF = 4


def _make_kernel(batch, length):
    info = plsc.get_sparse_core_info()
    nc, ns = info.num_cores, info.num_subcores
    nw = nc * ns
    n_bt = batch // BT
    assert n_bt == nw
    hts = HIDDEN // 8

    mesh = plsc.VectorSubcoreMesh(core_axis_name="c", subcore_axis_name="s")

    @functools.partial(
        pl.kernel,
        mesh=mesh,
        out_type=jax.ShapeDtypeStruct((length, hts, n_bt, 8, BT), jnp.float32),
        scratch_types=[
            pltpu.VMEM((length, BT), jnp.int32),
            pltpu.VMEM((NBUF, BT, HIDDEN), jnp.float32),
            pltpu.VMEM((NBUF, HIDDEN, TPAD), jnp.float32),
            pltpu.SemaphoreType.DMA,
            pltpu.SemaphoreType.DMA,
        ],
        compiler_params=pltpu.CompilerParams(
            use_tc_tiling_on_sc=False, needs_layout_passes=False
        ),
    )
    def k(xt_hbm, table_hbm, out_hbm, idx_all, rows_v, rows_t, gsem, ssem):
        wid = lax.axis_index("s") * nc + lax.axis_index("c")

        pltpu.sync_copy(xt_hbm.at[:, pl.ds(wid * BT, BT)], idx_all)

        iota = lax.iota(jnp.int32, LANES)
        h_rows = [hg * LANES + iota for hg in range(HIDDEN // LANES)]

        def gather(l, buf):
            pltpu.async_copy(table_hbm.at[idx_all.at[l]], rows_v.at[buf], gsem)

        def gather_wait(buf):
            pltpu.make_async_copy(
                table_hbm.at[idx_all.at[0]], rows_v.at[buf], gsem
            ).wait()

        def out_write(l, buf):
            for ht in range(hts):
                pltpu.async_copy(
                    rows_t.at[buf, pl.ds(ht * 8, 8), pl.ds(0, BT)],
                    out_hbm.at[l, ht, wid],
                    ssem,
                )

        def out_wait():
            for _ in range(hts):
                pltpu.make_async_copy(
                    rows_t.at[0, pl.ds(0, 8), pl.ds(0, BT)],
                    out_hbm.at[0, 0, 0],
                    ssem,
                ).wait()

        gather(0, 0)
        gather(1, 1)

        def block_body(l, carry):
            buf = lax.rem(l, NBUF)
            gather_wait(buf)

            @plsc.parallel_loop(0, BT // LANES, unroll=1)
            def bb_group(j):
                idx16 = idx_all[l, pl.ds(j * LANES, LANES)]
                s16 = jnp.where(idx16 != 0, 8.0, 0.0).astype(jnp.float32)
                for jj in range(LANES):
                    bb = j * LANES + jj
                    sj = jnp.full((LANES,), jj, jnp.int32)
                    s = s16.at[sj].get(mode="promise_in_bounds")
                    bbv = jnp.broadcast_to(bb, (LANES,)).astype(jnp.int32)
                    for hg in range(HIDDEN // LANES):
                        val = rows_v[buf, bb, pl.ds(hg * LANES, LANES)]
                        plsc.store_scatter(
                            rows_t.at[buf], [h_rows[hg], bbv], val * s
                        )

            out_write(l, buf)

            @pl.when(l >= 2)
            def _():
                out_wait()

            @pl.when(l + 2 < length)
            def _():
                gather(l + 2, lax.rem(l + 2, NBUF))

            return carry

        lax.fori_loop(0, length, block_body, 0)
        out_wait()
        out_wait()

    return k


def kernel(x, shared_weight):
    batch, length = x.shape
    xt = x.T.astype(jnp.int32)
    out5d = _make_kernel(batch, length)(xt, shared_weight)
    out = out5d.transpose(2, 4, 0, 1, 3).reshape(batch, length, HIDDEN)
    return out

# --- scband reference (transcript-rebuilt; emitter-appended) ---
"""Pipeline reference for scband-embedding-share-weights-68324339745069 (READ-ONLY COPY).

The authoritative reference and input builder live on the scoring server;
editing this copy changes nothing except your own understanding.
"""

import jax, jax.numpy as jnp
import numpy as np

VOCAB_SIZE = 1000000
HIDDEN_SIZE = 64
BATCH = 4096
LENGTH = 200

def setup_inputs(seed: int = 0) -> dict:
    key = jax.random.key(seed)
    k1, k2 = jax.random.split(key)
    x = jax.random.randint(k1, (BATCH, LENGTH), 0, VOCAB_SIZE, dtype=jnp.int64 if jax.config.jax_enable_x64 else jnp.int32)
    shared_weight = jax.random.normal(k2, (VOCAB_SIZE, HIDDEN_SIZE), dtype=jnp.float32) * (HIDDEN_SIZE ** -0.5)
    return {"x": x, "shared_weight": shared_weight}

def reference(x, shared_weight):
    mask = (x != 0).astype(jnp.float32)
    embeddings = jnp.take(shared_weight, x, axis=0)
    embeddings = embeddings * mask[..., None]
    embeddings = embeddings * (HIDDEN_SIZE ** 0.5)
    return embeddings

if __name__ == "__main__":
    import jax
    _d = setup_inputs()
    print(jax.jit(kernel)(*tuple(_d.values())))

</pallas_src>

<mosaic_0001>
#map = affine_map<(d0, d1) -> (0, 0)>
#map1 = affine_map<(d0, d1) -> (0, 0, 0, 0, 0)>
module attributes {stable_mosaic.version = 14 : i64} {
  func.func @k(%arg0: i32, %arg1: i32, %arg2: memref<200x4096xi32, #tpu.memory_space<hbm>>, %arg3: memref<1000000x64xf32, #tpu.memory_space<hbm>>, %arg4: memref<200x8x32x8x128xf32, #tpu.memory_space<hbm>>, %arg5: memref<200x128xi32, #tpu.memory_space<vmem>>, %arg6: memref<4x128x64xf32, #tpu.memory_space<vmem>>, %arg7: memref<4x64x131xf32, #tpu.memory_space<vmem>>, %arg8: memref<!tpu.dma_semaphore, #tpu.memory_space<semaphore_mem>>, %arg9: memref<!tpu.dma_semaphore, #tpu.memory_space<semaphore_mem>>) attributes {dimension_semantics = [#tpu.dimension_semantics<core_parallel>, #tpu.dimension_semantics<subcore_parallel>], iteration_bounds = array<i64: 2, 16>, scalar_prefetch = 0 : i64, scratch_operands = 5 : i64, tpu.core_type = #tpu.core_type<sc_vector_subcore>, window_params = [{transform_indices = #map}, {transform_indices = #map}, {transform_indices = #map1}]} {
    %mul3A = arith.constant 2 : i32
    %mul3A_0 = arith.muli %arg1, %mul3A : i32
    %add3A = arith.addi %mul3A_0, %arg0 : i32
    %mul3A_1 = arith.constant 128 : i32
    %mul3A_2 = arith.muli %add3A, %mul3A_1 : i32
    "tpu.region"() ({
      %run_scoped3A = tpu.sem_alloc : memref<!tpu.dma_semaphore, #tpu.memory_space<semaphore_mem>>
      %dma_start3A_362 = arith.constant 0 : i32
      %dma_start3A_363 = tpu.memref_slice %arg2[%dma_start3A_362, %mul3A_2] : memref<200x4096xi32, #tpu.memory_space<hbm>> -> memref<200x128xi32, #tpu.memory_space<hbm>>
      %dma_start3A_364 = arith.constant 0 : i32
      %dma_start3A_365 = tpu.memref_slice %arg2[%dma_start3A_364, %mul3A_2] : memref<200x4096xi32, #tpu.memory_space<hbm>> -> memref<200x128xi32, #tpu.memory_space<hbm>>
      tpu.enqueue_dma source(%dma_start3A_365 : memref<200x128xi32, #tpu.memory_space<hbm>>) target(%arg5 : memref<200x128xi32, #tpu.memory_space<vmem>>) target_semaphore(%run_scoped3A : memref<!tpu.dma_semaphore, #tpu.memory_space<semaphore_mem>>)
      %dma_wait3A_366 = arith.constant 0 : i32
      %dma_wait3A_367 = tpu.memref_slice %arg2[%dma_wait3A_366, %mul3A_2] : memref<200x4096xi32, #tpu.memory_space<hbm>> -> memref<200x128xi32, #tpu.memory_space<hbm>>
      %dma_wait3A_368 = arith.constant 0 : i32
      %dma_wait3A_369 = tpu.memref_slice %arg2[%dma_wait3A_368, %mul3A_2] : memref<200x4096xi32, #tpu.memory_space<hbm>> -> memref<200x128xi32, #tpu.memory_space<hbm>>
      tpu.wait_dma2 semaphore(%run_scoped3A : memref<!tpu.dma_semaphore, #tpu.memory_space<semaphore_mem>>) src(%dma_wait3A_369 : memref<200x128xi32, #tpu.memory_space<hbm>>) dst(%arg5 : memref<200x128xi32, #tpu.memory_space<vmem>>)
      tpu.yield
    }) : () -> ()
    %iota3A = tpu.iota {dimensions = array<i32: 0>} : vector<16xi32>
    %add3A_3 = arith.constant 0 : i32
    %add3A_4 = vector.broadcast %add3A_3 : i32 to vector<16xi32>
    %add3A_5 = arith.addi %add3A_4, %iota3A : vector<16xi32>
    %add3A_6 = arith.constant 16 : i32
    %add3A_7 = vector.broadcast %add3A_6 : i32 to vector<16xi32>
    %add3A_8 = arith.addi %add3A_7, %iota3A : vector<16xi32>
    %add3A_9 = arith.constant 32 : i32
    %add3A_10 = vector.broadcast %add3A_9 : i32 to vector<16xi32>
    %add3A_11 = arith.addi %add3A_10, %iota3A : vector<16xi32>
    %add3A_12 = arith.constant 48 : i32
    %add3A_13 = vector.broadcast %add3A_12 : i32 to vector<16xi32>
    %add3A_14 = arith.addi %add3A_13, %iota3A : vector<16xi32>
    %dma_start3A = arith.constant 0 : i32
    %dma_start3A_15 = arith.constant 0 : i32
    %dma_start3A_16 = arith.constant 0 : i32
    %dma_start3A_17 = arith.constant 0 : i32
    %dma_start3A_18 = tpu.memref_slice %arg6[%dma_start3A_15, %dma_start3A_16, %dma_start3A_17] : memref<4x128x64xf32, #tpu.memory_space<vmem>> -> memref<1x128x64xf32, #tpu.memory_space<vmem>>
    %dma_start3A_19 = tpu.memref_squeeze %dma_start3A_18 : memref<1x128x64xf32, #tpu.memory_space<vmem>> -> memref<128x64xf32, #tpu.memory_space<vmem>>
    %dma_start3A_20 = arith.constant 0 : i32
    %dma_start3A_21 = tpu.memref_slice %arg5[%dma_start3A, %dma_start3A_20] : memref<200x128xi32, #tpu.memory_space<vmem>> -> memref<1x128xi32, #tpu.memory_space<vmem>>
    %dma_start3A_22 = tpu.memref_squeeze %dma_start3A_21 : memref<1x128xi32, #tpu.memory_space<vmem>> -> memref<128xi32, #tpu.memory_space<vmem>>
    %dma_start3A_23 = arith.constant 0 : i32
    %dma_start3A_24 = arith.constant 0 : i32
    %dma_start3A_25 = tpu.memref_slice %arg3[%dma_start3A_23, %dma_start3A_24] : memref<1000000x64xf32, #tpu.memory_space<hbm>> -> memref<1000000x64xf32, #tpu.memory_space<hbm>>
    tpu.enqueue_indirect_dma source(%dma_start3A_25 : memref<1000000x64xf32, #tpu.memory_space<hbm>>) target(%dma_start3A_19 : memref<128x64xf32, #tpu.memory_space<vmem>>) offsets(%dma_start3A_22 : memref<128xi32, #tpu.memory_space<vmem>>) semaphore(%arg8 : memref<!tpu.dma_semaphore, #tpu.memory_space<semaphore_mem>>)
    %dma_start3A_26 = arith.constant 1 : i32
    %dma_start3A_27 = arith.constant 1 : i32
    %dma_start3A_28 = arith.constant 0 : i32
    %dma_start3A_29 = arith.constant 0 : i32
    %dma_start3A_30 = tpu.memref_slice %arg6[%dma_start3A_27, %dma_start3A_28, %dma_start3A_29] : memref<4x128x64xf32, #tpu.memory_space<vmem>> -> memref<1x128x64xf32, #tpu.memory_space<vmem>>
    %dma_start3A_31 = tpu.memref_squeeze %dma_start3A_30 : memref<1x128x64xf32, #tpu.memory_space<vmem>> -> memref<128x64xf32, #tpu.memory_space<vmem>>
    %dma_start3A_32 = arith.constant 0 : i32
    %dma_start3A_33 = tpu.memref_slice %arg5[%dma_start3A_26, %dma_start3A_32] : memref<200x128xi32, #tpu.memory_space<vmem>> -> memref<1x128xi32, #tpu.memory_space<vmem>>
    %dma_start3A_34 = tpu.memref_squeeze %dma_start3A_33 : memref<1x128xi32, #tpu.memory_space<vmem>> -> memref<128xi32, #tpu.memory_space<vmem>>
    %dma_start3A_35 = arith.constant 0 : i32
    %dma_start3A_36 = arith.constant 0 : i32
    %dma_start3A_37 = tpu.memref_slice %arg3[%dma_start3A_35, %dma_start3A_36] : memref<1000000x64xf32, #tpu.memory_space<hbm>> -> memref<1000000x64xf32, #tpu.memory_space<hbm>>
    tpu.enqueue_indirect_dma source(%dma_start3A_37 : memref<1000000x64xf32, #tpu.memory_space<hbm>>) target(%dma_start3A_31 : memref<128x64xf32, #tpu.memory_space<vmem>>) offsets(%dma_start3A_34 : memref<128xi32, #tpu.memory_space<vmem>>) semaphore(%arg8 : memref<!tpu.dma_semaphore, #tpu.memory_space<semaphore_mem>>)
    %scan3A = arith.constant 0 : i32
    %scan3A_38 = arith.constant 0 : i32
    %scan3A_39 = arith.constant 200 : i32
    %scan3A_40 = arith.addi %scan3A_38, %scan3A_39 : i32
    %scan3A_41 = arith.constant 1 : i32
    scf.for %scan3A_362 = %scan3A_38 to %scan3A_40 step %scan3A_41  : i32 {
      %rem3A = arith.constant 4 : i32
      %rem3A_363 = arith.remsi %scan3A_362, %rem3A : i32
      %dma_wait3A_364 = arith.constant 0 : i32
      %dma_wait3A_365 = arith.constant 0 : i32
      %dma_wait3A_366 = arith.constant 0 : i32
      %dma_wait3A_367 = tpu.memref_slice %arg6[%rem3A_363, %dma_wait3A_365, %dma_wait3A_366] : memref<4x128x64xf32, #tpu.memory_space<vmem>> -> memref<1x128x64xf32, #tpu.memory_space<vmem>>
      %dma_wait3A_368 = tpu.memref_squeeze %dma_wait3A_367 : memref<1x128x64xf32, #tpu.memory_space<vmem>> -> memref<128x64xf32, #tpu.memory_space<vmem>>
      %dma_wait3A_369 = arith.constant 0 : i32
      %dma_wait3A_370 = tpu.memref_slice %arg5[%dma_wait3A_364, %dma_wait3A_369] : memref<200x128xi32, #tpu.memory_space<vmem>> -> memref<1x128xi32, #tpu.memory_space<vmem>>
      %dma_wait3A_371 = tpu.memref_squeeze %dma_wait3A_370 : memref<1x128xi32, #tpu.memory_space<vmem>> -> memref<128xi32, #tpu.memory_space<vmem>>
      %dma_wait3A_372 = arith.constant 0 : i32
      %dma_wait3A_373 = arith.constant 0 : i32
      %dma_wait3A_374 = tpu.memref_slice %arg3[%dma_wait3A_372, %dma_wait3A_373] : memref<1000000x64xf32, #tpu.memory_space<hbm>> -> memref<1000000x64xf32, #tpu.memory_space<hbm>>
      tpu.wait_indirect_dma semaphore(%arg8 : memref<!tpu.dma_semaphore, #tpu.memory_space<semaphore_mem>>) src(%dma_wait3A_374 : memref<1000000x64xf32, #tpu.memory_space<hbm>>) dst(%dma_wait3A_368 : memref<128x64xf32, #tpu.memory_space<vmem>>)
      %parallel_loop3A = arith.constant 0 : i32
      %parallel_loop3A_375 = arith.constant 8 : i32
      %parallel_loop3A_376 = arith.constant 1 : i32
      scf.for %parallel_loop3A_521 = %parallel_loop3A to %parallel_loop3A_375 step %parallel_loop3A_376  : i32 {
        %parallel_loop3A_522 = arith.constant 16 : i32
        %parallel_loop3A_523 = arith.muli %parallel_loop3A_521, %parallel_loop3A_522 : i32
        %parallel_loop3A_524 = arith.index_cast %scan3A_362 : i32 to index
        %parallel_loop3A_525 = arith.index_cast %parallel_loop3A_523 : i32 to index
        %parallel_loop3A_526 = tpu.vector_load %arg5[%parallel_loop3A_524, %parallel_loop3A_525] {strides = array<i32>} : memref<200x128xi32, #tpu.memory_space<vmem>>, vector<16xi32>,
        %parallel_loop3A_527 = arith.constant 0 : i32
        %parallel_loop3A_528 = vector.broadcast %parallel_loop3A_527 : i32 to vector<16xi32>
        %parallel_loop3A_529 = arith.cmpi ne, %parallel_loop3A_526, %parallel_loop3A_528 : vector<16xi32>
        %parallel_loop3A_530 = arith.constant 8.000000e+00 : f32
        %parallel_loop3A_531 = arith.constant 0.000000e+00 : f32
        %parallel_loop3A_532 = vector.broadcast %parallel_loop3A_530 : f32 to vector<16xf32>
        %parallel_loop3A_533 = vector.broadcast %parallel_loop3A_531 : f32 to vector<16xf32>
        %parallel_loop3A_534 = arith.select %parallel_loop3A_529, %parallel_loop3A_532, %parallel_loop3A_533 : vector<16xi1>, vector<16xf32>
        %parallel_loop3A_535 = arith.constant 16 : i32
        %parallel_loop3A_536 = arith.muli %parallel_loop3A_521, %parallel_loop3A_535 : i32
        %parallel_loop3A_537 = arith.constant 0 : i32
        %parallel_loop3A_538 = arith.addi %parallel_loop3A_536, %parallel_loop3A_537 : i32
        %parallel_loop3A_539 = arith.constant 0 : i32
        %parallel_loop3A_540 = vector.broadcast %parallel_loop3A_539 : i32 to vector<16xi32>
        %parallel_loop3A_541 = arith.constant 0 : i32
        %parallel_loop3A_542 = vector.broadcast %parallel_loop3A_541 : i32 to vector<16xi32>
        %parallel_loop3A_543 = arith.cmpi slt, %parallel_loop3A_540, %parallel_loop3A_542 : vector<16xi32>
        %parallel_loop3A_544 = arith.constant 16 : i32
        %parallel_loop3A_545 = vector.broadcast %parallel_loop3A_544 : i32 to vector<16xi32>
        %parallel_loop3A_546 = arith.addi %parallel_loop3A_540, %parallel_loop3A_545 : vector<16xi32>
        %parallel_loop3A_547 = arith.select %parallel_loop3A_543, %parallel_loop3A_546, %parallel_loop3A_540 : vector<16xi1>, vector<16xi32>
        %parallel_loop3A_548 = vector.shape_cast %parallel_loop3A_547 : vector<16xi32> to vector<16x1xi32>
        %parallel_loop3A_549 = vector.shape_cast %parallel_loop3A_548 : vector<16x1xi32> to vector<16xi32>
        %parallel_loop3A_550 = tpu.dynamic_gather %parallel_loop3A_534[%parallel_loop3A_549] in [0] : vector<16xf32>, vector<16xi32> -> vector<16xf32>
        %parallel_loop3A_551 = vector.broadcast %parallel_loop3A_538 : i32 to vector<16xi32>
        %parallel_loop3A_552 = arith.index_cast %rem3A_363 : i32 to index
        %parallel_loop3A_553 = arith.index_cast %parallel_loop3A_538 : i32 to index
        %parallel_loop3A_554 = arith.constant 0 : index
        %parallel_loop3A_555 = tpu.vector_load %arg6[%parallel_loop3A_552, %parallel_loop3A_553, %parallel_loop3A_554] {strides = array<i32>} : memref<4x128x64xf32, #tpu.memory_space<vmem>>, vector<16xf32>,
        %parallel_loop3A_556 = arith.mulf %parallel_loop3A_555, %parallel_loop3A_550 : vector<16xf32>
        %parallel_loop3A_557 = arith.constant 0 : i32
        %parallel_loop3A_558 = arith.constant 0 : i32
        %parallel_loop3A_559 = tpu.memref_slice %arg7[%rem3A_363, %parallel_loop3A_557, %parallel_loop3A_558] : memref<4x64x131xf32, #tpu.memory_space<vmem>> -> memref<1x64x131xf32, #tpu.memory_space<vmem>>
        %parallel_loop3A_560 = tpu.memref_squeeze %parallel_loop3A_559 : memref<1x64x131xf32, #tpu.memory_space<vmem>> -> memref<64x131xf32, #tpu.memory_space<vmem>>
        tpu.vector_store_idx %parallel_loop3A_560[%add3A_5, %parallel_loop3A_551], %parallel_loop3A_556 : memref<64x131xf32, #tpu.memory_space<vmem>>[vector<16xi32>, vector<16xi32>], vector<16xf32>,
        %parallel_loop3A_561 = arith.index_cast %rem3A_363 : i32 to index
        %parallel_loop3A_562 = arith.index_cast %parallel_loop3A_538 : i32 to index
        %parallel_loop3A_563 = arith.constant 16 : index
        %parallel_loop3A_564 = tpu.vector_load %arg6[%parallel_loop3A_561, %parallel_loop3A_562, %parallel_loop3A_563] {strides = array<i32>} : memref<4x128x64xf32, #tpu.memory_space<vmem>>, vector<16xf32>,
        %parallel_loop3A_565 = arith.mulf %parallel_loop3A_564, %parallel_loop3A_550 : vector<16xf32>
        %parallel_loop3A_566 = arith.constant 0 : i32
        %parallel_loop3A_567 = arith.constant 0 : i32
        %parallel_loop3A_568 = tpu.memref_slice %arg7[%rem3A_363, %parallel_loop3A_566, %parallel_loop3A_567] : memref<4x64x131xf32, #tpu.memory_space<vmem>> -> memref<1x64x131xf32, #tpu.memory_space<vmem>>
        %parallel_loop3A_569 = tpu.memref_squeeze %parallel_loop3A_568 : memref<1x64x131xf32, #tpu.memory_space<vmem>> -> memref<64x131xf32, #tpu.memory_space<vmem>>
        tpu.vector_store_idx %parallel_loop3A_569[%add3A_8, %parallel_loop3A_551], %parallel_loop3A_565 : memref<64x131xf32, #tpu.memory_space<vmem>>[vector<16xi32>, vector<16xi32>], vector<16xf32>,
        %parallel_loop3A_570 = arith.index_cast %rem3A_363 : i32 to index
        %parallel_loop3A_571 = arith.index_cast %parallel_loop3A_538 : i32 to index
        %parallel_loop3A_572 = arith.constant 32 : index
        %parallel_loop3A_573 = tpu.vector_load %arg6[%parallel_loop3A_570, %parallel_loop3A_571, %parallel_loop3A_572] {strides = array<i32>} : memref<4x128x64xf32, #tpu.memory_space<vmem>>, vector<16xf32>,
        %parallel_loop3A_574 = arith.mulf %parallel_loop3A_573, %parallel_loop3A_550 : vector<16xf32>
        %parallel_loop3A_575 = arith.constant 0 : i32
        %parallel_loop3A_576 = arith.constant 0 : i32
        %parallel_loop3A_577 = tpu.memref_slice %arg7[%rem3A_363, %parallel_loop3A_575, %parallel_loop3A_576] : memref<4x64x131xf32, #tpu.memory_space<vmem>> -> memref<1x64x131xf32, #tpu.memory_space<vmem>>
        %parallel_loop3A_578 = tpu.memref_squeeze %parallel_loop3A_577 : memref<1x64x131xf32, #tpu.memory_space<vmem>> -> memref<64x131xf32, #tpu.memory_space<vmem>>
        tpu.vector_store_idx %parallel_loop3A_578[%add3A_11, %parallel_loop3A_551], %parallel_loop3A_574 : memref<64x131xf32, #tpu.memory_space<vmem>>[vector<16xi32>, vector<16xi32>], vector<16xf32>,
        %parallel_loop3A_579 = arith.index_cast %rem3A_363 : i32 to index
        %parallel_loop3A_580 = arith.index_cast %parallel_loop3A_538 : i32 to index
        %parallel_loop3A_581 = arith.constant 48 : index
        %parallel_loop3A_582 = tpu.vector_load %arg6[%parallel_loop3A_579, %parallel_loop3A_580, %parallel_loop3A_581] {strides = array<i32>} : memref<4x128x64xf32, #tpu.memory_space<vmem>>, vector<16xf32>,
        %parallel_loop3A_583 = arith.mulf %parallel_loop3A_582, %parallel_loop3A_550 : vector<16xf32>
        %parallel_loop3A_584 = arith.constant 0 : i32
        %parallel_loop3A_585 = arith.constant 0 : i32
        %parallel_loop3A_586 = tpu.memref_slice %arg7[%rem3A_363, %parallel_loop3A_584, %parallel_loop3A_585] : memref<4x64x131xf32, #tpu.memory_space<vmem>> -> memref<1x64x131xf32, #tpu.memory_space<vmem>>
        %parallel_loop3A_587 = tpu.memref_squeeze %parallel_loop3A_586 : memref<1x64x131xf32, #tpu.memory_space<vmem>> -> memref<64x131xf32, #tpu.memory_space<vmem>>
        tpu.vector_store_idx %parallel_loop3A_587[%add3A_14, %parallel_loop3A_551], %parallel_loop3A_583 : memref<64x131xf32, #tpu.memory_space<vmem>>[vector<16xi32>, vector<16xi32>], vector<16xf32>,
        %parallel_loop3A_588 = arith.constant 16 : i32
        %parallel_loop3A_589 = arith.muli %parallel_loop3A_521, %parallel_loop3A_588 : i32
        %parallel_loop3A_590 = arith.constant 1 : i32
        %parallel_loop3A_591 = arith.addi %parallel_loop3A_589, %parallel_loop3A_590 : i32
        %parallel_loop3A_592 = arith.constant 1 : i32
        %parallel_loop3A_593 = vector.broadcast %parallel_loop3A_592 : i32 to vector<16xi32>
        %parallel_loop3A_594 = arith.constant 0 : i32
        %parallel_loop3A_595 = vector.broadcast %parallel_loop3A_594 : i32 to vector<16xi32>
        %parallel_loop3A_596 = arith.cmpi slt, %parallel_loop3A_593, %parallel_loop3A_595 : vector<16xi32>
        %parallel_loop3A_597 = arith.constant 16 : i32
        %parallel_loop3A_598 = vector.broadcast %parallel_loop3A_597 : i32 to vector<16xi32>
        %parallel_loop3A_599 = arith.addi %parallel_loop3A_593, %parallel_loop3A_598 : vector<16xi32>
        %parallel_loop3A_600 = arith.select %parallel_loop3A_596, %parallel_loop3A_599, %parallel_loop3A_593 : vector<16xi1>, vector<16xi32>
        %parallel_loop3A_601 = vector.shape_cast %parallel_loop3A_600 : vector<16xi32> to vector<16x1xi32>
        %parallel_loop3A_602 = vector.shape_cast %parallel_loop3A_601 : vector<16x1xi32> to vector<16xi32>
        %parallel_loop3A_603 = tpu.dynamic_gather %parallel_loop3A_534[%parallel_loop3A_602] in [0] : vector<16xf32>, vector<16xi32> -> vector<16xf32>
        %parallel_loop3A_604 = vector.broadcast %parallel_loop3A_591 : i32 to vector<16xi32>
        %parallel_loop3A_605 = arith.index_cast %rem3A_363 : i32 to index
        %parallel_loop3A_606 = arith.index_cast %parallel_loop3A_591 : i32 to index
        %parallel_loop3A_607 = arith.constant 0 : index
        %parallel_loop3A_608 = tpu.vector_load %arg6[%parallel_loop3A_605, %parallel_loop3A_606, %parallel_loop3A_607] {strides = array<i32>} : memref<4x128x64xf32, #tpu.memory_space<vmem>>, vector<16xf32>,
        %parallel_loop3A_609 = arith.mulf %parallel_loop3A_608, %parallel_loop3A_603 : vector<16xf32>
        %parallel_loop3A_610 = arith.constant 0 : i32
        %parallel_loop3A_611 = arith.constant 0 : i32
        %parallel_loop3A_612 = tpu.memref_slice %arg7[%rem3A_363, %parallel_loop3A_610, %parallel_loop3A_611] : memref<4x64x131xf32, #tpu.memory_space<vmem>> -> memref<1x64x131xf32, #tpu.memory_space<vmem>>
        %parallel_loop3A_613 = tpu.memref_squeeze %parallel_loop3A_612 : memref<1x64x131xf32, #tpu.memory_space<vmem>> -> memref<64x131xf32, #tpu.memory_space<vmem>>
        tpu.vector_store_idx %parallel_loop3A_613[%add3A_5, %parallel_loop3A_604], %parallel_loop3A_609 : memref<64x131xf32, #tpu.memory_space<vmem>>[vector<16xi32>, vector<16xi32>], vector<16xf32>,
        %parallel_loop3A_614 = arith.index_cast %rem3A_363 : i32 to index
        %parallel_loop3A_615 = arith.index_cast %parallel_loop3A_591 : i32 to index
        %parallel_loop3A_616 = arith.constant 16 : index
        %parallel_loop3A_617 = tpu.vector_load %arg6[%parallel_loop3A_614, %parallel_loop3A_615, %parallel_loop3A_616] {strides = array<i32>} : memref<4x128x64xf32, #tpu.memory_space<vmem>>, vector<16xf32>,
        %parallel_loop3A_618 = arith.mulf %parallel_loop3A_617, %parallel_loop3A_603 : vector<16xf32>
        %parallel_loop3A_619 = arith.constant 0 : i32
        %parallel_loop3A_620 = arith.constant 0 : i32
        %parallel_loop3A_621 = tpu.memref_slice %arg7[%rem3A_363, %parallel_loop3A_619, %parallel_loop3A_620] : memref<4x64x131xf32, #tpu.memory_space<vmem>> -> memref<1x64x131xf32, #tpu.memory_space<vmem>>
        %parallel_loop3A_622 = tpu.memref_squeeze %parallel_loop3A_621 : memref<1x64x131xf32, #tpu.memory_space<vmem>> -> memref<64x131xf32, #tpu.memory_space<vmem>>
        tpu.vector_store_idx %parallel_loop3A_622[%add3A_8, %parallel_loop3A_604], %parallel_loop3A_618 : memref<64x131xf32, #tpu.memory_space<vmem>>[vector<16xi32>, vector<16xi32>], vector<16xf32>,
        %parallel_loop3A_623 = arith.index_cast %rem3A_363 : i32 to index
        %parallel_loop3A_624 = arith.index_cast %parallel_loop3A_591 : i32 to index
        %parallel_loop3A_625 = arith.constant 32 : index
        %parallel_loop3A_626 = tpu.vector_load %arg6[%parallel_loop3A_623, %parallel_loop3A_624, %parallel_loop3A_625] {strides = array<i32>} : memref<4x128x64xf32, #tpu.memory_space<vmem>>, vector<16xf32>,
        %parallel_loop3A_627 = arith.mulf %parallel_loop3A_626, %parallel_loop3A_603 : vector<16xf32>
        %parallel_loop3A_628 = arith.constant 0 : i32
        %parallel_loop3A_629 = arith.constant 0 : i32
        %parallel_loop3A_630 = tpu.memref_slice %arg7[%rem3A_363, %parallel_loop3A_628, %parallel_loop3A_629] : memref<4x64x131xf32, #tpu.memory_space<vmem>> -> memref<1x64x131xf32, #tpu.memory_space<vmem>>
        %parallel_loop3A_631 = tpu.memref_squeeze %parallel_loop3A_630 : memref<1x64x131xf32, #tpu.memory_space<vmem>> -> memref<64x131xf32, #tpu.memory_space<vmem>>
        tpu.vector_store_idx %parallel_loop3A_631[%add3A_11, %parallel_loop3A_604], %parallel_loop3A_627 : memref<64x131xf32, #tpu.memory_space<vmem>>[vector<16xi32>, vector<16xi32>], vector<16xf32>,
        %parallel_loop3A_632 = arith.index_cast %rem3A_363 : i32 to index
        %parallel_loop3A_633 = arith.index_cast %parallel_loop3A_591 : i32 to index
        %parallel_loop3A_634 = arith.constant 48 : index
        %parallel_loop3A_635 = tpu.vector_load %arg6[%parallel_loop3A_632, %parallel_loop3A_633, %parallel_loop3A_634] {strides = array<i32>} : memref<4x128x64xf32, #tpu.memory_space<vmem>>, vector<16xf32>,
        %parallel_loop3A_636 = arith.mulf %parallel_loop3A_635, %parallel_loop3A_603 : vector<16xf32>
        %parallel_loop3A_637 = arith.constant 0 : i32
        %parallel_loop3A_638 = arith.constant 0 : i32
        %parallel_loop3A_639 = tpu.memref_slice %arg7[%rem3A_363, %parallel_loop3A_637, %parallel_loop3A_638] : memref<4x64x131xf32, #tpu.memory_space<vmem>> -> memref<1x64x131xf32, #tpu.memory_space<vmem>>
        %parallel_loop3A_640 = tpu.memref_squeeze %parallel_loop3A_639 : memref<1x64x131xf32, #tpu.memory_space<vmem>> -> memref<64x131xf32, #tpu.memory_space<vmem>>
        tpu.vector_store_idx %parallel_loop3A_640[%add3A_14, %parallel_loop3A_604], %parallel_loop3A_636 : memref<64x131xf32, #tpu.memory_space<vmem>>[vector<16xi32>, vector<16xi32>], vector<16xf32>,
        %parallel_loop3A_641 = arith.constant 16 : i32
        %parallel_loop3A_642 = arith.muli %parallel_loop3A_521, %parallel_loop3A_641 : i32
        %parallel_loop3A_643 = arith.constant 2 : i32
        %parallel_loop3A_644 = arith.addi %parallel_loop3A_642, %parallel_loop3A_643 : i32
        %parallel_loop3A_645 = arith.constant 2 : i32
        %parallel_loop3A_646 = vector.broadcast %parallel_loop3A_645 : i32 to vector<16xi32>
        %parallel_loop3A_647 = arith.constant 0 : i32
        %parallel_loop3A_648 = vector.broadcast %parallel_loop3A_647 : i32 to vector<16xi32>
        %parallel_loop3A_649 = arith.cmpi slt, %parallel_loop3A_646, %parallel_loop3A_648 : vector<16xi32>
        %parallel_loop3A_650 = arith.constant 16 : i32
        %parallel_loop3A_651 = vector.broadcast %parallel_loop3A_650 : i32 to vector<16xi32>
        %parallel_loop3A_652 = arith.addi %parallel_loop3A_646, %parallel_loop3A_651 : vector<16xi32>
        %parallel_loop3A_653 = arith.select %parallel_loop3A_649, %parallel_loop3A_652, %parallel_loop3A_646 : vector<16xi1>, vector<16xi32>
        %parallel_loop3A_654 = vector.shape_cast %parallel_loop3A_653 : vector<16xi32> to vector<16x1xi32>
        %parallel_loop3A_655 = vector.shape_cast %parallel_loop3A_654 : vector<16x1xi32> to vector<16xi32>
        %parallel_loop3A_656 = tpu.dynamic_gather %parallel_loop3A_534[%parallel_loop3A_655] in [0] : vector<16xf32>, vector<16xi32> -> vector<16xf32>
        %parallel_loop3A_657 = vector.broadcast %parallel_loop3A_644 : i32 to vector<16xi32>
        %parallel_loop3A_658 = arith.index_cast %rem3A_363 : i32 to index
        %parallel_loop3A_659 = arith.index_cast %parallel_loop3A_644 : i32 to index
        %parallel_loop3A_660 = arith.constant 0 : index
        %parallel_loop3A_661 = tpu.vector_load %arg6[%parallel_loop3A_658, %parallel_loop3A_659, %parallel_loop3A_660] {strides = array<i32>} : memref<4x128x64xf32, #tpu.memory_space<vmem>>, vector<16xf32>,
        %parallel_loop3A_662 = arith.mulf %parallel_loop3A_661, %parallel_loop3A_656 : vector<16xf32>
        %parallel_loop3A_663 = arith.constant 0 : i32
        %parallel_loop3A_664 = arith.constant 0 : i32
        %parallel_loop3A_665 = tpu.memref_slice %arg7[%rem3A_363, %parallel_loop3A_663, %parallel_loop3A_664] : memref<4x64x131xf32, #tpu.memory_space<vmem>> -> memref<1x64x131xf32, #tpu.memory_space<vmem>>
        %parallel_loop3A_666 = tpu.memref_squeeze %parallel_loop3A_665 : memref<1x64x131xf32, #tpu.memory_space<vmem>> -> memref<64x131xf32, #tpu.memory_space<vmem>>
        tpu.vector_store_idx %parallel_loop3A_666[%add3A_5, %parallel_loop3A_657], %parallel_loop3A_662 : memref<64x131xf32, #tpu.memory_space<vmem>>[vector<16xi32>, vector<16xi32>], vector<16xf32>,
        %parallel_loop3A_667 = arith.index_cast %rem3A_363 : i32 to index
        %parallel_loop3A_668 = arith.index_cast %parallel_loop3A_644 : i32 to index
        %parallel_loop3A_669 = arith.constant 16 : index
        %parallel_loop3A_670 = tpu.vector_load %arg6[%parallel_loop3A_667, %parallel_loop3A_668, %parallel_loop3A_669] {strides = array<i32>} : memref<4x128x64xf32, #tpu.memory_space<vmem>>, vector<16xf32>,
        %parallel_loop3A_671 = arith.mulf %parallel_loop3A_670, %parallel_loop3A_656 : vector<16xf32>
        %parallel_loop3A_672 = arith.constant 0 : i32
        %parallel_loop3A_673 = arith.constant 0 : i32
        %parallel_loop3A_674 = tpu.memref_slice %arg7[%rem3A_363, %parallel_loop3A_672, %parallel_loop3A_673] : memref<4x64x131xf32, #tpu.memory_space<vmem>> -> memref<1x64x131xf32, #tpu.memory_space<vmem>>
        %parallel_loop3A_675 = tpu.memref_squeeze %parallel_loop3A_674 : memref<1x64x131xf32, #tpu.memory_space<vmem>> -> memref<64x131xf32, #tpu.memory_space<vmem>>
        tpu.vector_store_idx %parallel_loop3A_675[%add3A_8, %parallel_loop3A_657], %parallel_loop3A_671 : memref<64x131xf32, #tpu.memory_space<vmem>>[vector<16xi32>, vector<16xi32>], vector<16xf32>,
        %parallel_loop3A_676 = arith.index_cast %rem3A_363 : i32 to index
        %parallel_loop3A_677 = arith.index_cast %parallel_loop3A_644 : i32 to index
        %parallel_loop3A_678 = arith.constant 32 : index
        %parallel_loop3A_679 = tpu.vector_load %arg6[%parallel_loop3A_676, %parallel_loop3A_677, %parallel_loop3A_678] {strides = array<i32>} : memref<4x128x64xf32, #tpu.memory_space<vmem>>, vector<16xf32>,
        %parallel_loop3A_680 = arith.mulf %parallel_loop3A_679, %parallel_loop3A_656 : vector<16xf32>
        %parallel_loop3A_681 = arith.constant 0 : i32
        %parallel_loop3A_682 = arith.constant 0 : i32
        %parallel_loop3A_683 = tpu.memref_slice %arg7[%rem3A_363, %parallel_loop3A_681, %parallel_loop3A_682] : memref<4x64x131xf32, #tpu.memory_space<vmem>> -> memref<1x64x131xf32, #tpu.memory_space<vmem>>
        %parallel_loop3A_684 = tpu.memref_squeeze %parallel_loop3A_683 : memref<1x64x131xf32, #tpu.memory_space<vmem>> -> memref<64x131xf32, #tpu.memory_space<vmem>>
        tpu.vector_store_idx %parallel_loop3A_684[%add3A_11, %parallel_loop3A_657], %parallel_loop3A_680 : memref<64x131xf32, #tpu.memory_space<vmem>>[vector<16xi32>, vector<16xi32>], vector<16xf32>,
        %parallel_loop3A_685 = arith.index_cast %rem3A_363 : i32 to index
        %parallel_loop3A_686 = arith.index_cast %parallel_loop3A_644 : i32 to index
        %parallel_loop3A_687 = arith.constant 48 : index
        %parallel_loop3A_688 = tpu.vector_load %arg6[%parallel_loop3A_685, %parallel_loop3A_686, %parallel_loop3A_687] {strides = array<i32>} : memref<4x128x64xf32, #tpu.memory_space<vmem>>, vector<16xf32>,
        %parallel_loop3A_689 = arith.mulf %parallel_loop3A_688, %parallel_loop3A_656 : vector<16xf32>
        %parallel_loop3A_690 = arith.constant 0 : i32
        %parallel_loop3A_691 = arith.constant 0 : i32
        %parallel_loop3A_692 = tpu.memref_slice %arg7[%rem3A_363, %parallel_loop3A_690, %parallel_loop3A_691] : memref<4x64x131xf32, #tpu.memory_space<vmem>> -> memref<1x64x131xf32, #tpu.memory_space<vmem>>
        %parallel_loop3A_693 = tpu.memref_squeeze %parallel_loop3A_692 : memref<1x64x131xf32, #tpu.memory_space<vmem>> -> memref<64x131xf32, #tpu.memory_space<vmem>>
        tpu.vector_store_idx %parallel_loop3A_693[%add3A_14, %parallel_loop3A_657], %parallel_loop3A_689 : memref<64x131xf32, #tpu.memory_space<vmem>>[vector<16xi32>, vector<16xi32>], vector<16xf32>,
        %parallel_loop3A_694 = arith.constant 16 : i32
        %parallel_loop3A_695 = arith.muli %parallel_loop3A_521, %parallel_loop3A_694 : i32
        %parallel_loop3A_696 = arith.constant 3 : i32
        %parallel_loop3A_697 = arith.addi %parallel_loop3A_695, %parallel_loop3A_696 : i32
        %parallel_loop3A_698 = arith.constant 3 : i32
        %parallel_loop3A_699 = vector.broadcast %parallel_loop3A_698 : i32 to vector<16xi32>
        %parallel_loop3A_700 = arith.constant 0 : i32
        %parallel_loop3A_701 = vector.broadcast %parallel_loop3A_700 : i32 to vector<16xi32>
        %parallel_loop3A_702 = arith.cmpi slt, %parallel_loop3A_699, %parallel_loop3A_701 : vector<16xi32>
        %parallel_loop3A_703 = arith.constant 16 : i32
        %parallel_loop3A_704 = vector.broadcast %parallel_loop3A_703 : i32 to vector<16xi32>
        %parallel_loop3A_705 = arith.addi %parallel_loop3A_699, %parallel_loop3A_704 : vector<16xi32>
        %parallel_loop3A_706 = arith.select %parallel_loop3A_702, %parallel_loop3A_705, %parallel_loop3A_699 : vector<16xi1>, vector<16xi32>
        %parallel_loop3A_707 = vector.shape_cast %parallel_loop3A_706 : vector<16xi32> to vector<16x1xi32>
        %parallel_loop3A_708 = vector.shape_cast %parallel_loop3A_707 : vector<16x1xi32> to vector<16xi32>
        %parallel_loop3A_709 = tpu.dynamic_gather %parallel_loop3A_534[%parallel_loop3A_708] in [0] : vector<16xf32>, vector<16xi32> -> vector<16xf32>
        %parallel_loop3A_710 = vector.broadcast %parallel_loop3A_697 : i32 to vector<16xi32>
        %parallel_loop3A_711 = arith.index_cast %rem3A_363 : i32 to index
        %parallel_loop3A_712 = arith.index_cast %parallel_loop3A_697 : i32 to index
        %parallel_loop3A_713 = arith.constant 0 : index
        %parallel_loop3A_714 = tpu.vector_load %arg6[%parallel_loop3A_711, %parallel_loop3A_712, %parallel_loop3A_713] {strides = array<i32>} : memref<4x128x64xf32, #tpu.memory_space<vmem>>, vector<16xf32>,
        %parallel_loop3A_715 = arith.mulf %parallel_loop3A_714, %parallel_loop3A_709 : vector<16xf32>
        %parallel_loop3A_716 = arith.constant 0 : i32
        %parallel_loop3A_717 = arith.constant 0 : i32
        %parallel_loop3A_718 = tpu.memref_slice %arg7[%rem3A_363, %parallel_loop3A_716, %parallel_loop3A_717] : memref<4x64x131xf32, #tpu.memory_space<vmem>> -> memref<1x64x131xf32, #tpu.memory_space<vmem>>
        %parallel_loop3A_719 = tpu.memref_squeeze %parallel_loop3A_718 : memref<1x64x131xf32, #tpu.memory_space<vmem>> -> memref<64x131xf32, #tpu.memory_space<vmem>>
        tpu.vector_store_idx %parallel_loop3A_719[%add3A_5, %parallel_loop3A_710], %parallel_loop3A_715 : memref<64x131xf32, #tpu.memory_space<vmem>>[vector<16xi32>, vector<16xi32>], vector<16xf32>,
        %parallel_loop3A_720 = arith.index_cast %rem3A_363 : i32 to index
        %parallel_loop3A_721 = arith.index_cast %parallel_loop3A_697 : i32 to index
        %parallel_loop3A_722 = arith.constant 16 : index
        %parallel_loop3A_723 = tpu.vector_load %arg6[%parallel_loop3A_720, %parallel_loop3A_721, %parallel_loop3A_722] {strides = array<i32>} : memref<4x128x64xf32, #tpu.memory_space<vmem>>, vector<16xf32>,
        %parallel_loop3A_724 = arith.mulf %parallel_loop3A_723, %parallel_loop3A_709 : vector<16xf32>
        %parallel_loop3A_725 = arith.constant 0 : i32
        %parallel_loop3A_726 = arith.constant 0 : i32
        %parallel_loop3A_727 = tpu.memref_slice %arg7[%rem3A_363, %parallel_loop3A_725, %parallel_loop3A_726] : memref<4x64x131xf32, #tpu.memory_space<vmem>> -> memref<1x64x131xf32, #tpu.memory_space<vmem>>
        %parallel_loop3A_728 = tpu.memref_squeeze %parallel_loop3A_727 : memref<1x64x131xf32, #tpu.memory_space<vmem>> -> memref<64x131xf32, #tpu.memory_space<vmem>>
        tpu.vector_store_idx %parallel_loop3A_728[%add3A_8, %parallel_loop3A_710], %parallel_loop3A_724 : memref<64x131xf32, #tpu.memory_space<vmem>>[vector<16xi32>, vector<16xi32>], vector<16xf32>,
        %parallel_loop3A_729 = arith.index_cast %rem3A_363 : i32 to index
        %parallel_loop3A_730 = arith.index_cast %parallel_loop3A_697 : i32 to index
        %parallel_loop3A_731 = arith.constant 32 : index
        %parallel_loop3A_732 = tpu.vector_load %arg6[%parallel_loop3A_729, %parallel_loop3A_730, %parallel_loop3A_731] {strides = array<i32>} : memref<4x128x64xf32, #tpu.memory_space<vmem>>, vector<16xf32>,
        %parallel_loop3A_733 = arith.mulf %parallel_loop3A_732, %parallel_loop3A_709 : vector<16xf32>
        %parallel_loop3A_734 = arith.constant 0 : i32
        %parallel_loop3A_735 = arith.constant 0 : i32
        %parallel_loop3A_736 = tpu.memref_slice %arg7[%rem3A_363, %parallel_loop3A_734, %parallel_loop3A_735] : memref<4x64x131xf32, #tpu.memory_space<vmem>> -> memref<1x64x131xf32, #tpu.memory_space<vmem>>
        %parallel_loop3A_737 = tpu.memref_squeeze %parallel_loop3A_736 : memref<1x64x131xf32, #tpu.memory_space<vmem>> -> memref<64x131xf32, #tpu.memory_space<vmem>>
        tpu.vector_store_idx %parallel_loop3A_737[%add3A_11, %parallel_loop3A_710], %parallel_loop3A_733 : memref<64x131xf32, #tpu.memory_space<vmem>>[vector<16xi32>, vector<16xi32>], vector<16xf32>,
        %parallel_loop3A_738 = arith.index_cast %rem3A_363 : i32 to index
        %parallel_loop3A_739 = arith.index_cast %parallel_loop3A_697 : i32 to index
        %parallel_loop3A_740 = arith.constant 48 : index
        %parallel_loop3A_741 = tpu.vector_load %arg6[%parallel_loop3A_738, %parallel_loop3A_739, %parallel_loop3A_740] {strides = array<i32>} : memref<4x128x64xf32, #tpu.memory_space<vmem>>, vector<16xf32>,
        %parallel_loop3A_742 = arith.mulf %parallel_loop3A_741, %parallel_loop3A_709 : vector<16xf32>
        %parallel_loop3A_743 = arith.constant 0 : i32
        %parallel_loop3A_744 = arith.constant 0 : i32
        %parallel_loop3A_745 = tpu.memref_slice %arg7[%rem3A_363, %parallel_loop3A_743, %parallel_loop3A_744] : memref<4x64x131xf32, #tpu.memory_space<vmem>> -> memref<1x64x131xf32, #tpu.memory_space<vmem>>
        %parallel_loop3A_746 = tpu.memref_squeeze %parallel_loop3A_745 : memref<1x64x131xf32, #tpu.memory_space<vmem>> -> memref<64x131xf32, #tpu.memory_space<vmem>>
        tpu.vector_store_idx %parallel_loop3A_746[%add3A_14, %parallel_loop3A_710], %parallel_loop3A_742 : memref<64x131xf32, #tpu.memory_space<vmem>>[vector<16xi32>, vector<16xi32>], vector<16xf32>,
        %parallel_loop3A_747 = arith.constant 16 : i32
        %parallel_loop3A_748 = arith.muli %parallel_loop3A_521, %parallel_loop3A_747 : i32
        %parallel_loop3A_749 = arith.constant 4 : i32
        %parallel_loop3A_750 = arith.addi %parallel_loop3A_748, %parallel_loop3A_749 : i32
        %parallel_loop3A_751 = arith.constant 4 : i32
        %parallel_loop3A_752 = vector.broadcast %parallel_loop3A_751 : i32 to vector<16xi32>
        %parallel_loop3A_753 = arith.constant 0 : i32
        %parallel_loop3A_754 = vector.broadcast %parallel_loop3A_753 : i32 to vector<16xi32>
        %parallel_loop3A_755 = arith.cmpi slt, %parallel_loop3A_752, %parallel_loop3A_754 : vector<16xi32>
        %parallel_loop3A_756 = arith.constant 16 : i32
        %parallel_loop3A_757 = vector.broadcast %parallel_loop3A_756 : i32 to vector<16xi32>
        %parallel_loop3A_758 = arith.addi %parallel_loop3A_752, %parallel_loop3A_757 : vector<16xi32>
        %parallel_loop3A_759 = arith.select %parallel_loop3A_755, %parallel_loop3A_758, %parallel_loop3A_752 : vector<16xi1>, vector<16xi32>
        %parallel_loop3A_760 = vector.shape_cast %parallel_loop3A_759 : vector<16xi32> to vector<16x1xi32>
        %parallel_loop3A_761 = vector.shape_cast %parallel_loop3A_760 : vector<16x1xi32> to vector<16xi32>
        %parallel_loop3A_762 = tpu.dynamic_gather %parallel_loop3A_534[%parallel_loop3A_761] in [0] : vector<16xf32>, vector<16xi32> -> vector<16xf32>
        %parallel_loop3A_763 = vector.broadcast %parallel_loop3A_750 : i32 to vector<16xi32>
        %parallel_loop3A_764 = arith.index_cast %rem3A_363 : i32 to index
        %parallel_loop3A_765 = arith.index_cast %parallel_loop3A_750 : i32 to index
        %parallel_loop3A_766 = arith.constant 0 : index
        %parallel_loop3A_767 = tpu.vector_load %arg6[%parallel_loop3A_764, %parallel_loop3A_765, %parallel_loop3A_766] {strides = array<i32>} : memref<4x128x64xf32, #tpu.memory_space<vmem>>, vector<16xf32>,
        %parallel_loop3A_768 = arith.mulf %parallel_loop3A_767, %parallel_loop3A_762 : vector<16xf32>
        %parallel_loop3A_769 = arith.constant 0 : i32
        %parallel_loop3A_770 = arith.constant 0 : i32
        %parallel_loop3A_771 = tpu.memref_slice %arg7[%rem3A_363, %parallel_loop3A_769, %parallel_loop3A_770] : memref<4x64x131xf32, #tpu.memory_space<vmem>> -> memref<1x64x131xf32, #tpu.memory_space<vmem>>
        %parallel_loop3A_772 = tpu.memref_squeeze %parallel_loop3A_771 : memref<1x64x131xf32, #tpu.memory_space<vmem>> -> memref<64x131xf32, #tpu.memory_space<vmem>>
        tpu.vector_store_idx %parallel_loop3A_772[%add3A_5, %parallel_loop3A_763], %parallel_loop3A_768 : memref<64x131xf32, #tpu.memory_space<vmem>>[vector<16xi32>, vector<16xi32>], vector<16xf32>,
        %parallel_loop3A_773 = arith.index_cast %rem3A_363 : i32 to index
        %parallel_loop3A_774 = arith.index_cast %parallel_loop3A_750 : i32 to index
        %parallel_loop3A_775 = arith.constant 16 : index
        %parallel_loop3A_776 = tpu.vector_load %arg6[%parallel_loop3A_773, %parallel_loop3A_774, %parallel_loop3A_775] {strides = array<i32>} : memref<4x128x64xf32, #tpu.memory_space<vmem>>, vector<16xf32>,
        %parallel_loop3A_777 = arith.mulf %parallel_loop3A_776, %parallel_loop3A_762 : vector<16xf32>
        %parallel_loop3A_778 = arith.constant 0 : i32
        %parallel_loop3A_779 = arith.constant 0 : i32
        %parallel_loop3A_780 = tpu.memref_slice %arg7[%rem3A_363, %parallel_loop3A_778, %parallel_loop3A_779] : memref<4x64x131xf32, #tpu.memory_space<vmem>> -> memref<1x64x131xf32, #tpu.memory_space<vmem>>
        %parallel_loop3A_781 = tpu.memref_squeeze %parallel_loop3A_780 : memref<1x64x131xf32, #tpu.memory_space<vmem>> -> memref<64x131xf32, #tpu.memory_space<vmem>>
        tpu.vector_store_idx %parallel_loop3A_781[%add3A_8, %parallel_loop3A_763], %parallel_loop3A_777 : memref<64x131xf32, #tpu.memory_space<vmem>>[vector<16xi32>, vector<16xi32>], vector<16xf32>,
        %parallel_loop3A_782 = arith.index_cast %rem3A_363 : i32 to index
        %parallel_loop3A_783 = arith.index_cast %parallel_loop3A_750 : i32 to index
        %parallel_loop3A_784 = arith.constant 32 : index
        %parallel_loop3A_785 = tpu.vector_load %arg6[%parallel_loop3A_782, %parallel_loop3A_783, %parallel_loop3A_784] {strides = array<i32>} : memref<4x128x64xf32, #tpu.memory_space<vmem>>, vector<16xf32>,
        %parallel_loop3A_786 = arith.mulf %parallel_loop3A_785, %parallel_loop3A_762 : vector<16xf32>
        %parallel_loop3A_787 = arith.constant 0 : i32
        %parallel_loop3A_788 = arith.constant 0 : i32
        %parallel_loop3A_789 = tpu.memref_slice %arg7[%rem3A_363, %parallel_loop3A_787, %parallel_loop3A_788] : memref<4x64x131xf32, #tpu.memory_space<vmem>> -> memref<1x64x131xf32, #tpu.memory_space<vmem>>
        %parallel_loop3A_790 = tpu.memref_squeeze %parallel_loop3A_789 : memref<1x64x131xf32, #tpu.memory_space<vmem>> -> memref<64x131xf32, #tpu.memory_space<vmem>>
        tpu.vector_store_idx %parallel_loop3A_790[%add3A_11, %parallel_loop3A_763], %parallel_loop3A_786 : memref<64x131xf32, #tpu.memory_space<vmem>>[vector<16xi32>, vector<16xi32>], vector<16xf32>,
        %parallel_loop3A_791 = arith.index_cast %rem3A_363 : i32 to index
        %parallel_loop3A_792 = arith.index_cast %parallel_loop3A_750 : i32 to index
        %parallel_loop3A_793 = arith.constant 48 : index
        %parallel_loop3A_794 = tpu.vector_load %arg6[%parallel_loop3A_791, %parallel_loop3A_792, %parallel_loop3A_793] {strides = array<i32>} : memref<4x128x64xf32, #tpu.memory_space<vmem>>, vector<16xf32>,
        %parallel_loop3A_795 = arith.mulf %parallel_loop3A_794, %parallel_loop3A_762 : vector<16xf32>
        %parallel_loop3A_796 = arith.constant 0 : i32
        %parallel_loop3A_797 = arith.constant 0 : i32
        %parallel_loop3A_798 = tpu.memref_slice %arg7[%rem3A_363, %parallel_loop3A_796, %parallel_loop3A_797] : memref<4x64x131xf32, #tpu.memory_space<vmem>> -> memref<1x64x131xf32, #tpu.memory_space<vmem>>
        %parallel_loop3A_799 = tpu.memref_squeeze %parallel_loop3A_798 : memref<1x64x131xf32, #tpu.memory_space<vmem>> -> memref<64x131xf32, #tpu.memory_space<vmem>>
        tpu.vector_store_idx %parallel_loop3A_799[%add3A_14, %parallel_loop3A_763], %parallel_loop3A_795 : memref<64x131xf32, #tpu.memory_space<vmem>>[vector<16xi32>, vector<16xi32>], vector<16xf32>,
        %parallel_loop3A_800 = arith.constant 16 : i32
        %parallel_loop3A_801 = arith.muli %parallel_loop3A_521, %parallel_loop3A_800 : i32
        %parallel_loop3A_802 = arith.constant 5 : i32
        %parallel_loop3A_803 = arith.addi %parallel_loop3A_801, %parallel_loop3A_802 : i32
        %parallel_loop3A_804 = arith.constant 5 : i32
        %parallel_loop3A_805 = vector.broadcast %parallel_loop3A_804 : i32 to vector<16xi32>
        %parallel_loop3A_806 = arith.constant 0 : i32
        %parallel_loop3A_807 = vector.broadcast %parallel_loop3A_806 : i32 to vector<16xi32>
        %parallel_loop3A_808 = arith.cmpi slt, %parallel_loop3A_805, %parallel_loop3A_807 : vector<16xi32>
        %parallel_loop3A_809 = arith.constant 16 : i32
        %parallel_loop3A_810 = vector.broadcast %parallel_loop3A_809 : i32 to vector<16xi32>
        %parallel_loop3A_811 = arith.addi %parallel_loop3A_805, %parallel_loop3A_810 : vector<16xi32>
        %parallel_loop3A_812 = arith.select %parallel_loop3A_808, %parallel_loop3A_811, %parallel_loop3A_805 : vector<16xi1>, vector<16xi32>
        %parallel_loop3A_813 = vector.shape_cast %parallel_loop3A_812 : vector<16xi32> to vector<16x1xi32>
        %parallel_loop3A_814 = vector.shape_cast %parallel_loop3A_813 : vector<16x1xi32> to vector<16xi32>
        %parallel_loop3A_815 = tpu.dynamic_gather %parallel_loop3A_534[%parallel_loop3A_814] in [0] : vector<16xf32>, vector<16xi32> -> vector<16xf32>
        %parallel_loop3A_816 = vector.broadcast %parallel_loop3A_803 : i32 to vector<16xi32>
        %parallel_loop3A_817 = arith.index_cast %rem3A_363 : i32 to index
        %parallel_loop3A_818 = arith.index_cast %parallel_loop3A_803 : i32 to index
        %parallel_loop3A_819 = arith.constant 0 : index
        %parallel_loop3A_820 = tpu.vector_load %arg6[%parallel_loop3A_817, %parallel_loop3A_818, %parallel_loop3A_819] {strides = array<i32>} : memref<4x128x64xf32, #tpu.memory_space<vmem>>, vector<16xf32>,
        %parallel_loop3A_821 = arith.mulf %parallel_loop3A_820, %parallel_loop3A_815 : vector<16xf32>
        %parallel_loop3A_822 = arith.constant 0 : i32
        %parallel_loop3A_823 = arith.constant 0 : i32
        %parallel_loop3A_824 = tpu.memref_slice %arg7[%rem3A_363, %parallel_loop3A_822, %parallel_loop3A_823] : memref<4x64x131xf32, #tpu.memory_space<vmem>> -> memref<1x64x131xf32, #tpu.memory_space<vmem>>
        %parallel_loop3A_825 = tpu.memref_squeeze %parallel_loop3A_824 : memref<1x64x131xf32, #tpu.memory_space<vmem>> -> memref<64x131xf32, #tpu.memory_space<vmem>>
        tpu.vector_store_idx %parallel_loop3A_825[%add3A_5, %parallel_loop3A_816], %parallel_loop3A_821 : memref<64x131xf32, #tpu.memory_space<vmem>>[vector<16xi32>, vector<16xi32>], vector<16xf32>,
        %parallel_loop3A_826 = arith.index_cast %rem3A_363 : i32 to index
        %parallel_loop3A_827 = arith.index_cast %parallel_loop3A_803 : i32 to index
        %parallel_loop3A_828 = arith.constant 16 : index
        %parallel_loop3A_829 = tpu.vector_load %arg6[%parallel_loop3A_826, %parallel_loop3A_827, %parallel_loop3A_828] {strides = array<i32>} : memref<4x128x64xf32, #tpu.memory_space<vmem>>, vector<16xf32>,
        %parallel_loop3A_830 = arith.mulf %parallel_loop3A_829, %parallel_loop3A_815 : vector<16xf32>
        %parallel_loop3A_831 = arith.constant 0 : i32
        %parallel_loop3A_832 = arith.constant 0 : i32
        %parallel_loop3A_833 = tpu.memref_slice %arg7[%rem3A_363, %parallel_loop3A_831, %parallel_loop3A_832] : memref<4x64x131xf32, #tpu.memory_space<vmem>> -> memref<1x64x131xf32, #tpu.memory_space<vmem>>
        %parallel_loop3A_834 = tpu.memref_squeeze %parallel_loop3A_833 : memref<1x64x131xf32, #tpu.memory_space<vmem>> -> memref<64x131xf32, #tpu.memory_space<vmem>>
        tpu.vector_store_idx %parallel_loop3A_834[%add3A_8, %parallel_loop3A_816], %parallel_loop3A_830 : memref<64x131xf32, #tpu.memory_space<vmem>>[vector<16xi32>, vector<16xi32>], vector<16xf32>,
        %parallel_loop3A_835 = arith.index_cast %rem3A_363 : i32 to index
        %parallel_loop3A_836 = arith.index_cast %parallel_loop3A_803 : i32 to index
        %parallel_loop3A_837 = arith.constant 32 : index
        %parallel_loop3A_838 = tpu.vector_load %arg6[%parallel_loop3A_835, %parallel_loop3A_836, %parallel_loop3A_837] {strides = array<i32>} : memref<4x128x64xf32, #tpu.memory_space<vmem>>, vector<16xf32>,
        %parallel_loop3A_839 = arith.mulf %parallel_loop3A_838, %parallel_loop3A_815 : vector<16xf32>
        %parallel_loop3A_840 = arith.constant 0 : i32
        %parallel_loop3A_841 = arith.constant 0 : i32
        %parallel_loop3A_842 = tpu.memref_slice %arg7[%rem3A_363, %parallel_loop3A_840, %parallel_loop3A_841] : memref<4x64x131xf32, #tpu.memory_space<vmem>> -> memref<1x64x131xf32, #tpu.memory_space<vmem>>
        %parallel_loop3A_843 = tpu.memref_squeeze %parallel_loop3A_842 : memref<1x64x131xf32, #tpu.memory_space<vmem>> -> memref<64x131xf32, #tpu.memory_space<vmem>>
        tpu.vector_store_idx %parallel_loop3A_843[%add3A_11, %parallel_loop3A_816], %parallel_loop3A_839 : memref<64x131xf32, #tpu.memory_space<vmem>>[vector<16xi32>, vector<16xi32>], vector<16xf32>,
        %parallel_loop3A_844 = arith.index_cast %rem3A_363 : i32 to index
        %parallel_loop3A_845 = arith.index_cast %parallel_loop3A_803 : i32 to index
        %parallel_loop3A_846 = arith.constant 48 : index
        %parallel_loop3A_847 = tpu.vector_load %arg6[%parallel_loop3A_844, %parallel_loop3A_845, %parallel_loop3A_846] {strides = array<i32>} : memref<4x128x64xf32, #tpu.memory_space<vmem>>, vector<16xf32>,
        %parallel_loop3A_848 = arith.mulf %parallel_loop3A_847, %parallel_loop3A_815 : vector<16xf32>
        %parallel_loop3A_849 = arith.constant 0 : i32
        %parallel_loop3A_850 = arith.constant 0 : i32
        %parallel_loop3A_851 = tpu.memref_slice %arg7[%rem3A_363, %parallel_loop3A_849, %parallel_loop3A_850] : memref<4x64x131xf32, #tpu.memory_space<vmem>> -> memref<1x64x131xf32, #tpu.memory_space<vmem>>
        %parallel_loop3A_852 = tpu.memref_squeeze %parallel_loop3A_851 : memref<1x64x131xf32, #tpu.memory_space<vmem>> -> memref<64x131xf32, #tpu.memory_space<vmem>>
        tpu.vector_store_idx %parallel_loop3A_852[%add3A_14, %parallel_loop3A_816], %parallel_loop3A_848 : memref<64x131xf32, #tpu.memory_space<vmem>>[vector<16xi32>, vector<16xi32>], vector<16xf32>,
        %parallel_loop3A_853 = arith.constant 16 : i32
        %parallel_loop3A_854 = arith.muli %parallel_loop3A_521, %parallel_loop3A_853 : i32
        %parallel_loop3A_855 = arith.constant 6 : i32
        %parallel_loop3A_856 = arith.addi %parallel_loop3A_854, %parallel_loop3A_855 : i32
        %parallel_loop3A_857 = arith.constant 6 : i32
        %parallel_loop3A_858 = vector.broadcast %parallel_loop3A_857 : i32 to vector<16xi32>
        %parallel_loop3A_859 = arith.constant 0 : i32
        %parallel_loop3A_860 = vector.broadcast %parallel_loop3A_859 : i32 to vector<16xi32>
        %parallel_loop3A_861 = arith.cmpi slt, %parallel_loop3A_858, %parallel_loop3A_860 : vector<16xi32>
        %parallel_loop3A_862 = arith.constant 16 : i32
        %parallel_loop3A_863 = vector.broadcast %parallel_loop3A_862 : i32 to vector<16xi32>
        %parallel_loop3A_864 = arith.addi %parallel_loop3A_858, %parallel_loop3A_863 : vector<16xi32>
        %parallel_loop3A_865 = arith.select %parallel_loop3A_861, %parallel_loop3A_864, %parallel_loop3A_858 : vector<16xi1>, vector<16xi32>
        %parallel_loop3A_866 = vector.shape_cast %parallel_loop3A_865 : vector<16xi32> to vector<16x1xi32>
        %parallel_loop3A_867 = vector.shape_cast %parallel_loop3A_866 : vector<16x1xi32> to vector<16xi32>
        %parallel_loop3A_868 = tpu.dynamic_gather %parallel_loop3A_534[%parallel_loop3A_867] in [0] : vector<16xf32>, vector<16xi32> -> vector<16xf32>
        %parallel_loop3A_869 = vector.broadcast %parallel_loop3A_856 : i32 to vector<16xi32>
        %parallel_loop3A_870 = arith.index_cast %rem3A_363 : i32 to index
        %parallel_loop3A_871 = arith.index_cast %parallel_loop3A_856 : i32 to index
        %parallel_loop3A_872 = arith.constant 0 : index
        %parallel_loop3A_873 = tpu.vector_load %arg6[%parallel_loop3A_870, %parallel_loop3A_871, %parallel_loop3A_872] {strides = array<i32>} : memref<4x128x64xf32, #tpu.memory_space<vmem>>, vector<16xf32>,
        %parallel_loop3A_874 = arith.mulf %parallel_loop3A_873, %parallel_loop3A_868 : vector<16xf32>
        %parallel_loop3A_875 = arith.constant 0 : i32
        %parallel_loop3A_876 = arith.constant 0 : i32
        %parallel_loop3A_877 = tpu.memref_slice %arg7[%rem3A_363, %parallel_loop3A_875, %parallel_loop3A_876] : memref<4x64x131xf32, #tpu.memory_space<vmem>> -> memref<1x64x131xf32, #tpu.memory_space<vmem>>
        %parallel_loop3A_878 = tpu.memref_squeeze %parallel_loop3A_877 : memref<1x64x131xf32, #tpu.memory_space<vmem>> -> memref<64x131xf32, #tpu.memory_space<vmem>>
        tpu.vector_store_idx %parallel_loop3A_878[%add3A_5, %parallel_loop3A_869], %parallel_loop3A_874 : memref<64x131xf32, #tpu.memory_space<vmem>>[vector<16xi32>, vector<16xi32>], vector<16xf32>,
        %parallel_loop3A_879 = arith.index_cast %rem3A_363 : i32 to index
        %parallel_loop3A_880 = arith.index_cast %parallel_loop3A_856 : i32 to index
        %parallel_loop3A_881 = arith.constant 16 : index
        %parallel_loop3A_882 = tpu.vector_load %arg6[%parallel_loop3A_879, %parallel_loop3A_880, %parallel_loop3A_881] {strides = array<i32>} : memref<4x128x64xf32, #tpu.memory_space<vmem>>, vector<16xf32>,
        %parallel_loop3A_883 = arith.mulf %parallel_loop3A_882, %parallel_loop3A_868 : vector<16xf32>
        %parallel_loop3A_884 = arith.constant 0 : i32
        %parallel_loop3A_885 = arith.constant 0 : i32
        %parallel_loop3A_886 = tpu.memref_slice %arg7[%rem3A_363, %parallel_loop3A_884, %parallel_loop3A_885] : memref<4x64x131xf32, #tpu.memory_space<vmem>> -> memref<1x64x131xf32, #tpu.memory_space<vmem>>
        %parallel_loop3A_887 = tpu.memref_squeeze %parallel_loop3A_886 : memref<1x64x131xf32, #tpu.memory_space<vmem>> -> memref<64x131xf32, #tpu.memory_space<vmem>>
        tpu.vector_store_idx %parallel_loop3A_887[%add3A_8, %parallel_loop3A_869], %parallel_loop3A_883 : memref<64x131xf32, #tpu.memory_space<vmem>>[vector<16xi32>, vector<16xi32>], vector<16xf32>,
        %parallel_loop3A_888 = arith.index_cast %rem3A_363 : i32 to index
        %parallel_loop3A_889 = arith.index_cast %parallel_loop3A_856 : i32 to index
        %parallel_loop3A_890 = arith.constant 32 : index
        %parallel_loop3A_891 = tpu.vector_load %arg6[%parallel_loop3A_888, %parallel_loop3A_889, %parallel_loop3A_890] {strides = array<i32>} : memref<4x128x64xf32, #tpu.memory_space<vmem>>, vector<16xf32>,
        %parallel_loop3A_892 = arith.mulf %parallel_loop3A_891, %parallel_loop3A_868 : vector<16xf32>
        %parallel_loop3A_893 = arith.constant 0 : i32
        %parallel_loop3A_894 = arith.constant 0 : i32
        %parallel_loop3A_895 = tpu.memref_slice %arg7[%rem3A_363, %parallel_loop3A_893, %parallel_loop3A_894] : memref<4x64x131xf32, #tpu.memory_space<vmem>> -> memref<1x64x131xf32, #tpu.memory_space<vmem>>
        %parallel_loop3A_896 = tpu.memref_squeeze %parallel_loop3A_895 : memref<1x64x131xf32, #tpu.memory_space<vmem>> -> memref<64x131xf32, #tpu.memory_space<vmem>>
        tpu.vector_store_idx %parallel_loop3A_896[%add3A_11, %parallel_loop3A_869], %parallel_loop3A_892 : memref<64x131xf32, #tpu.memory_space<vmem>>[vector<16xi32>, vector<16xi32>], vector<16xf32>,
        %parallel_loop3A_897 = arith.index_cast %rem3A_363 : i32 to index
        %parallel_loop3A_898 = arith.index_cast %parallel_loop3A_856 : i32 to index
        %parallel_loop3A_899 = arith.constant 48 : index
        %parallel_loop3A_900 = tpu.vector_load %arg6[%parallel_loop3A_897, %parallel_loop3A_898, %parallel_loop3A_899] {strides = array<i32>} : memref<4x128x64xf32, #tpu.memory_space<vmem>>, vector<16xf32>,
        %parallel_loop3A_901 = arith.mulf %parallel_loop3A_900, %parallel_loop3A_868 : vector<16xf32>
        %parallel_loop3A_902 = arith.constant 0 : i32
        %parallel_loop3A_903 = arith.constant 0 : i32
        %parallel_loop3A_904 = tpu.memref_slice %arg7[%rem3A_363, %parallel_loop3A_902, %parallel_loop3A_903] : memref<4x64x131xf32, #tpu.memory_space<vmem>> -> memref<1x64x131xf32, #tpu.memory_space<vmem>>
        %parallel_loop3A_905 = tpu.memref_squeeze %parallel_loop3A_904 : memref<1x64x131xf32, #tpu.memory_space<vmem>> -> memref<64x131xf32, #tpu.memory_space<vmem>>
        tpu.vector_store_idx %parallel_loop3A_905[%add3A_14, %parallel_loop3A_869], %parallel_loop3A_901 : memref<64x131xf32, #tpu.memory_space<vmem>>[vector<16xi32>, vector<16xi32>], vector<16xf32>,
        %parallel_loop3A_906 = arith.constant 16 : i32
        %parallel_loop3A_907 = arith.muli %parallel_loop3A_521, %parallel_loop3A_906 : i32
        %parallel_loop3A_908 = arith.constant 7 : i32
        %parallel_loop3A_909 = arith.addi %parallel_loop3A_907, %parallel_loop3A_908 : i32
        %parallel_loop3A_910 = arith.constant 7 : i32
        %parallel_loop3A_911 = vector.broadcast %parallel_loop3A_910 : i32 to vector<16xi32>
        %parallel_loop3A_912 = arith.constant 0 : i32
        %parallel_loop3A_913 = vector.broadcast %parallel_loop3A_912 : i32 to vector<16xi32>
        %parallel_loop3A_914 = arith.cmpi slt, %parallel_loop3A_911, %parallel_loop3A_913 : vector<16xi32>
        %parallel_loop3A_915 = arith.constant 16 : i32
        %parallel_loop3A_916 = vector.broadcast %parallel_loop3A_915 : i32 to vector<16xi32>
        %parallel_loop3A_917 = arith.addi %parallel_loop3A_911, %parallel_loop3A_916 : vector<16xi32>
        %parallel_loop3A_918 = arith.select %parallel_loop3A_914, %parallel_loop3A_917, %parallel_loop3A_911 : vector<16xi1>, vector<16xi32>
        %parallel_loop3A_919 = vector.shape_cast %parallel_loop3A_918 : vector<16xi32> to vector<16x1xi32>
        %parallel_loop3A_920 = vector.shape_cast %parallel_loop3A_919 : vector<16x1xi32> to vector<16xi32>
        %parallel_loop3A_921 = tpu.dynamic_gather %parallel_loop3A_534[%parallel_loop3A_920] in [0] : vector<16xf32>, vector<16xi32> -> vector<16xf32>
        %parallel_loop3A_922 = vector.broadcast %parallel_loop3A_909 : i32 to vector<16xi32>
        %parallel_loop3A_923 = arith.index_cast %rem3A_363 : i32 to index
        %parallel_loop3A_924 = arith.index_cast %parallel_loop3A_909 : i32 to index
        %parallel_loop3A_925 = arith.constant 0 : index
        %parallel_loop3A_926 = tpu.vector_load %arg6[%parallel_loop3A_923, %parallel_loop3A_924, %parallel_loop3A_925] {strides = array<i32>} : memref<4x128x64xf32, #tpu.memory_space<vmem>>, vector<16xf32>,
        %parallel_loop3A_927 = arith.mulf %parallel_loop3A_926, %parallel_loop3A_921 : vector<16xf32>
        %parallel_loop3A_928 = arith.constant 0 : i32
        %parallel_loop3A_929 = arith.constant 0 : i32
        %parallel_loop3A_930 = tpu.memref_slice %arg7[%rem3A_363, %parallel_loop3A_928, %parallel_loop3A_929] : memref<4x64x131xf32, #tpu.memory_space<vmem>> -> memref<1x64x131xf32, #tpu.memory_space<vmem>>
        %parallel_loop3A_931 = tpu.memref_squeeze %parallel_loop3A_930 : memref<1x64x131xf32, #tpu.memory_space<vmem>> -> memref<64x131xf32, #tpu.memory_space<vmem>>
        tpu.vector_store_idx %parallel_loop3A_931[%add3A_5, %parallel_loop3A_922], %parallel_loop3A_927 : memref<64x131xf32, #tpu.memory_space<vmem>>[vector<16xi32>, vector<16xi32>], vector<16xf32>,
        %parallel_loop3A_932 = arith.index_cast %rem3A_363 : i32 to index
        %parallel_loop3A_933 = arith.index_cast %parallel_loop3A_909 : i32 to index
        %parallel_loop3A_934 = arith.constant 16 : index
        %parallel_loop3A_935 = tpu.vector_load %arg6[%parallel_loop3A_932, %parallel_loop3A_933, %parallel_loop3A_934] {strides = array<i32>} : memref<4x128x64xf32, #tpu.memory_space<vmem>>, vector<16xf32>,
        %parallel_loop3A_936 = arith.mulf %parallel_loop3A_935, %parallel_loop3A_921 : vector<16xf32>
        %parallel_loop3A_937 = arith.constant 0 : i32
        %parallel_loop3A_938 = arith.constant 0 : i32
        %parallel_loop3A_939 = tpu.memref_slice %arg7[%rem3A_363, %parallel_loop3A_937, %parallel_loop3A_938] : memref<4x64x131xf32, #tpu.memory_space<vmem>> -> memref<1x64x131xf32, #tpu.memory_space<vmem>>
        %parallel_loop3A_940 = tpu.memref_squeeze %parallel_loop3A_939 : memref<1x64x131xf32, #tpu.memory_space<vmem>> -> memref<64x131xf32, #tpu.memory_space<vmem>>
        tpu.vector_store_idx %parallel_loop3A_940[%add3A_8, %parallel_loop3A_922], %parallel_loop3A_936 : memref<64x131xf32, #tpu.memory_space<vmem>>[vector<16xi32>, vector<16xi32>], vector<16xf32>,
        %parallel_loop3A_941 = arith.index_cast %rem3A_363 : i32 to index
        %parallel_loop3A_942 = arith.index_cast %parallel_loop3A_909 : i32 to index
        %parallel_loop3A_943 = arith.constant 32 : index
        %parallel_loop3A_944 = tpu.vector_load %arg6[%parallel_loop3A_941, %parallel_loop3A_942, %parallel_loop3A_943] {strides = array<i32>} : memref<4x128x64xf32, #tpu.memory_space<vmem>>, vector<16xf32>,
        %parallel_loop3A_945 = arith.mulf %parallel_loop3A_944, %parallel_loop3A_921 : vector<16xf32>
        %parallel_loop3A_946 = arith.constant 0 : i32
        %parallel_loop3A_947 = arith.constant 0 : i32
        %parallel_loop3A_948 = tpu.memref_slice %arg7[%rem3A_363, %parallel_loop3A_946, %parallel_loop3A_947] : memref<4x64x131xf32, #tpu.memory_space<vmem>> -> memref<1x64x131xf32, #tpu.memory_space<vmem>>
        %parallel_loop3A_949 = tpu.memref_squeeze %parallel_loop3A_948 : memref<1x64x131xf32, #tpu.memory_space<vmem>> -> memref<64x131xf32, #tpu.memory_space<vmem>>
        tpu.vector_store_idx %parallel_loop3A_949[%add3A_11, %parallel_loop3A_922], %parallel_loop3A_945 : memref<64x131xf32, #tpu.memory_space<vmem>>[vector<16xi32>, vector<16xi32>], vector<16xf32>,
        %parallel_loop3A_950 = arith.index_cast %rem3A_363 : i32 to index
        %parallel_loop3A_951 = arith.index_cast %parallel_loop3A_909 : i32 to index
        %parallel_loop3A_952 = arith.constant 48 : index
        %parallel_loop3A_953 = tpu.vector_load %arg6[%parallel_loop3A_950, %parallel_loop3A_951, %parallel_loop3A_952] {strides = array<i32>} : memref<4x128x64xf32, #tpu.memory_space<vmem>>, vector<16xf32>,
        %parallel_loop3A_954 = arith.mulf %parallel_loop3A_953, %parallel_loop3A_921 : vector<16xf32>
        %parallel_loop3A_955 = arith.constant 0 : i32
        %parallel_loop3A_956 = arith.constant 0 : i32
        %parallel_loop3A_957 = tpu.memref_slice %arg7[%rem3A_363, %parallel_loop3A_955, %parallel_loop3A_956] : memref<4x64x131xf32, #tpu.memory_space<vmem>> -> memref<1x64x131xf32, #tpu.memory_space<vmem>>
        %parallel_loop3A_958 = tpu.memref_squeeze %parallel_loop3A_957 : memref<1x64x131xf32, #tpu.memory_space<vmem>> -> memref<64x131xf32, #tpu.memory_space<vmem>>
        tpu.vector_store_idx %parallel_loop3A_958[%add3A_14, %parallel_loop3A_922], %parallel_loop3A_954 : memref<64x131xf32, #tpu.memory_space<vmem>>[vector<16xi32>, vector<16xi32>], vector<16xf32>,
        %parallel_loop3A_959 = arith.constant 16 : i32
        %parallel_loop3A_960 = arith.muli %parallel_loop3A_521, %parallel_loop3A_959 : i32
        %parallel_loop3A_961 = arith.constant 8 : i32
        %parallel_loop3A_962 = arith.addi %parallel_loop3A_960, %parallel_loop3A_961 : i32
        %parallel_loop3A_963 = arith.constant 8 : i32
        %parallel_loop3A_964 = vector.broadcast %parallel_loop3A_963 : i32 to vector<16xi32>
        %parallel_loop3A_965 = arith.constant 0 : i32
        %parallel_loop3A_966 = vector.broadcast %parallel_loop3A_965 : i32 to vector<16xi32>
        %parallel_loop3A_967 = arith.cmpi slt, %parallel_loop3A_964, %parallel_loop3A_966 : vector<16xi32>
        %parallel_loop3A_968 = arith.constant 16 : i32
        %parallel_loop3A_969 = vector.broadcast %parallel_loop3A_968 : i32 to vector<16xi32>
        %parallel_loop3A_970 = arith.addi %parallel_loop3A_964, %parallel_loop3A_969 : vector<16xi32>
        %parallel_loop3A_971 = arith.select %parallel_loop3A_967, %parallel_loop3A_970, %parallel_loop3A_964 : vector<16xi1>, vector<16xi32>
        %parallel_loop3A_972 = vector.shape_cast %parallel_loop3A_971 : vector<16xi32> to vector<16x1xi32>
        %parallel_loop3A_973 = vector.shape_cast %parallel_loop3A_972 : vector<16x1xi32> to vector<16xi32>
        %parallel_loop3A_974 = tpu.dynamic_gather %parallel_loop3A_534[%parallel_loop3A_973] in [0] : vector<16xf32>, vector<16xi32> -> vector<16xf32>
        %parallel_loop3A_975 = vector.broadcast %parallel_loop3A_962 : i32 to vector<16xi32>
        %parallel_loop3A_976 = arith.index_cast %rem3A_363 : i32 to index
        %parallel_loop3A_977 = arith.index_cast %parallel_loop3A_962 : i32 to index
        %parallel_loop3A_978 = arith.constant 0 : index
        %parallel_loop3A_979 = tpu.vector_load %arg6[%parallel_loop3A_976, %parallel_loop3A_977, %parallel_loop3A_978] {strides = array<i32>} : memref<4x128x64xf32, #tpu.memory_space<vmem>>, vector<16xf32>,
        %parallel_loop3A_980 = arith.mulf %parallel_loop3A_979, %parallel_loop3A_974 : vector<16xf32>
        %parallel_loop3A_981 = arith.constant 0 : i32
        %parallel_loop3A_982 = arith.constant 0 : i32
        %parallel_loop3A_983 = tpu.memref_slice %arg7[%rem3A_363, %parallel_loop3A_981, %parallel_loop3A_982] : memref<4x64x131xf32, #tpu.memory_space<vmem>> -> memref<1x64x131xf32, #tpu.memory_space<vmem>>
        %parallel_loop3A_984 = tpu.memref_squeeze %parallel_loop3A_983 : memref<1x64x131xf32, #tpu.memory_space<vmem>> -> memref<64x131xf32, #tpu.memory_space<vmem>>
        tpu.vector_store_idx %parallel_loop3A_984[%add3A_5, %parallel_loop3A_975], %parallel_loop3A_980 : memref<64x131xf32, #tpu.memory_space<vmem>>[vector<16xi32>, vector<16xi32>], vector<16xf32>,
        %parallel_loop3A_985 = arith.index_cast %rem3A_363 : i32 to index
        %parallel_loop3A_986 = arith.index_cast %parallel_loop3A_962 : i32 to index
        %parallel_loop3A_987 = arith.constant 16 : index
        %parallel_loop3A_988 = tpu.vector_load %arg6[%parallel_loop3A_985, %parallel_loop3A_986, %parallel_loop3A_987] {strides = array<i32>} : memref<4x128x64xf32, #tpu.memory_space<vmem>>, vector<16xf32>,
        %parallel_loop3A_989 = arith.mulf %parallel_loop3A_988, %parallel_loop3A_974 : vector<16xf32>
        %parallel_loop3A_990 = arith.constant 0 : i32
        %parallel_loop3A_991 = arith.constant 0 : i32
        %parallel_loop3A_992 = tpu.memref_slice %arg7[%rem3A_363, %parallel_loop3A_990, %parallel_loop3A_991] : memref<4x64x131xf32, #tpu.memory_space<vmem>> -> memref<1x64x131xf32, #tpu.memory_space<vmem>>
        %parallel_loop3A_993 = tpu.memref_squeeze %parallel_loop3A_992 : memref<1x64x131xf32, #tpu.memory_space<vmem>> -> memref<64x131xf32, #tpu.memory_space<vmem>>
        tpu.vector_store_idx %parallel_loop3A_993[%add3A_8, %parallel_loop3A_975], %parallel_loop3A_989 : memref<64x131xf32, #tpu.memory_space<vmem>>[vector<16xi32>, vector<16xi32>], vector<16xf32>,
        %parallel_loop3A_994 = arith.index_cast %rem3A_363 : i32 to index
        %parallel_loop3A_995 = arith.index_cast %parallel_loop3A_962 : i32 to index
        %parallel_loop3A_996 = arith.constant 32 : index
        %parallel_loop3A_997 = tpu.vector_load %arg6[%parallel_loop3A_994, %parallel_loop3A_995, %parallel_loop3A_996] {strides = array<i32>} : memref<4x128x64xf32, #tpu.memory_space<vmem>>, vector<16xf32>,
        %parallel_loop3A_998 = arith.mulf %parallel_loop3A_997, %parallel_loop3A_974 : vector<16xf32>
        %parallel_loop3A_999 = arith.constant 0 : i32
        %parallel_loop3A_1000 = arith.constant 0 : i32
        %parallel_loop3A_1001 = tpu.memref_slice %arg7[%rem3A_363, %parallel_loop3A_999, %parallel_loop3A_1000] : memref<4x64x131xf32, #tpu.memory_space<vmem>> -> memref<1x64x131xf32, #tpu.memory_space<vmem>>
        %parallel_loop3A_1002 = tpu.memref_squeeze %parallel_loop3A_1001 : memref<1x64x131xf32, #tpu.memory_space<vmem>> -> memref<64x131xf32, #tpu.memory_space<vmem>>
        tpu.vector_store_idx %parallel_loop3A_1002[%add3A_11, %parallel_loop3A_975], %parallel_loop3A_998 : memref<64x131xf32, #tpu.memory_space<vmem>>[vector<16xi32>, vector<16xi32>], vector<16xf32>,
        %parallel_loop3A_1003 = arith.index_cast %rem3A_363 : i32 to index
        %parallel_loop3A_1004 = arith.index_cast %parallel_loop3A_962 : i32 to index
        %parallel_loop3A_1005 = arith.constant 48 : index
        %parallel_loop3A_1006 = tpu.vector_load %arg6[%parallel_loop3A_1003, %parallel_loop3A_1004, %parallel_loop3A_1005] {strides = array<i32>} : memref<4x128x64xf32, #tpu.memory_space<vmem>>, vector<16xf32>,
        %parallel_loop3A_1007 = arith.mulf %parallel_loop3A_1006, %parallel_loop3A_974 : vector<16xf32>
        %parallel_loop3A_1008 = arith.constant 0 : i32
        %parallel_loop3A_1009 = arith.constant 0 : i32
        %parallel_loop3A_1010 = tpu.memref_slice %arg7[%rem3A_363, %parallel_loop3A_1008, %parallel_loop3A_1009] : memref<4x64x131xf32, #tpu.memory_space<vmem>> -> memref<1x64x131xf32, #tpu.memory_space<vmem>>
        %parallel_loop3A_1011 = tpu.memref_squeeze %parallel_loop3A_1010 : memref<1x64x131xf32, #tpu.memory_space<vmem>> -> memref<64x131xf32, #tpu.memory_space<vmem>>
        tpu.vector_store_idx %parallel_loop3A_1011[%add3A_14, %parallel_loop3A_975], %parallel_loop3A_1007 : memref<64x131xf32, #tpu.memory_space<vmem>>[vector<16xi32>, vector<16xi32>], vector<16xf32>,
        %parallel_loop3A_1012 = arith.constant 16 : i32
        %parallel_loop3A_1013 = arith.muli %parallel_loop3A_521, %parallel_loop3A_1012 : i32
        %parallel_loop3A_1014 = arith.constant 9 : i32
        %parallel_loop3A_1015 = arith.addi %parallel_loop3A_1013, %parallel_loop3A_1014 : i32
        %parallel_loop3A_1016 = arith.constant 9 : i32
        %parallel_loop3A_1017 = vector.broadcast %parallel_loop3A_1016 : i32 to vector<16xi32>
        %parallel_loop3A_1018 = arith.constant 0 : i32
        %parallel_loop3A_1019 = vector.broadcast %parallel_loop3A_1018 : i32 to vector<16xi32>
        %parallel_loop3A_1020 = arith.cmpi slt, %parallel_loop3A_1017, %parallel_loop3A_1019 : vector<16xi32>
        %parallel_loop3A_1021 = arith.constant 16 : i32
        %parallel_loop3A_1022 = vector.broadcast %parallel_loop3A_1021 : i32 to vector<16xi32>
        %parallel_loop3A_1023 = arith.addi %parallel_loop3A_1017, %parallel_loop3A_1022 : vector<16xi32>
        %parallel_loop3A_1024 = arith.select %parallel_loop3A_1020, %parallel_loop3A_1023, %parallel_loop3A_1017 : vector<16xi1>, vector<16xi32>
        %parallel_loop3A_1025 = vector.shape_cast %parallel_loop3A_1024 : vector<16xi32> to vector<16x1xi32>
        %parallel_loop3A_1026 = vector.shape_cast %parallel_loop3A_1025 : vector<16x1xi32> to vector<16xi32>
        %parallel_loop3A_1027 = tpu.dynamic_gather %parallel_loop3A_534[%parallel_loop3A_1026] in [0] : vector<16xf32>, vector<16xi32> -> vector<16xf32>
        %parallel_loop3A_1028 = vector.broadcast %parallel_loop3A_1015 : i32 to vector<16xi32>
        %parallel_loop3A_1029 = arith.index_cast %rem3A_363 : i32 to index
        %parallel_loop3A_1030 = arith.index_cast %parallel_loop3A_1015 : i32 to index
        %parallel_loop3A_1031 = arith.constant 0 : index
        %parallel_loop3A_1032 = tpu.vector_load %arg6[%parallel_loop3A_1029, %parallel_loop3A_1030, %parallel_loop3A_1031] {strides = array<i32>} : memref<4x128x64xf32, #tpu.memory_space<vmem>>, vector<16xf32>,
        %parallel_loop3A_1033 = arith.mulf %parallel_loop3A_1032, %parallel_loop3A_1027 : vector<16xf32>
        %parallel_loop3A_1034 = arith.constant 0 : i32
        %parallel_loop3A_1035 = arith.constant 0 : i32
        %parallel_loop3A_1036 = tpu.memref_slice %arg7[%rem3A_363, %parallel_loop3A_1034, %parallel_loop3A_1035] : memref<4x64x131xf32, #tpu.memory_space<vmem>> -> memref<1x64x131xf32, #tpu.memory_space<vmem>>
        %parallel_loop3A_1037 = tpu.memref_squeeze %parallel_loop3A_1036 : memref<1x64x131xf32, #tpu.memory_space<vmem>> -> memref<64x131xf32, #tpu.memory_space<vmem>>
        tpu.vector_store_idx %parallel_loop3A_1037[%add3A_5, %parallel_loop3A_1028], %parallel_loop3A_1033 : memref<64x131xf32, #tpu.memory_space<vmem>>[vector<16xi32>, vector<16xi32>], vector<16xf32>,
        %parallel_loop3A_1038 = arith.index_cast %rem3A_363 : i32 to index
        %parallel_loop3A_1039 = arith.index_cast %parallel_loop3A_1015 : i32 to index
        %parallel_loop3A_1040 = arith.constant 16 : index
        %parallel_loop3A_1041 = tpu.vector_load %arg6[%parallel_loop3A_1038, %parallel_loop3A_1039, %parallel_loop3A_1040] {strides = array<i32>} : memref<4x128x64xf32, #tpu.memory_space<vmem>>, vector<16xf32>,
        %parallel_loop3A_1042 = arith.mulf %parallel_loop3A_1041, %parallel_loop3A_1027 : vector<16xf32>
        %parallel_loop3A_1043 = arith.constant 0 : i32
        %parallel_loop3A_1044 = arith.constant 0 : i32
        %parallel_loop3A_1045 = tpu.memref_slice %arg7[%rem3A_363, %parallel_loop3A_1043, %parallel_loop3A_1044] : memref<4x64x131xf32, #tpu.memory_space<vmem>> -> memref<1x64x131xf32, #tpu.memory_space<vmem>>
        %parallel_loop3A_1046 = tpu.memref_squeeze %parallel_loop3A_1045 : memref<1x64x131xf32, #tpu.memory_space<vmem>> -> memref<64x131xf32, #tpu.memory_space<vmem>>
        tpu.vector_store_idx %parallel_loop3A_1046[%add3A_8, %parallel_loop3A_1028], %parallel_loop3A_1042 : memref<64x131xf32, #tpu.memory_space<vmem>>[vector<16xi32>, vector<16xi32>], vector<16xf32>,
        %parallel_loop3A_1047 = arith.index_cast %rem3A_363 : i32 to index
        %parallel_loop3A_1048 = arith.index_cast %parallel_loop3A_1015 : i32 to index
        %parallel_loop3A_1049 = arith.constant 32 : index
        %parallel_loop3A_1050 = tpu.vector_load %arg6[%parallel_loop3A_1047, %parallel_loop3A_1048, %parallel_loop3A_1049] {strides = array<i32>} : memref<4x128x64xf32, #tpu.memory_space<vmem>>, vector<16xf32>,
        %parallel_loop3A_1051 = arith.mulf %parallel_loop3A_1050, %parallel_loop3A_1027 : vector<16xf32>
        %parallel_loop3A_1052 = arith.constant 0 : i32
        %parallel_loop3A_1053 = arith.constant 0 : i32
        %parallel_loop3A_1054 = tpu.memref_slice %arg7[%rem3A_363, %parallel_loop3A_1052, %parallel_loop3A_1053] : memref<4x64x131xf32, #tpu.memory_space<vmem>> -> memref<1x64x131xf32, #tpu.memory_space<vmem>>
        %parallel_loop3A_1055 = tpu.memref_squeeze %parallel_loop3A_1054 : memref<1x64x131xf32, #tpu.memory_space<vmem>> -> memref<64x131xf32, #tpu.memory_space<vmem>>
        tpu.vector_store_idx %parallel_loop3A_1055[%add3A_11, %parallel_loop3A_1028], %parallel_loop3A_1051 : memref<64x131xf32, #tpu.memory_space<vmem>>[vector<16xi32>, vector<16xi32>], vector<16xf32>,
        %parallel_loop3A_1056 = arith.index_cast %rem3A_363 : i32 to index
        %parallel_loop3A_1057 = arith.index_cast %parallel_loop3A_1015 : i32 to index
        %parallel_loop3A_1058 = arith.constant 48 : index
        %parallel_loop3A_1059 = tpu.vector_load %arg6[%parallel_loop3A_1056, %parallel_loop3A_1057, %parallel_loop3A_1058] {strides = array<i32>} : memref<4x128x64xf32, #tpu.memory_space<vmem>>, vector<16xf32>,
        %parallel_loop3A_1060 = arith.mulf %parallel_loop3A_1059, %parallel_loop3A_1027 : vector<16xf32>
        %parallel_loop3A_1061 = arith.constant 0 : i32
        %parallel_loop3A_1062 = arith.constant 0 : i32
        %parallel_loop3A_1063 = tpu.memref_slice %arg7[%rem3A_363, %parallel_loop3A_1061, %parallel_loop3A_1062] : memref<4x64x131xf32, #tpu.memory_space<vmem>> -> memref<1x64x131xf32, #tpu.memory_space<vmem>>
        %parallel_loop3A_1064 = tpu.memref_squeeze %parallel_loop3A_1063 : memref<1x64x131xf32, #tpu.memory_space<vmem>> -> memref<64x131xf32, #tpu.memory_space<vmem>>
        tpu.vector_store_idx %parallel_loop3A_1064[%add3A_14, %parallel_loop3A_1028], %parallel_loop3A_1060 : memref<64x131xf32, #tpu.memory_space<vmem>>[vector<16xi32>, vector<16xi32>], vector<16xf32>,
        %parallel_loop3A_1065 = arith.constant 16 : i32
        %parallel_loop3A_1066 = arith.muli %parallel_loop3A_521, %parallel_loop3A_1065 : i32
        %parallel_loop3A_1067 = arith.constant 10 : i32
        %parallel_loop3A_1068 = arith.addi %parallel_loop3A_1066, %parallel_loop3A_1067 : i32
        %parallel_loop3A_1069 = arith.constant 10 : i32
        %parallel_loop3A_1070 = vector.broadcast %parallel_loop3A_1069 : i32 to vector<16xi32>
        %parallel_loop3A_1071 = arith.constant 0 : i32
        %parallel_loop3A_1072 = vector.broadcast %parallel_loop3A_1071 : i32 to vector<16xi32>
        %parallel_loop3A_1073 = arith.cmpi slt, %parallel_loop3A_1070, %parallel_loop3A_1072 : vector<16xi32>
        %parallel_loop3A_1074 = arith.constant 16 : i32
        %parallel_loop3A_1075 = vector.broadcast %parallel_loop3A_1074 : i32 to vector<16xi32>
        %parallel_loop3A_1076 = arith.addi %parallel_loop3A_1070, %parallel_loop3A_1075 : vector<16xi32>
        %parallel_loop3A_1077 = arith.select %parallel_loop3A_1073, %parallel_loop3A_1076, %parallel_loop3A_1070 : vector<16xi1>, vector<16xi32>
        %parallel_loop3A_1078 = vector.shape_cast %parallel_loop3A_1077 : vector<16xi32> to vector<16x1xi32>
        %parallel_loop3A_1079 = vector.shape_cast %parallel_loop3A_1078 : vector<16x1xi32> to vector<16xi32>
        %parallel_loop3A_1080 = tpu.dynamic_gather %parallel_loop3A_534[%parallel_loop3A_1079] in [0] : vector<16xf32>, vector<16xi32> -> vector<16xf32>
        %parallel_loop3A_1081 = vector.broadcast %parallel_loop3A_1068 : i32 to vector<16xi32>
        %parallel_loop3A_1082 = arith.index_cast %rem3A_363 : i32 to index
        %parallel_loop3A_1083 = arith.index_cast %parallel_loop3A_1068 : i32 to index
        %parallel_loop3A_1084 = arith.constant 0 : index
        %parallel_loop3A_1085 = tpu.vector_load %arg6[%parallel_loop3A_1082, %parallel_loop3A_1083, %parallel_loop3A_1084] {strides = array<i32>} : memref<4x128x64xf32, #tpu.memory_space<vmem>>, vector<16xf32>,
        %parallel_loop3A_1086 = arith.mulf %parallel_loop3A_1085, %parallel_loop3A_1080 : vector<16xf32>
        %parallel_loop3A_1087 = arith.constant 0 : i32
        %parallel_loop3A_1088 = arith.constant 0 : i32
        %parallel_loop3A_1089 = tpu.memref_slice %arg7[%rem3A_363, %parallel_loop3A_1087, %parallel_loop3A_1088] : memref<4x64x131xf32, #tpu.memory_space<vmem>> -> memref<1x64x131xf32, #tpu.memory_space<vmem>>
        %parallel_loop3A_1090 = tpu.memref_squeeze %parallel_loop3A_1089 : memref<1x64x131xf32, #tpu.memory_space<vmem>> -> memref<64x131xf32, #tpu.memory_space<vmem>>
        tpu.vector_store_idx %parallel_loop3A_1090[%add3A_5, %parallel_loop3A_1081], %parallel_loop3A_1086 : memref<64x131xf32, #tpu.memory_space<vmem>>[vector<16xi32>, vector<16xi32>], vector<16xf32>,
        %parallel_loop3A_1091 = arith.index_cast %rem3A_363 : i32 to index
        %parallel_loop3A_1092 = arith.index_cast %parallel_loop3A_1068 : i32 to index
        %parallel_loop3A_1093 = arith.constant 16 : index
        %parallel_loop3A_1094 = tpu.vector_load %arg6[%parallel_loop3A_1091, %parallel_loop3A_1092, %parallel_loop3A_1093] {strides = array<i32>} : memref<4x128x64xf32, #tpu.memory_space<vmem>>, vector<16xf32>,
        %parallel_loop3A_1095 = arith.mulf %parallel_loop3A_1094, %parallel_loop3A_1080 : vector<16xf32>
        %parallel_loop3A_1096 = arith.constant 0 : i32
        %parallel_loop3A_1097 = arith.constant 0 : i32
        %parallel_loop3A_1098 = tpu.memref_slice %arg7[%rem3A_363, %parallel_loop3A_1096, %parallel_loop3A_1097] : memref<4x64x131xf32, #tpu.memory_space<vmem>> -> memref<1x64x131xf32, #tpu.memory_space<vmem>>
        %parallel_loop3A_1099 = tpu.memref_squeeze %parallel_loop3A_1098 : memref<1x64x131xf32, #tpu.memory_space<vmem>> -> memref<64x131xf32, #tpu.memory_space<vmem>>
        tpu.vector_store_idx %parallel_loop3A_1099[%add3A_8, %parallel_loop3A_1081], %parallel_loop3A_1095 : memref<64x131xf32, #tpu.memory_space<vmem>>[vector<16xi32>, vector<16xi32>], vector<16xf32>,
        %parallel_loop3A_1100 = arith.index_cast %rem3A_363 : i32 to index
        %parallel_loop3A_1101 = arith.index_cast %parallel_loop3A_1068 : i32 to index
        %parallel_loop3A_1102 = arith.constant 32 : index
        %parallel_loop3A_1103 = tpu.vector_load %arg6[%parallel_loop3A_1100, %parallel_loop3A_1101, %parallel_loop3A_1102] {strides = array<i32>} : memref<4x128x64xf32, #tpu.memory_space<vmem>>, vector<16xf32>,
        %parallel_loop3A_1104 = arith.mulf %parallel_loop3A_1103, %parallel_loop3A_1080 : vector<16xf32>
        %parallel_loop3A_1105 = arith.constant 0 : i32
        %parallel_loop3A_1106 = arith.constant 0 : i32
        %parallel_loop3A_1107 = tpu.memref_slice %arg7[%rem3A_363, %parallel_loop3A_1105, %parallel_loop3A_1106] : memref<4x64x131xf32, #tpu.memory_space<vmem>> -> memref<1x64x131xf32, #tpu.memory_space<vmem>>
        %parallel_loop3A_1108 = tpu.memref_squeeze %parallel_loop3A_1107 : memref<1x64x131xf32, #tpu.memory_space<vmem>> -> memref<64x131xf32, #tpu.memory_space<vmem>>
        tpu.vector_store_idx %parallel_loop3A_1108[%add3A_11, %parallel_loop3A_1081], %parallel_loop3A_1104 : memref<64x131xf32, #tpu.memory_space<vmem>>[vector<16xi32>, vector<16xi32>], vector<16xf32>,
        %parallel_loop3A_1109 = arith.index_cast %rem3A_363 : i32 to index
        %parallel_loop3A_1110 = arith.index_cast %parallel_loop3A_1068 : i32 to index
        %parallel_loop3A_1111 = arith.constant 48 : index
        %parallel_loop3A_1112 = tpu.vector_load %arg6[%parallel_loop3A_1109, %parallel_loop3A_1110, %parallel_loop3A_1111] {strides = array<i32>} : memref<4x128x64xf32, #tpu.memory_space<vmem>>, vector<16xf32>,
        %parallel_loop3A_1113 = arith.mulf %parallel_loop3A_1112, %parallel_loop3A_1080 : vector<16xf32>
        %parallel_loop3A_1114 = arith.constant 0 : i32
        %parallel_loop3A_1115 = arith.constant 0 : i32
        %parallel_loop3A_1116 = tpu.memref_slice %arg7[%rem3A_363, %parallel_loop3A_1114, %parallel_loop3A_1115] : memref<4x64x131xf32, #tpu.memory_space<vmem>> -> memref<1x64x131xf32, #tpu.memory_space<vmem>>
        %parallel_loop3A_1117 = tpu.memref_squeeze %parallel_loop3A_1116 : memref<1x64x131xf32, #tpu.memory_space<vmem>> -> memref<64x131xf32, #tpu.memory_space<vmem>>
        tpu.vector_store_idx %parallel_loop3A_1117[%add3A_14, %parallel_loop3A_1081], %parallel_loop3A_1113 : memref<64x131xf32, #tpu.memory_space<vmem>>[vector<16xi32>, vector<16xi32>], vector<16xf32>,
        %parallel_loop3A_1118 = arith.constant 16 : i32
        %parallel_loop3A_1119 = arith.muli %parallel_loop3A_521, %parallel_loop3A_1118 : i32
        %parallel_loop3A_1120 = arith.constant 11 : i32
        %parallel_loop3A_1121 = arith.addi %parallel_loop3A_1119, %parallel_loop3A_1120 : i32
        %parallel_loop3A_1122 = arith.constant 11 : i32
        %parallel_loop3A_1123 = vector.broadcast %parallel_loop3A_1122 : i32 to vector<16xi32>
        %parallel_loop3A_1124 = arith.constant 0 : i32
        %parallel_loop3A_1125 = vector.broadcast %parallel_loop3A_1124 : i32 to vector<16xi32>
        %parallel_loop3A_1126 = arith.cmpi slt, %parallel_loop3A_1123, %parallel_loop3A_1125 : vector<16xi32>
        %parallel_loop3A_1127 = arith.constant 16 : i32
        %parallel_loop3A_1128 = vector.broadcast %parallel_loop3A_1127 : i32 to vector<16xi32>
        %parallel_loop3A_1129 = arith.addi %parallel_loop3A_1123, %parallel_loop3A_1128 : vector<16xi32>
        %parallel_loop3A_1130 = arith.select %parallel_loop3A_1126, %parallel_loop3A_1129, %parallel_loop3A_1123 : vector<16xi1>, vector<16xi32>
        %parallel_loop3A_1131 = vector.shape_cast %parallel_loop3A_1130 : vector<16xi32> to vector<16x1xi32>
        %parallel_loop3A_1132 = vector.shape_cast %parallel_loop3A_1131 : vector<16x1xi32> to vector<16xi32>
        %parallel_loop3A_1133 = tpu.dynamic_gather %parallel_loop3A_534[%parallel_loop3A_1132] in [0] : vector<16xf32>, vector<16xi32> -> vector<16xf32>
        %parallel_loop3A_1134 = vector.broadcast %parallel_loop3A_1121 : i32 to vector<16xi32>
        %parallel_loop3A_1135 = arith.index_cast %rem3A_363 : i32 to index
        %parallel_loop3A_1136 = arith.index_cast %parallel_loop3A_1121 : i32 to index
        %parallel_loop3A_1137 = arith.constant 0 : index
        %parallel_loop3A_1138 = tpu.vector_load %arg6[%parallel_loop3A_1135, %parallel_loop3A_1136, %parallel_loop3A_1137] {strides = array<i32>} : memref<4x128x64xf32, #tpu.memory_space<vmem>>, vector<16xf32>,
        %parallel_loop3A_1139 = arith.mulf %parallel_loop3A_1138, %parallel_loop3A_1133 : vector<16xf32>
        %parallel_loop3A_1140 = arith.constant 0 : i32
        %parallel_loop3A_1141 = arith.constant 0 : i32
        %parallel_loop3A_1142 = tpu.memref_slice %arg7[%rem3A_363, %parallel_loop3A_1140, %parallel_loop3A_1141] : memref<4x64x131xf32, #tpu.memory_space<vmem>> -> memref<1x64x131xf32, #tpu.memory_space<vmem>>
        %parallel_loop3A_1143 = tpu.memref_squeeze %parallel_loop3A_1142 : memref<1x64x131xf32, #tpu.memory_space<vmem>> -> memref<64x131xf32, #tpu.memory_space<vmem>>
        tpu.vector_store_idx %parallel_loop3A_1143[%add3A_5, %parallel_loop3A_1134], %parallel_loop3A_1139 : memref<64x131xf32, #tpu.memory_space<vmem>>[vector<16xi32>, vector<16xi32>], vector<16xf32>,
        %parallel_loop3A_1144 = arith.index_cast %rem3A_363 : i32 to index
        %parallel_loop3A_1145 = arith.index_cast %parallel_loop3A_1121 : i32 to index
        %parallel_loop3A_1146 = arith.constant 16 : index
        %parallel_loop3A_1147 = tpu.vector_load %arg6[%parallel_loop3A_1144, %parallel_loop3A_1145, %parallel_loop3A_1146] {strides = array<i32>} : memref<4x128x64xf32, #tpu.memory_space<vmem>>, vector<16xf32>,
        %parallel_loop3A_1148 = arith.mulf %parallel_loop3A_1147, %parallel_loop3A_1133 : vector<16xf32>
        %parallel_loop3A_1149 = arith.constant 0 : i32
        %parallel_loop3A_1150 = arith.constant 0 : i32
        %parallel_loop3A_1151 = tpu.memref_slice %arg7[%rem3A_363, %parallel_loop3A_1149, %parallel_loop3A_1150] : memref<4x64x131xf32, #tpu.memory_space<vmem>> -> memref<1x64x131xf32, #tpu.memory_space<vmem>>
        %parallel_loop3A_1152 = tpu.memref_squeeze %parallel_loop3A_1151 : memref<1x64x131xf32, #tpu.memory_space<vmem>> -> memref<64x131xf32, #tpu.memory_space<vmem>>
        tpu.vector_store_idx %parallel_loop3A_1152[%add3A_8, %parallel_loop3A_1134], %parallel_loop3A_1148 : memref<64x131xf32, #tpu.memory_space<vmem>>[vector<16xi32>, vector<16xi32>], vector<16xf32>,
        %parallel_loop3A_1153 = arith.index_cast %rem3A_363 : i32 to index
        %parallel_loop3A_1154 = arith.index_cast %parallel_loop3A_1121 : i32 to index
        %parallel_loop3A_1155 = arith.constant 32 : index
        %parallel_loop3A_1156 = tpu.vector_load %arg6[%parallel_loop3A_1153, %parallel_loop3A_1154, %parallel_loop3A_1155] {strides = array<i32>} : memref<4x128x64xf32, #tpu.memory_space<vmem>>, vector<16xf32>,
        %parallel_loop3A_1157 = arith.mulf %parallel_loop3A_1156, %parallel_loop3A_1133 : vector<16xf32>
        %parallel_loop3A_1158 = arith.constant 0 : i32
        %parallel_loop3A_1159 = arith.constant 0 : i32
        %parallel_loop3A_1160 = tpu.memref_slice %arg7[%rem3A_363, %parallel_loop3A_1158, %parallel_loop3A_1159] : memref<4x64x131xf32, #tpu.memory_space<vmem>> -> memref<1x64x131xf32, #tpu.memory_space<vmem>>
        %parallel_loop3A_1161 = tpu.memref_squeeze %parallel_loop3A_1160 : memref<1x64x131xf32, #tpu.memory_space<vmem>> -> memref<64x131xf32, #tpu.memory_space<vmem>>
        tpu.vector_store_idx %parallel_loop3A_1161[%add3A_11, %parallel_loop3A_1134], %parallel_loop3A_1157 : memref<64x131xf32, #tpu.memory_space<vmem>>[vector<16xi32>, vector<16xi32>], vector<16xf32>,
        %parallel_loop3A_1162 = arith.index_cast %rem3A_363 : i32 to index
        %parallel_loop3A_1163 = arith.index_cast %parallel_loop3A_1121 : i32 to index
        %parallel_loop3A_1164 = arith.constant 48 : index
        %parallel_loop3A_1165 = tpu.vector_load %arg6[%parallel_loop3A_1162, %parallel_loop3A_1163, %parallel_loop3A_1164] {strides = array<i32>} : memref<4x128x64xf32, #tpu.memory_space<vmem>>, vector<16xf32>,
        %parallel_loop3A_1166 = arith.mulf %parallel_loop3A_1165, %parallel_loop3A_1133 : vector<16xf32>
        %parallel_loop3A_1167 = arith.constant 0 : i32
        %parallel_loop3A_1168 = arith.constant 0 : i32
        %parallel_loop3A_1169 = tpu.memref_slice %arg7[%rem3A_363, %parallel_loop3A_1167, %parallel_loop3A_1168] : memref<4x64x131xf32, #tpu.memory_space<vmem>> -> memref<1x64x131xf32, #tpu.memory_space<vmem>>
        %parallel_loop3A_1170 = tpu.memref_squeeze %parallel_loop3A_1169 : memref<1x64x131xf32, #tpu.memory_space<vmem>> -> memref<64x131xf32, #tpu.memory_space<vmem>>
        tpu.vector_store_idx %parallel_loop3A_1170[%add3A_14, %parallel_loop3A_1134], %parallel_loop3A_1166 : memref<64x131xf32, #tpu.memory_space<vmem>>[vector<16xi32>, vector<16xi32>], vector<16xf32>,
        %parallel_loop3A_1171 = arith.constant 16 : i32
        %parallel_loop3A_1172 = arith.muli %parallel_loop3A_521, %parallel_loop3A_1171 : i32
        %parallel_loop3A_1173 = arith.constant 12 : i32
        %parallel_loop3A_1174 = arith.addi %parallel_loop3A_1172, %parallel_loop3A_1173 : i32
        %parallel_loop3A_1175 = arith.constant 12 : i32
        %parallel_loop3A_1176 = vector.broadcast %parallel_loop3A_1175 : i32 to vector<16xi32>
        %parallel_loop3A_1177 = arith.constant 0 : i32
        %parallel_loop3A_1178 = vector.broadcast %parallel_loop3A_1177 : i32 to vector<16xi32>
        %parallel_loop3A_1179 = arith.cmpi slt, %parallel_loop3A_1176, %parallel_loop3A_1178 : vector<16xi32>
        %parallel_loop3A_1180 = arith.constant 16 : i32
        %parallel_loop3A_1181 = vector.broadcast %parallel_loop3A_1180 : i32 to vector<16xi32>
        %parallel_loop3A_1182 = arith.addi %parallel_loop3A_1176, %parallel_loop3A_1181 : vector<16xi32>
        %parallel_loop3A_1183 = arith.select %parallel_loop3A_1179, %parallel_loop3A_1182, %parallel_loop3A_1176 : vector<16xi1>, vector<16xi32>
        %parallel_loop3A_1184 = vector.shape_cast %parallel_loop3A_1183 : vector<16xi32> to vector<16x1xi32>
        %parallel_loop3A_1185 = vector.shape_cast %parallel_loop3A_1184 : vector<16x1xi32> to vector<16xi32>
        %parallel_loop3A_1186 = tpu.dynamic_gather %parallel_loop3A_534[%parallel_loop3A_1185] in [0] : vector<16xf32>, vector<16xi32> -> vector<16xf32>
        %parallel_loop3A_1187 = vector.broadcast %parallel_loop3A_1174 : i32 to vector<16xi32>
        %parallel_loop3A_1188 = arith.index_cast %rem3A_363 : i32 to index
        %parallel_loop3A_1189 = arith.index_cast %parallel_loop3A_1174 : i32 to index
        %parallel_loop3A_1190 = arith.constant 0 : index
        %parallel_loop3A_1191 = tpu.vector_load %arg6[%parallel_loop3A_1188, %parallel_loop3A_1189, %parallel_loop3A_1190] {strides = array<i32>} : memref<4x128x64xf32, #tpu.memory_space<vmem>>, vector<16xf32>,
        %parallel_loop3A_1192 = arith.mulf %parallel_loop3A_1191, %parallel_loop3A_1186 : vector<16xf32>
        %parallel_loop3A_1193 = arith.constant 0 : i32
        %parallel_loop3A_1194 = arith.constant 0 : i32
        %parallel_loop3A_1195 = tpu.memref_slice %arg7[%rem3A_363, %parallel_loop3A_1193, %parallel_loop3A_1194] : memref<4x64x131xf32, #tpu.memory_space<vmem>> -> memref<1x64x131xf32, #tpu.memory_space<vmem>>
        %parallel_loop3A_1196 = tpu.memref_squeeze %parallel_loop3A_1195 : memref<1x64x131xf32, #tpu.memory_space<vmem>> -> memref<64x131xf32, #tpu.memory_space<vmem>>
        tpu.vector_store_idx %parallel_loop3A_1196[%add3A_5, %parallel_loop3A_1187], %parallel_loop3A_1192 : memref<64x131xf32, #tpu.memory_space<vmem>>[vector<16xi32>, vector<16xi32>], vector<16xf32>,
        %parallel_loop3A_1197 = arith.index_cast %rem3A_363 : i32 to index
        %parallel_loop3A_1198 = arith.index_cast %parallel_loop3A_1174 : i32 to index
        %parallel_loop3A_1199 = arith.constant 16 : index
        %parallel_loop3A_1200 = tpu.vector_load %arg6[%parallel_loop3A_1197, %parallel_loop3A_1198, %parallel_loop3A_1199] {strides = array<i32>} : memref<4x128x64xf32, #tpu.memory_space<vmem>>, vector<16xf32>,
        %parallel_loop3A_1201 = arith.mulf %parallel_loop3A_1200, %parallel_loop3A_1186 : vector<16xf32>
        %parallel_loop3A_1202 = arith.constant 0 : i32
        %parallel_loop3A_1203 = arith.constant 0 : i32
        %parallel_loop3A_1204 = tpu.memref_slice %arg7[%rem3A_363, %parallel_loop3A_1202, %parallel_loop3A_1203] : memref<4x64x131xf32, #tpu.memory_space<vmem>> -> memref<1x64x131xf32, #tpu.memory_space<vmem>>
        %parallel_loop3A_1205 = tpu.memref_squeeze %parallel_loop3A_1204 : memref<1x64x131xf32, #tpu.memory_space<vmem>> -> memref<64x131xf32, #tpu.memory_space<vmem>>
        tpu.vector_store_idx %parallel_loop3A_1205[%add3A_8, %parallel_loop3A_1187], %parallel_loop3A_1201 : memref<64x131xf32, #tpu.memory_space<vmem>>[vector<16xi32>, vector<16xi32>], vector<16xf32>,
        %parallel_loop3A_1206 = arith.index_cast %rem3A_363 : i32 to index
        %parallel_loop3A_1207 = arith.index_cast %parallel_loop3A_1174 : i32 to index
        %parallel_loop3A_1208 = arith.constant 32 : index
        %parallel_loop3A_1209 = tpu.vector_load %arg6[%parallel_loop3A_1206, %parallel_loop3A_1207, %parallel_loop3A_1208] {strides = array<i32>} : memref<4x128x64xf32, #tpu.memory_space<vmem>>, vector<16xf32>,
        %parallel_loop3A_1210 = arith.mulf %parallel_loop3A_1209, %parallel_loop3A_1186 : vector<16xf32>
        %parallel_loop3A_1211 = arith.constant 0 : i32
        %parallel_loop3A_1212 = arith.constant 0 : i32
        %parallel_loop3A_1213 = tpu.memref_slice %arg7[%rem3A_363, %parallel_loop3A_1211, %parallel_loop3A_1212] : memref<4x64x131xf32, #tpu.memory_space<vmem>> -> memref<1x64x131xf32, #tpu.memory_space<vmem>>
        %parallel_loop3A_1214 = tpu.memref_squeeze %parallel_loop3A_1213 : memref<1x64x131xf32, #tpu.memory_space<vmem>> -> memref<64x131xf32, #tpu.memory_space<vmem>>
        tpu.vector_store_idx %parallel_loop3A_1214[%add3A_11, %parallel_loop3A_1187], %parallel_loop3A_1210 : memref<64x131xf32, #tpu.memory_space<vmem>>[vector<16xi32>, vector<16xi32>], vector<16xf32>,
        %parallel_loop3A_1215 = arith.index_cast %rem3A_363 : i32 to index
        %parallel_loop3A_1216 = arith.index_cast %parallel_loop3A_1174 : i32 to index
        %parallel_loop3A_1217 = arith.constant 48 : index
        %parallel_loop3A_1218 = tpu.vector_load %arg6[%parallel_loop3A_1215, %parallel_loop3A_1216, %parallel_loop3A_1217] {strides = array<i32>} : memref<4x128x64xf32, #tpu.memory_space<vmem>>, vector<16xf32>,
        %parallel_loop3A_1219 = arith.mulf %parallel_loop3A_1218, %parallel_loop3A_1186 : vector<16xf32>
        %parallel_loop3A_1220 = arith.constant 0 : i32
        %parallel_loop3A_1221 = arith.constant 0 : i32
        %parallel_loop3A_1222 = tpu.memref_slice %arg7[%rem3A_363, %parallel_loop3A_1220, %parallel_loop3A_1221] : memref<4x64x131xf32, #tpu.memory_space<vmem>> -> memref<1x64x131xf32, #tpu.memory_space<vmem>>
        %parallel_loop3A_1223 = tpu.memref_squeeze %parallel_loop3A_1222 : memref<1x64x131xf32, #tpu.memory_space<vmem>> -> memref<64x131xf32, #tpu.memory_space<vmem>>
        tpu.vector_store_idx %parallel_loop3A_1223[%add3A_14, %parallel_loop3A_1187], %parallel_loop3A_1219 : memref<64x131xf32, #tpu.memory_space<vmem>>[vector<16xi32>, vector<16xi32>], vector<16xf32>,
        %parallel_loop3A_1224 = arith.constant 16 : i32
        %parallel_loop3A_1225 = arith.muli %parallel_loop3A_521, %parallel_loop3A_1224 : i32
        %parallel_loop3A_1226 = arith.constant 13 : i32
        %parallel_loop3A_1227 = arith.addi %parallel_loop3A_1225, %parallel_loop3A_1226 : i32
        %parallel_loop3A_1228 = arith.constant 13 : i32
        %parallel_loop3A_1229 = vector.broadcast %parallel_loop3A_1228 : i32 to vector<16xi32>
        %parallel_loop3A_1230 = arith.constant 0 : i32
        %parallel_loop3A_1231 = vector.broadcast %parallel_loop3A_1230 : i32 to vector<16xi32>
        %parallel_loop3A_1232 = arith.cmpi slt, %parallel_loop3A_1229, %parallel_loop3A_1231 : vector<16xi32>
        %parallel_loop3A_1233 = arith.constant 16 : i32
        %parallel_loop3A_1234 = vector.broadcast %parallel_loop3A_1233 : i32 to vector<16xi32>
        %parallel_loop3A_1235 = arith.addi %parallel_loop3A_1229, %parallel_loop3A_1234 : vector<16xi32>
        %parallel_loop3A_1236 = arith.select %parallel_loop3A_1232, %parallel_loop3A_1235, %parallel_loop3A_1229 : vector<16xi1>, vector<16xi32>
        %parallel_loop3A_1237 = vector.shape_cast %parallel_loop3A_1236 : vector<16xi32> to vector<16x1xi32>
        %parallel_loop3A_1238 = vector.shape_cast %parallel_loop3A_1237 : vector<16x1xi32> to vector<16xi32>
        %parallel_loop3A_1239 = tpu.dynamic_gather %parallel_loop3A_534[%parallel_loop3A_1238] in [0] : vector<16xf32>, vector<16xi32> -> vector<16xf32>
        %parallel_loop3A_1240 = vector.broadcast %parallel_loop3A_1227 : i32 to vector<16xi32>
        %parallel_loop3A_1241 = arith.index_cast %rem3A_363 : i32 to index
        %parallel_loop3A_1242 = arith.index_cast %parallel_loop3A_1227 : i32 to index
        %parallel_loop3A_1243 = arith.constant 0 : index
        %parallel_loop3A_1244 = tpu.vector_load %arg6[%parallel_loop3A_1241, %parallel_loop3A_1242, %parallel_loop3A_1243] {strides = array<i32>} : memref<4x128x64xf32, #tpu.memory_space<vmem>>, vector<16xf32>,
        %parallel_loop3A_1245 = arith.mulf %parallel_loop3A_1244, %parallel_loop3A_1239 : vector<16xf32>
        %parallel_loop3A_1246 = arith.constant 0 : i32
        %parallel_loop3A_1247 = arith.constant 0 : i32
        %parallel_loop3A_1248 = tpu.memref_slice %arg7[%rem3A_363, %parallel_loop3A_1246, %parallel_loop3A_1247] : memref<4x64x131xf32, #tpu.memory_space<vmem>> -> memref<1x64x131xf32, #tpu.memory_space<vmem>>
        %parallel_loop3A_1249 = tpu.memref_squeeze %parallel_loop3A_1248 : memref<1x64x131xf32, #tpu.memory_space<vmem>> -> memref<64x131xf32, #tpu.memory_space<vmem>>
        tpu.vector_store_idx %parallel_loop3A_1249[%add3A_5, %parallel_loop3A_1240], %parallel_loop3A_1245 : memref<64x131xf32, #tpu.memory_space<vmem>>[vector<16xi32>, vector<16xi32>], vector<16xf32>,
        %parallel_loop3A_1250 = arith.index_cast %rem3A_363 : i32 to index
        %parallel_loop3A_1251 = arith.index_cast %parallel_loop3A_1227 : i32 to index
        %parallel_loop3A_1252 = arith.constant 16 : index
        %parallel_loop3A_1253 = tpu.vector_load %arg6[%parallel_loop3A_1250, %parallel_loop3A_1251, %parallel_loop3A_1252] {strides = array<i32>} : memref<4x128x64xf32, #tpu.memory_space<vmem>>, vector<16xf32>,
        %parallel_loop3A_1254 = arith.mulf %parallel_loop3A_1253, %parallel_loop3A_1239 : vector<16xf32>
        %parallel_loop3A_1255 = arith.constant 0 : i32
        %parallel_loop3A_1256 = arith.constant 0 : i32
        %parallel_loop3A_1257 = tpu.memref_slice %arg7[%rem3A_363, %parallel_loop3A_1255, %parallel_loop3A_1256] : memref<4x64x131xf32, #tpu.memory_space<vmem>> -> memref<1x64x131xf32, #tpu.memory_space<vmem>>
        %parallel_loop3A_1258 = tpu.memref_squeeze %parallel_loop3A_1257 : memref<1x64x131xf32, #tpu.memory_space<vmem>> -> memref<64x131xf32, #tpu.memory_space<vmem>>
        tpu.vector_store_idx %parallel_loop3A_1258[%add3A_8, %parallel_loop3A_1240], %parallel_loop3A_1254 : memref<64x131xf32, #tpu.memory_space<vmem>>[vector<16xi32>, vector<16xi32>], vector<16xf32>,
        %parallel_loop3A_1259 = arith.index_cast %rem3A_363 : i32 to index
        %parallel_loop3A_1260 = arith.index_cast %parallel_loop3A_1227 : i32 to index
        %parallel_loop3A_1261 = arith.constant 32 : index
        %parallel_loop3A_1262 = tpu.vector_load %arg6[%parallel_loop3A_1259, %parallel_loop3A_1260, %parallel_loop3A_1261] {strides = array<i32>} : memref<4x128x64xf32, #tpu.memory_space<vmem>>, vector<16xf32>,
        %parallel_loop3A_1263 = arith.mulf %parallel_loop3A_1262, %parallel_loop3A_1239 : vector<16xf32>
        %parallel_loop3A_1264 = arith.constant 0 : i32
        %parallel_loop3A_1265 = arith.constant 0 : i32
        %parallel_loop3A_1266 = tpu.memref_slice %arg7[%rem3A_363, %parallel_loop3A_1264, %parallel_loop3A_1265] : memref<4x64x131xf32, #tpu.memory_space<vmem>> -> memref<1x64x131xf32, #tpu.memory_space<vmem>>
        %parallel_loop3A_1267 = tpu.memref_squeeze %parallel_loop3A_1266 : memref<1x64x131xf32, #tpu.memory_space<vmem>> -> memref<64x131xf32, #tpu.memory_space<vmem>>
        tpu.vector_store_idx %parallel_loop3A_1267[%add3A_11, %parallel_loop3A_1240], %parallel_loop3A_1263 : memref<64x131xf32, #tpu.memory_space<vmem>>[vector<16xi32>, vector<16xi32>], vector<16xf32>,
        %parallel_loop3A_1268 = arith.index_cast %rem3A_363 : i32 to index
        %parallel_loop3A_1269 = arith.index_cast %parallel_loop3A_1227 : i32 to index
        %parallel_loop3A_1270 = arith.constant 48 : index
        %parallel_loop3A_1271 = tpu.vector_load %arg6[%parallel_loop3A_1268, %parallel_loop3A_1269, %parallel_loop3A_1270] {strides = array<i32>} : memref<4x128x64xf32, #tpu.memory_space<vmem>>, vector<16xf32>,
        %parallel_loop3A_1272 = arith.mulf %parallel_loop3A_1271, %parallel_loop3A_1239 : vector<16xf32>
        %parallel_loop3A_1273 = arith.constant 0 : i32
        %parallel_loop3A_1274 = arith.constant 0 : i32
        %parallel_loop3A_1275 = tpu.memref_slice %arg7[%rem3A_363, %parallel_loop3A_1273, %parallel_loop3A_1274] : memref<4x64x131xf32, #tpu.memory_space<vmem>> -> memref<1x64x131xf32, #tpu.memory_space<vmem>>
        %parallel_loop3A_1276 = tpu.memref_squeeze %parallel_loop3A_1275 : memref<1x64x131xf32, #tpu.memory_space<vmem>> -> memref<64x131xf32, #tpu.memory_space<vmem>>
        tpu.vector_store_idx %parallel_loop3A_1276[%add3A_14, %parallel_loop3A_1240], %parallel_loop3A_1272 : memref<64x131xf32, #tpu.memory_space<vmem>>[vector<16xi32>, vector<16xi32>], vector<16xf32>,
        %parallel_loop3A_1277 = arith.constant 16 : i32
        %parallel_loop3A_1278 = arith.muli %parallel_loop3A_521, %parallel_loop3A_1277 : i32
        %parallel_loop3A_1279 = arith.constant 14 : i32
        %parallel_loop3A_1280 = arith.addi %parallel_loop3A_1278, %parallel_loop3A_1279 : i32
        %parallel_loop3A_1281 = arith.constant 14 : i32
        %parallel_loop3A_1282 = vector.broadcast %parallel_loop3A_1281 : i32 to vector<16xi32>
        %parallel_loop3A_1283 = arith.constant 0 : i32
        %parallel_loop3A_1284 = vector.broadcast %parallel_loop3A_1283 : i32 to vector<16xi32>
        %parallel_loop3A_1285 = arith.cmpi slt, %parallel_loop3A_1282, %parallel_loop3A_1284 : vector<16xi32>
        %parallel_loop3A_1286 = arith.constant 16 : i32
        %parallel_loop3A_1287 = vector.broadcast %parallel_loop3A_1286 : i32 to vector<16xi32>
        %parallel_loop3A_1288 = arith.addi %parallel_loop3A_1282, %parallel_loop3A_1287 : vector<16xi32>
        %parallel_loop3A_1289 = arith.select %parallel_loop3A_1285, %parallel_loop3A_1288, %parallel_loop3A_1282 : vector<16xi1>, vector<16xi32>
        %parallel_loop3A_1290 = vector.shape_cast %parallel_loop3A_1289 : vector<16xi32> to vector<16x1xi32>
        %parallel_loop3A_1291 = vector.shape_cast %parallel_loop3A_1290 : vector<16x1xi32> to vector<16xi32>
        %parallel_loop3A_1292 = tpu.dynamic_gather %parallel_loop3A_534[%parallel_loop3A_1291] in [0] : vector<16xf32>, vector<16xi32> -> vector<16xf32>
        %parallel_loop3A_1293 = vector.broadcast %parallel_loop3A_1280 : i32 to vector<16xi32>
        %parallel_loop3A_1294 = arith.index_cast %rem3A_363 : i32 to index
        %parallel_loop3A_1295 = arith.index_cast %parallel_loop3A_1280 : i32 to index
        %parallel_loop3A_1296 = arith.constant 0 : index
        %parallel_loop3A_1297 = tpu.vector_load %arg6[%parallel_loop3A_1294, %parallel_loop3A_1295, %parallel_loop3A_1296] {strides = array<i32>} : memref<4x128x64xf32, #tpu.memory_space<vmem>>, vector<16xf32>,
        %parallel_loop3A_1298 = arith.mulf %parallel_loop3A_1297, %parallel_loop3A_1292 : vector<16xf32>
        %parallel_loop3A_1299 = arith.constant 0 : i32
        %parallel_loop3A_1300 = arith.constant 0 : i32
        %parallel_loop3A_1301 = tpu.memref_slice %arg7[%rem3A_363, %parallel_loop3A_1299, %parallel_loop3A_1300] : memref<4x64x131xf32, #tpu.memory_space<vmem>> -> memref<1x64x131xf32, #tpu.memory_space<vmem>>
        %parallel_loop3A_1302 = tpu.memref_squeeze %parallel_loop3A_1301 : memref<1x64x131xf32, #tpu.memory_space<vmem>> -> memref<64x131xf32, #tpu.memory_space<vmem>>
        tpu.vector_store_idx %parallel_loop3A_1302[%add3A_5, %parallel_loop3A_1293], %parallel_loop3A_1298 : memref<64x131xf32, #tpu.memory_space<vmem>>[vector<16xi32>, vector<16xi32>], vector<16xf32>,
        %parallel_loop3A_1303 = arith.index_cast %rem3A_363 : i32 to index
        %parallel_loop3A_1304 = arith.index_cast %parallel_loop3A_1280 : i32 to index
        %parallel_loop3A_1305 = arith.constant 16 : index
        %parallel_loop3A_1306 = tpu.vector_load %arg6[%parallel_loop3A_1303, %parallel_loop3A_1304, %parallel_loop3A_1305] {strides = array<i32>} : memref<4x128x64xf32, #tpu.memory_space<vmem>>, vector<16xf32>,
        %parallel_loop3A_1307 = arith.mulf %parallel_loop3A_1306, %parallel_loop3A_1292 : vector<16xf32>
        %parallel_loop3A_1308 = arith.constant 0 : i32
        %parallel_loop3A_1309 = arith.constant 0 : i32
        %parallel_loop3A_1310 = tpu.memref_slice %arg7[%rem3A_363, %parallel_loop3A_1308, %parallel_loop3A_1309] : memref<4x64x131xf32, #tpu.memory_space<vmem>> -> memref<1x64x131xf32, #tpu.memory_space<vmem>>
        %parallel_loop3A_1311 = tpu.memref_squeeze %parallel_loop3A_1310 : memref<1x64x131xf32, #tpu.memory_space<vmem>> -> memref<64x131xf32, #tpu.memory_space<vmem>>
        tpu.vector_store_idx %parallel_loop3A_1311[%add3A_8, %parallel_loop3A_1293], %parallel_loop3A_1307 : memref<64x131xf32, #tpu.memory_space<vmem>>[vector<16xi32>, vector<16xi32>], vector<16xf32>,
        %parallel_loop3A_1312 = arith.index_cast %rem3A_363 : i32 to index
        %parallel_loop3A_1313 = arith.index_cast %parallel_loop3A_1280 : i32 to index
        %parallel_loop3A_1314 = arith.constant 32 : index
        %parallel_loop3A_1315 = tpu.vector_load %arg6[%parallel_loop3A_1312, %parallel_loop3A_1313, %parallel_loop3A_1314] {strides = array<i32>} : memref<4x128x64xf32, #tpu.memory_space<vmem>>, vector<16xf32>,
        %parallel_loop3A_1316 = arith.mulf %parallel_loop3A_1315, %parallel_loop3A_1292 : vector<16xf32>
        %parallel_loop3A_1317 = arith.constant 0 : i32
        %parallel_loop3A_1318 = arith.constant 0 : i32
        %parallel_loop3A_1319 = tpu.memref_slice %arg7[%rem3A_363, %parallel_loop3A_1317, %parallel_loop3A_1318] : memref<4x64x131xf32, #tpu.memory_space<vmem>> -> memref<1x64x131xf32, #tpu.memory_space<vmem>>
        %parallel_loop3A_1320 = tpu.memref_squeeze %parallel_loop3A_1319 : memref<1x64x131xf32, #tpu.memory_space<vmem>> -> memref<64x131xf32, #tpu.memory_space<vmem>>
        tpu.vector_store_idx %parallel_loop3A_1320[%add3A_11, %parallel_loop3A_1293], %parallel_loop3A_1316 : memref<64x131xf32, #tpu.memory_space<vmem>>[vector<16xi32>, vector<16xi32>], vector<16xf32>,
        %parallel_loop3A_1321 = arith.index_cast %rem3A_363 : i32 to index
        %parallel_loop3A_1322 = arith.index_cast %parallel_loop3A_1280 : i32 to index
        %parallel_loop3A_1323 = arith.constant 48 : index
        %parallel_loop3A_1324 = tpu.vector_load %arg6[%parallel_loop3A_1321, %parallel_loop3A_1322, %parallel_loop3A_1323] {strides = array<i32>} : memref<4x128x64xf32, #tpu.memory_space<vmem>>, vector<16xf32>,
        %parallel_loop3A_1325 = arith.mulf %parallel_loop3A_1324, %parallel_loop3A_1292 : vector<16xf32>
        %parallel_loop3A_1326 = arith.constant 0 : i32
        %parallel_loop3A_1327 = arith.constant 0 : i32
        %parallel_loop3A_1328 = tpu.memref_slice %arg7[%rem3A_363, %parallel_loop3A_1326, %parallel_loop3A_1327] : memref<4x64x131xf32, #tpu.memory_space<vmem>> -> memref<1x64x131xf32, #tpu.memory_space<vmem>>
        %parallel_loop3A_1329 = tpu.memref_squeeze %parallel_loop3A_1328 : memref<1x64x131xf32, #tpu.memory_space<vmem>> -> memref<64x131xf32, #tpu.memory_space<vmem>>
        tpu.vector_store_idx %parallel_loop3A_1329[%add3A_14, %parallel_loop3A_1293], %parallel_loop3A_1325 : memref<64x131xf32, #tpu.memory_space<vmem>>[vector<16xi32>, vector<16xi32>], vector<16xf32>,
        %parallel_loop3A_1330 = arith.constant 16 : i32
        %parallel_loop3A_1331 = arith.muli %parallel_loop3A_521, %parallel_loop3A_1330 : i32
        %parallel_loop3A_1332 = arith.constant 15 : i32
        %parallel_loop3A_1333 = arith.addi %parallel_loop3A_1331, %parallel_loop3A_1332 : i32
        %parallel_loop3A_1334 = arith.constant 15 : i32
        %parallel_loop3A_1335 = vector.broadcast %parallel_loop3A_1334 : i32 to vector<16xi32>
        %parallel_loop3A_1336 = arith.constant 0 : i32
        %parallel_loop3A_1337 = vector.broadcast %parallel_loop3A_1336 : i32 to vector<16xi32>
        %parallel_loop3A_1338 = arith.cmpi slt, %parallel_loop3A_1335, %parallel_loop3A_1337 : vector<16xi32>
        %parallel_loop3A_1339 = arith.constant 16 : i32
        %parallel_loop3A_1340 = vector.broadcast %parallel_loop3A_1339 : i32 to vector<16xi32>
        %parallel_loop3A_1341 = arith.addi %parallel_loop3A_1335, %parallel_loop3A_1340 : vector<16xi32>
        %parallel_loop3A_1342 = arith.select %parallel_loop3A_1338, %parallel_loop3A_1341, %parallel_loop3A_1335 : vector<16xi1>, vector<16xi32>
        %parallel_loop3A_1343 = vector.shape_cast %parallel_loop3A_1342 : vector<16xi32> to vector<16x1xi32>
        %parallel_loop3A_1344 = vector.shape_cast %parallel_loop3A_1343 : vector<16x1xi32> to vector<16xi32>
        %parallel_loop3A_1345 = tpu.dynamic_gather %parallel_loop3A_534[%parallel_loop3A_1344] in [0] : vector<16xf32>, vector<16xi32> -> vector<16xf32>
        %parallel_loop3A_1346 = vector.broadcast %parallel_loop3A_1333 : i32 to vector<16xi32>
        %parallel_loop3A_1347 = arith.index_cast %rem3A_363 : i32 to index
        %parallel_loop3A_1348 = arith.index_cast %parallel_loop3A_1333 : i32 to index
        %parallel_loop3A_1349 = arith.constant 0 : index
        %parallel_loop3A_1350 = tpu.vector_load %arg6[%parallel_loop3A_1347, %parallel_loop3A_1348, %parallel_loop3A_1349] {strides = array<i32>} : memref<4x128x64xf32, #tpu.memory_space<vmem>>, vector<16xf32>,
        %parallel_loop3A_1351 = arith.mulf %parallel_loop3A_1350, %parallel_loop3A_1345 : vector<16xf32>
        %parallel_loop3A_1352 = arith.constant 0 : i32
        %parallel_loop3A_1353 = arith.constant 0 : i32
        %parallel_loop3A_1354 = tpu.memref_slice %arg7[%rem3A_363, %parallel_loop3A_1352, %parallel_loop3A_1353] : memref<4x64x131xf32, #tpu.memory_space<vmem>> -> memref<1x64x131xf32, #tpu.memory_space<vmem>>
        %parallel_loop3A_1355 = tpu.memref_squeeze %parallel_loop3A_1354 : memref<1x64x131xf32, #tpu.memory_space<vmem>> -> memref<64x131xf32, #tpu.memory_space<vmem>>
        tpu.vector_store_idx %parallel_loop3A_1355[%add3A_5, %parallel_loop3A_1346], %parallel_loop3A_1351 : memref<64x131xf32, #tpu.memory_space<vmem>>[vector<16xi32>, vector<16xi32>], vector<16xf32>,
        %parallel_loop3A_1356 = arith.index_cast %rem3A_363 : i32 to index
        %parallel_loop3A_1357 = arith.index_cast %parallel_loop3A_1333 : i32 to index
        %parallel_loop3A_1358 = arith.constant 16 : index
        %parallel_loop3A_1359 = tpu.vector_load %arg6[%parallel_loop3A_1356, %parallel_loop3A_1357, %parallel_loop3A_1358] {strides = array<i32>} : memref<4x128x64xf32, #tpu.memory_space<vmem>>, vector<16xf32>,
        %parallel_loop3A_1360 = arith.mulf %parallel_loop3A_1359, %parallel_loop3A_1345 : vector<16xf32>
        %parallel_loop3A_1361 = arith.constant 0 : i32
        %parallel_loop3A_1362 = arith.constant 0 : i32
        %parallel_loop3A_1363 = tpu.memref_slice %arg7[%rem3A_363, %parallel_loop3A_1361, %parallel_loop3A_1362] : memref<4x64x131xf32, #tpu.memory_space<vmem>> -> memref<1x64x131xf32, #tpu.memory_space<vmem>>
        %parallel_loop3A_1364 = tpu.memref_squeeze %parallel_loop3A_1363 : memref<1x64x131xf32, #tpu.memory_space<vmem>> -> memref<64x131xf32, #tpu.memory_space<vmem>>
        tpu.vector_store_idx %parallel_loop3A_1364[%add3A_8, %parallel_loop3A_1346], %parallel_loop3A_1360 : memref<64x131xf32, #tpu.memory_space<vmem>>[vector<16xi32>, vector<16xi32>], vector<16xf32>,
        %parallel_loop3A_1365 = arith.index_cast %rem3A_363 : i32 to index
        %parallel_loop3A_1366 = arith.index_cast %parallel_loop3A_1333 : i32 to index
        %parallel_loop3A_1367 = arith.constant 32 : index
        %parallel_loop3A_1368 = tpu.vector_load %arg6[%parallel_loop3A_1365, %parallel_loop3A_1366, %parallel_loop3A_1367] {strides = array<i32>} : memref<4x128x64xf32, #tpu.memory_space<vmem>>, vector<16xf32>,
        %parallel_loop3A_1369 = arith.mulf %parallel_loop3A_1368, %parallel_loop3A_1345 : vector<16xf32>
        %parallel_loop3A_1370 = arith.constant 0 : i32
        %parallel_loop3A_1371 = arith.constant 0 : i32
        %parallel_loop3A_1372 = tpu.memref_slice %arg7[%rem3A_363, %parallel_loop3A_1370, %parallel_loop3A_1371] : memref<4x64x131xf32, #tpu.memory_space<vmem>> -> memref<1x64x131xf32, #tpu.memory_space<vmem>>
        %parallel_loop3A_1373 = tpu.memref_squeeze %parallel_loop3A_1372 : memref<1x64x131xf32, #tpu.memory_space<vmem>> -> memref<64x131xf32, #tpu.memory_space<vmem>>
        tpu.vector_store_idx %parallel_loop3A_1373[%add3A_11, %parallel_loop3A_1346], %parallel_loop3A_1369 : memref<64x131xf32, #tpu.memory_space<vmem>>[vector<16xi32>, vector<16xi32>], vector<16xf32>,
        %parallel_loop3A_1374 = arith.index_cast %rem3A_363 : i32 to index
        %parallel_loop3A_1375 = arith.index_cast %parallel_loop3A_1333 : i32 to index
        %parallel_loop3A_1376 = arith.constant 48 : index
        %parallel_loop3A_1377 = tpu.vector_load %arg6[%parallel_loop3A_1374, %parallel_loop3A_1375, %parallel_loop3A_1376] {strides = array<i32>} : memref<4x128x64xf32, #tpu.memory_space<vmem>>, vector<16xf32>,
        %parallel_loop3A_1378 = arith.mulf %parallel_loop3A_1377, %parallel_loop3A_1345 : vector<16xf32>
        %parallel_loop3A_1379 = arith.constant 0 : i32
        %parallel_loop3A_1380 = arith.constant 0 : i32
        %parallel_loop3A_1381 = tpu.memref_slice %arg7[%rem3A_363, %parallel_loop3A_1379, %parallel_loop3A_1380] : memref<4x64x131xf32, #tpu.memory_space<vmem>> -> memref<1x64x131xf32, #tpu.memory_space<vmem>>
        %parallel_loop3A_1382 = tpu.memref_squeeze %parallel_loop3A_1381 : memref<1x64x131xf32, #tpu.memory_space<vmem>> -> memref<64x131xf32, #tpu.memory_space<vmem>>
        tpu.vector_store_idx %parallel_loop3A_1382[%add3A_14, %parallel_loop3A_1346], %parallel_loop3A_1378 : memref<64x131xf32, #tpu.memory_space<vmem>>[vector<16xi32>, vector<16xi32>], vector<16xf32>,
      } {sc.loop_unroll_factor = 1 : i64, sc.parallel_access}
      %dma_start3A_377 = arith.constant 0 : i32
      %dma_start3A_378 = arith.constant 0 : i32
      %dma_start3A_379 = arith.constant 0 : i32
      %dma_start3A_380 = tpu.memref_slice %arg7[%rem3A_363, %dma_start3A_378, %dma_start3A_379] : memref<4x64x131xf32, #tpu.memory_space<vmem>> -> memref<1x8x128xf32, #tpu.memory_space<vmem>>
      %dma_start3A_381 = tpu.memref_squeeze %dma_start3A_380 : memref<1x8x128xf32, #tpu.memory_space<vmem>> -> memref<8x128xf32, #tpu.memory_space<vmem>>
      %dma_start3A_382 = arith.constant 0 : i32
      %dma_start3A_383 = arith.constant 0 : i32
      %dma_start3A_384 = tpu.memref_slice %arg4[%scan3A_362, %dma_start3A_377, %add3A, %dma_start3A_382, %dma_start3A_383] : memref<200x8x32x8x128xf32, #tpu.memory_space<hbm>> -> memref<1x1x1x8x128xf32, #tpu.memory_space<hbm>>
      %dma_start3A_385 = tpu.memref_squeeze %dma_start3A_384 : memref<1x1x1x8x128xf32, #tpu.memory_space<hbm>> -> memref<8x128xf32, #tpu.memory_space<hbm>>
      %dma_start3A_386 = arith.constant 0 : i32
      %dma_start3A_387 = arith.constant 0 : i32
      %dma_start3A_388 = tpu.memref_slice %arg4[%scan3A_362, %dma_start3A_377, %add3A, %dma_start3A_386, %dma_start3A_387] : memref<200x8x32x8x128xf32, #tpu.memory_space<hbm>> -> memref<1x1x1x8x128xf32, #tpu.memory_space<hbm>>
      %dma_start3A_389 = tpu.memref_squeeze %dma_start3A_388 : memref<1x1x1x8x128xf32, #tpu.memory_space<hbm>> -> memref<8x128xf32, #tpu.memory_space<hbm>>
      %dma_start3A_390 = arith.constant 0 : i32
      %dma_start3A_391 = arith.constant 0 : i32
      %dma_start3A_392 = tpu.memref_slice %arg7[%rem3A_363, %dma_start3A_390, %dma_start3A_391] : memref<4x64x131xf32, #tpu.memory_space<vmem>> -> memref<1x8x128xf32, #tpu.memory_space<vmem>>
      %dma_start3A_393 = tpu.memref_squeeze %dma_start3A_392 : memref<1x8x128xf32, #tpu.memory_space<vmem>> -> memref<8x128xf32, #tpu.memory_space<vmem>>
      tpu.enqueue_dma source(%dma_start3A_393 : memref<8x128xf32, #tpu.memory_space<vmem>>) target(%dma_start3A_389 : memref<8x128xf32, #tpu.memory_space<hbm>>) target_semaphore(%arg9 : memref<!tpu.dma_semaphore, #tpu.memory_space<semaphore_mem>>)
      %dma_start3A_394 = arith.constant 1 : i32
      %dma_start3A_395 = arith.constant 8 : i32
      %dma_start3A_396 = arith.constant 0 : i32
      %dma_start3A_397 = tpu.memref_slice %arg7[%rem3A_363, %dma_start3A_395, %dma_start3A_396] : memref<4x64x131xf32, #tpu.memory_space<vmem>> -> memref<1x8x128xf32, #tpu.memory_space<vmem>>
      %dma_start3A_398 = tpu.memref_squeeze %dma_start3A_397 : memref<1x8x128xf32, #tpu.memory_space<vmem>> -> memref<8x128xf32, #tpu.memory_space<vmem>>
      %dma_start3A_399 = arith.constant 0 : i32
      %dma_start3A_400 = arith.constant 0 : i32
      %dma_start3A_401 = tpu.memref_slice %arg4[%scan3A_362, %dma_start3A_394, %add3A, %dma_start3A_399, %dma_start3A_400] : memref<200x8x32x8x128xf32, #tpu.memory_space<hbm>> -> memref<1x1x1x8x128xf32, #tpu.memory_space<hbm>>
      %dma_start3A_402 = tpu.memref_squeeze %dma_start3A_401 : memref<1x1x1x8x128xf32, #tpu.memory_space<hbm>> -> memref<8x128xf32, #tpu.memory_space<hbm>>
      %dma_start3A_403 = arith.constant 0 : i32
      %dma_start3A_404 = arith.constant 0 : i32
      %dma_start3A_405 = tpu.memref_slice %arg4[%scan3A_362, %dma_start3A_394, %add3A, %dma_start3A_403, %dma_start3A_404] : memref<200x8x32x8x128xf32, #tpu.memory_space<hbm>> -> memref<1x1x1x8x128xf32, #tpu.memory_space<hbm>>
      %dma_start3A_406 = tpu.memref_squeeze %dma_start3A_405 : memref<1x1x1x8x128xf32, #tpu.memory_space<hbm>> -> memref<8x128xf32, #tpu.memory_space<hbm>>
      %dma_start3A_407 = arith.constant 8 : i32
      %dma_start3A_408 = arith.constant 0 : i32
      %dma_start3A_409 = tpu.memref_slice %arg7[%rem3A_363, %dma_start3A_407, %dma_start3A_408] : memref<4x64x131xf32, #tpu.memory_space<vmem>> -> memref<1x8x128xf32, #tpu.memory_space<vmem>>
      %dma_start3A_410 = tpu.memref_squeeze %dma_start3A_409 : memref<1x8x128xf32, #tpu.memory_space<vmem>> -> memref<8x128xf32, #tpu.memory_space<vmem>>
      tpu.enqueue_dma source(%dma_start3A_410 : memref<8x128xf32, #tpu.memory_space<vmem>>) target(%dma_start3A_406 : memref<8x128xf32, #tpu.memory_space<hbm>>) target_semaphore(%arg9 : memref<!tpu.dma_semaphore, #tpu.memory_space<semaphore_mem>>)
      %dma_start3A_411 = arith.constant 2 : i32
      %dma_start3A_412 = arith.constant 16 : i32
      %dma_start3A_413 = arith.constant 0 : i32
      %dma_start3A_414 = tpu.memref_slice %arg7[%rem3A_363, %dma_start3A_412, %dma_start3A_413] : memref<4x64x131xf32, #tpu.memory_space<vmem>> -> memref<1x8x128xf32, #tpu.memory_space<vmem>>
      %dma_start3A_415 = tpu.memref_squeeze %dma_start3A_414 : memref<1x8x128xf32, #tpu.memory_space<vmem>> -> memref<8x128xf32, #tpu.memory_space<vmem>>
      %dma_start3A_416 = arith.constant 0 : i32
      %dma_start3A_417 = arith.constant 0 : i32
      %dma_start3A_418 = tpu.memref_slice %arg4[%scan3A_362, %dma_start3A_411, %add3A, %dma_start3A_416, %dma_start3A_417] : memref<200x8x32x8x128xf32, #tpu.memory_space<hbm>> -> memref<1x1x1x8x128xf32, #tpu.memory_space<hbm>>
      %dma_start3A_419 = tpu.memref_squeeze %dma_start3A_418 : memref<1x1x1x8x128xf32, #tpu.memory_space<hbm>> -> memref<8x128xf32, #tpu.memory_space<hbm>>
      %dma_start3A_420 = arith.constant 0 : i32
      %dma_start3A_421 = arith.constant 0 : i32
      %dma_start3A_422 = tpu.memref_slice %arg4[%scan3A_362, %dma_start3A_411, %add3A, %dma_start3A_420, %dma_start3A_421] : memref<200x8x32x8x128xf32, #tpu.memory_space<hbm>> -> memref<1x1x1x8x128xf32, #tpu.memory_space<hbm>>
      %dma_start3A_423 = tpu.memref_squeeze %dma_start3A_422 : memref<1x1x1x8x128xf32, #tpu.memory_space<hbm>> -> memref<8x128xf32, #tpu.memory_space<hbm>>
      %dma_start3A_424 = arith.constant 16 : i32
      %dma_start3A_425 = arith.constant 0 : i32
      %dma_start3A_426 = tpu.memref_slice %arg7[%rem3A_363, %dma_start3A_424, %dma_start3A_425] : memref<4x64x131xf32, #tpu.memory_space<vmem>> -> memref<1x8x128xf32, #tpu.memory_space<vmem>>
      %dma_start3A_427 = tpu.memref_squeeze %dma_start3A_426 : memref<1x8x128xf32, #tpu.memory_space<vmem>> -> memref<8x128xf32, #tpu.memory_space<vmem>>
      tpu.enqueue_dma source(%dma_start3A_427 : memref<8x128xf32, #tpu.memory_space<vmem>>) target(%dma_start3A_423 : memref<8x128xf32, #tpu.memory_space<hbm>>) target_semaphore(%arg9 : memref<!tpu.dma_semaphore, #tpu.memory_space<semaphore_mem>>)
      %dma_start3A_428 = arith.constant 3 : i32
      %dma_start3A_429 = arith.constant 24 : i32
      %dma_start3A_430 = arith.constant 0 : i32
      %dma_start3A_431 = tpu.memref_slice %arg7[%rem3A_363, %dma_start3A_429, %dma_start3A_430] : memref<4x64x131xf32, #tpu.memory_space<vmem>> -> memref<1x8x128xf32, #tpu.memory_space<vmem>>
      %dma_start3A_432 = tpu.memref_squeeze %dma_start3A_431 : memref<1x8x128xf32, #tpu.memory_space<vmem>> -> memref<8x128xf32, #tpu.memory_space<vmem>>
      %dma_start3A_433 = arith.constant 0 : i32
      %dma_start3A_434 = arith.constant 0 : i32
      %dma_start3A_435 = tpu.memref_slice %arg4[%scan3A_362, %dma_start3A_428, %add3A, %dma_start3A_433, %dma_start3A_434] : memref<200x8x32x8x128xf32, #tpu.memory_space<hbm>> -> memref<1x1x1x8x128xf32, #tpu.memory_space<hbm>>
      %dma_start3A_436 = tpu.memref_squeeze %dma_start3A_435 : memref<1x1x1x8x128xf32, #tpu.memory_space<hbm>> -> memref<8x128xf32, #tpu.memory_space<hbm>>
      %dma_start3A_437 = arith.constant 0 : i32
      %dma_start3A_438 = arith.constant 0 : i32
      %dma_start3A_439 = tpu.memref_slice %arg4[%scan3A_362, %dma_start3A_428, %add3A, %dma_start3A_437, %dma_start3A_438] : memref<200x8x32x8x128xf32, #tpu.memory_space<hbm>> -> memref<1x1x1x8x128xf32, #tpu.memory_space<hbm>>
      %dma_start3A_440 = tpu.memref_squeeze %dma_start3A_439 : memref<1x1x1x8x128xf32, #tpu.memory_space<hbm>> -> memref<8x128xf32, #tpu.memory_space<hbm>>
      %dma_start3A_441 = arith.constant 24 : i32
      %dma_start3A_442 = arith.constant 0 : i32
      %dma_start3A_443 = tpu.memref_slice %arg7[%rem3A_363, %dma_start3A_441, %dma_start3A_442] : memref<4x64x131xf32, #tpu.memory_space<vmem>> -> memref<1x8x128xf32, #tpu.memory_space<vmem>>
      %dma_start3A_444 = tpu.memref_squeeze %dma_start3A_443 : memref<1x8x128xf32, #tpu.memory_space<vmem>> -> memref<8x128xf32, #tpu.memory_space<vmem>>
      tpu.enqueue_dma source(%dma_start3A_444 : memref<8x128xf32, #tpu.memory_space<vmem>>) target(%dma_start3A_440 : memref<8x128xf32, #tpu.memory_space<hbm>>) target_semaphore(%arg9 : memref<!tpu.dma_semaphore, #tpu.memory_space<semaphore_mem>>)
      %dma_start3A_445 = arith.constant 4 : i32
      %dma_start3A_446 = arith.constant 32 : i32
      %dma_start3A_447 = arith.constant 0 : i32
      %dma_start3A_448 = tpu.memref_slice %arg7[%rem3A_363, %dma_start3A_446, %dma_start3A_447] : memref<4x64x131xf32, #tpu.memory_space<vmem>> -> memref<1x8x128xf32, #tpu.memory_space<vmem>>
      %dma_start3A_449 = tpu.memref_squeeze %dma_start3A_448 : memref<1x8x128xf32, #tpu.memory_space<vmem>> -> memref<8x128xf32, #tpu.memory_space<vmem>>
      %dma_start3A_450 = arith.constant 0 : i32
      %dma_start3A_451 = arith.constant 0 : i32
      %dma_start3A_452 = tpu.memref_slice %arg4[%scan3A_362, %dma_start3A_445, %add3A, %dma_start3A_450, %dma_start3A_451] : memref<200x8x32x8x128xf32, #tpu.memory_space<hbm>> -> memref<1x1x1x8x128xf32, #tpu.memory_space<hbm>>
      %dma_start3A_453 = tpu.memref_squeeze %dma_start3A_452 : memref<1x1x1x8x128xf32, #tpu.memory_space<hbm>> -> memref<8x128xf32, #tpu.memory_space<hbm>>
      %dma_start3A_454 = arith.constant 0 : i32
      %dma_start3A_455 = arith.constant 0 : i32
      %dma_start3A_456 = tpu.memref_slice %arg4[%scan3A_362, %dma_start3A_445, %add3A, %dma_start3A_454, %dma_start3A_455] : memref<200x8x32x8x128xf32, #tpu.memory_space<hbm>> -> memref<1x1x1x8x128xf32, #tpu.memory_space<hbm>>
      %dma_start3A_457 = tpu.memref_squeeze %dma_start3A_456 : memref<1x1x1x8x128xf32, #tpu.memory_space<hbm>> -> memref<8x128xf32, #tpu.memory_space<hbm>>
      %dma_start3A_458 = arith.constant 32 : i32
      %dma_start3A_459 = arith.constant 0 : i32
      %dma_start3A_460 = tpu.memref_slice %arg7[%rem3A_363, %dma_start3A_458, %dma_start3A_459] : memref<4x64x131xf32, #tpu.memory_space<vmem>> -> memref<1x8x128xf32, #tpu.memory_space<vmem>>
      %dma_start3A_461 = tpu.memref_squeeze %dma_start3A_460 : memref<1x8x128xf32, #tpu.memory_space<vmem>> -> memref<8x128xf32, #tpu.memory_space<vmem>>
      tpu.enqueue_dma source(%dma_start3A_461 : memref<8x128xf32, #tpu.memory_space<vmem>>) target(%dma_start3A_457 : memref<8x128xf32, #tpu.memory_space<hbm>>) target_semaphore(%arg9 : memref<!tpu.dma_semaphore, #tpu.memory_space<semaphore_mem>>)
      %dma_start3A_462 = arith.constant 5 : i32
      %dma_start3A_463 = arith.constant 40 : i32
      %dma_start3A_464 = arith.constant 0 : i32
      %dma_start3A_465 = tpu.memref_slice %arg7[%rem3A_363, %dma_start3A_463, %dma_start3A_464] : memref<4x64x131xf32, #tpu.memory_space<vmem>> -> memref<1x8x128xf32, #tpu.memory_space<vmem>>
      %dma_start3A_466 = tpu.memref_squeeze %dma_start3A_465 : memref<1x8x128xf32, #tpu.memory_space<vmem>> -> memref<8x128xf32, #tpu.memory_space<vmem>>
      %dma_start3A_467 = arith.constant 0 : i32
      %dma_start3A_468 = arith.constant 0 : i32
      %dma_start3A_469 = tpu.memref_slice %arg4[%scan3A_362, %dma_start3A_462, %add3A, %dma_start3A_467, %dma_start3A_468] : memref<200x8x32x8x128xf32, #tpu.memory_space<hbm>> -> memref<1x1x1x8x128xf32, #tpu.memory_space<hbm>>
      %dma_start3A_470 = tpu.memref_squeeze %dma_start3A_469 : memref<1x1x1x8x128xf32, #tpu.memory_space<hbm>> -> memref<8x128xf32, #tpu.memory_space<hbm>>
      %dma_start3A_471 = arith.constant 0 : i32
      %dma_start3A_472 = arith.constant 0 : i32
      %dma_start3A_473 = tpu.memref_slice %arg4[%scan3A_362, %dma_start3A_462, %add3A, %dma_start3A_471, %dma_start3A_472] : memref<200x8x32x8x128xf32, #tpu.memory_space<hbm>> -> memref<1x1x1x8x128xf32, #tpu.memory_space<hbm>>
      %dma_start3A_474 = tpu.memref_squeeze %dma_start3A_473 : memref<1x1x1x8x128xf32, #tpu.memory_space<hbm>> -> memref<8x128xf32, #tpu.memory_space<hbm>>
      %dma_start3A_475 = arith.constant 40 : i32
      %dma_start3A_476 = arith.constant 0 : i32
      %dma_start3A_477 = tpu.memref_slice %arg7[%rem3A_363, %dma_start3A_475, %dma_start3A_476] : memref<4x64x131xf32, #tpu.memory_space<vmem>> -> memref<1x8x128xf32, #tpu.memory_space<vmem>>
      %dma_start3A_478 = tpu.memref_squeeze %dma_start3A_477 : memref<1x8x128xf32, #tpu.memory_space<vmem>> -> memref<8x128xf32, #tpu.memory_space<vmem>>
      tpu.enqueue_dma source(%dma_start3A_478 : memref<8x128xf32, #tpu.memory_space<vmem>>) target(%dma_start3A_474 : memref<8x128xf32, #tpu.memory_space<hbm>>) target_semaphore(%arg9 : memref<!tpu.dma_semaphore, #tpu.memory_space<semaphore_mem>>)
      %dma_start3A_479 = arith.constant 6 : i32
      %dma_start3A_480 = arith.constant 48 : i32
      %dma_start3A_481 = arith.constant 0 : i32
      %dma_start3A_482 = tpu.memref_slice %arg7[%rem3A_363, %dma_start3A_480, %dma_start3A_481] : memref<4x64x131xf32, #tpu.memory_space<vmem>> -> memref<1x8x128xf32, #tpu.memory_space<vmem>>
      %dma_start3A_483 = tpu.memref_squeeze %dma_start3A_482 : memref<1x8x128xf32, #tpu.memory_space<vmem>> -> memref<8x128xf32, #tpu.memory_space<vmem>>
      %dma_start3A_484 = arith.constant 0 : i32
      %dma_start3A_485 = arith.constant 0 : i32
      %dma_start3A_486 = tpu.memref_slice %arg4[%scan3A_362, %dma_start3A_479, %add3A, %dma_start3A_484, %dma_start3A_485] : memref<200x8x32x8x128xf32, #tpu.memory_space<hbm>> -> memref<1x1x1x8x128xf32, #tpu.memory_space<hbm>>
      %dma_start3A_487 = tpu.memref_squeeze %dma_start3A_486 : memref<1x1x1x8x128xf32, #tpu.memory_space<hbm>> -> memref<8x128xf32, #tpu.memory_space<hbm>>
      %dma_start3A_488 = arith.constant 0 : i32
      %dma_start3A_489 = arith.constant 0 : i32
      %dma_start3A_490 = tpu.memref_slice %arg4[%scan3A_362, %dma_start3A_479, %add3A, %dma_start3A_488, %dma_start3A_489] : memref<200x8x32x8x128xf32, #tpu.memory_space<hbm>> -> memref<1x1x1x8x128xf32, #tpu.memory_space<hbm>>
      %dma_start3A_491 = tpu.memref_squeeze %dma_start3A_490 : memref<1x1x1x8x128xf32, #tpu.memory_space<hbm>> -> memref<8x128xf32, #tpu.memory_space<hbm>>
      %dma_start3A_492 = arith.constant 48 : i32
      %dma_start3A_493 = arith.constant 0 : i32
      %dma_start3A_494 = tpu.memref_slice %arg7[%rem3A_363, %dma_start3A_492, %dma_start3A_493] : memref<4x64x131xf32, #tpu.memory_space<vmem>> -> memref<1x8x128xf32, #tpu.memory_space<vmem>>
      %dma_start3A_495 = tpu.memref_squeeze %dma_start3A_494 : memref<1x8x128xf32, #tpu.memory_space<vmem>> -> memref<8x128xf32, #tpu.memory_space<vmem>>
      tpu.enqueue_dma source(%dma_start3A_495 : memref<8x128xf32, #tpu.memory_space<vmem>>) target(%dma_start3A_491 : memref<8x128xf32, #tpu.memory_space<hbm>>) target_semaphore(%arg9 : memref<!tpu.dma_semaphore, #tpu.memory_space<semaphore_mem>>)
      %dma_start3A_496 = arith.constant 7 : i32
      %dma_start3A_497 = arith.constant 56 : i32
      %dma_start3A_498 = arith.constant 0 : i32
      %dma_start3A_499 = tpu.memref_slice %arg7[%rem3A_363, %dma_start3A_497, %dma_start3A_498] : memref<4x64x131xf32, #tpu.memory_space<vmem>> -> memref<1x8x128xf32, #tpu.memory_space<vmem>>
      %dma_start3A_500 = tpu.memref_squeeze %dma_start3A_499 : memref<1x8x128xf32, #tpu.memory_space<vmem>> -> memref<8x128xf32, #tpu.memory_space<vmem>>
      %dma_start3A_501 = arith.constant 0 : i32
      %dma_start3A_502 = arith.constant 0 : i32
      %dma_start3A_503 = tpu.memref_slice %arg4[%scan3A_362, %dma_start3A_496, %add3A, %dma_start3A_501, %dma_start3A_502] : memref<200x8x32x8x128xf32, #tpu.memory_space<hbm>> -> memref<1x1x1x8x128xf32, #tpu.memory_space<hbm>>
      %dma_start3A_504 = tpu.memref_squeeze %dma_start3A_503 : memref<1x1x1x8x128xf32, #tpu.memory_space<hbm>> -> memref<8x128xf32, #tpu.memory_space<hbm>>
      %dma_start3A_505 = arith.constant 0 : i32
      %dma_start3A_506 = arith.constant 0 : i32
      %dma_start3A_507 = tpu.memref_slice %arg4[%scan3A_362, %dma_start3A_496, %add3A, %dma_start3A_505, %dma_start3A_506] : memref<200x8x32x8x128xf32, #tpu.memory_space<hbm>> -> memref<1x1x1x8x128xf32, #tpu.memory_space<hbm>>
      %dma_start3A_508 = tpu.memref_squeeze %dma_start3A_507 : memref<1x1x1x8x128xf32, #tpu.memory_space<hbm>> -> memref<8x128xf32, #tpu.memory_space<hbm>>
      %dma_start3A_509 = arith.constant 56 : i32
      %dma_start3A_510 = arith.constant 0 : i32
      %dma_start3A_511 = tpu.memref_slice %arg7[%rem3A_363, %dma_start3A_509, %dma_start3A_510] : memref<4x64x131xf32, #tpu.memory_space<vmem>> -> memref<1x8x128xf32, #tpu.memory_space<vmem>>
      %dma_start3A_512 = tpu.memref_squeeze %dma_start3A_511 : memref<1x8x128xf32, #tpu.memory_space<vmem>> -> memref<8x128xf32, #tpu.memory_space<vmem>>
      tpu.enqueue_dma source(%dma_start3A_512 : memref<8x128xf32, #tpu.memory_space<vmem>>) target(%dma_start3A_508 : memref<8x128xf32, #tpu.memory_space<hbm>>) target_semaphore(%arg9 : memref<!tpu.dma_semaphore, #tpu.memory_space<semaphore_mem>>)
      %ge3A = arith.constant 2 : i32
      %ge3A_513 = arith.cmpi sge, %scan3A_362, %ge3A : i32
      %convert_element_type3A = arith.extui %ge3A_513 : i1 to i32
      %cond3A = arith.constant 0 : i32
      %cond3A_514 = arith.cmpi ne, %convert_element_type3A, %cond3A : i32
      scf.if %cond3A_514 {
        %dma_wait3A_521 = arith.constant 0 : i32
        %dma_wait3A_522 = arith.constant 0 : i32
        %dma_wait3A_523 = arith.constant 0 : i32
        %dma_wait3A_524 = arith.constant 0 : i32
        %dma_wait3A_525 = arith.constant 0 : i32
        %dma_wait3A_526 = arith.constant 0 : i32
        %dma_wait3A_527 = tpu.memref_slice %arg7[%dma_wait3A_521, %dma_wait3A_525, %dma_wait3A_526] : memref<4x64x131xf32, #tpu.memory_space<vmem>> -> memref<1x8x128xf32, #tpu.memory_space<vmem>>
        %dma_wait3A_528 = tpu.memref_squeeze %dma_wait3A_527 : memref<1x8x128xf32, #tpu.memory_space<vmem>> -> memref<8x128xf32, #tpu.memory_space<vmem>>
        %dma_wait3A_529 = arith.constant 0 : i32
        %dma_wait3A_530 = arith.constant 0 : i32
        %dma_wait3A_531 = tpu.memref_slice %arg4[%dma_wait3A_522, %dma_wait3A_523, %dma_wait3A_524, %dma_wait3A_529, %dma_wait3A_530] : memref<200x8x32x8x128xf32, #tpu.memory_space<hbm>> -> memref<1x1x1x8x128xf32, #tpu.memory_space<hbm>>
        %dma_wait3A_532 = tpu.memref_squeeze %dma_wait3A_531 : memref<1x1x1x8x128xf32, #tpu.memory_space<hbm>> -> memref<8x128xf32, #tpu.memory_space<hbm>>
        %dma_wait3A_533 = arith.constant 0 : i32
        %dma_wait3A_534 = arith.constant 0 : i32
        %dma_wait3A_535 = tpu.memref_slice %arg4[%dma_wait3A_522, %dma_wait3A_523, %dma_wait3A_524, %dma_wait3A_533, %dma_wait3A_534] : memref<200x8x32x8x128xf32, #tpu.memory_space<hbm>> -> memref<1x1x1x8x128xf32, #tpu.memory_space<hbm>>
        %dma_wait3A_536 = tpu.memref_squeeze %dma_wait3A_535 : memref<1x1x1x8x128xf32, #tpu.memory_space<hbm>> -> memref<8x128xf32, #tpu.memory_space<hbm>>
        %dma_wait3A_537 = arith.constant 0 : i32
        %dma_wait3A_538 = arith.constant 0 : i32
        %dma_wait3A_539 = tpu.memref_slice %arg7[%dma_wait3A_521, %dma_wait3A_537, %dma_wait3A_538] : memref<4x64x131xf32, #tpu.memory_space<vmem>> -> memref<1x8x128xf32, #tpu.memory_space<vmem>>
        %dma_wait3A_540 = tpu.memref_squeeze %dma_wait3A_539 : memref<1x8x128xf32, #tpu.memory_space<vmem>> -> memref<8x128xf32, #tpu.memory_space<vmem>>
        tpu.wait_dma2 semaphore(%arg9 : memref<!tpu.dma_semaphore, #tpu.memory_space<semaphore_mem>>) src(%dma_wait3A_540 : memref<8x128xf32, #tpu.memory_space<vmem>>) dst(%dma_wait3A_536 : memref<8x128xf32, #tpu.memory_space<hbm>>)
        %dma_wait3A_541 = arith.constant 0 : i32
        %dma_wait3A_542 = arith.constant 0 : i32
        %dma_wait3A_543 = arith.constant 0 : i32
        %dma_wait3A_544 = arith.constant 0 : i32
        %dma_wait3A_545 = arith.constant 0 : i32
        %dma_wait3A_546 = arith.constant 0 : i32
        %dma_wait3A_547 = tpu.memref_slice %arg7[%dma_wait3A_541, %dma_wait3A_545, %dma_wait3A_546] : memref<4x64x131xf32, #tpu.memory_space<vmem>> -> memref<1x8x128xf32, #tpu.memory_space<vmem>>
        %dma_wait3A_548 = tpu.memref_squeeze %dma_wait3A_547 : memref<1x8x128xf32, #tpu.memory_space<vmem>> -> memref<8x128xf32, #tpu.memory_space<vmem>>
        %dma_wait3A_549 = arith.constant 0 : i32
        %dma_wait3A_550 = arith.constant 0 : i32
        %dma_wait3A_551 = tpu.memref_slice %arg4[%dma_wait3A_542, %dma_wait3A_543, %dma_wait3A_544, %dma_wait3A_549, %dma_wait3A_550] : memref<200x8x32x8x128xf32, #tpu.memory_space<hbm>> -> memref<1x1x1x8x128xf32, #tpu.memory_space<hbm>>
        %dma_wait3A_552 = tpu.memref_squeeze %dma_wait3A_551 : memref<1x1x1x8x128xf32, #tpu.memory_space<hbm>> -> memref<8x128xf32, #tpu.memory_space<hbm>>
        %dma_wait3A_553 = arith.constant 0 : i32
        %dma_wait3A_554 = arith.constant 0 : i32
        %dma_wait3A_555 = tpu.memref_slice %arg4[%dma_wait3A_542, %dma_wait3A_543, %dma_wait3A_544, %dma_wait3A_553, %dma_wait3A_554] : memref<200x8x32x8x128xf32, #tpu.memory_space<hbm>> -> memref<1x1x1x8x128xf32, #tpu.memory_space<hbm>>
        %dma_wait3A_556 = tpu.memref_squeeze %dma_wait3A_555 : memref<1x1x1x8x128xf32, #tpu.memory_space<hbm>> -> memref<8x128xf32, #tpu.memory_space<hbm>>
        %dma_wait3A_557 = arith.constant 0 : i32
        %dma_wait3A_558 = arith.constant 0 : i32
        %dma_wait3A_559 = tpu.memref_slice %arg7[%dma_wait3A_541, %dma_wait3A_557, %dma_wait3A_558] : memref<4x64x131xf32, #tpu.memory_space<vmem>> -> memref<1x8x128xf32, #tpu.memory_space<vmem>>
        %dma_wait3A_560 = tpu.memref_squeeze %dma_wait3A_559 : memref<1x8x128xf32, #tpu.memory_space<vmem>> -> memref<8x128xf32, #tpu.memory_space<vmem>>
        tpu.wait_dma2 semaphore(%arg9 : memref<!tpu.dma_semaphore, #tpu.memory_space<semaphore_mem>>) src(%dma_wait3A_560 : memref<8x128xf32, #tpu.memory_space<vmem>>) dst(%dma_wait3A_556 : memref<8x128xf32, #tpu.memory_space<hbm>>)
        %dma_wait3A_561 = arith.constant 0 : i32
        %dma_wait3A_562 = arith.constant 0 : i32
        %dma_wait3A_563 = arith.constant 0 : i32
        %dma_wait3A_564 = arith.constant 0 : i32
        %dma_wait3A_565 = arith.constant 0 : i32
        %dma_wait3A_566 = arith.constant 0 : i32
        %dma_wait3A_567 = tpu.memref_slice %arg7[%dma_wait3A_561, %dma_wait3A_565, %dma_wait3A_566] : memref<4x64x131xf32, #tpu.memory_space<vmem>> -> memref<1x8x128xf32, #tpu.memory_space<vmem>>
        %dma_wait3A_568 = tpu.memref_squeeze %dma_wait3A_567 : memref<1x8x128xf32, #tpu.memory_space<vmem>> -> memref<8x128xf32, #tpu.memory_space<vmem>>
        %dma_wait3A_569 = arith.constant 0 : i32
        %dma_wait3A_570 = arith.constant 0 : i32
        %dma_wait3A_571 = tpu.memref_slice %arg4[%dma_wait3A_562, %dma_wait3A_563, %dma_wait3A_564, %dma_wait3A_569, %dma_wait3A_570] : memref<200x8x32x8x128xf32, #tpu.memory_space<hbm>> -> memref<1x1x1x8x128xf32, #tpu.memory_space<hbm>>
        %dma_wait3A_572 = tpu.memref_squeeze %dma_wait3A_571 : memref<1x1x1x8x128xf32, #tpu.memory_space<hbm>> -> memref<8x128xf32, #tpu.memory_space<hbm>>
        %dma_wait3A_573 = arith.constant 0 : i32
        %dma_wait3A_574 = arith.constant 0 : i32
        %dma_wait3A_575 = tpu.memref_slice %arg4[%dma_wait3A_562, %dma_wait3A_563, %dma_wait3A_564, %dma_wait3A_573, %dma_wait3A_574] : memref<200x8x32x8x128xf32, #tpu.memory_space<hbm>> -> memref<1x1x1x8x128xf32, #tpu.memory_space<hbm>>
        %dma_wait3A_576 = tpu.memref_squeeze %dma_wait3A_575 : memref<1x1x1x8x128xf32, #tpu.memory_space<hbm>> -> memref<8x128xf32, #tpu.memory_space<hbm>>
        %dma_wait3A_577 = arith.constant 0 : i32
        %dma_wait3A_578 = arith.constant 0 : i32
        %dma_wait3A_579 = tpu.memref_slice %arg7[%dma_wait3A_561, %dma_wait3A_577, %dma_wait3A_578] : memref<4x64x131xf32, #tpu.memory_space<vmem>> -> memref<1x8x128xf32, #tpu.memory_space<vmem>>
        %dma_wait3A_580 = tpu.memref_squeeze %dma_wait3A_579 : memref<1x8x128xf32, #tpu.memory_space<vmem>> -> memref<8x128xf32, #tpu.memory_space<vmem>>
        tpu.wait_dma2 semaphore(%arg9 : memref<!tpu.dma_semaphore, #tpu.memory_space<semaphore_mem>>) src(%dma_wait3A_580 : memref<8x128xf32, #tpu.memory_space<vmem>>) dst(%dma_wait3A_576 : memref<8x128xf32, #tpu.memory_space<hbm>>)
        %dma_wait3A_581 = arith.constant 0 : i32
        %dma_wait3A_582 = arith.constant 0 : i32
        %dma_wait3A_583 = arith.constant 0 : i32
        %dma_wait3A_584 = arith.constant 0 : i32
        %dma_wait3A_585 = arith.constant 0 : i32
        %dma_wait3A_586 = arith.constant 0 : i32
        %dma_wait3A_587 = tpu.memref_slice %arg7[%dma_wait3A_581, %dma_wait3A_585, %dma_wait3A_586] : memref<4x64x131xf32, #tpu.memory_space<vmem>> -> memref<1x8x128xf32, #tpu.memory_space<vmem>>
        %dma_wait3A_588 = tpu.memref_squeeze %dma_wait3A_587 : memref<1x8x128xf32, #tpu.memory_space<vmem>> -> memref<8x128xf32, #tpu.memory_space<vmem>>
        %dma_wait3A_589 = arith.constant 0 : i32
        %dma_wait3A_590 = arith.constant 0 : i32
        %dma_wait3A_591 = tpu.memref_slice %arg4[%dma_wait3A_582, %dma_wait3A_583, %dma_wait3A_584, %dma_wait3A_589, %dma_wait3A_590] : memref<200x8x32x8x128xf32, #tpu.memory_space<hbm>> -> memref<1x1x1x8x128xf32, #tpu.memory_space<hbm>>
        %dma_wait3A_592 = tpu.memref_squeeze %dma_wait3A_591 : memref<1x1x1x8x128xf32, #tpu.memory_space<hbm>> -> memref<8x128xf32, #tpu.memory_space<hbm>>
        %dma_wait3A_593 = arith.constant 0 : i32
        %dma_wait3A_594 = arith.constant 0 : i32
        %dma_wait3A_595 = tpu.memref_slice %arg4[%dma_wait3A_582, %dma_wait3A_583, %dma_wait3A_584, %dma_wait3A_593, %dma_wait3A_594] : memref<200x8x32x8x128xf32, #tpu.memory_space<hbm>> -> memref<1x1x1x8x128xf32, #tpu.memory_space<hbm>>
        %dma_wait3A_596 = tpu.memref_squeeze %dma_wait3A_595 : memref<1x1x1x8x128xf32, #tpu.memory_space<hbm>> -> memref<8x128xf32, #tpu.memory_space<hbm>>
        %dma_wait3A_597 = arith.constant 0 : i32
        %dma_wait3A_598 = arith.constant 0 : i32
        %dma_wait3A_599 = tpu.memref_slice %arg7[%dma_wait3A_581, %dma_wait3A_597, %dma_wait3A_598] : memref<4x64x131xf32, #tpu.memory_space<vmem>> -> memref<1x8x128xf32, #tpu.memory_space<vmem>>
        %dma_wait3A_600 = tpu.memref_squeeze %dma_wait3A_599 : memref<1x8x128xf32, #tpu.memory_space<vmem>> -> memref<8x128xf32, #tpu.memory_space<vmem>>
        tpu.wait_dma2 semaphore(%arg9 : memref<!tpu.dma_semaphore, #tpu.memory_space<semaphore_mem>>) src(%dma_wait3A_600 : memref<8x128xf32, #tpu.memory_space<vmem>>) dst(%dma_wait3A_596 : memref<8x128xf32, #tpu.memory_space<hbm>>)
        %dma_wait3A_601 = arith.constant 0 : i32
        %dma_wait3A_602 = arith.constant 0 : i32
        %dma_wait3A_603 = arith.constant 0 : i32
        %dma_wait3A_604 = arith.constant 0 : i32
        %dma_wait3A_605 = arith.constant 0 : i32
        %dma_wait3A_606 = arith.constant 0 : i32
        %dma_wait3A_607 = tpu.memref_slice %arg7[%dma_wait3A_601, %dma_wait3A_605, %dma_wait3A_606] : memref<4x64x131xf32, #tpu.memory_space<vmem>> -> memref<1x8x128xf32, #tpu.memory_space<vmem>>
        %dma_wait3A_608 = tpu.memref_squeeze %dma_wait3A_607 : memref<1x8x128xf32, #tpu.memory_space<vmem>> -> memref<8x128xf32, #tpu.memory_space<vmem>>
        %dma_wait3A_609 = arith.constant 0 : i32
        %dma_wait3A_610 = arith.constant 0 : i32
        %dma_wait3A_611 = tpu.memref_slice %arg4[%dma_wait3A_602, %dma_wait3A_603, %dma_wait3A_604, %dma_wait3A_609, %dma_wait3A_610] : memref<200x8x32x8x128xf32, #tpu.memory_space<hbm>> -> memref<1x1x1x8x128xf32, #tpu.memory_space<hbm>>
        %dma_wait3A_612 = tpu.memref_squeeze %dma_wait3A_611 : memref<1x1x1x8x128xf32, #tpu.memory_space<hbm>> -> memref<8x128xf32, #tpu.memory_space<hbm>>
        %dma_wait3A_613 = arith.constant 0 : i32
        %dma_wait3A_614 = arith.constant 0 : i32
        %dma_wait3A_615 = tpu.memref_slice %arg4[%dma_wait3A_602, %dma_wait3A_603, %dma_wait3A_604, %dma_wait3A_613, %dma_wait3A_614] : memref<200x8x32x8x128xf32, #tpu.memory_space<hbm>> -> memref<1x1x1x8x128xf32, #tpu.memory_space<hbm>>
        %dma_wait3A_616 = tpu.memref_squeeze %dma_wait3A_615 : memref<1x1x1x8x128xf32, #tpu.memory_space<hbm>> -> memref<8x128xf32, #tpu.memory_space<hbm>>
        %dma_wait3A_617 = arith.constant 0 : i32
        %dma_wait3A_618 = arith.constant 0 : i32
        %dma_wait3A_619 = tpu.memref_slice %arg7[%dma_wait3A_601, %dma_wait3A_617, %dma_wait3A_618] : memref<4x64x131xf32, #tpu.memory_space<vmem>> -> memref<1x8x128xf32, #tpu.memory_space<vmem>>
        %dma_wait3A_620 = tpu.memref_squeeze %dma_wait3A_619 : memref<1x8x128xf32, #tpu.memory_space<vmem>> -> memref<8x128xf32, #tpu.memory_space<vmem>>
        tpu.wait_dma2 semaphore(%arg9 : memref<!tpu.dma_semaphore, #tpu.memory_space<semaphore_mem>>) src(%dma_wait3A_620 : memref<8x128xf32, #tpu.memory_space<vmem>>) dst(%dma_wait3A_616 : memref<8x128xf32, #tpu.memory_space<hbm>>)
        %dma_wait3A_621 = arith.constant 0 : i32
        %dma_wait3A_622 = arith.constant 0 : i32
        %dma_wait3A_623 = arith.constant 0 : i32
        %dma_wait3A_624 = arith.constant 0 : i32
        %dma_wait3A_625 = arith.constant 0 : i32
        %dma_wait3A_626 = arith.constant 0 : i32
        %dma_wait3A_627 = tpu.memref_slice %arg7[%dma_wait3A_621, %dma_wait3A_625, %dma_wait3A_626] : memref<4x64x131xf32, #tpu.memory_space<vmem>> -> memref<1x8x128xf32, #tpu.memory_space<vmem>>
        %dma_wait3A_628 = tpu.memref_squeeze %dma_wait3A_627 : memref<1x8x128xf32, #tpu.memory_space<vmem>> -> memref<8x128xf32, #tpu.memory_space<vmem>>
        %dma_wait3A_629 = arith.constant 0 : i32
        %dma_wait3A_630 = arith.constant 0 : i32
        %dma_wait3A_631 = tpu.memref_slice %arg4[%dma_wait3A_622, %dma_wait3A_623, %dma_wait3A_624, %dma_wait3A_629, %dma_wait3A_630] : memref<200x8x32x8x128xf32, #tpu.memory_space<hbm>> -> memref<1x1x1x8x128xf32, #tpu.memory_space<hbm>>
        %dma_wait3A_632 = tpu.memref_squeeze %dma_wait3A_631 : memref<1x1x1x8x128xf32, #tpu.memory_space<hbm>> -> memref<8x128xf32, #tpu.memory_space<hbm>>
        %dma_wait3A_633 = arith.constant 0 : i32
        %dma_wait3A_634 = arith.constant 0 : i32
        %dma_wait3A_635 = tpu.memref_slice %arg4[%dma_wait3A_622, %dma_wait3A_623, %dma_wait3A_624, %dma_wait3A_633, %dma_wait3A_634] : memref<200x8x32x8x128xf32, #tpu.memory_space<hbm>> -> memref<1x1x1x8x128xf32, #tpu.memory_space<hbm>>
        %dma_wait3A_636 = tpu.memref_squeeze %dma_wait3A_635 : memref<1x1x1x8x128xf32, #tpu.memory_space<hbm>> -> memref<8x128xf32, #tpu.memory_space<hbm>>
        %dma_wait3A_637 = arith.constant 0 : i32
        %dma_wait3A_638 = arith.constant 0 : i32
        %dma_wait3A_639 = tpu.memref_slice %arg7[%dma_wait3A_621, %dma_wait3A_637, %dma_wait3A_638] : memref<4x64x131xf32, #tpu.memory_space<vmem>> -> memref<1x8x128xf32, #tpu.memory_space<vmem>>
        %dma_wait3A_640 = tpu.memref_squeeze %dma_wait3A_639 : memref<1x8x128xf32, #tpu.memory_space<vmem>> -> memref<8x128xf32, #tpu.memory_space<vmem>>
        tpu.wait_dma2 semaphore(%arg9 : memref<!tpu.dma_semaphore, #tpu.memory_space<semaphore_mem>>) src(%dma_wait3A_640 : memref<8x128xf32, #tpu.memory_space<vmem>>) dst(%dma_wait3A_636 : memref<8x128xf32, #tpu.memory_space<hbm>>)
        %dma_wait3A_641 = arith.constant 0 : i32
        %dma_wait3A_642 = arith.constant 0 : i32
        %dma_wait3A_643 = arith.constant 0 : i32
        %dma_wait3A_644 = arith.constant 0 : i32
        %dma_wait3A_645 = arith.constant 0 : i32
        %dma_wait3A_646 = arith.constant 0 : i32
        %dma_wait3A_647 = tpu.memref_slice %arg7[%dma_wait3A_641, %dma_wait3A_645, %dma_wait3A_646] : memref<4x64x131xf32, #tpu.memory_space<vmem>> -> memref<1x8x128xf32, #tpu.memory_space<vmem>>
        %dma_wait3A_648 = tpu.memref_squeeze %dma_wait3A_647 : memref<1x8x128xf32, #tpu.memory_space<vmem>> -> memref<8x128xf32, #tpu.memory_space<vmem>>
        %dma_wait3A_649 = arith.constant 0 : i32
        %dma_wait3A_650 = arith.constant 0 : i32
        %dma_wait3A_651 = tpu.memref_slice %arg4[%dma_wait3A_642, %dma_wait3A_643, %dma_wait3A_644, %dma_wait3A_649, %dma_wait3A_650] : memref<200x8x32x8x128xf32, #tpu.memory_space<hbm>> -> memref<1x1x1x8x128xf32, #tpu.memory_space<hbm>>
        %dma_wait3A_652 = tpu.memref_squeeze %dma_wait3A_651 : memref<1x1x1x8x128xf32, #tpu.memory_space<hbm>> -> memref<8x128xf32, #tpu.memory_space<hbm>>
        %dma_wait3A_653 = arith.constant 0 : i32
        %dma_wait3A_654 = arith.constant 0 : i32
        %dma_wait3A_655 = tpu.memref_slice %arg4[%dma_wait3A_642, %dma_wait3A_643, %dma_wait3A_644, %dma_wait3A_653, %dma_wait3A_654] : memref<200x8x32x8x128xf32, #tpu.memory_space<hbm>> -> memref<1x1x1x8x128xf32, #tpu.memory_space<hbm>>
        %dma_wait3A_656 = tpu.memref_squeeze %dma_wait3A_655 : memref<1x1x1x8x128xf32, #tpu.memory_space<hbm>> -> memref<8x128xf32, #tpu.memory_space<hbm>>
        %dma_wait3A_657 = arith.constant 0 : i32
        %dma_wait3A_658 = arith.constant 0 : i32
        %dma_wait3A_659 = tpu.memref_slice %arg7[%dma_wait3A_641, %dma_wait3A_657, %dma_wait3A_658] : memref<4x64x131xf32, #tpu.memory_space<vmem>> -> memref<1x8x128xf32, #tpu.memory_space<vmem>>
        %dma_wait3A_660 = tpu.memref_squeeze %dma_wait3A_659 : memref<1x8x128xf32, #tpu.memory_space<vmem>> -> memref<8x128xf32, #tpu.memory_space<vmem>>
        tpu.wait_dma2 semaphore(%arg9 : memref<!tpu.dma_semaphore, #tpu.memory_space<semaphore_mem>>) src(%dma_wait3A_660 : memref<8x128xf32, #tpu.memory_space<vmem>>) dst(%dma_wait3A_656 : memref<8x128xf32, #tpu.memory_space<hbm>>)
        %dma_wait3A_661 = arith.constant 0 : i32
        %dma_wait3A_662 = arith.constant 0 : i32
        %dma_wait3A_663 = arith.constant 0 : i32
        %dma_wait3A_664 = arith.constant 0 : i32
        %dma_wait3A_665 = arith.constant 0 : i32
        %dma_wait3A_666 = arith.constant 0 : i32
        %dma_wait3A_667 = tpu.memref_slice %arg7[%dma_wait3A_661, %dma_wait3A_665, %dma_wait3A_666] : memref<4x64x131xf32, #tpu.memory_space<vmem>> -> memref<1x8x128xf32, #tpu.memory_space<vmem>>
        %dma_wait3A_668 = tpu.memref_squeeze %dma_wait3A_667 : memref<1x8x128xf32, #tpu.memory_space<vmem>> -> memref<8x128xf32, #tpu.memory_space<vmem>>
        %dma_wait3A_669 = arith.constant 0 : i32
        %dma_wait3A_670 = arith.constant 0 : i32
        %dma_wait3A_671 = tpu.memref_slice %arg4[%dma_wait3A_662, %dma_wait3A_663, %dma_wait3A_664, %dma_wait3A_669, %dma_wait3A_670] : memref<200x8x32x8x128xf32, #tpu.memory_space<hbm>> -> memref<1x1x1x8x128xf32, #tpu.memory_space<hbm>>
        %dma_wait3A_672 = tpu.memref_squeeze %dma_wait3A_671 : memref<1x1x1x8x128xf32, #tpu.memory_space<hbm>> -> memref<8x128xf32, #tpu.memory_space<hbm>>
        %dma_wait3A_673 = arith.constant 0 : i32
        %dma_wait3A_674 = arith.constant 0 : i32
        %dma_wait3A_675 = tpu.memref_slice %arg4[%dma_wait3A_662, %dma_wait3A_663, %dma_wait3A_664, %dma_wait3A_673, %dma_wait3A_674] : memref<200x8x32x8x128xf32, #tpu.memory_space<hbm>> -> memref<1x1x1x8x128xf32, #tpu.memory_space<hbm>>
        %dma_wait3A_676 = tpu.memref_squeeze %dma_wait3A_675 : memref<1x1x1x8x128xf32, #tpu.memory_space<hbm>> -> memref<8x128xf32, #tpu.memory_space<hbm>>
        %dma_wait3A_677 = arith.constant 0 : i32
        %dma_wait3A_678 = arith.constant 0 : i32
        %dma_wait3A_679 = tpu.memref_slice %arg7[%dma_wait3A_661, %dma_wait3A_677, %dma_wait3A_678] : memref<4x64x131xf32, #tpu.memory_space<vmem>> -> memref<1x8x128xf32, #tpu.memory_space<vmem>>
        %dma_wait3A_680 = tpu.memref_squeeze %dma_wait3A_679 : memref<1x8x128xf32, #tpu.memory_space<vmem>> -> memref<8x128xf32, #tpu.memory_space<vmem>>
        tpu.wait_dma2 semaphore(%arg9 : memref<!tpu.dma_semaphore, #tpu.memory_space<semaphore_mem>>) src(%dma_wait3A_680 : memref<8x128xf32, #tpu.memory_space<vmem>>) dst(%dma_wait3A_676 : memref<8x128xf32, #tpu.memory_space<hbm>>)
      } else {
      }
      %add3A_515 = arith.constant 2 : i32
      %add3A_516 = arith.addi %scan3A_362, %add3A_515 : i32
      %lt3A = arith.constant 200 : i32
      %lt3A_517 = arith.cmpi slt, %add3A_516, %lt3A : i32
      %convert_element_type3A_518 = arith.extui %lt3A_517 : i1 to i32
      %cond3A_519 = arith.constant 0 : i32
      %cond3A_520 = arith.cmpi ne, %convert_element_type3A_518, %cond3A_519 : i32
      scf.if %cond3A_520 {
        %add3A_521 = arith.constant 2 : i32
        %add3A_522 = arith.addi %scan3A_362, %add3A_521 : i32
        %add3A_523 = arith.constant 2 : i32
        %add3A_524 = arith.addi %scan3A_362, %add3A_523 : i32
        %rem3A_525 = arith.constant 4 : i32
        %rem3A_526 = arith.remsi %add3A_524, %rem3A_525 : i32
        %dma_start3A_527 = arith.constant 0 : i32
        %dma_start3A_528 = arith.constant 0 : i32
        %dma_start3A_529 = tpu.memref_slice %arg6[%rem3A_526, %dma_start3A_527, %dma_start3A_528] : memref<4x128x64xf32, #tpu.memory_space<vmem>> -> memref<1x128x64xf32, #tpu.memory_space<vmem>>
        %dma_start3A_530 = tpu.memref_squeeze %dma_start3A_529 : memref<1x128x64xf32, #tpu.memory_space<vmem>> -> memref<128x64xf32, #tpu.memory_space<vmem>>
        %dma_start3A_531 = arith.constant 0 : i32
        %dma_start3A_532 = tpu.memref_slice %arg5[%add3A_522, %dma_start3A_531] : memref<200x128xi32, #tpu.memory_space<vmem>> -> memref<1x128xi32, #tpu.memory_space<vmem>>
        %dma_start3A_533 = tpu.memref_squeeze %dma_start3A_532 : memref<1x128xi32, #tpu.memory_space<vmem>> -> memref<128xi32, #tpu.memory_space<vmem>>
        %dma_start3A_534 = arith.constant 0 : i32
        %dma_start3A_535 = arith.constant 0 : i32
        %dma_start3A_536 = tpu.memref_slice %arg3[%dma_start3A_534, %dma_start3A_535] : memref<1000000x64xf32, #tpu.memory_space<hbm>> -> memref<1000000x64xf32, #tpu.memory_space<hbm>>
        tpu.enqueue_indirect_dma source(%dma_start3A_536 : memref<1000000x64xf32, #tpu.memory_space<hbm>>) target(%dma_start3A_530 : memref<128x64xf32, #tpu.memory_space<vmem>>) offsets(%dma_start3A_533 : memref<128xi32, #tpu.memory_space<vmem>>) semaphore(%arg8 : memref<!tpu.dma_semaphore, #tpu.memory_space<semaphore_mem>>)
      } else {
      }
    }
    %scan3A_42 = arith.constant 200 : i32
    %dma_wait3A = arith.constant 0 : i32
    %dma_wait3A_43 = arith.constant 0 : i32
    %dma_wait3A_44 = arith.constant 0 : i32
    %dma_wait3A_45 = arith.constant 0 : i32
    %dma_wait3A_46 = arith.constant 0 : i32
    %dma_wait3A_47 = arith.constant 0 : i32
    %dma_wait3A_48 = tpu.memref_slice %arg7[%dma_wait3A, %dma_wait3A_46, %dma_wait3A_47] : memref<4x64x131xf32, #tpu.memory_space<vmem>> -> memref<1x8x128xf32, #tpu.memory_space<vmem>>
    %dma_wait3A_49 = tpu.memref_squeeze %dma_wait3A_48 : memref<1x8x128xf32, #tpu.memory_space<vmem>> -> memref<8x128xf32, #tpu.memory_space<vmem>>
    %dma_wait3A_50 = arith.constant 0 : i32
    %dma_wait3A_51 = arith.constant 0 : i32
    %dma_wait3A_52 = tpu.memref_slice %arg4[%dma_wait3A_43, %dma_wait3A_44, %dma_wait3A_45, %dma_wait3A_50, %dma_wait3A_51] : memref<200x8x32x8x128xf32, #tpu.memory_space<hbm>> -> memref<1x1x1x8x128xf32, #tpu.memory_space<hbm>>
    %dma_wait3A_53 = tpu.memref_squeeze %dma_wait3A_52 : memref<1x1x1x8x128xf32, #tpu.memory_space<hbm>> -> memref<8x128xf32, #tpu.memory_space<hbm>>
    %dma_wait3A_54 = arith.constant 0 : i32
    %dma_wait3A_55 = arith.constant 0 : i32
    %dma_wait3A_56 = tpu.memref_slice %arg4[%dma_wait3A_43, %dma_wait3A_44, %dma_wait3A_45, %dma_wait3A_54, %dma_wait3A_55] : memref<200x8x32x8x128xf32, #tpu.memory_space<hbm>> -> memref<1x1x1x8x128xf32, #tpu.memory_space<hbm>>
    %dma_wait3A_57 = tpu.memref_squeeze %dma_wait3A_56 : memref<1x1x1x8x128xf32, #tpu.memory_space<hbm>> -> memref<8x128xf32, #tpu.memory_space<hbm>>
    %dma_wait3A_58 = arith.constant 0 : i32
    %dma_wait3A_59 = arith.constant 0 : i32
    %dma_wait3A_60 = tpu.memref_slice %arg7[%dma_wait3A, %dma_wait3A_58, %dma_wait3A_59] : memref<4x64x131xf32, #tpu.memory_space<vmem>> -> memref<1x8x128xf32, #tpu.memory_space<vmem>>
    %dma_wait3A_61 = tpu.memref_squeeze %dma_wait3A_60 : memref<1x8x128xf32, #tpu.memory_space<vmem>> -> memref<8x128xf32, #tpu.memory_space<vmem>>
    tpu.wait_dma2 semaphore(%arg9 : memref<!tpu.dma_semaphore, #tpu.memory_space<semaphore_mem>>) src(%dma_wait3A_61 : memref<8x128xf32, #tpu.memory_space<vmem>>) dst(%dma_wait3A_57 : memref<8x128xf32, #tpu.memory_space<hbm>>)
    %dma_wait3A_62 = arith.constant 0 : i32
    %dma_wait3A_63 = arith.constant 0 : i32
    %dma_wait3A_64 = arith.constant 0 : i32
    %dma_wait3A_65 = arith.constant 0 : i32
    %dma_wait3A_66 = arith.constant 0 : i32
    %dma_wait3A_67 = arith.constant 0 : i32
    %dma_wait3A_68 = tpu.memref_slice %arg7[%dma_wait3A_62, %dma_wait3A_66, %dma_wait3A_67] : memref<4x64x131xf32, #tpu.memory_space<vmem>> -> memref<1x8x128xf32, #tpu.memory_space<vmem>>
    %dma_wait3A_69 = tpu.memref_squeeze %dma_wait3A_68 : memref<1x8x128xf32, #tpu.memory_space<vmem>> -> memref<8x128xf32, #tpu.memory_space<vmem>>
    %dma_wait3A_70 = arith.constant 0 : i32
    %dma_wait3A_71 = arith.constant 0 : i32
    %dma_wait3A_72 = tpu.memref_slice %arg4[%dma_wait3A_63, %dma_wait3A_64, %dma_wait3A_65, %dma_wait3A_70, %dma_wait3A_71] : memref<200x8x32x8x128xf32, #tpu.memory_space<hbm>> -> memref<1x1x1x8x128xf32, #tpu.memory_space<hbm>>
    %dma_wait3A_73 = tpu.memref_squeeze %dma_wait3A_72 : memref<1x1x1x8x128xf32, #tpu.memory_space<hbm>> -> memref<8x128xf32, #tpu.memory_space<hbm>>
    %dma_wait3A_74 = arith.constant 0 : i32
    %dma_wait3A_75 = arith.constant 0 : i32
    %dma_wait3A_76 = tpu.memref_slice %arg4[%dma_wait3A_63, %dma_wait3A_64, %dma_wait3A_65, %dma_wait3A_74, %dma_wait3A_75] : memref<200x8x32x8x128xf32, #tpu.memory_space<hbm>> -> memref<1x1x1x8x128xf32, #tpu.memory_space<hbm>>
    %dma_wait3A_77 = tpu.memref_squeeze %dma_wait3A_76 : memref<1x1x1x8x128xf32, #tpu.memory_space<hbm>> -> memref<8x128xf32, #tpu.memory_space<hbm>>
    %dma_wait3A_78 = arith.constant 0 : i32
    %dma_wait3A_79 = arith.constant 0 : i32
    %dma_wait3A_80 = tpu.memref_slice %arg7[%dma_wait3A_62, %dma_wait3A_78, %dma_wait3A_79] : memref<4x64x131xf32, #tpu.memory_space<vmem>> -> memref<1x8x128xf32, #tpu.memory_space<vmem>>
    %dma_wait3A_81 = tpu.memref_squeeze %dma_wait3A_80 : memref<1x8x128xf32, #tpu.memory_space<vmem>> -> memref<8x128xf32, #tpu.memory_space<vmem>>
    tpu.wait_dma2 semaphore(%arg9 : memref<!tpu.dma_semaphore, #tpu.memory_space<semaphore_mem>>) src(%dma_wait3A_81 : memref<8x128xf32, #tpu.memory_space<vmem>>) dst(%dma_wait3A_77 : memref<8x128xf32, #tpu.memory_space<hbm>>)
    %dma_wait3A_82 = arith.constant 0 : i32
    %dma_wait3A_83 = arith.constant 0 : i32
    %dma_wait3A_84 = arith.constant 0 : i32
    %dma_wait3A_85 = arith.constant 0 : i32
    %dma_wait3A_86 = arith.constant 0 : i32
    %dma_wait3A_87 = arith.constant 0 : i32
    %dma_wait3A_88 = tpu.memref_slice %arg7[%dma_wait3A_82, %dma_wait3A_86, %dma_wait3A_87] : memref<4x64x131xf32, #tpu.memory_space<vmem>> -> memref<1x8x128xf32, #tpu.memory_space<vmem>>
    %dma_wait3A_89 = tpu.memref_squeeze %dma_wait3A_88 : memref<1x8x128xf32, #tpu.memory_space<vmem>> -> memref<8x128xf32, #tpu.memory_space<vmem>>
    %dma_wait3A_90 = arith.constant 0 : i32
    %dma_wait3A_91 = arith.constant 0 : i32
    %dma_wait3A_92 = tpu.memref_slice %arg4[%dma_wait3A_83, %dma_wait3A_84, %dma_wait3A_85, %dma_wait3A_90, %dma_wait3A_91] : memref<200x8x32x8x128xf32, #tpu.memory_space<hbm>> -> memref<1x1x1x8x128xf32, #tpu.memory_space<hbm>>
    %dma_wait3A_93 = tpu.memref_squeeze %dma_wait3A_92 : memref<1x1x1x8x128xf32, #tpu.memory_space<hbm>> -> memref<8x128xf32, #tpu.memory_space<hbm>>
    %dma_wait3A_94 = arith.constant 0 : i32
    %dma_wait3A_95 = arith.constant 0 : i32
    %dma_wait3A_96 = tpu.memref_slice %arg4[%dma_wait3A_83, %dma_wait3A_84, %dma_wait3A_85, %dma_wait3A_94, %dma_wait3A_95] : memref<200x8x32x8x128xf32, #tpu.memory_space<hbm>> -> memref<1x1x1x8x128xf32, #tpu.memory_space<hbm>>
    %dma_wait3A_97 = tpu.memref_squeeze %dma_wait3A_96 : memref<1x1x1x8x128xf32, #tpu.memory_space<hbm>> -> memref<8x128xf32, #tpu.memory_space<hbm>>
    %dma_wait3A_98 = arith.constant 0 : i32
    %dma_wait3A_99 = arith.constant 0 : i32
    %dma_wait3A_100 = tpu.memref_slice %arg7[%dma_wait3A_82, %dma_wait3A_98, %dma_wait3A_99] : memref<4x64x131xf32, #tpu.memory_space<vmem>> -> memref<1x8x128xf32, #tpu.memory_space<vmem>>
    %dma_wait3A_101 = tpu.memref_squeeze %dma_wait3A_100 : memref<1x8x128xf32, #tpu.memory_space<vmem>> -> memref<8x128xf32, #tpu.memory_space<vmem>>
    tpu.wait_dma2 semaphore(%arg9 : memref<!tpu.dma_semaphore, #tpu.memory_space<semaphore_mem>>) src(%dma_wait3A_101 : memref<8x128xf32, #tpu.memory_space<vmem>>) dst(%dma_wait3A_97 : memref<8x128xf32, #tpu.memory_space<hbm>>)
    %dma_wait3A_102 = arith.constant 0 : i32
    %dma_wait3A_103 = arith.constant 0 : i32
    %dma_wait3A_104 = arith.constant 0 : i32
    %dma_wait3A_105 = arith.constant 0 : i32
    %dma_wait3A_106 = arith.constant 0 : i32
    %dma_wait3A_107 = arith.constant 0 : i32
    %dma_wait3A_108 = tpu.memref_slice %arg7[%dma_wait3A_102, %dma_wait3A_106, %dma_wait3A_107] : memref<4x64x131xf32, #tpu.memory_space<vmem>> -> memref<1x8x128xf32, #tpu.memory_space<vmem>>
    %dma_wait3A_109 = tpu.memref_squeeze %dma_wait3A_108 : memref<1x8x128xf32, #tpu.memory_space<vmem>> -> memref<8x128xf32, #tpu.memory_space<vmem>>
    %dma_wait3A_110 = arith.constant 0 : i32
    %dma_wait3A_111 = arith.constant 0 : i32
    %dma_wait3A_112 = tpu.memref_slice %arg4[%dma_wait3A_103, %dma_wait3A_104, %dma_wait3A_105, %dma_wait3A_110, %dma_wait3A_111] : memref<200x8x32x8x128xf32, #tpu.memory_space<hbm>> -> memref<1x1x1x8x128xf32, #tpu.memory_space<hbm>>
    %dma_wait3A_113 = tpu.memref_squeeze %dma_wait3A_112 : memref<1x1x1x8x128xf32, #tpu.memory_space<hbm>> -> memref<8x128xf32, #tpu.memory_space<hbm>>
    %dma_wait3A_114 = arith.constant 0 : i32
    %dma_wait3A_115 = arith.constant 0 : i32
    %dma_wait3A_116 = tpu.memref_slice %arg4[%dma_wait3A_103, %dma_wait3A_104, %dma_wait3A_105, %dma_wait3A_114, %dma_wait3A_115] : memref<200x8x32x8x128xf32, #tpu.memory_space<hbm>> -> memref<1x1x1x8x128xf32, #tpu.memory_space<hbm>>
    %dma_wait3A_117 = tpu.memref_squeeze %dma_wait3A_116 : memref<1x1x1x8x128xf32, #tpu.memory_space<hbm>> -> memref<8x128xf32, #tpu.memory_space<hbm>>
    %dma_wait3A_118 = arith.constant 0 : i32
    %dma_wait3A_119 = arith.constant 0 : i32
    %dma_wait3A_120 = tpu.memref_slice %arg7[%dma_wait3A_102, %dma_wait3A_118, %dma_wait3A_119] : memref<4x64x131xf32, #tpu.memory_space<vmem>> -> memref<1x8x128xf32, #tpu.memory_space<vmem>>
    %dma_wait3A_121 = tpu.memref_squeeze %dma_wait3A_120 : memref<1x8x128xf32, #tpu.memory_space<vmem>> -> memref<8x128xf32, #tpu.memory_space<vmem>>
    tpu.wait_dma2 semaphore(%arg9 : memref<!tpu.dma_semaphore, #tpu.memory_space<semaphore_mem>>) src(%dma_wait3A_121 : memref<8x128xf32, #tpu.memory_space<vmem>>) dst(%dma_wait3A_117 : memref<8x128xf32, #tpu.memory_space<hbm>>)
    %dma_wait3A_122 = arith.constant 0 : i32
    %dma_wait3A_123 = arith.constant 0 : i32
    %dma_wait3A_124 = arith.constant 0 : i32
    %dma_wait3A_125 = arith.constant 0 : i32
    %dma_wait3A_126 = arith.constant 0 : i32
    %dma_wait3A_127 = arith.constant 0 : i32
    %dma_wait3A_128 = tpu.memref_slice %arg7[%dma_wait3A_122, %dma_wait3A_126, %dma_wait3A_127] : memref<4x64x131xf32, #tpu.memory_space<vmem>> -> memref<1x8x128xf32, #tpu.memory_space<vmem>>
    %dma_wait3A_129 = tpu.memref_squeeze %dma_wait3A_128 : memref<1x8x128xf32, #tpu.memory_space<vmem>> -> memref<8x128xf32, #tpu.memory_space<vmem>>
    %dma_wait3A_130 = arith.constant 0 : i32
    %dma_wait3A_131 = arith.constant 0 : i32
    %dma_wait3A_132 = tpu.memref_slice %arg4[%dma_wait3A_123, %dma_wait3A_124, %dma_wait3A_125, %dma_wait3A_130, %dma_wait3A_131] : memref<200x8x32x8x128xf32, #tpu.memory_space<hbm>> -> memref<1x1x1x8x128xf32, #tpu.memory_space<hbm>>
    %dma_wait3A_133 = tpu.memref_squeeze %dma_wait3A_132 : memref<1x1x1x8x128xf32, #tpu.memory_space<hbm>> -> memref<8x128xf32, #tpu.memory_space<hbm>>
    %dma_wait3A_134 = arith.constant 0 : i32
    %dma_wait3A_135 = arith.constant 0 : i32
    %dma_wait3A_136 = tpu.memref_slice %arg4[%dma_wait3A_123, %dma_wait3A_124, %dma_wait3A_125, %dma_wait3A_134, %dma_wait3A_135] : memref<200x8x32x8x128xf32, #tpu.memory_space<hbm>> -> memref<1x1x1x8x128xf32, #tpu.memory_space<hbm>>
    %dma_wait3A_137 = tpu.memref_squeeze %dma_wait3A_136 : memref<1x1x1x8x128xf32, #tpu.memory_space<hbm>> -> memref<8x128xf32, #tpu.memory_space<hbm>>
    %dma_wait3A_138 = arith.constant 0 : i32
    %dma_wait3A_139 = arith.constant 0 : i32
    %dma_wait3A_140 = tpu.memref_slice %arg7[%dma_wait3A_122, %dma_wait3A_138, %dma_wait3A_139] : memref<4x64x131xf32, #tpu.memory_space<vmem>> -> memref<1x8x128xf32, #tpu.memory_space<vmem>>
    %dma_wait3A_141 = tpu.memref_squeeze %dma_wait3A_140 : memref<1x8x128xf32, #tpu.memory_space<vmem>> -> memref<8x128xf32, #tpu.memory_space<vmem>>
    tpu.wait_dma2 semaphore(%arg9 : memref<!tpu.dma_semaphore, #tpu.memory_space<semaphore_mem>>) src(%dma_wait3A_141 : memref<8x128xf32, #tpu.memory_space<vmem>>) dst(%dma_wait3A_137 : memref<8x128xf32, #tpu.memory_space<hbm>>)
    %dma_wait3A_142 = arith.constant 0 : i32
    %dma_wait3A_143 = arith.constant 0 : i32
    %dma_wait3A_144 = arith.constant 0 : i32
    %dma_wait3A_145 = arith.constant 0 : i32
    %dma_wait3A_146 = arith.constant 0 : i32
    %dma_wait3A_147 = arith.constant 0 : i32
    %dma_wait3A_148 = tpu.memref_slice %arg7[%dma_wait3A_142, %dma_wait3A_146, %dma_wait3A_147] : memref<4x64x131xf32, #tpu.memory_space<vmem>> -> memref<1x8x128xf32, #tpu.memory_space<vmem>>
    %dma_wait3A_149 = tpu.memref_squeeze %dma_wait3A_148 : memref<1x8x128xf32, #tpu.memory_space<vmem>> -> memref<8x128xf32, #tpu.memory_space<vmem>>
    %dma_wait3A_150 = arith.constant 0 : i32
    %dma_wait3A_151 = arith.constant 0 : i32
    %dma_wait3A_152 = tpu.memref_slice %arg4[%dma_wait3A_143, %dma_wait3A_144, %dma_wait3A_145, %dma_wait3A_150, %dma_wait3A_151] : memref<200x8x32x8x128xf32, #tpu.memory_space<hbm>> -> memref<1x1x1x8x128xf32, #tpu.memory_space<hbm>>
    %dma_wait3A_153 = tpu.memref_squeeze %dma_wait3A_152 : memref<1x1x1x8x128xf32, #tpu.memory_space<hbm>> -> memref<8x128xf32, #tpu.memory_space<hbm>>
    %dma_wait3A_154 = arith.constant 0 : i32
    %dma_wait3A_155 = arith.constant 0 : i32
    %dma_wait3A_156 = tpu.memref_slice %arg4[%dma_wait3A_143, %dma_wait3A_144, %dma_wait3A_145, %dma_wait3A_154, %dma_wait3A_155] : memref<200x8x32x8x128xf32, #tpu.memory_space<hbm>> -> memref<1x1x1x8x128xf32, #tpu.memory_space<hbm>>
    %dma_wait3A_157 = tpu.memref_squeeze %dma_wait3A_156 : memref<1x1x1x8x128xf32, #tpu.memory_space<hbm>> -> memref<8x128xf32, #tpu.memory_space<hbm>>
    %dma_wait3A_158 = arith.constant 0 : i32
    %dma_wait3A_159 = arith.constant 0 : i32
    %dma_wait3A_160 = tpu.memref_slice %arg7[%dma_wait3A_142, %dma_wait3A_158, %dma_wait3A_159] : memref<4x64x131xf32, #tpu.memory_space<vmem>> -> memref<1x8x128xf32, #tpu.memory_space<vmem>>
    %dma_wait3A_161 = tpu.memref_squeeze %dma_wait3A_160 : memref<1x8x128xf32, #tpu.memory_space<vmem>> -> memref<8x128xf32, #tpu.memory_space<vmem>>
    tpu.wait_dma2 semaphore(%arg9 : memref<!tpu.dma_semaphore, #tpu.memory_space<semaphore_mem>>) src(%dma_wait3A_161 : memref<8x128xf32, #tpu.memory_space<vmem>>) dst(%dma_wait3A_157 : memref<8x128xf32, #tpu.memory_space<hbm>>)
    %dma_wait3A_162 = arith.constant 0 : i32
    %dma_wait3A_163 = arith.constant 0 : i32
    %dma_wait3A_164 = arith.constant 0 : i32
    %dma_wait3A_165 = arith.constant 0 : i32
    %dma_wait3A_166 = arith.constant 0 : i32
    %dma_wait3A_167 = arith.constant 0 : i32
    %dma_wait3A_168 = tpu.memref_slice %arg7[%dma_wait3A_162, %dma_wait3A_166, %dma_wait3A_167] : memref<4x64x131xf32, #tpu.memory_space<vmem>> -> memref<1x8x128xf32, #tpu.memory_space<vmem>>
    %dma_wait3A_169 = tpu.memref_squeeze %dma_wait3A_168 : memref<1x8x128xf32, #tpu.memory_space<vmem>> -> memref<8x128xf32, #tpu.memory_space<vmem>>
    %dma_wait3A_170 = arith.constant 0 : i32
    %dma_wait3A_171 = arith.constant 0 : i32
    %dma_wait3A_172 = tpu.memref_slice %arg4[%dma_wait3A_163, %dma_wait3A_164, %dma_wait3A_165, %dma_wait3A_170, %dma_wait3A_171] : memref<200x8x32x8x128xf32, #tpu.memory_space<hbm>> -> memref<1x1x1x8x128xf32, #tpu.memory_space<hbm>>
    %dma_wait3A_173 = tpu.memref_squeeze %dma_wait3A_172 : memref<1x1x1x8x128xf32, #tpu.memory_space<hbm>> -> memref<8x128xf32, #tpu.memory_space<hbm>>
    %dma_wait3A_174 = arith.constant 0 : i32
    %dma_wait3A_175 = arith.constant 0 : i32
    %dma_wait3A_176 = tpu.memref_slice %arg4[%dma_wait3A_163, %dma_wait3A_164, %dma_wait3A_165, %dma_wait3A_174, %dma_wait3A_175] : memref<200x8x32x8x128xf32, #tpu.memory_space<hbm>> -> memref<1x1x1x8x128xf32, #tpu.memory_space<hbm>>
    %dma_wait3A_177 = tpu.memref_squeeze %dma_wait3A_176 : memref<1x1x1x8x128xf32, #tpu.memory_space<hbm>> -> memref<8x128xf32, #tpu.memory_space<hbm>>
    %dma_wait3A_178 = arith.constant 0 : i32
    %dma_wait3A_179 = arith.constant 0 : i32
    %dma_wait3A_180 = tpu.memref_slice %arg7[%dma_wait3A_162, %dma_wait3A_178, %dma_wait3A_179] : memref<4x64x131xf32, #tpu.memory_space<vmem>> -> memref<1x8x128xf32, #tpu.memory_space<vmem>>
    %dma_wait3A_181 = tpu.memref_squeeze %dma_wait3A_180 : memref<1x8x128xf32, #tpu.memory_space<vmem>> -> memref<8x128xf32, #tpu.memory_space<vmem>>
    tpu.wait_dma2 semaphore(%arg9 : memref<!tpu.dma_semaphore, #tpu.memory_space<semaphore_mem>>) src(%dma_wait3A_181 : memref<8x128xf32, #tpu.memory_space<vmem>>) dst(%dma_wait3A_177 : memref<8x128xf32, #tpu.memory_space<hbm>>)
    %dma_wait3A_182 = arith.constant 0 : i32
    %dma_wait3A_183 = arith.constant 0 : i32
    %dma_wait3A_184 = arith.constant 0 : i32
    %dma_wait3A_185 = arith.constant 0 : i32
    %dma_wait3A_186 = arith.constant 0 : i32
    %dma_wait3A_187 = arith.constant 0 : i32
    %dma_wait3A_188 = tpu.memref_slice %arg7[%dma_wait3A_182, %dma_wait3A_186, %dma_wait3A_187] : memref<4x64x131xf32, #tpu.memory_space<vmem>> -> memref<1x8x128xf32, #tpu.memory_space<vmem>>
    %dma_wait3A_189 = tpu.memref_squeeze %dma_wait3A_188 : memref<1x8x128xf32, #tpu.memory_space<vmem>> -> memref<8x128xf32, #tpu.memory_space<vmem>>
    %dma_wait3A_190 = arith.constant 0 : i32
    %dma_wait3A_191 = arith.constant 0 : i32
    %dma_wait3A_192 = tpu.memref_slice %arg4[%dma_wait3A_183, %dma_wait3A_184, %dma_wait3A_185, %dma_wait3A_190, %dma_wait3A_191] : memref<200x8x32x8x128xf32, #tpu.memory_space<hbm>> -> memref<1x1x1x8x128xf32, #tpu.memory_space<hbm>>
    %dma_wait3A_193 = tpu.memref_squeeze %dma_wait3A_192 : memref<1x1x1x8x128xf32, #tpu.memory_space<hbm>> -> memref<8x128xf32, #tpu.memory_space<hbm>>
    %dma_wait3A_194 = arith.constant 0 : i32
    %dma_wait3A_195 = arith.constant 0 : i32
    %dma_wait3A_196 = tpu.memref_slice %arg4[%dma_wait3A_183, %dma_wait3A_184, %dma_wait3A_185, %dma_wait3A_194, %dma_wait3A_195] : memref<200x8x32x8x128xf32, #tpu.memory_space<hbm>> -> memref<1x1x1x8x128xf32, #tpu.memory_space<hbm>>
    %dma_wait3A_197 = tpu.memref_squeeze %dma_wait3A_196 : memref<1x1x1x8x128xf32, #tpu.memory_space<hbm>> -> memref<8x128xf32, #tpu.memory_space<hbm>>
    %dma_wait3A_198 = arith.constant 0 : i32
    %dma_wait3A_199 = arith.constant 0 : i32
    %dma_wait3A_200 = tpu.memref_slice %arg7[%dma_wait3A_182, %dma_wait3A_198, %dma_wait3A_199] : memref<4x64x131xf32, #tpu.memory_space<vmem>> -> memref<1x8x128xf32, #tpu.memory_space<vmem>>
    %dma_wait3A_201 = tpu.memref_squeeze %dma_wait3A_200 : memref<1x8x128xf32, #tpu.memory_space<vmem>> -> memref<8x128xf32, #tpu.memory_space<vmem>>
    tpu.wait_dma2 semaphore(%arg9 : memref<!tpu.dma_semaphore, #tpu.memory_space<semaphore_mem>>) src(%dma_wait3A_201 : memref<8x128xf32, #tpu.memory_space<vmem>>) dst(%dma_wait3A_197 : memref<8x128xf32, #tpu.memory_space<hbm>>)
    %dma_wait3A_202 = arith.constant 0 : i32
    %dma_wait3A_203 = arith.constant 0 : i32
    %dma_wait3A_204 = arith.constant 0 : i32
    %dma_wait3A_205 = arith.constant 0 : i32
    %dma_wait3A_206 = arith.constant 0 : i32
    %dma_wait3A_207 = arith.constant 0 : i32
    %dma_wait3A_208 = tpu.memref_slice %arg7[%dma_wait3A_202, %dma_wait3A_206, %dma_wait3A_207] : memref<4x64x131xf32, #tpu.memory_space<vmem>> -> memref<1x8x128xf32, #tpu.memory_space<vmem>>
    %dma_wait3A_209 = tpu.memref_squeeze %dma_wait3A_208 : memref<1x8x128xf32, #tpu.memory_space<vmem>> -> memref<8x128xf32, #tpu.memory_space<vmem>>
    %dma_wait3A_210 = arith.constant 0 : i32
    %dma_wait3A_211 = arith.constant 0 : i32
    %dma_wait3A_212 = tpu.memref_slice %arg4[%dma_wait3A_203, %dma_wait3A_204, %dma_wait3A_205, %dma_wait3A_210, %dma_wait3A_211] : memref<200x8x32x8x128xf32, #tpu.memory_space<hbm>> -> memref<1x1x1x8x128xf32, #tpu.memory_space<hbm>>
    %dma_wait3A_213 = tpu.memref_squeeze %dma_wait3A_212 : memref<1x1x1x8x128xf32, #tpu.memory_space<hbm>> -> memref<8x128xf32, #tpu.memory_space<hbm>>
    %dma_wait3A_214 = arith.constant 0 : i32
    %dma_wait3A_215 = arith.constant 0 : i32
    %dma_wait3A_216 = tpu.memref_slice %arg4[%dma_wait3A_203, %dma_wait3A_204, %dma_wait3A_205, %dma_wait3A_214, %dma_wait3A_215] : memref<200x8x32x8x128xf32, #tpu.memory_space<hbm>> -> memref<1x1x1x8x128xf32, #tpu.memory_space<hbm>>
    %dma_wait3A_217 = tpu.memref_squeeze %dma_wait3A_216 : memref<1x1x1x8x128xf32, #tpu.memory_space<hbm>> -> memref<8x128xf32, #tpu.memory_space<hbm>>
    %dma_wait3A_218 = arith.constant 0 : i32
    %dma_wait3A_219 = arith.constant 0 : i32
    %dma_wait3A_220 = tpu.memref_slice %arg7[%dma_wait3A_202, %dma_wait3A_218, %dma_wait3A_219] : memref<4x64x131xf32, #tpu.memory_space<vmem>> -> memref<1x8x128xf32, #tpu.memory_space<vmem>>
    %dma_wait3A_221 = tpu.memref_squeeze %dma_wait3A_220 : memref<1x8x128xf32, #tpu.memory_space<vmem>> -> memref<8x128xf32, #tpu.memory_space<vmem>>
    tpu.wait_dma2 semaphore(%arg9 : memref<!tpu.dma_semaphore, #tpu.memory_space<semaphore_mem>>) src(%dma_wait3A_221 : memref<8x128xf32, #tpu.memory_space<vmem>>) dst(%dma_wait3A_217 : memref<8x128xf32, #tpu.memory_space<hbm>>)
    %dma_wait3A_222 = arith.constant 0 : i32
    %dma_wait3A_223 = arith.constant 0 : i32
    %dma_wait3A_224 = arith.constant 0 : i32
    %dma_wait3A_225 = arith.constant 0 : i32
    %dma_wait3A_226 = arith.constant 0 : i32
    %dma_wait3A_227 = arith.constant 0 : i32
    %dma_wait3A_228 = tpu.memref_slice %arg7[%dma_wait3A_222, %dma_wait3A_226, %dma_wait3A_227] : memref<4x64x131xf32, #tpu.memory_space<vmem>> -> memref<1x8x128xf32, #tpu.memory_space<vmem>>
    %dma_wait3A_229 = tpu.memref_squeeze %dma_wait3A_228 : memref<1x8x128xf32, #tpu.memory_space<vmem>> -> memref<8x128xf32, #tpu.memory_space<vmem>>
    %dma_wait3A_230 = arith.constant 0 : i32
    %dma_wait3A_231 = arith.constant 0 : i32
    %dma_wait3A_232 = tpu.memref_slice %arg4[%dma_wait3A_223, %dma_wait3A_224, %dma_wait3A_225, %dma_wait3A_230, %dma_wait3A_231] : memref<200x8x32x8x128xf32, #tpu.memory_space<hbm>> -> memref<1x1x1x8x128xf32, #tpu.memory_space<hbm>>
    %dma_wait3A_233 = tpu.memref_squeeze %dma_wait3A_232 : memref<1x1x1x8x128xf32, #tpu.memory_space<hbm>> -> memref<8x128xf32, #tpu.memory_space<hbm>>
    %dma_wait3A_234 = arith.constant 0 : i32
    %dma_wait3A_235 = arith.constant 0 : i32
    %dma_wait3A_236 = tpu.memref_slice %arg4[%dma_wait3A_223, %dma_wait3A_224, %dma_wait3A_225, %dma_wait3A_234, %dma_wait3A_235] : memref<200x8x32x8x128xf32, #tpu.memory_space<hbm>> -> memref<1x1x1x8x128xf32, #tpu.memory_space<hbm>>
    %dma_wait3A_237 = tpu.memref_squeeze %dma_wait3A_236 : memref<1x1x1x8x128xf32, #tpu.memory_space<hbm>> -> memref<8x128xf32, #tpu.memory_space<hbm>>
    %dma_wait3A_238 = arith.constant 0 : i32
    %dma_wait3A_239 = arith.constant 0 : i32
    %dma_wait3A_240 = tpu.memref_slice %arg7[%dma_wait3A_222, %dma_wait3A_238, %dma_wait3A_239] : memref<4x64x131xf32, #tpu.memory_space<vmem>> -> memref<1x8x128xf32, #tpu.memory_space<vmem>>
    %dma_wait3A_241 = tpu.memref_squeeze %dma_wait3A_240 : memref<1x8x128xf32, #tpu.memory_space<vmem>> -> memref<8x128xf32, #tpu.memory_space<vmem>>
    tpu.wait_dma2 semaphore(%arg9 : memref<!tpu.dma_semaphore, #tpu.memory_space<semaphore_mem>>) src(%dma_wait3A_241 : memref<8x128xf32, #tpu.memory_space<vmem>>) dst(%dma_wait3A_237 : memref<8x128xf32, #tpu.memory_space<hbm>>)
    %dma_wait3A_242 = arith.constant 0 : i32
    %dma_wait3A_243 = arith.constant 0 : i32
    %dma_wait3A_244 = arith.constant 0 : i32
    %dma_wait3A_245 = arith.constant 0 : i32
    %dma_wait3A_246 = arith.constant 0 : i32
    %dma_wait3A_247 = arith.constant 0 : i32
    %dma_wait3A_248 = tpu.memref_slice %arg7[%dma_wait3A_242, %dma_wait3A_246, %dma_wait3A_247] : memref<4x64x131xf32, #tpu.memory_space<vmem>> -> memref<1x8x128xf32, #tpu.memory_space<vmem>>
    %dma_wait3A_249 = tpu.memref_squeeze %dma_wait3A_248 : memref<1x8x128xf32, #tpu.memory_space<vmem>> -> memref<8x128xf32, #tpu.memory_space<vmem>>
    %dma_wait3A_250 = arith.constant 0 : i32
    %dma_wait3A_251 = arith.constant 0 : i32
    %dma_wait3A_252 = tpu.memref_slice %arg4[%dma_wait3A_243, %dma_wait3A_244, %dma_wait3A_245, %dma_wait3A_250, %dma_wait3A_251] : memref<200x8x32x8x128xf32, #tpu.memory_space<hbm>> -> memref<1x1x1x8x128xf32, #tpu.memory_space<hbm>>
    %dma_wait3A_253 = tpu.memref_squeeze %dma_wait3A_252 : memref<1x1x1x8x128xf32, #tpu.memory_space<hbm>> -> memref<8x128xf32, #tpu.memory_space<hbm>>
    %dma_wait3A_254 = arith.constant 0 : i32
    %dma_wait3A_255 = arith.constant 0 : i32
    %dma_wait3A_256 = tpu.memref_slice %arg4[%dma_wait3A_243, %dma_wait3A_244, %dma_wait3A_245, %dma_wait3A_254, %dma_wait3A_255] : memref<200x8x32x8x128xf32, #tpu.memory_space<hbm>> -> memref<1x1x1x8x128xf32, #tpu.memory_space<hbm>>
    %dma_wait3A_257 = tpu.memref_squeeze %dma_wait3A_256 : memref<1x1x1x8x128xf32, #tpu.memory_space<hbm>> -> memref<8x128xf32, #tpu.memory_space<hbm>>
    %dma_wait3A_258 = arith.constant 0 : i32
    %dma_wait3A_259 = arith.constant 0 : i32
    %dma_wait3A_260 = tpu.memref_slice %arg7[%dma_wait3A_242, %dma_wait3A_258, %dma_wait3A_259] : memref<4x64x131xf32, #tpu.memory_space<vmem>> -> memref<1x8x128xf32, #tpu.memory_space<vmem>>
    %dma_wait3A_261 = tpu.memref_squeeze %dma_wait3A_260 : memref<1x8x128xf32, #tpu.memory_space<vmem>> -> memref<8x128xf32, #tpu.memory_space<vmem>>
    tpu.wait_dma2 semaphore(%arg9 : memref<!tpu.dma_semaphore, #tpu.memory_space<semaphore_mem>>) src(%dma_wait3A_261 : memref<8x128xf32, #tpu.memory_space<vmem>>) dst(%dma_wait3A_257 : memref<8x128xf32, #tpu.memory_space<hbm>>)
    %dma_wait3A_262 = arith.constant 0 : i32
    %dma_wait3A_263 = arith.constant 0 : i32
    %dma_wait3A_264 = arith.constant 0 : i32
    %dma_wait3A_265 = arith.constant 0 : i32
    %dma_wait3A_266 = arith.constant 0 : i32
    %dma_wait3A_267 = arith.constant 0 : i32
    %dma_wait3A_268 = tpu.memref_slice %arg7[%dma_wait3A_262, %dma_wait3A_266, %dma_wait3A_267] : memref<4x64x131xf32, #tpu.memory_space<vmem>> -> memref<1x8x128xf32, #tpu.memory_space<vmem>>
    %dma_wait3A_269 = tpu.memref_squeeze %dma_wait3A_268 : memref<1x8x128xf32, #tpu.memory_space<vmem>> -> memref<8x128xf32, #tpu.memory_space<vmem>>
    %dma_wait3A_270 = arith.constant 0 : i32
    %dma_wait3A_271 = arith.constant 0 : i32
    %dma_wait3A_272 = tpu.memref_slice %arg4[%dma_wait3A_263, %dma_wait3A_264, %dma_wait3A_265, %dma_wait3A_270, %dma_wait3A_271] : memref<200x8x32x8x128xf32, #tpu.memory_space<hbm>> -> memref<1x1x1x8x128xf32, #tpu.memory_space<hbm>>
    %dma_wait3A_273 = tpu.memref_squeeze %dma_wait3A_272 : memref<1x1x1x8x128xf32, #tpu.memory_space<hbm>> -> memref<8x128xf32, #tpu.memory_space<hbm>>
    %dma_wait3A_274 = arith.constant 0 : i32
    %dma_wait3A_275 = arith.constant 0 : i32
    %dma_wait3A_276 = tpu.memref_slice %arg4[%dma_wait3A_263, %dma_wait3A_264, %dma_wait3A_265, %dma_wait3A_274, %dma_wait3A_275] : memref<200x8x32x8x128xf32, #tpu.memory_space<hbm>> -> memref<1x1x1x8x128xf32, #tpu.memory_space<hbm>>
    %dma_wait3A_277 = tpu.memref_squeeze %dma_wait3A_276 : memref<1x1x1x8x128xf32, #tpu.memory_space<hbm>> -> memref<8x128xf32, #tpu.memory_space<hbm>>
    %dma_wait3A_278 = arith.constant 0 : i32
    %dma_wait3A_279 = arith.constant 0 : i32
    %dma_wait3A_280 = tpu.memref_slice %arg7[%dma_wait3A_262, %dma_wait3A_278, %dma_wait3A_279] : memref<4x64x131xf32, #tpu.memory_space<vmem>> -> memref<1x8x128xf32, #tpu.memory_space<vmem>>
    %dma_wait3A_281 = tpu.memref_squeeze %dma_wait3A_280 : memref<1x8x128xf32, #tpu.memory_space<vmem>> -> memref<8x128xf32, #tpu.memory_space<vmem>>
    tpu.wait_dma2 semaphore(%arg9 : memref<!tpu.dma_semaphore, #tpu.memory_space<semaphore_mem>>) src(%dma_wait3A_281 : memref<8x128xf32, #tpu.memory_space<vmem>>) dst(%dma_wait3A_277 : memref<8x128xf32, #tpu.memory_space<hbm>>)
    %dma_wait3A_282 = arith.constant 0 : i32
    %dma_wait3A_283 = arith.constant 0 : i32
    %dma_wait3A_284 = arith.constant 0 : i32
    %dma_wait3A_285 = arith.constant 0 : i32
    %dma_wait3A_286 = arith.constant 0 : i32
    %dma_wait3A_287 = arith.constant 0 : i32
    %dma_wait3A_288 = tpu.memref_slice %arg7[%dma_wait3A_282, %dma_wait3A_286, %dma_wait3A_287] : memref<4x64x131xf32, #tpu.memory_space<vmem>> -> memref<1x8x128xf32, #tpu.memory_space<vmem>>
    %dma_wait3A_289 = tpu.memref_squeeze %dma_wait3A_288 : memref<1x8x128xf32, #tpu.memory_space<vmem>> -> memref<8x128xf32, #tpu.memory_space<vmem>>
    %dma_wait3A_290 = arith.constant 0 : i32
    %dma_wait3A_291 = arith.constant 0 : i32
    %dma_wait3A_292 = tpu.memref_slice %arg4[%dma_wait3A_283, %dma_wait3A_284, %dma_wait3A_285, %dma_wait3A_290, %dma_wait3A_291] : memref<200x8x32x8x128xf32, #tpu.memory_space<hbm>> -> memref<1x1x1x8x128xf32, #tpu.memory_space<hbm>>
    %dma_wait3A_293 = tpu.memref_squeeze %dma_wait3A_292 : memref<1x1x1x8x128xf32, #tpu.memory_space<hbm>> -> memref<8x128xf32, #tpu.memory_space<hbm>>
    %dma_wait3A_294 = arith.constant 0 : i32
    %dma_wait3A_295 = arith.constant 0 : i32
    %dma_wait3A_296 = tpu.memref_slice %arg4[%dma_wait3A_283, %dma_wait3A_284, %dma_wait3A_285, %dma_wait3A_294, %dma_wait3A_295] : memref<200x8x32x8x128xf32, #tpu.memory_space<hbm>> -> memref<1x1x1x8x128xf32, #tpu.memory_space<hbm>>
    %dma_wait3A_297 = tpu.memref_squeeze %dma_wait3A_296 : memref<1x1x1x8x128xf32, #tpu.memory_space<hbm>> -> memref<8x128xf32, #tpu.memory_space<hbm>>
    %dma_wait3A_298 = arith.constant 0 : i32
    %dma_wait3A_299 = arith.constant 0 : i32
    %dma_wait3A_300 = tpu.memref_slice %arg7[%dma_wait3A_282, %dma_wait3A_298, %dma_wait3A_299] : memref<4x64x131xf32, #tpu.memory_space<vmem>> -> memref<1x8x128xf32, #tpu.memory_space<vmem>>
    %dma_wait3A_301 = tpu.memref_squeeze %dma_wait3A_300 : memref<1x8x128xf32, #tpu.memory_space<vmem>> -> memref<8x128xf32, #tpu.memory_space<vmem>>
    tpu.wait_dma2 semaphore(%arg9 : memref<!tpu.dma_semaphore, #tpu.memory_space<semaphore_mem>>) src(%dma_wait3A_301 : memref<8x128xf32, #tpu.memory_space<vmem>>) dst(%dma_wait3A_297 : memref<8x128xf32, #tpu.memory_space<hbm>>)
    %dma_wait3A_302 = arith.constant 0 : i32
    %dma_wait3A_303 = arith.constant 0 : i32
    %dma_wait3A_304 = arith.constant 0 : i32
    %dma_wait3A_305 = arith.constant 0 : i32
    %dma_wait3A_306 = arith.constant 0 : i32
    %dma_wait3A_307 = arith.constant 0 : i32
    %dma_wait3A_308 = tpu.memref_slice %arg7[%dma_wait3A_302, %dma_wait3A_306, %dma_wait3A_307] : memref<4x64x131xf32, #tpu.memory_space<vmem>> -> memref<1x8x128xf32, #tpu.memory_space<vmem>>
    %dma_wait3A_309 = tpu.memref_squeeze %dma_wait3A_308 : memref<1x8x128xf32, #tpu.memory_space<vmem>> -> memref<8x128xf32, #tpu.memory_space<vmem>>
    %dma_wait3A_310 = arith.constant 0 : i32
    %dma_wait3A_311 = arith.constant 0 : i32
    %dma_wait3A_312 = tpu.memref_slice %arg4[%dma_wait3A_303, %dma_wait3A_304, %dma_wait3A_305, %dma_wait3A_310, %dma_wait3A_311] : memref<200x8x32x8x128xf32, #tpu.memory_space<hbm>> -> memref<1x1x1x8x128xf32, #tpu.memory_space<hbm>>
    %dma_wait3A_313 = tpu.memref_squeeze %dma_wait3A_312 : memref<1x1x1x8x128xf32, #tpu.memory_space<hbm>> -> memref<8x128xf32, #tpu.memory_space<hbm>>
    %dma_wait3A_314 = arith.constant 0 : i32
    %dma_wait3A_315 = arith.constant 0 : i32
    %dma_wait3A_316 = tpu.memref_slice %arg4[%dma_wait3A_303, %dma_wait3A_304, %dma_wait3A_305, %dma_wait3A_314, %dma_wait3A_315] : memref<200x8x32x8x128xf32, #tpu.memory_space<hbm>> -> memref<1x1x1x8x128xf32, #tpu.memory_space<hbm>>
    %dma_wait3A_317 = tpu.memref_squeeze %dma_wait3A_316 : memref<1x1x1x8x128xf32, #tpu.memory_space<hbm>> -> memref<8x128xf32, #tpu.memory_space<hbm>>
    %dma_wait3A_318 = arith.constant 0 : i32
    %dma_wait3A_319 = arith.constant 0 : i32
    %dma_wait3A_320 = tpu.memref_slice %arg7[%dma_wait3A_302, %dma_wait3A_318, %dma_wait3A_319] : memref<4x64x131xf32, #tpu.memory_space<vmem>> -> memref<1x8x128xf32, #tpu.memory_space<vmem>>
    %dma_wait3A_321 = tpu.memref_squeeze %dma_wait3A_320 : memref<1x8x128xf32, #tpu.memory_space<vmem>> -> memref<8x128xf32, #tpu.memory_space<vmem>>
    tpu.wait_dma2 semaphore(%arg9 : memref<!tpu.dma_semaphore, #tpu.memory_space<semaphore_mem>>) src(%dma_wait3A_321 : memref<8x128xf32, #tpu.memory_space<vmem>>) dst(%dma_wait3A_317 : memref<8x128xf32, #tpu.memory_space<hbm>>)
    %dma_wait3A_322 = arith.constant 0 : i32
    %dma_wait3A_323 = arith.constant 0 : i32
    %dma_wait3A_324 = arith.constant 0 : i32
    %dma_wait3A_325 = arith.constant 0 : i32
    %dma_wait3A_326 = arith.constant 0 : i32
    %dma_wait3A_327 = arith.constant 0 : i32
    %dma_wait3A_328 = tpu.memref_slice %arg7[%dma_wait3A_322, %dma_wait3A_326, %dma_wait3A_327] : memref<4x64x131xf32, #tpu.memory_space<vmem>> -> memref<1x8x128xf32, #tpu.memory_space<vmem>>
    %dma_wait3A_329 = tpu.memref_squeeze %dma_wait3A_328 : memref<1x8x128xf32, #tpu.memory_space<vmem>> -> memref<8x128xf32, #tpu.memory_space<vmem>>
    %dma_wait3A_330 = arith.constant 0 : i32
    %dma_wait3A_331 = arith.constant 0 : i32
    %dma_wait3A_332 = tpu.memref_slice %arg4[%dma_wait3A_323, %dma_wait3A_324, %dma_wait3A_325, %dma_wait3A_330, %dma_wait3A_331] : memref<200x8x32x8x128xf32, #tpu.memory_space<hbm>> -> memref<1x1x1x8x128xf32, #tpu.memory_space<hbm>>
    %dma_wait3A_333 = tpu.memref_squeeze %dma_wait3A_332 : memref<1x1x1x8x128xf32, #tpu.memory_space<hbm>> -> memref<8x128xf32, #tpu.memory_space<hbm>>
    %dma_wait3A_334 = arith.constant 0 : i32
    %dma_wait3A_335 = arith.constant 0 : i32
    %dma_wait3A_336 = tpu.memref_slice %arg4[%dma_wait3A_323, %dma_wait3A_324, %dma_wait3A_325, %dma_wait3A_334, %dma_wait3A_335] : memref<200x8x32x8x128xf32, #tpu.memory_space<hbm>> -> memref<1x1x1x8x128xf32, #tpu.memory_space<hbm>>
    %dma_wait3A_337 = tpu.memref_squeeze %dma_wait3A_336 : memref<1x1x1x8x128xf32, #tpu.memory_space<hbm>> -> memref<8x128xf32, #tpu.memory_space<hbm>>
    %dma_wait3A_338 = arith.constant 0 : i32
    %dma_wait3A_339 = arith.constant 0 : i32
    %dma_wait3A_340 = tpu.memref_slice %arg7[%dma_wait3A_322, %dma_wait3A_338, %dma_wait3A_339] : memref<4x64x131xf32, #tpu.memory_space<vmem>> -> memref<1x8x128xf32, #tpu.memory_space<vmem>>
    %dma_wait3A_341 = tpu.memref_squeeze %dma_wait3A_340 : memref<1x8x128xf32, #tpu.memory_space<vmem>> -> memref<8x128xf32, #tpu.memory_space<vmem>>
    tpu.wait_dma2 semaphore(%arg9 : memref<!tpu.dma_semaphore, #tpu.memory_space<semaphore_mem>>) src(%dma_wait3A_341 : memref<8x128xf32, #tpu.memory_space<vmem>>) dst(%dma_wait3A_337 : memref<8x128xf32, #tpu.memory_space<hbm>>)
    %dma_wait3A_342 = arith.constant 0 : i32
    %dma_wait3A_343 = arith.constant 0 : i32
    %dma_wait3A_344 = arith.constant 0 : i32
    %dma_wait3A_345 = arith.constant 0 : i32
    %dma_wait3A_346 = arith.constant 0 : i32
    %dma_wait3A_347 = arith.constant 0 : i32
    %dma_wait3A_348 = tpu.memref_slice %arg7[%dma_wait3A_342, %dma_wait3A_346, %dma_wait3A_347] : memref<4x64x131xf32, #tpu.memory_space<vmem>> -> memref<1x8x128xf32, #tpu.memory_space<vmem>>
    %dma_wait3A_349 = tpu.memref_squeeze %dma_wait3A_348 : memref<1x8x128xf32, #tpu.memory_space<vmem>> -> memref<8x128xf32, #tpu.memory_space<vmem>>
    %dma_wait3A_350 = arith.constant 0 : i32
    %dma_wait3A_351 = arith.constant 0 : i32
    %dma_wait3A_352 = tpu.memref_slice %arg4[%dma_wait3A_343, %dma_wait3A_344, %dma_wait3A_345, %dma_wait3A_350, %dma_wait3A_351] : memref<200x8x32x8x128xf32, #tpu.memory_space<hbm>> -> memref<1x1x1x8x128xf32, #tpu.memory_space<hbm>>
    %dma_wait3A_353 = tpu.memref_squeeze %dma_wait3A_352 : memref<1x1x1x8x128xf32, #tpu.memory_space<hbm>> -> memref<8x128xf32, #tpu.memory_space<hbm>>
    %dma_wait3A_354 = arith.constant 0 : i32
    %dma_wait3A_355 = arith.constant 0 : i32
    %dma_wait3A_356 = tpu.memref_slice %arg4[%dma_wait3A_343, %dma_wait3A_344, %dma_wait3A_345, %dma_wait3A_354, %dma_wait3A_355] : memref<200x8x32x8x128xf32, #tpu.memory_space<hbm>> -> memref<1x1x1x8x128xf32, #tpu.memory_space<hbm>>
    %dma_wait3A_357 = tpu.memref_squeeze %dma_wait3A_356 : memref<1x1x1x8x128xf32, #tpu.memory_space<hbm>> -> memref<8x128xf32, #tpu.memory_space<hbm>>
    %dma_wait3A_358 = arith.constant 0 : i32
    %dma_wait3A_359 = arith.constant 0 : i32
    %dma_wait3A_360 = tpu.memref_slice %arg7[%dma_wait3A_342, %dma_wait3A_358, %dma_wait3A_359] : memref<4x64x131xf32, #tpu.memory_space<vmem>> -> memref<1x8x128xf32, #tpu.memory_space<vmem>>
    %dma_wait3A_361 = tpu.memref_squeeze %dma_wait3A_360 : memref<1x8x128xf32, #tpu.memory_space<vmem>> -> memref<8x128xf32, #tpu.memory_space<vmem>>
    tpu.wait_dma2 semaphore(%arg9 : memref<!tpu.dma_semaphore, #tpu.memory_space<semaphore_mem>>) src(%dma_wait3A_361 : memref<8x128xf32, #tpu.memory_space<vmem>>) dst(%dma_wait3A_357 : memref<8x128xf32, #tpu.memory_space<hbm>>)
    return
  }
}

</mosaic_0001>

<sc_bundles>
// kernel: kernel.3.cloned.1.call-start
scs
__scs_entry_jumppad:
0x0: {  	(pc) =	sbr.rel $0x88, $3  }
0x1: {  	(tag) =	ssettag $0x0;
	lr =	simm.s32 $0x1  }
0x2: {  	[smem:$0x3F9F] =	sst lr;
	_ =	strace $0xD0000000  }
0x3: {  	_ = 	snop  }
0x4: {  	_ = 	snop  }
0x5: {  	_ = 	snop  }
0x6: {  	_ = 	snop  }
0x7: {  	_ = 	snop  }
__scs_overlays_trampoline_lowered:
0x8: {  	[smem:$0x3FAE] =	sst s0  }
0x9: {  	[smem:$0x3FAF] =	sst s1  }
0xa: {  	[smem:$0x3FB0] =	sst s2  }
0xb: {  	[smem:$0x3FB1] =	sst s3  }
0xc: {  	[smem:$0x3FB2] =	sst s4  }
0xd: {  	[smem:$0x3FB3] =	sst s5  }
0xe: {  	[smem:$0x3FB4] =	sst s6  }
0xf: {  	[smem:$0x3FB5] =	sst s7  }
0x10: {  	[smem:$0x3FB6] =	sst s8  }
0x11: {  	[smem:$0x3FB7] =	sst s9;
	s0 =	simm.s32 @!p0 $0x0  }
0x12: {  	s1 =	sld [smem:$0x3F9D];
	s0 =	simm.s32 @p0 $0x1  }
0x13: {  	[smem:$0x3FB8] =	sst s0;
	s0 =	simm.s32 @!p1 $0x0  }
0x14: {  	s2 =	sld [smem:$0x3F9C];
	s0 =	simm.s32 @p1 $0x1  }
0x15: {  	[smem:$0x3FB9] =	sst s0;
	s0 =	simm.s32 @!p2 $0x0  }
0x16: {  	s3 =	sld [smem:$0x3FDB];
	s0 =	simm.s32 @p2 $0x1  }
0x17: {  	s4 =	simm.s32 $0x1BF5;
	[smem:$0x3FBB] =	sst s0  }
0x18: {  	s0 =	sld [smem:$0x3F9E];
	_ =	swait.ge [sflag:s4], $0x0  }
0x19: {  	s7 =	sld [smem:$0x3F9F]  }
0x1a: {  	s8 =	sadd.s32 $0xFFFFE003, lr  }
0x1b: {  	s9 =	sadd.s32 $0xFFFFFEF7, lr;
	s5 =	simm.s32 $0xFFFFFFFF;
	p2 =	slt.u32 s8, $0xFFFFF086  }
0x1c: {  	p1 =	slt.u32 s9, $0xF7A;
	s5 =	simm.s32 @!p2 $0x0  }
0x1d: {  	s5 =	simm.s32 @p1 $0x1;
	p0 =	seq.s32 s7, s2  }
0x1e: {  	s7 =	smul.u32 @!p0 $0xF7A, s2;
	p2 =	seq.s32 @!p0 s5, $0x0  }
0x1f: {  	s9 =	smul.u32 $0xF7A, s1;
	s8 =	simm.s32 @!p0 $0x1BF5;
	p2 =	por !p2, p0  }
0x20: {  	[sflag:s8] =	ssyncset.s32 @!p0 $0xFFFFF086;
	s6 =	sadd.s32 @!p0 s3, s7;
	s7 =	simm.s32 @!p0 $0x108  }
0x21: {  	s3 =	sadd.s32 s3, s9;
	s6 =	sadd.s32 @!p0 $0x88, s6;
	s7 =	simm.s32 @p2 $0x1082  }
0x22: {  	[simem:s7], [sflag:s8] =	dma.local @!p0 [hbm:s6], $0xF7A  }
0x23: {  	s9 =	sor.u32 $0xD0000000, s2;
	s6 =	simm.s32 $0x108;
	_ =	swait.ge @!p0 [sflag:s8], $0x0  }
0x24: {  	s3 =	sadd.s32 $0x88, s3;
	s6 =	simm.s32 @!p1 $0x1082;
	[sflag:s4] =	ssyncset.s32 $0xFFFFF086  }
0x25: {  	[simem:s6], [sflag:s4] =	dma.local [hbm:s3], $0xF7A  }
0x26: {  	[smem:$0x3F9F] =	sst s1;
	(tag) =	ssettag s2;
	_ =	strace s9  }
0x27: {  	s1 =	sld [smem:$0x3FAF]  }
0x28: {  	s2 =	sld [smem:$0x3FB0]  }
0x29: {  	s4 =	sld [smem:$0x3FB2]  }
0x2a: {  	p0 =	seq.s32 s5, $0x0;
	s5 =	sld [smem:$0x3FB3]  }
0x2b: {  	s6 =	sld [smem:$0x3FB4]  }
0x2c: {  	s7 =	sld [smem:$0x3FB5]  }
0x2d: {  	s3 =	simm.s32 $0x108;
	s8 =	sld [smem:$0x3FB6]  }
0x2e: {  	s3 =	simm.s32 @!p0 $0x1082;
	s9 =	sld [smem:$0x3FB7]  }
0x2f: {  	lr =	sadd.s32 s0, s3;
	s0 =	sld [smem:$0x3FAE]  }
0x30: {  	s3 =	sld [smem:$0x3FB1]  }
0x31: {  	[smem:$0x3FBA] =	sst s10  }
0x32: {  	s10 =	sld [smem:$0x3FB8];
	_ =	sdelay $0x3  }
0x33: {  	p0 =	seq.s32 s10, $0x1;
	s10 =	sld [smem:$0x3FBA];
	_ =	sdelay $0x3  }
0x34: {  	[smem:$0x3FBA] =	sst s10  }
0x35: {  	s10 =	sld [smem:$0x3FB9];
	_ =	sdelay $0x3  }
0x36: {  	p1 =	seq.s32 s10, $0x1;
	s10 =	sld [smem:$0x3FBA];
	_ =	sdelay $0x3  }
0x37: {  	[smem:$0x3FBA] =	sst s10  }
0x38: {  	s10 =	sld [smem:$0x3FBB]  }
0x39: {  	_ = 	snop;
	(pc) =	sbr.ind lr, $3  }
0x3a: {  	_ = 	snop  }
0x3b: {  	_ = 	snop  }
0x3c: {  	p2 =	seq.s32 s10, $0x1;
	s10 =	sld [smem:$0x3FBA]  }
0x3d: {  	_ =	shalt  }
0x3e: {  	_ =	shalt  }
0x3f: {  	_ =	shalt  }
0x40: {  	_ =	shalt  }
0x41: {  	_ =	shalt  }
0x42: {  	_ =	shalt  }
0x43: {  	_ =	shalt  }
0x44: {  	_ =	shalt  }
0x45: {  	_ =	shalt  }
0x46: {  	_ =	shalt  }
0x47: {  	_ =	shalt  }
0x48: {  	_ =	shalt  }
0x49: {  	_ =	shalt  }
0x4a: {  	_ =	shalt  }
0x4b: {  	_ =	shalt  }
0x4c: {  	_ =	shalt  }
0x4d: {  	_ =	shalt  }
0x4e: {  	_ =	shalt  }
0x4f: {  	_ =	shalt  }
0x50: {  	_ =	shalt  }
0x51: {  	_ =	shalt  }
0x52: {  	_ =	shalt  }
0x53: {  	_ =	shalt  }
0x54: {  	_ =	shalt  }
0x55: {  	_ =	shalt  }
0x56: {  	_ =	shalt  }
0x57: {  	_ =	shalt  }
0x58: {  	_ =	shalt  }
0x59: {  	_ =	shalt  }
0x5a: {  	_ =	shalt  }
0x5b: {  	_ =	shalt  }
0x5c: {  	_ =	shalt  }
0x5d: {  	_ =	shalt  }
0x5e: {  	_ =	shalt  }
0x5f: {  	_ =	shalt  }
0x60: {  	_ =	shalt  }
0x61: {  	_ =	shalt  }
0x62: {  	_ =	shalt  }
0x63: {  	_ =	shalt  }
0x64: {  	_ =	shalt  }
0x65: {  	_ =	shalt  }
0x66: {  	_ =	shalt  }
0x67: {  	_ =	shalt  }
0x68: {  	_ =	shalt  }
0x69: {  	_ =	shalt  }
0x6a: {  	_ =	shalt  }
0x6b: {  	_ =	shalt  }
0x6c: {  	_ =	shalt  }
0x6d: {  	_ =	shalt  }
0x6e: {  	_ =	shalt  }
0x6f: {  	_ =	shalt  }
0x70: {  	_ =	shalt  }
0x71: {  	_ =	shalt  }
0x72: {  	_ =	shalt  }
0x73: {  	_ =	shalt  }
0x74: {  	_ =	shalt  }
0x75: {  	_ =	shalt  }
0x76: {  	_ =	shalt  }
0x77: {  	_ =	shalt  }
0x78: {  	_ =	shalt  }
0x79: {  	_ =	shalt  }
0x7a: {  	_ =	shalt  }
0x7b: {  	_ =	shalt  }
0x7c: {  	_ =	shalt  }
0x7d: {  	_ =	shalt  }
0x7e: {  	_ =	shalt  }
0x7f: {  	_ =	shalt  }
0x80: {  	_ =	shalt  }
0x81: {  	_ =	shalt  }
0x82: {  	_ =	shalt  }
0x83: {  	_ =	shalt  }
0x84: {  	_ =	shalt  }
0x85: {  	_ =	shalt  }
0x86: {  	_ =	shalt  }
0x87: {  	_ =	shalt  }
.Lfunc_end0:
.L_simem_size_0:
called_computation_lowered:
.L_overlay_start_0:
0x88: {  	s2 =	sld [smem:$0x3FD9]  }
0x89: {  	s3 =	sld [smem:$0x3FFE];
	_ =	sdelay $0x1  }
0x8a: {  	s1 =	srdreg.scid  }
0x8b: {  	s0 =	sand.u32 $0x1, s1  }
0x8c: {  	s17 =	sshll.u32 s0, $0xA;
	s2 =	sadd.s32 s3, s2  }
0x8d: {  	s2 =	sadd.s32 s2, s17  }
0x8e: {  	[smem:$0x3FC6] =	sst s2  }
0x8f: {  	_ = 	snop  }
0x90: {  	s2 =	sld [smem:$0x3FD0];
	(tm) =	ssettm $0x1  }
0x91: {  	s18 =	sld [smem:$0x3FFB];
	_ =	sdelay $0x3  }
0x92: {  	_ =	strace s18  }
0x93: {  	s3 =	sld [smem:$0x3FFC];
	_ =	sdelay $0x3  }
0x94: {  	_ =	strace s3  }
0x95: {  	s3 =	sld [smem:$0x3FFD];
	_ =	sdelay $0x3  }
0x96: {  	_ =	strace s3  }
0x97: {  	_ =	strace $0x8FFFFFFF  }
0x98: {  	s19 =	sld [smem:$0x3FDB];
	_ =	sdelay $0x1  }
0x99: {  	s4 =	simm.s32 $_scs_section_size  }
0x9a: {  	s5 =	simm.s32 $_size__tile_overlayer_lowered;
	s6 =	simm.s32 $_tile_overlayer_lowered  }
0x9b: {  	s22 =	simm.s32 $0x1BFF;
	s21 =	sshll.u32 s6, $0x1;
	s3 =	sadd.s32 s4, s19  }
0x9c: {  	s7 =	simm.s32 $0x0;
	s20 =	sshll.u32 s5, $0x1;
	s5 =	sadd.s32 s21, s3  }
0x9d: {  	[timem:s7], [sflag:s22] =	dma.local [hbm:s5], s20  }
0x9e: {  	_ =	swait.ge [sflag:s22], s20  }
0x9f: {  	s4 =	ssub.s32 $0x0, s20;
	[sflag:s22] =	ssyncset.done $0x0  }
0xa0: {  	[sflag:s22] =	ssyncadd.s32 s4;
	_ =	sdelay $0x1  }
0xa1: {  	s23 =	simm.s32 $0x1B8B  }
0xa2: {  	_ =	swait.ge [sflag:s23], $0x1  }
0xa3: {  	[sflag:s23] =	ssyncset.done $0x0  }
0xa4: {  	s25 =	simm.s32 $0x1B8E;
	s24 =	sld [smem:$0x3FFE];
	[sflag:s23] =	ssyncadd.s32 $0xFFFFFFFF  }
0xa5: {  	s26 =	simm.s32 $execute0_lowered;
	[smem:$0x3FD2] =	sst s25  }
0xa6: {  	s5 =	sshll.u32 s26, $0x1;
	_ =	strace $0x80000046;
	[dreg:$0x1] =	wrdreg $0xFFFFFFFF  }
0xa7: {  	s28 =	simm.s32 $_size_execute0_lowered;
	s3 =	sadd.s32 s3, s5;
	[dreg:$0x0] =	wrdreg $0x0  }
0xa8: {  	s5 =	sshll.u32 s28, $0x1;
	[dreg:$0x2] =	wrdreg s3  }
0xa9: {  	[dreg:$0x3] =	wrdreg s5  }
0xaa: {  	[dreg:$0x4] =	wrdreg $0xC0  }
0xab: {  	_ =	task [dreg:s7], $0x5FFFF  }
0xac: {  	[dreg:$0x1] =	wrdreg $0xFFFFFFFF  }
0xad: {  	[dreg:$0x0] =	wrdreg $0x60  }
0xae: {  	[dreg:$0x2] =	wrdreg s24  }
0xaf: {  	[dreg:$0x3] =	wrdreg s2  }
0xb0: {  	[dreg:$0x4] =	wrdreg $0x9  }
0xb1: {  	_ =	task.clear_ibuf [dreg:s7], $0x5FFFF;
	_ =	strace $0x90000046  }
0xb2: {  	s29 =	simm.s32 $0x9;
	_ =	strace $0x80000048  }
0xb3: {  	_ =	swait.ge [sflag:s29], $0x1  }
0xb4: {  	[sflag:s29] =	ssyncadd.s32 $0xFFFFFFFF  }
0xb5: {  	_ =	strace $0x90000048  }
0xb6: {  	_ =	sfence  }
0xb7: {  	s30 =	sld [smem:$0x0];
	_ =	sdelay $0x2  }
0xb8: {  	s31 =	sshll.u32 s1, $0xD;
	s1 =	sshrl.u32 s1, $0x2  }
0xb9: {  	s3 =	sand.u32 $0x4000, s31;
	s1 =	sadd.s32 s1, s30  }
0xba: {  	s0 =	sor.u32 s3, s0;
	s1 =	sshll.u32 s1, $0x11  }
0xbb: {  	s0 =	sor.u32 s1, s0  }
0xbc: {  	s0 =	sadd.s32 $0x8F2B, s0  }
0xbd: {  	[sflag:s0] =	ssyncadd.remote.s32 $0x1  }
0xbe: {  	_ =	sfence.sel $0xFFFF  }
0xbf: {  	[dreg:$0x0] =	wrdreg $0xFFFFFFFF;
	(pc) =	sbr.abs _section_cstart, $3  }
0xc0: {  	[dreg:$0x1] =	wrdreg $0xFFFFFFFF  }
0xc1: {  	_ =	task.clear_ibuf [dreg:s7], $0x2FFFF;
	_ =	strace $0x9FFFFFFF  }
0xc2: {  	(tm) =	ssettm $0x7FFFFFFF  }
0xc3: {  	_ =	shalt  }
tec
execute0_lowered:
.L_overlay_start_1:
0x0: {  	(tag) =	ssettag $0x1  }
0x1: {  	v0 =	vlaneseq.u32;
	v47 =	vimm.s32 $0x0  }
0x2: {  	vm0 =	vcmask $0x300;
	v46 =	vimm.f32 $8.000000000e+00;
	v44 =	vimm.s32 $0x1  }
0x3: {  	v45 =	vimm.s32 $0x2;
	v37 =	vimm.s32 $0x4;
	v25 =	vimm.s32 $0x5  }
0x4: {  	v56 =	vimm.s32 $0x6;
	v55 =	vimm.s32 $0x7;
	v48 =	vmul.u32 $0x88, v0  }
0x5: {  	s0 =	rddreg [dreg:$0x0];
	v61 =	vimm.s32 $0x8;
	v58 =	vimm.s32 $0x9;
	v59 =	vimm.s32 $0xA  }
0x6: {  	s13 =	rddreg [dreg:$0x1];
	v3 =	vsel vm0, $0x3, v47;
	v0 =	vimm.s32 $0x3;
	v5 =	vadd.s32 $0x880, v48  }
0x7: {  	s1 =	srdreg.scid;
	s2 =	stileid.u32;
	v6 =	vadd.s32 $0x1100, v48;
	v8 =	vadd.s32 $0x1980, v48;
	v9 =	vor.u32 $0x1, v48  }
0x8: {  	s3 =	simm.s32 $0x0;
	s20 =	simm.s32 $0x1;
	s1 =	sand.u32 $0x1, s1;
	v10 =	vadd.s32 $0x881, v48;
	v11 =	vadd.s32 $0x1101, v48;
	v13 =	vadd.s32 $0x1981, v48  }
0x9: {  	s2 =	sshll.u32 s2, $0x1;
	[smem:$0x7FF] =	sst s3;
	s7 =	sadd.s32 $0x1000, s13;
	v14 =	vor.u32 $0x2, v48;
	v15 =	vadd.s32 $0x882, v48;
	v16 =	vadd.s32 $0x1102, v48  }
0xa: {  	s8 =	sadd.s32 $0x2000, s13;
	s9 =	sadd.s32 $0x3000, s13;
	s10 =	sadd.s32 $0x4000, s13;
	v18 =	vadd.s32 $0x1982, v48;
	v20 =	vor.u32 $0x3, v48;
	v21 =	vadd.s32 $0x883, v48  }
0xb: {  	s11 =	sadd.s32 $0x5000, s13;
	s12 =	sadd.s32 $0x6000, s13;
	s2 =	sor.u32 s1, s2;
	v23 =	vadd.s32 $0x1103, v48;
	v24 =	vadd.s32 $0x1983, v48;
	v26 =	vor.u32 $0x4, v48  }
0xc: {  	s1 =	ssub.s32 $0x2, s1;
	_ =	strace $0x80000047;
	v28 =	vadd.s32 $0x884, v48;
	v29 =	vadd.s32 $0x1104, v48;
	s4 =	sshll.u32 s2, $0x4;
	v30 =	vadd.s32 $0x1984, v48  }
0xd: {  	s5 =	sshrl.u32 s1, $0x1;
	v33 =	vor.u32 $0x5, v48;
	v34 =	vadd.s32 $0x885, v48;
	v35 =	vadd.s32 $0x1105, v48;
	s6 =	sadd.s32 s4, s0;
	s0 =	sadd.s32 $0xF42A00, s0  }
0xe: {  	v36 =	vadd.s32 $0x1985, v48;
	v38 =	vor.u32 $0x6, v48;
	v39 =	vadd.s32 $0x886, v48;
	s30 =	ssub.s32 s1, s5;
	[dreg:$0x3] =	wrdreg s0;
	s31 =	sadd.s32 $0x600, s6  }
0xf: {  	s13 =	sadd.s32 $0x7000, s13;
	v40 =	vadd.s32 $0x1106, v48;
	v41 =	vadd.s32 $0x1986, v48;
	v31 =	vor.u32 $0x7, v48;
	s0 =	smax.u32 s30, $0x1;
	[dreg:$0x4] =	wrdreg s31  }
0x10: {  	v4 =	vadd.s32 $0x887, v48;
	v19 =	vadd.s32 $0x1107, v48;
	v54 =	vadd.s32 $0x1987, v48;
	[tilespmem:$0x1FFF0] =	vst v31;
	s6 =	sshll.u32 s2, $0x7;
	s2 =	simm.s32 $0x0;
	[dreg:$0x5] =	wrdreg s0  }
.LBB2_1:
0x11: {  	[dreg:$0x6] =	wrdreg s2  }
0x12: {  	s0 =	rddreg [dreg:$0x4]  }
0x13: {  	s1 =	simm.s32 $0x80;
	s26 =	simm.s32 $0x1000;
	s28 =	simm.s32 $0x3  }
0x14: {  	[tilespmem:s3], [sflag:$0x3] =	stream.strided.gather [hbm4b:s0+s1], $0x6400, s26, s1, $0x38;
	[tilespmem:$0x16C00] =	vst v63  }
0x15: {  	_ =	swait.ge [sflag:s28], $0x6400  }
0x16: {  	s30 =	simm.s32 $0x6400;
	[sflag:s28] =	ssyncset.done $0x0  }
0x17: {  	s31 =	simm.s32 $0x8400;
	s29 =	rddreg [dreg:$0x3];
	[sflag:s28] =	ssyncadd.s32 $0xFFFF9C00  }
0x18: {  	[tilespmem:s30], [sflag:$0x1] =	stream.indirect.gather [hbm4b:s29+s1], $0x40, s3, s1, $0xb8;
	[tilespmem:$0x16C00] =	vst v63  }
0x19: {  	s23 =	simm.s32 $0x0;
	s24 =	simm.s32 $0x0;
	s25 =	simm.s32 $0x0  }
0x1a: {  	[tilespmem:s31], [sflag:$0x1] =	stream.indirect.gather [hbm4b:s29+s1], $0x40, s1, s1, $0xb8;
	[tilespmem:$0x16C00] =	vst v63  }
.LBB2_2:
0x1b: {  	_ =	swait.ge [sflag:s20], $0x2000  }
0x1c: {  	[sflag:s20] =	ssyncset.done $0x0  }
0x1d: {  	[sflag:s20] =	ssyncadd.s32 $0xFFFFE000  }
0x1e: {  	s0 =	simm.s32 $0x0;
	v1 =	vld [tilespmem:s24+$0x0]  }
0x1f: {  	s1 =	sand.u32 $0x3, s23;
	v2 =	vmov s0  }
0x20: {  	s19 =	sshll.u32 s1, $0xD;
	v2 =	vshrl.u32 v2, $0x3  }
0x21: {  	s29 =	sadd.s32 $0x6600, s19;
	v2 =	vshll.u32 v2, v3  }
0x22: {  	v7 =	vld [tilespmem:s29+$0xFFFFFE00];
	v2 =	vbroadcast v2, $0x0  }
0x23: {  	vm0 =	veq.s32 v1, $0x0  }
0x24: {  	s21 =	sand.u32 $0x3, s25;
	v1 =	vadd.s32 v48, v2;
	v50 =	vsel vm0, $0x0, v46  }
0x25: {  	s0 =	smul.u32 $0x8800, s21;
	v12 =	vperm.xlane v50, v47;
	_ =	sdelay $0x1  }
0x26: {  	s26 =	sshrl.u32 s0, $0x2;
	v7 =	vmul.f32 v7, v12  }
0x27: {  	s28 =	sadd.s32 $0xE400, s26  }
0x28: {  	[tilespmem:v1+s28+$0x0] =	vst.idx.msk $0xffff, v7  }
0x29: {  	v1 =	vld [tilespmem:s29+$0xFFFFFE10];
	_ =	sdelay $0x1  }
0x2a: {  	v7 =	vadd.s32 v5, v2;
	_ =	sdelay $0x2  }
0x2b: {  	v1 =	vmul.f32 v1, v12;
	_ =	sdelay $0x1  }
0x2c: {  	[tilespmem:v7+s28+$0x0] =	vst.idx.msk $0xffff, v1  }
0x2d: {  	v1 =	vld [tilespmem:s29+$0xFFFFFE20];
	_ =	sdelay $0x1  }
0x2e: {  	v7 =	vadd.s32 v6, v2;
	_ =	sdelay $0x2  }
0x2f: {  	v1 =	vmul.f32 v1, v12;
	_ =	sdelay $0x1  }
0x30: {  	[tilespmem:v7+s28+$0x0] =	vst.idx.msk $0xffff, v1  }
0x31: {  	v1 =	vld [tilespmem:s29+$0xFFFFFE30];
	_ =	sdelay $0x1  }
0x32: {  	v2 =	vadd.s32 v8, v2;
	_ =	sdelay $0x1  }
0x33: {  	s22 =	simm.s32 $0x1  }
0x34: {  	v7 =	vmov s22;
	v1 =	vmul.f32 v1, v12  }
0x35: {  	v7 =	vshrl.u32 v7, $0x3  }
0x36: {  	v7 =	vshll.u32 v7, v3;
	[tilespmem:v2+s28+$0x0] =	vst.idx.msk $0xffff, v1  }
0x37: {  	v1 =	vbroadcast v7, $0x0;
	v2 =	vld [tilespmem:s29+$0xFFFFFE40];
	_ =	sdelay $0x1  }
0x38: {  	v7 =	vadd.s32 v9, v1  }
0x39: {  	v12 =	vperm.xlane v50, v44;
	_ =	sdelay $0x1  }
0x3a: {  	v2 =	vmul.f32 v2, v12;
	_ =	sdelay $0x1  }
0x3b: {  	[tilespmem:v7+s28+$0x0] =	vst.idx.msk $0xffff, v2  }
0x3c: {  	v2 =	vld [tilespmem:s29+$0xFFFFFE50];
	_ =	sdelay $0x1  }
0x3d: {  	v7 =	vadd.s32 v10, v1;
	_ =	sdelay $0x2  }
0x3e: {  	v2 =	vmul.f32 v2, v12;
	_ =	sdelay $0x1  }
0x3f: {  	[tilespmem:v7+s28+$0x0] =	vst.idx.msk $0xffff, v2  }
0x40: {  	v2 =	vld [tilespmem:s29+$0xFFFFFE60];
	_ =	sdelay $0x1  }
0x41: {  	v7 =	vadd.s32 v11, v1;
	_ =	sdelay $0x2  }
0x42: {  	v2 =	vmul.f32 v2, v12;
	_ =	sdelay $0x1  }
0x43: {  	[tilespmem:v7+s28+$0x0] =	vst.idx.msk $0xffff, v2  }
0x44: {  	v2 =	vld [tilespmem:s29+$0xFFFFFE70];
	_ =	sdelay $0x1  }
0x45: {  	v1 =	vadd.s32 v13, v1;
	_ =	sdelay $0x1  }
0x46: {  	s1 =	simm.s32 $0x2  }
0x47: {  	v7 =	vmov s1;
	v2 =	vmul.f32 v2, v12  }
0x48: {  	v7 =	vshrl.u32 v7, $0x3  }
0x49: {  	v7 =	vshll.u32 v7, v3;
	[tilespmem:v1+s28+$0x0] =	vst.idx.msk $0xffff, v2  }
0x4a: {  	v1 =	vbroadcast v7, $0x0;
	v2 =	vld [tilespmem:s29+$0xFFFFFE80];
	_ =	sdelay $0x1  }
0x4b: {  	v7 =	vadd.s32 v14, v1  }
0x4c: {  	v12 =	vperm.xlane v50, v45;
	_ =	sdelay $0x1  }
0x4d: {  	v2 =	vmul.f32 v2, v12;
	_ =	sdelay $0x1  }
0x4e: {  	[tilespmem:v7+s28+$0x0] =	vst.idx.msk $0xffff, v2  }
0x4f: {  	v2 =	vld [tilespmem:s29+$0xFFFFFE90];
	_ =	sdelay $0x1  }
0x50: {  	v7 =	vadd.s32 v15, v1;
	_ =	sdelay $0x2  }
0x51: {  	v2 =	vmul.f32 v2, v12;
	_ =	sdelay $0x1  }
0x52: {  	[tilespmem:v7+s28+$0x0] =	vst.idx.msk $0xffff, v2  }
0x53: {  	v2 =	vld [tilespmem:s29+$0xFFFFFEA0]  }
0x54: {  	s2 =	sadd.s32 $0x10, s24  }
0x55: {  	s4 =	simm.s32 $0x10;
	v17 =	vadd.s32 v16, v1;
	v7 =	vld [tilespmem:s2+$0x0]  }
0x56: {  	v22 =	vmov s4  }
0x57: {  	v22 =	vshrl.u32 v22, $0x3  }
0x58: {  	v22 =	vshll.u32 v22, v3;
	s30 =	sadd.s32 $0x400, s29;
	v2 =	vmul.f32 v2, v12  }
0x59: {  	v22 =	vbroadcast v22, $0x0;
	v27 =	vld [tilespmem:s30+$0xFFFFFE00]  }
0x5a: {  	vm12 =	veq.s32 v7, $0x0;
	[tilespmem:v17+s28+$0x0] =	vst.idx.msk $0xffff, v2  }
0x5b: {  	v51 =	vsel vm12, $0x0, v46;
	v2 =	vadd.s32 v48, v22;
	v7 =	vld [tilespmem:s29+$0xFFFFFEB0]  }
0x5c: {  	v17 =	vperm.xlane v51, v47  }
0x5d: {  	v1 =	vadd.s32 v18, v1  }
0x5e: {  	v27 =	vmul.f32 v27, v17  }
0x5f: {  	s5 =	simm.s32 $0x3  }
0x60: {  	v32 =	vmov s5;
	[tilespmem:v2+s28+$0x0] =	vst.idx.msk $0xffff, v27;
	v2 =	vmul.f32 v7, v12  }
0x61: {  	v7 =	vshrl.u32 v32, $0x3;
	v12 =	vld [tilespmem:s30+$0xFFFFFE10]  }
0x62: {  	v7 =	vshll.u32 v7, v3;
	[tilespmem:v1+s28+$0x0] =	vst.idx.msk $0xffff, v2  }
0x63: {  	v1 =	vbroadcast v7, $0x0;
	v2 =	vadd.s32 v5, v22;
	v7 =	vld [tilespmem:s29+$0xFFFFFEC0];
	_ =	sdelay $0x1  }
0x64: {  	v27 =	vadd.s32 v20, v1  }
0x65: {  	v57 =	vperm.xlane v50, v0;
	v12 =	vmul.f32 v12, v17;
	_ =	sdelay $0x1  }
0x66: {  	[tilespmem:v2+s28+$0x0] =	vst.idx.msk $0xffff, v12;
	v2 =	vmul.f32 v7, v57  }
0x67: {  	v7 =	vld [tilespmem:s30+$0xFFFFFE20]  }
0x68: {  	[tilespmem:v27+s28+$0x0] =	vst.idx.msk $0xffff, v2  }
0x69: {  	v2 =	vadd.s32 v6, v22;
	v12 =	vld [tilespmem:s29+$0xFFFFFED0];
	_ =	sdelay $0x1  }
0x6a: {  	v27 =	vadd.s32 v21, v1  }
0x6b: {  	v7 =	vmul.f32 v7, v17;
	_ =	sdelay $0x1  }
0x6c: {  	[tilespmem:v2+s28+$0x0] =	vst.idx.msk $0xffff, v7;
	v2 =	vmul.f32 v12, v57  }
0x6d: {  	v7 =	vld [tilespmem:s30+$0xFFFFFE30]  }
0x6e: {  	[tilespmem:v27+s28+$0x0] =	vst.idx.msk $0xffff, v2  }
0x6f: {  	v2 =	vadd.s32 v8, v22;
	v12 =	vld [tilespmem:s29+$0xFFFFFEE0];
	_ =	sdelay $0x1  }
0x70: {  	s14 =	simm.s32 $0x11;
	v22 =	vadd.s32 v23, v1  }
0x71: {  	v27 =	vmov s14;
	v7 =	vmul.f32 v7, v17  }
0x72: {  	v17 =	vshrl.u32 v27, $0x3  }
0x73: {  	v17 =	vshll.u32 v17, v3;
	[tilespmem:v2+s28+$0x0] =	vst.idx.msk $0xffff, v7;
	v2 =	vmul.f32 v12, v57  }
0x74: {  	v7 =	vbroadcast v17, $0x0;
	v12 =	vld [tilespmem:s30+$0xFFFFFE40]  }
0x75: {  	[tilespmem:v22+s28+$0x0] =	vst.idx.msk $0xffff, v2  }
0x76: {  	v2 =	vadd.s32 v9, v7;
	v17 =	vld [tilespmem:s29+$0xFFFFFEF0]  }
0x77: {  	v22 =	vperm.xlane v51, v44  }
0x78: {  	v1 =	vadd.s32 v24, v1  }
0x79: {  	v12 =	vmul.f32 v12, v22  }
0x7a: {  	s15 =	simm.s32 $0x4  }
0x7b: {  	v27 =	vmov s15;
	[tilespmem:v2+s28+$0x0] =	vst.idx.msk $0xffff, v12;
	v2 =	vmul.f32 v17, v57  }
0x7c: {  	v12 =	vshrl.u32 v27, $0x3;
	v17 =	vld [tilespmem:s30+$0xFFFFFE50]  }
0x7d: {  	v12 =	vshll.u32 v12, v3;
	[tilespmem:v1+s28+$0x0] =	vst.idx.msk $0xffff, v2  }
0x7e: {  	v1 =	vbroadcast v12, $0x0;
	v2 =	vadd.s32 v10, v7;
	v12 =	vld [tilespmem:s29+$0xFFFFFF00];
	_ =	sdelay $0x1  }
0x7f: {  	v27 =	vadd.s32 v26, v1  }
0x80: {  	v60 =	vperm.xlane v50, v37;
	v17 =	vmul.f32 v17, v22;
	_ =	sdelay $0x1  }
0x81: {  	[tilespmem:v2+s28+$0x0] =	vst.idx.msk $0xffff, v17;
	v2 =	vmul.f32 v12, v60  }
0x82: {  	v12 =	vld [tilespmem:s30+$0xFFFFFE60]  }
0x83: {  	[tilespmem:v27+s28+$0x0] =	vst.idx.msk $0xffff, v2  }
0x84: {  	v2 =	vadd.s32 v11, v7;
	v17 =	vld [tilespmem:s29+$0xFFFFFF10];
	_ =	sdelay $0x1  }
0x85: {  	v27 =	vadd.s32 v28, v1  }
0x86: {  	v12 =	vmul.f32 v12, v22;
	_ =	sdelay $0x1  }
0x87: {  	[tilespmem:v2+s28+$0x0] =	vst.idx.msk $0xffff, v12;
	v2 =	vmul.f32 v17, v60  }
0x88: {  	v12 =	vld [tilespmem:s30+$0xFFFFFE70]  }
0x89: {  	[tilespmem:v27+s28+$0x0] =	vst.idx.msk $0xffff, v2  }
0x8a: {  	v2 =	vadd.s32 v13, v7;
	v7 =	vld [tilespmem:s29+$0xFFFFFF20];
	_ =	sdelay $0x1  }
0x8b: {  	s16 =	simm.s32 $0x12;
	v17 =	vadd.s32 v29, v1  }
0x8c: {  	v27 =	vmov s16;
	v12 =	vmul.f32 v12, v22  }
0x8d: {  	v22 =	vshrl.u32 v27, $0x3  }
0x8e: {  	v22 =	vshll.u32 v22, v3;
	[tilespmem:v2+s28+$0x0] =	vst.idx.msk $0xffff, v12;
	v2 =	vmul.f32 v7, v60  }
0x8f: {  	v7 =	vbroadcast v22, $0x0;
	v12 =	vld [tilespmem:s30+$0xFFFFFE80]  }
0x90: {  	[tilespmem:v17+s28+$0x0] =	vst.idx.msk $0xffff, v2  }
0x91: {  	v2 =	vadd.s32 v14, v7;
	v17 =	vld [tilespmem:s29+$0xFFFFFF30]  }
0x92: {  	v22 =	vperm.xlane v51, v45  }
0x93: {  	v1 =	vadd.s32 v30, v1  }
0x94: {  	v12 =	vmul.f32 v12, v22  }
0x95: {  	s17 =	simm.s32 $0x5  }
0x96: {  	v27 =	vmov s17;
	[tilespmem:v2+s28+$0x0] =	vst.idx.msk $0xffff, v12;
	v2 =	vmul.f32 v17, v60  }
0x97: {  	v12 =	vshrl.u32 v27, $0x3;
	v17 =	vld [tilespmem:s30+$0xFFFFFE90]  }
0x98: {  	v12 =	vshll.u32 v12, v3;
	[tilespmem:v1+s28+$0x0] =	vst.idx.msk $0xffff, v2  }
0x99: {  	v1 =	vbroadcast v12, $0x0;
	v2 =	vadd.s32 v15, v7;
	v12 =	vld [tilespmem:s29+$0xFFFFFF40];
	_ =	sdelay $0x1  }
0x9a: {  	v27 =	vadd.s32 v33, v1  }
0x9b: {  	v32 =	vperm.xlane v50, v25;
	v17 =	vmul.f32 v17, v22;
	_ =	sdelay $0x1  }
0x9c: {  	[tilespmem:v2+s28+$0x0] =	vst.idx.msk $0xffff, v17;
	v2 =	vmul.f32 v12, v32  }
0x9d: {  	s0 =	sadd.s32 $0x10, s2;
	v12 =	vld [tilespmem:s30+$0xFFFFFEA0]  }
0x9e: {  	[tilespmem:v27+s28+$0x0] =	vst.idx.msk $0xffff, v2;
	v2 =	vld [tilespmem:s0+$0x0]  }
0x9f: {  	s18 =	simm.s32 $0x20;
	v17 =	vadd.s32 v16, v7;
	v27 =	vld [tilespmem:s29+$0xFFFFFF50]  }
0xa0: {  	v62 =	vmov s18  }
0xa1: {  	v37 =	vshrl.u32 v62, $0x3;
	v42 =	vadd.s32 v34, v1  }
0xa2: {  	s31 =	sadd.s32 $0x400, s30;
	v37 =	vshll.u32 v37, v3;
	v12 =	vmul.f32 v12, v22  }
0xa3: {  	v43 =	vld [tilespmem:s31+$0xFFFFFE00];
	v37 =	vbroadcast v37, $0x0  }
0xa4: {  	vm13 =	veq.s32 v2, $0x0;
	[tilespmem:v17+s28+$0x0] =	vst.idx.msk $0xffff, v12;
	v2 =	vmul.f32 v27, v32  }
0xa5: {  	v12 =	vadd.s32 v48, v37;
	v52 =	vsel vm13, $0x0, v46;
	v17 =	vld [tilespmem:s30+$0xFFFFFEB0]  }
0xa6: {  	v27 =	vperm.xlane v52, v47;
	[tilespmem:v42+s28+$0x0] =	vst.idx.msk $0xffff, v2  }
0xa7: {  	v2 =	vadd.s32 v18, v7;
	v7 =	vld [tilespmem:s29+$0xFFFFFF60]  }
0xa8: {  	v63 =	vmul.f32 v43, v27  }
0xa9: {  	s19 =	simm.s32 $0x13;
	v57 =	vadd.s32 v35, v1  }
0xaa: {  	v53 =	vmov s19;
	[tilespmem:v12+s28+$0x0] =	vst.idx.msk $0xffff, v63;
	v12 =	vmul.f32 v17, v22  }
0xab: {  	v17 =	vshrl.u32 v53, $0x3;
	v22 =	vld [tilespmem:s31+$0xFFFFFE10]  }
0xac: {  	v17 =	vshll.u32 v17, v3;
	[tilespmem:v2+s28+$0x0] =	vst.idx.msk $0xffff, v12;
	v2 =	vmul.f32 v7, v32  }
0xad: {  	v12 =	vadd.s32 v5, v37;
	v7 =	vbroadcast v17, $0x0;
	v17 =	vld [tilespmem:s30+$0xFFFFFEC0]  }
0xae: {  	[tilespmem:v57+s28+$0x0] =	vst.idx.msk $0xffff, v2  }
0xaf: {  	v2 =	vadd.s32 v20, v7;
	v60 =	vld [tilespmem:s29+$0xFFFFFF70]  }
0xb0: {  	v43 =	vperm.xlane v51, v0;
	v22 =	vmul.f32 v22, v27  }
0xb1: {  	v1 =	vadd.s32 v36, v1  }
0xb2: {  	[tilespmem:v12+s28+$0x0] =	vst.idx.msk $0xffff, v22;
	v12 =	vmul.f32 v17, v43  }
0xb3: {  	s21 =	simm.s32 $0x6;
	v17 =	vld [tilespmem:s31+$0xFFFFFE20]  }
0xb4: {  	[tilespmem:v2+s28+$0x0] =	vst.idx.msk $0xffff, v12;
	v2 =	vmov s21;
	v12 =	vmul.f32 v60, v32  }
0xb5: {  	v22 =	vadd.s32 v6, v37;
	v62 =	vld [tilespmem:s30+$0xFFFFFED0];
	v2 =	vshrl.u32 v2, $0x3  }
0xb6: {  	v2 =	vshll.u32 v2, v3;
	[tilespmem:v1+s28+$0x0] =	vst.idx.msk $0xffff, v12  }
0xb7: {  	v1 =	vadd.s32 v21, v7;
	v2 =	vbroadcast v2, $0x0;
	v12 =	vld [tilespmem:s29+$0xFFFFFF80]  }
0xb8: {  	v17 =	vmul.f32 v17, v27  }
0xb9: {  	v63 =	vadd.s32 v38, v2  }
0xba: {  	[tilespmem:v22+s28+$0x0] =	vst.idx.msk $0xffff, v17;
	v17 =	vmul.f32 v62, v43;
	v22 =	vperm.xlane v50, v56  }
0xbb: {  	v53 =	vld [tilespmem:s31+$0xFFFFFE30]  }
0xbc: {  	[tilespmem:v1+s28+$0x0] =	vst.idx.msk $0xffff, v17;
	v1 =	vmul.f32 v12, v22  }
0xbd: {  	v12 =	vadd.s32 v8, v37;
	v17 =	vld [tilespmem:s30+$0xFFFFFEE0]  }
0xbe: {  	[tilespmem:v63+s28+$0x0] =	vst.idx.msk $0xffff, v1  }
0xbf: {  	s22 =	simm.s32 $0x21;
	v1 =	vadd.s32 v23, v7;
	v56 =	vld [tilespmem:s29+$0xFFFFFF90]  }
0xc0: {  	v57 =	vmov s22;
	v27 =	vmul.f32 v53, v27  }
0xc1: {  	v60 =	vshrl.u32 v57, $0x3;
	v62 =	vadd.s32 v39, v2  }
0xc2: {  	v32 =	vshll.u32 v60, v3;
	[tilespmem:v12+s28+$0x0] =	vst.idx.msk $0xffff, v27;
	v12 =	vmul.f32 v17, v43  }
0xc3: {  	v17 =	vbroadcast v32, $0x0;
	v27 =	vld [tilespmem:s31+$0xFFFFFE40]  }
0xc4: {  	[tilespmem:v1+s28+$0x0] =	vst.idx.msk $0xffff, v12;
	v1 =	vmul.f32 v56, v22  }
0xc5: {  	v12 =	vadd.s32 v9, v17;
	v63 =	vld [tilespmem:s30+$0xFFFFFEF0]  }
0xc6: {  	v56 =	vperm.xlane v52, v44;
	[tilespmem:v62+s28+$0x0] =	vst.idx.msk $0xffff, v1  }
0xc7: {  	v1 =	vadd.s32 v24, v7;
	v7 =	vld [tilespmem:s29+$0xFFFFFFA0]  }
0xc8: {  	v27 =	vmul.f32 v27, v56  }
0xc9: {  	s2 =	simm.s32 $0x14;
	v57 =	vadd.s32 v40, v2  }
0xca: {  	v60 =	vmov s2;
	[tilespmem:v12+s28+$0x0] =	vst.idx.msk $0xffff, v27;
	v12 =	vmul.f32 v63, v43  }
0xcb: {  	v27 =	vshrl.u32 v60, $0x3;
	v62 =	vld [tilespmem:s31+$0xFFFFFE50]  }
0xcc: {  	v27 =	vshll.u32 v27, v3;
	[tilespmem:v1+s28+$0x0] =	vst.idx.msk $0xffff, v12;
	v1 =	vmul.f32 v7, v22  }
0xcd: {  	v12 =	vadd.s32 v10, v17;
	v7 =	vbroadcast v27, $0x0;
	v27 =	vld [tilespmem:s30+$0xFFFFFF00]  }
0xce: {  	[tilespmem:v57+s28+$0x0] =	vst.idx.msk $0xffff, v1  }
0xcf: {  	v49 =	vimm.s32 $0x4;
	v1 =	vadd.s32 v26, v7;
	v42 =	vld [tilespmem:s29+$0xFFFFFFB0]  }
0xd0: {  	v43 =	vperm.xlane v51, v49;
	v32 =	vmul.f32 v62, v56  }
0xd1: {  	v2 =	vadd.s32 v41, v2  }
0xd2: {  	[tilespmem:v12+s28+$0x0] =	vst.idx.msk $0xffff, v32;
	v12 =	vmul.f32 v27, v43  }
0xd3: {  	s4 =	simm.s32 $0x7;
	v27 =	vld [tilespmem:s31+$0xFFFFFE60]  }
0xd4: {  	[tilespmem:v1+s28+$0x0] =	vst.idx.msk $0xffff, v12;
	v1 =	vmov s4;
	v12 =	vmul.f32 v42, v22  }
0xd5: {  	v22 =	vadd.s32 v11, v17;
	v63 =	vld [tilespmem:s30+$0xFFFFFF10];
	v1 =	vshrl.u32 v1, $0x3  }
0xd6: {  	v1 =	vshll.u32 v1, v3;
	[tilespmem:v2+s28+$0x0] =	vst.idx.msk $0xffff, v12  }
0xd7: {  	v2 =	vadd.s32 v28, v7;
	v1 =	vbroadcast v1, $0x0;
	v12 =	vld [tilespmem:s29+$0xFFFFFFC0]  }
0xd8: {  	v27 =	vmul.f32 v27, v56  }
0xd9: {  	v49 =	vadd.s32 v31, v1  }
0xda: {  	[tilespmem:v22+s28+$0x0] =	vst.idx.msk $0xffff, v27;
	v22 =	vmul.f32 v63, v43;
	v27 =	vperm.xlane v50, v55  }
0xdb: {  	v53 =	vld [tilespmem:s31+$0xFFFFFE70]  }
0xdc: {  	[tilespmem:v2+s28+$0x0] =	vst.idx.msk $0xffff, v22;
	v2 =	vmul.f32 v12, v27  }
0xdd: {  	v12 =	vadd.s32 v13, v17;
	v17 =	vld [tilespmem:s30+$0xFFFFFF20]  }
0xde: {  	[tilespmem:v49+s28+$0x0] =	vst.idx.msk $0xffff, v2  }
0xdf: {  	s5 =	simm.s32 $0x22;
	v2 =	vadd.s32 v29, v7;
	v22 =	vld [tilespmem:s29+$0xFFFFFFD0]  }
0xe0: {  	v55 =	vmov s5;
	v32 =	vmul.f32 v53, v56  }
0xe1: {  	v57 =	vadd.s32 v4, v1;
	v56 =	vshrl.u32 v55, $0x3  }
0xe2: {  	v37 =	vshll.u32 v56, v3;
	[tilespmem:v12+s28+$0x0] =	vst.idx.msk $0xffff, v32;
	v12 =	vmul.f32 v17, v43  }
0xe3: {  	v17 =	vbroadcast v37, $0x0;
	v32 =	vld [tilespmem:s31+$0xFFFFFE80]  }
0xe4: {  	[tilespmem:v2+s28+$0x0] =	vst.idx.msk $0xffff, v12;
	v2 =	vmul.f32 v22, v27  }
0xe5: {  	v12 =	vadd.s32 v14, v17;
	v22 =	vld [tilespmem:s30+$0xFFFFFF30]  }
0xe6: {  	v37 =	vperm.xlane v52, v45;
	[tilespmem:v57+s28+$0x0] =	vst.idx.msk $0xffff, v2  }
0xe7: {  	v2 =	vadd.s32 v30, v7;
	v7 =	vld [tilespmem:s29+$0xFFFFFFE0]  }
0xe8: {  	v32 =	vmul.f32 v32, v37  }
0xe9: {  	s14 =	simm.s32 $0x15;
	v62 =	vadd.s32 v19, v1  }
0xea: {  	v63 =	vmov s14;
	[tilespmem:v12+s28+$0x0] =	vst.idx.msk $0xffff, v32;
	v12 =	vmul.f32 v22, v43  }
0xeb: {  	v22 =	vshrl.u32 v63, $0x3;
	v32 =	vld [tilespmem:s31+$0xFFFFFE90]  }
0xec: {  	v22 =	vshll.u32 v22, v3;
	[tilespmem:v2+s28+$0x0] =	vst.idx.msk $0xffff, v12;
	v2 =	vmul.f32 v7, v27  }
0xed: {  	v12 =	vadd.s32 v15, v17;
	v7 =	vbroadcast v22, $0x0;
	v22 =	vld [tilespmem:s30+$0xFFFFFF40]  }
0xee: {  	[tilespmem:v62+s28+$0x0] =	vst.idx.msk $0xffff, v2  }
0xef: {  	v2 =	vadd.s32 v33, v7;
	v42 =	vld [tilespmem:s29+$0xFFFFFFF0]  }
0xf0: {  	v43 =	vperm.xlane v51, v25;
	v32 =	vmul.f32 v32, v37  }
0xf1: {  	v1 =	vadd.s32 v54, v1  }
0xf2: {  	[tilespmem:v12+s28+$0x0] =	vst.idx.msk $0xffff, v32;
	v12 =	vmul.f32 v22, v43  }
0xf3: {  	s1 =	sadd.s32 $0x10, s0;
	s2 =	simm.s32 $0x8;
	v22 =	vld [tilespmem:s31+$0xFFFFFEA0]  }
0xf4: {  	[tilespmem:v2+s28+$0x0] =	vst.idx.msk $0xffff, v12;
	v2 =	vmov s2;
	v12 =	vld [tilespmem:s1+$0x0];
	v27 =	vmul.f32 v42, v27  }
0xf5: {  	s15 =	simm.s32 $0x30;
	v32 =	vadd.s32 v16, v17;
	v2 =	vshrl.u32 v2, $0x3;
	v42 =	vld [tilespmem:s30+$0xFFFFFF50]  }
0xf6: {  	v49 =	vmov s15;
	v2 =	vshll.u32 v2, v3;
	[tilespmem:v1+s28+$0x0] =	vst.idx.msk $0xffff, v27  }
0xf7: {  	v25 =	vmovc v54;
	v1 =	vshrl.u32 v49, $0x3;
	v2 =	vbroadcast v2, $0x0;
	v27 =	vadd.s32 v34, v7;
	v54 =	vld [tilespmem:s29+$0x0]  }
0xf8: {  	s0 =	sadd.s32 $0x400, s31;
	v1 =	vshll.u32 v1, v3;
	v22 =	vmul.f32 v22, v37  }
0xf9: {  	v55 =	vld [tilespmem:s0+$0xFFFFFE00];
	v1 =	vbroadcast v1, $0x0;
	v56 =	vadd.s32 v48, v2  }
0xfa: {  	vm14 =	veq.s32 v12, $0x0;
	[tilespmem:v32+s28+$0x0] =	vst.idx.msk $0xffff, v22;
	v12 =	vmul.f32 v42, v43;
	v22 =	vperm.xlane v50, v61  }
0xfb: {  	v53 =	vsel vm14, $0x0, v46;
	v32 =	vadd.s32 v48, v1;
	v42 =	vld [tilespmem:s31+$0xFFFFFEB0]  }
0xfc: {  	v57 =	vperm.xlane v53, v47;
	[tilespmem:v27+s28+$0x0] =	vst.idx.msk $0xffff, v12;
	v12 =	vmul.f32 v54, v22  }
0xfd: {  	v17 =	vadd.s32 v18, v17;
	v27 =	vld [tilespmem:s30+$0xFFFFFF60]  }
0xfe: {  	v54 =	vmul.f32 v55, v57;
	[tilespmem:v56+s28+$0x0] =	vst.idx.msk $0xffff, v12  }
0xff: {  	s16 =	simm.s32 $0x23;
	v12 =	vadd.s32 v35, v7;
	v55 =	vld [tilespmem:s29+$0x10]  }
0x100: {  	v56 =	vmov s16;
	[tilespmem:v32+s28+$0x0] =	vst.idx.msk $0xffff, v54;
	v32 =	vmul.f32 v42, v37  }
0x101: {  	v37 =	vshrl.u32 v56, $0x3;
	v54 =	vadd.s32 v5, v2;
	v42 =	vld [tilespmem:s0+$0xFFFFFE10]  }
0x102: {  	v37 =	vshll.u32 v37, v3;
	[tilespmem:v17+s28+$0x0] =	vst.idx.msk $0xffff, v32;
	v17 =	vmul.f32 v27, v43  }
0x103: {  	v27 =	vbroadcast v37, $0x0;
	v32 =	vadd.s32 v5, v1;
	v37 =	vld [tilespmem:s31+$0xFFFFFEC0]  }
0x104: {  	[tilespmem:v12+s28+$0x0] =	vst.idx.msk $0xffff, v17;
	v12 =	vmul.f32 v55, v22  }
0x105: {  	v17 =	vadd.s32 v20, v27;
	v55 =	vld [tilespmem:s30+$0xFFFFFF70]  }
0x106: {  	v56 =	vperm.xlane v52, v0;
	v42 =	vmul.f32 v42, v57;
	[tilespmem:v54+s28+$0x0] =	vst.idx.msk $0xffff, v12  }
0x107: {  	v7 =	vadd.s32 v36, v7;
	v12 =	vld [tilespmem:s29+$0x20]  }
0x108: {  	[tilespmem:v32+s28+$0x0] =	vst.idx.msk $0xffff, v42;
	v54 =	vmul.f32 v37, v56  }
0x109: {  	s17 =	simm.s32 $0x16;
	v42 =	vadd.s32 v6, v2;
	v37 =	vld [tilespmem:s0+$0xFFFFFE20]  }
0x10a: {  	[tilespmem:v17+s28+$0x0] =	vst.idx.msk $0xffff, v54;
	v17 =	vmov s17;
	v32 =	vmul.f32 v55, v43  }
0x10b: {  	v43 =	vadd.s32 v6, v1;
	v54 =	vld [tilespmem:s31+$0xFFFFFED0];
	v17 =	vshrl.u32 v17, $0x3  }
0x10c: {  	v17 =	vshll.u32 v17, v3;
	[tilespmem:v7+s28+$0x0] =	vst.idx.msk $0xffff, v32;
	v7 =	vmul.f32 v12, v22  }
0x10d: {  	v12 =	vadd.s32 v21, v27;
	v32 =	vld [tilespmem:s30+$0xFFFFFF80];
	v17 =	vbroadcast v17, $0x0  }
0x10e: {  	v37 =	vmul.f32 v37, v57;
	[tilespmem:v42+s28+$0x0] =	vst.idx.msk $0xffff, v7  }
0x10f: {  	v62 =	vimm.s32 $0x6;
	v7 =	vadd.s32 v38, v17;
	v42 =	vld [tilespmem:s29+$0x30]  }
0x110: {  	[tilespmem:v43+s28+$0x0] =	vst.idx.msk $0xffff, v37;
	v37 =	vmul.f32 v54, v56;
	v43 =	vperm.xlane v51, v62  }
0x111: {  	v2 =	vadd.s32 v8, v2;
	v54 =	vld [tilespmem:s0+$0xFFFFFE30]  }
0x112: {  	[tilespmem:v12+s28+$0x0] =	vst.idx.msk $0xffff, v37;
	v12 =	vmul.f32 v32, v43  }
0x113: {  	s18 =	simm.s32 $0x9;
	v1 =	vadd.s32 v8, v1;
	v32 =	vld [tilespmem:s31+$0xFFFFFEE0]  }
0x114: {  	v55 =	vmov s18;
	[tilespmem:v7+s28+$0x0] =	vst.idx.msk $0xffff, v12;
	v7 =	vmul.f32 v42, v22  }
0x115: {  	s19 =	simm.s32 $0x31;
	v12 =	vshrl.u32 v55, $0x3;
	v22 =	vadd.s32 v23, v27;
	v37 =	vld [tilespmem:s30+$0xFFFFFF90]  }
0x116: {  	v62 =	vmov s19;
	v12 =	vshll.u32 v12, v3;
	v54 =	vmul.f32 v54, v57;
	[tilespmem:v2+s28+$0x0] =	vst.idx.msk $0xffff, v7  }
0x117: {  	v2 =	vshrl.u32 v62, $0x3;
	v7 =	vbroadcast v12, $0x0;
	v12 =	vadd.s32 v39, v17;
	v42 =	vld [tilespmem:s29+$0x40]  }
0x118: {  	v2 =	vshll.u32 v2, v3;
	[tilespmem:v1+s28+$0x0] =	vst.idx.msk $0xffff, v54;
	v1 =	vmul.f32 v32, v56  }
0x119: {  	v2 =	vbroadcast v2, $0x0;
	v32 =	vld [tilespmem:s0+$0xFFFFFE40];
	v54 =	vadd.s32 v9, v7  }
0x11a: {  	[tilespmem:v22+s28+$0x0] =	vst.idx.msk $0xffff, v1;
	v1 =	vmul.f32 v37, v43;
	v22 =	vperm.xlane v50, v58  }
0x11b: {  	v37 =	vadd.s32 v9, v2;
	v62 =	vld [tilespmem:s31+$0xFFFFFEF0]  }
0x11c: {  	v57 =	vperm.xlane v53, v44;
	[tilespmem:v12+s28+$0x0] =	vst.idx.msk $0xffff, v1;
	v1 =	vmul.f32 v42, v22  }
0x11d: {  	v12 =	vadd.s32 v24, v27;
	v27 =	vld [tilespmem:s30+$0xFFFFFFA0]  }
0x11e: {  	v32 =	vmul.f32 v32, v57;
	[tilespmem:v54+s28+$0x0] =	vst.idx.msk $0xffff, v1  }
0x11f: {  	s21 =	simm.s32 $0x24;
	v1 =	vadd.s32 v40, v17;
	v42 =	vld [tilespmem:s29+$0x50]  }
0x120: {  	v58 =	vmov s21;
	[tilespmem:v37+s28+$0x0] =	vst.idx.msk $0xffff, v32;
	v32 =	vmul.f32 v62, v56  }
0x121: {  	v55 =	vadd.s32 v10, v7;
	v62 =	vshrl.u32 v58, $0x3;
	v58 =	vld [tilespmem:s0+$0xFFFFFE50]  }
0x122: {  	v37 =	vshll.u32 v62, v3;
	[tilespmem:v12+s28+$0x0] =	vst.idx.msk $0xffff, v32;
	v12 =	vmul.f32 v27, v43  }
0x123: {  	v27 =	vbroadcast v37, $0x0;
	v32 =	vadd.s32 v10, v2;
	v37 =	vld [tilespmem:s31+$0xFFFFFF00]  }
0x124: {  	[tilespmem:v1+s28+$0x0] =	vst.idx.msk $0xffff, v12;
	v1 =	vmul.f32 v42, v22  }
0x125: {  	v60 =	vimm.s32 $0x4;
	v12 =	vadd.s32 v26, v27;
	v62 =	vld [tilespmem:s30+$0xFFFFFFB0]  }
0x126: {  	v56 =	vperm.xlane v52, v60;
	v54 =	vmul.f32 v58, v57;
	[tilespmem:v55+s28+$0x0] =	vst.idx.msk $0xffff, v1  }
0x127: {  	v1 =	vadd.s32 v41, v17;
	v17 =	vld [tilespmem:s29+$0x60]  }
0x128: {  	[tilespmem:v32+s28+$0x0] =	vst.idx.msk $0xffff, v54;
	v58 =	vmul.f32 v37, v56  }
0x129: {  	s22 =	simm.s32 $0x17;
	v54 =	vadd.s32 v11, v7;
	v37 =	vld [tilespmem:s0+$0xFFFFFE60]  }
0x12a: {  	[tilespmem:v12+s28+$0x0] =	vst.idx.msk $0xffff, v58;
	v12 =	vmov s22;
	v60 =	vmul.f32 v62, v43  }
0x12b: {  	v62 =	vadd.s32 v11, v2;
	v58 =	vld [tilespmem:s31+$0xFFFFFF10];
	v12 =	vshrl.u32 v12, $0x3  }
0x12c: {  	v12 =	vshll.u32 v12, v3;
	[tilespmem:v1+s28+$0x0] =	vst.idx.msk $0xffff, v60;
	v1 =	vmul.f32 v17, v22  }
0x12d: {  	v17 =	vadd.s32 v28, v27;
	v32 =	vld [tilespmem:s30+$0xFFFFFFC0];
	v12 =	vbroadcast v12, $0x0  }
0x12e: {  	v37 =	vmul.f32 v37, v57;
	[tilespmem:v54+s28+$0x0] =	vst.idx.msk $0xffff, v1  }
0x12f: {  	v63 =	vimm.s32 $0x7;
	v1 =	vadd.s32 v31, v12;
	v54 =	vld [tilespmem:s29+$0x70]  }
0x130: {  	v42 =	vperm.xlane v51, v63;
	[tilespmem:v62+s28+$0x0] =	vst.idx.msk $0xffff, v37;
	v60 =	vmul.f32 v58, v56  }
0x131: {  	v7 =	vadd.s32 v13, v7;
	v62 =	vld [tilespmem:s0+$0xFFFFFE70]  }
0x132: {  	[tilespmem:v17+s28+$0x0] =	vst.idx.msk $0xffff, v60;
	v17 =	vmul.f32 v32, v42  }
0x133: {  	s4 =	simm.s32 $0xA;
	v2 =	vadd.s32 v13, v2;
	v63 =	vld [tilespmem:s31+$0xFFFFFF20]  }
0x134: {  	v55 =	vmov s4;
	[tilespmem:v1+s28+$0x0] =	vst.idx.msk $0xffff, v17;
	v1 =	vmul.f32 v54, v22  }
0x135: {  	s5 =	simm.s32 $0x32;
	v17 =	vshrl.u32 v55, $0x3;
	v22 =	vadd.s32 v29, v27;
	v58 =	vld [tilespmem:s30+$0xFFFFFFD0]  }
0x136: {  	v60 =	vmov s5;
	v17 =	vshll.u32 v17, v3;
	v43 =	vmul.f32 v62, v57;
	[tilespmem:v7+s28+$0x0] =	vst.idx.msk $0xffff, v1  }
0x137: {  	v1 =	vshrl.u32 v60, $0x3;
	v7 =	vbroadcast v17, $0x0;
	v17 =	vadd.s32 v4, v12;
	v54 =	vld [tilespmem:s29+$0x80]  }
0x138: {  	v1 =	vshll.u32 v1, v3;
	[tilespmem:v2+s28+$0x0] =	vst.idx.msk $0xffff, v43;
	v2 =	vmul.f32 v63, v56  }
0x139: {  	v1 =	vbroadcast v1, $0x0;
	v32 =	vld [tilespmem:s0+$0xFFFFFE80];
	v62 =	vadd.s32 v14, v7  }
0x13a: {  	[tilespmem:v22+s28+$0x0] =	vst.idx.msk $0xffff, v2;
	v2 =	vmul.f32 v58, v42;
	v22 =	vperm.xlane v50, v59  }
0x13b: {  	v63 =	vadd.s32 v14, v1;
	v60 =	vld [tilespmem:s31+$0xFFFFFF30]  }
0x13c: {  	v57 =	vperm.xlane v53, v45;
	[tilespmem:v17+s28+$0x0] =	vst.idx.msk $0xffff, v2;
	v2 =	vmul.f32 v54, v22  }
0x13d: {  	v17 =	vadd.s32 v30, v27;
	v27 =	vld [tilespmem:s30+$0xFFFFFFE0]  }
0x13e: {  	v32 =	vmul.f32 v32, v57;
	[tilespmem:v62+s28+$0x0] =	vst.idx.msk $0xffff, v2  }
0x13f: {  	s14 =	simm.s32 $0x25;
	v2 =	vadd.s32 v19, v12;
	v43 =	vld [tilespmem:s29+$0x90]  }
0x140: {  	v62 =	vmov s14;
	[tilespmem:v63+s28+$0x0] =	vst.idx.msk $0xffff, v32;
	v63 =	vmul.f32 v60, v56  }
0x141: {  	v58 =	vshrl.u32 v62, $0x3;
	v62 =	vadd.s32 v15, v7;
	v59 =	vld [tilespmem:s0+$0xFFFFFE90]  }
0x142: {  	v37 =	vshll.u32 v58, v3;
	[tilespmem:v17+s28+$0x0] =	vst.idx.msk $0xffff, v63;
	v17 =	vmul.f32 v27, v42  }
0x143: {  	v27 =	vbroadcast v37, $0x0;
	v63 =	vadd.s32 v15, v1;
	v60 =	vld [tilespmem:s31+$0xFFFFFF40]  }
0x144: {  	[tilespmem:v2+s28+$0x0] =	vst.idx.msk $0xffff, v17;
	v2 =	vmul.f32 v43, v22  }
0x145: {  	v49 =	vimm.s32 $0x5;
	v17 =	vadd.s32 v33, v27;
	v43 =	vld [tilespmem:s30+$0xFFFFFFF0]  }
0x146: {  	v56 =	vperm.xlane v52, v49;
	v54 =	vmul.f32 v59, v57;
	[tilespmem:v62+s28+$0x0] =	vst.idx.msk $0xffff, v2  }
0x147: {  	v2 =	vadd.s32 v25, v12;
	v12 =	vld [tilespmem:s29+$0xA0]  }
0x148: {  	s5 =	simm.s32 $0x40;
	[tilespmem:v63+s28+$0x0] =	vst.idx.msk $0xffff, v54;
	v32 =	vmul.f32 v60, v56  }
0x149: {  	s15 =	simm.s32 $0x18;
	s1 =	sadd.s32 $0x10, s1;
	v55 =	vadd.s32 v16, v7;
	v62 =	vmov s5;
	v37 =	vld [tilespmem:s0+$0xFFFFFEA0]  }
0x14a: {  	v54 =	vmov s15;
	v62 =	vshrl.u32 v62, $0x3;
	[tilespmem:v17+s28+$0x0] =	vst.idx.msk $0xffff, v32;
	v17 =	vld [tilespmem:s1+$0x0];
	v32 =	vmul.f32 v43, v42  }
0x14b: {  	v60 =	vshrl.u32 v54, $0x3;
	v54 =	vshll.u32 v62, v3;
	v43 =	vadd.s32 v16, v1;
	v58 =	vld [tilespmem:s31+$0xFFFFFF50]  }
0x14c: {  	v42 =	vshll.u32 v60, v3;
	[tilespmem:v2+s28+$0x0] =	vst.idx.msk $0xffff, v32;
	v2 =	vmul.f32 v12, v22  }
0x14d: {  	s22 =	sadd.s32 $0x400, s0;
	v32 =	vbroadcast v54, $0x0;
	v12 =	vbroadcast v42, $0x0;
	v42 =	vadd.s32 v34, v27;
	v59 =	vld [tilespmem:s30+$0x0]  }
0x14e: {  	v60 =	vld [tilespmem:s22+$0xFFFFFE00];
	v37 =	vmul.f32 v37, v57;
	[tilespmem:v55+s28+$0x0] =	vst.idx.msk $0xffff, v2  }
0x14f: {  	vm15 =	veq.s32 v17, $0x0;
	v2 =	vadd.s32 v48, v32;
	v17 =	vadd.s32 v48, v12;
	v55 =	vld [tilespmem:s29+$0xB0]  }
0x150: {  	[tilespmem:v43+s28+$0x0] =	vst.idx.msk $0xffff, v37;
	v54 =	vsel vm15, $0x0, v46;
	v37 =	vmul.f32 v58, v56;
	v43 =	vperm.xlane v51, v61  }
0x151: {  	v7 =	vadd.s32 v18, v7;
	v58 =	vld [tilespmem:s0+$0xFFFFFEB0];
	v61 =	vperm.xlane v54, v47  }
0x152: {  	[tilespmem:v42+s28+$0x0] =	vst.idx.msk $0xffff, v37;
	v37 =	vmul.f32 v59, v43  }
0x153: {  	s16 =	simm.s32 $0xB;
	v1 =	vadd.s32 v18, v1;
	v42 =	vmul.f32 v60, v61;
	v59 =	vld [tilespmem:s31+$0xFFFFFF60]  }
0x154: {  	s17 =	simm.s32 $0x33;
	v60 =	vmov s16;
	[tilespmem:v17+s28+$0x0] =	vst.idx.msk $0xffff, v37;
	v17 =	vmul.f32 v55, v22  }
0x155: {  	v22 =	vshrl.u32 v60, $0x3;
	v60 =	vmov s17;
	[tilespmem:v2+s28+$0x0] =	vst.idx.msk $0xffff, v42;
	v2 =	vadd.s32 v35, v27;
	v42 =	vld [tilespmem:s30+$0x10]  }
0x156: {  	v22 =	vshll.u32 v22, v3;
	v62 =	vmul.f32 v58, v57;
	v37 =	vshrl.u32 v60, $0x3;
	v60 =	vld [tilespmem:s22+$0xFFFFFE10];
	[tilespmem:v7+s28+$0x0] =	vst.idx.msk $0xffff, v17  }
0x157: {  	v7 =	vshll.u32 v37, v3;
	v17 =	vadd.s32 v5, v12;
	v22 =	vbroadcast v22, $0x0;
	v37 =	vld [tilespmem:s29+$0xC0]  }
0x158: {  	[tilespmem:v1+s28+$0x0] =	vst.idx.msk $0xffff, v62;
	v1 =	vadd.s32 v5, v32;
	v62 =	vmul.f32 v59, v56  }
0x159: {  	v55 =	vimm.s32 $0xB;
	v7 =	vbroadcast v7, $0x0;
	v58 =	vld [tilespmem:s0+$0xFFFFFEC0];
	v59 =	vadd.s32 v20, v22  }
0x15a: {  	[tilespmem:v2+s28+$0x0] =	vst.idx.msk $0xffff, v62;
	v2 =	vmul.f32 v42, v43;
	v42 =	vperm.xlane v50, v55  }
0x15b: {  	v55 =	vadd.s32 v20, v7;
	v57 =	vmul.f32 v60, v61;
	v60 =	vld [tilespmem:s31+$0xFFFFFF70]  }
0x15c: {  	v62 =	vperm.xlane v53, v0;
	[tilespmem:v17+s28+$0x0] =	vst.idx.msk $0xffff, v2;
	v2 =	vmul.f32 v37, v42  }
0x15d: {  	[tilespmem:v1+s28+$0x0] =	vst.idx.msk $0xffff, v57;
	v1 =	vadd.s32 v36, v27;
	v17 =	vld [tilespmem:s30+$0x20]  }
0x15e: {  	v27 =	vmul.f32 v58, v62;
	v37 =	vld [tilespmem:s22+$0xFFFFFE20];
	[tilespmem:v59+s28+$0x0] =	vst.idx.msk $0xffff, v2  }
0x15f: {  	s18 =	simm.s32 $0x26;
	v2 =	vadd.s32 v6, v12;
	v57 =	vld [tilespmem:s29+$0xD0]  }
0x160: {  	[tilespmem:v55+s28+$0x0] =	vst.idx.msk $0xffff, v27;
	v27 =	vmov s18;
	v55 =	vadd.s32 v6, v32;
	v56 =	vmul.f32 v60, v56  }
0x161: {  	v59 =	vadd.s32 v21, v22;
	v60 =	vld [tilespmem:s0+$0xFFFFFED0];
	v27 =	vshrl.u32 v27, $0x3  }
0x162: {  	v27 =	vshll.u32 v27, v3;
	[tilespmem:v1+s28+$0x0] =	vst.idx.msk $0xffff, v56;
	v1 =	vmul.f32 v17, v43  }
0x163: {  	v17 =	vadd.s32 v21, v7;
	v37 =	vmul.f32 v37, v61;
	v56 =	vld [tilespmem:s31+$0xFFFFFF80];
	v27 =	vbroadcast v27, $0x0  }
0x164: {  	[tilespmem:v2+s28+$0x0] =	vst.idx.msk $0xffff, v1;
	v1 =	vmul.f32 v57, v42  }
0x165: {  	v0 =	vimm.s32 $0x6;
	[tilespmem:v55+s28+$0x0] =	vst.idx.msk $0xffff, v37;
	v2 =	vadd.s32 v38, v27;
	v37 =	vld [tilespmem:s30+$0x30]  }
0x166: {  	v58 =	vperm.xlane v52, v0;
	v60 =	vmul.f32 v60, v62;
	v57 =	vld [tilespmem:s22+$0xFFFFFE30];
	[tilespmem:v59+s28+$0x0] =	vst.idx.msk $0xffff, v1  }
0x167: {  	v1 =	vadd.s32 v8, v12;
	v12 =	vld [tilespmem:s29+$0xE0]  }
0x168: {  	s19 =	simm.s32 $0x19;
	s21 =	simm.s32 $0x41;
	[tilespmem:v17+s28+$0x0] =	vst.idx.msk $0xffff, v60;
	v17 =	vadd.s32 v8, v32;
	v32 =	vmul.f32 v56, v58  }
0x169: {  	v59 =	vmov s21;
	v56 =	vmov s19;
	v60 =	vadd.s32 v23, v22;
	v55 =	vld [tilespmem:s0+$0xFFFFFEE0]  }
0x16a: {  	v59 =	vshrl.u32 v59, $0x3;
	v56 =	vshrl.u32 v56, $0x3;
	[tilespmem:v2+s28+$0x0] =	vst.idx.msk $0xffff, v32;
	v2 =	vmul.f32 v37, v43  }
0x16b: {  	v32 =	vadd.s32 v23, v7;
	v56 =	vshll.u32 v56, v3;
	v37 =	vmul.f32 v57, v61;
	v43 =	vld [tilespmem:s31+$0xFFFFFF90]  }
0x16c: {  	v61 =	vshll.u32 v59, v3;
	[tilespmem:v1+s28+$0x0] =	vst.idx.msk $0xffff, v2;
	v1 =	vmul.f32 v12, v42  }
0x16d: {  	v2 =	vbroadcast v56, $0x0;
	[tilespmem:v17+s28+$0x0] =	vst.idx.msk $0xffff, v37;
	v12 =	vbroadcast v61, $0x0;
	v17 =	vadd.s32 v39, v27;
	v37 =	vld [tilespmem:s30+$0x40]  }
0x16e: {  	v55 =	vmul.f32 v55, v62;
	v56 =	vld [tilespmem:s22+$0xFFFFFE40];
	[tilespmem:v60+s28+$0x0] =	vst.idx.msk $0xffff, v1  }
0x16f: {  	v63 =	vimm.s32 $0x9;
	v57 =	vadd.s32 v9, v2;
	v1 =	vadd.s32 v9, v12;
	v59 =	vld [tilespmem:s29+$0xF0]  }
0x170: {  	[tilespmem:v32+s28+$0x0] =	vst.idx.msk $0xffff, v55;
	v32 =	vmul.f32 v43, v58;
	v43 =	vperm.xlane v51, v63  }
0x171: {  	v22 =	vadd.s32 v24, v22;
	v60 =	vperm.xlane v54, v44;
	v55 =	vld [tilespmem:s0+$0xFFFFFEF0]  }
0x172: {  	[tilespmem:v17+s28+$0x0] =	vst.idx.msk $0xffff, v32;
	v17 =	vmul.f32 v37, v43  }
0x173: {  	s4 =	simm.s32 $0xC;
	v7 =	vadd.s32 v24, v7;
	v32 =	vmul.f32 v56, v60;
	v37 =	vld [tilespmem:s31+$0xFFFFFFA0]  }
0x174: {  	s5 =	simm.s32 $0x34;
	v61 =	vmov s4;
	[tilespmem:v57+s28+$0x0] =	vst.idx.msk $0xffff, v17;
	v17 =	vmul.f32 v59, v42  }
0x175: {  	v63 =	vmov s5;
	v42 =	vshrl.u32 v61, $0x3;
	[tilespmem:v1+s28+$0x0] =	vst.idx.msk $0xffff, v32;
	v1 =	vadd.s32 v40, v27;
	v61 =	vld [tilespmem:s30+$0x50]  }
0x176: {  	v56 =	vshrl.u32 v63, $0x3;
	v42 =	vshll.u32 v42, v3;
	v55 =	vmul.f32 v55, v62;
	v63 =	vld [tilespmem:s22+$0xFFFFFE50];
	[tilespmem:v22+s28+$0x0] =	vst.idx.msk $0xffff, v17  }
0x177: {  	v17 =	vshll.u32 v56, v3;
	v22 =	vadd.s32 v10, v2;
	v42 =	vbroadcast v42, $0x0;
	v56 =	vld [tilespmem:s29+$0x100]  }
0x178: {  	[tilespmem:v7+s28+$0x0] =	vst.idx.msk $0xffff, v55;
	v7 =	vadd.s32 v10, v12;
	v37 =	vmul.f32 v37, v58  }
0x179: {  	v0 =	vimm.s32 $0xC;
	v17 =	vbroadcast v17, $0x0;
	v55 =	vld [tilespmem:s0+$0xFFFFFF00];
	v59 =	vadd.s32 v26, v42  }
0x17a: {  	v32 =	vperm.xlane v50, v0;
	[tilespmem:v1+s28+$0x0] =	vst.idx.msk $0xffff, v37;
	v1 =	vmul.f32 v61, v43  }
0x17b: {  	v0 =	vimm.s32 $0x4;
	v37 =	vadd.s32 v26, v17;
	v57 =	vmul.f32 v63, v60;
	v44 =	vld [tilespmem:s31+$0xFFFFFFB0]  }
0x17c: {  	v62 =	vperm.xlane v53, v0;
	[tilespmem:v22+s28+$0x0] =	vst.idx.msk $0xffff, v1;
	v1 =	vmul.f32 v56, v32  }
0x17d: {  	[tilespmem:v7+s28+$0x0] =	vst.idx.msk $0xffff, v57;
	v7 =	vadd.s32 v41, v27;
	v22 =	vld [tilespmem:s30+$0x60]  }
0x17e: {  	v27 =	vmul.f32 v55, v62;
	v55 =	vld [tilespmem:s22+$0xFFFFFE60];
	[tilespmem:v59+s28+$0x0] =	vst.idx.msk $0xffff, v1  }
0x17f: {  	s14 =	simm.s32 $0x27;
	v1 =	vadd.s32 v11, v2;
	v56 =	vld [tilespmem:s29+$0x110]  }
0x180: {  	[tilespmem:v37+s28+$0x0] =	vst.idx.msk $0xffff, v27;
	v27 =	vmov s14;
	v37 =	vadd.s32 v11, v12;
	v63 =	vmul.f32 v44, v58  }
0x181: {  	v61 =	vadd.s32 v28, v42;
	v44 =	vld [tilespmem:s0+$0xFFFFFF10];
	v27 =	vshrl.u32 v27, $0x3  }
0x182: {  	v27 =	vshll.u32 v27, v3;
	[tilespmem:v7+s28+$0x0] =	vst.idx.msk $0xffff, v63;
	v7 =	vmul.f32 v22, v43  }
0x183: {  	v22 =	vadd.s32 v28, v17;
	v55 =	vmul.f32 v55, v60;
	v57 =	vld [tilespmem:s31+$0xFFFFFFC0];
	v27 =	vbroadcast v27, $0x0  }
0x184: {  	[tilespmem:v1+s28+$0x0] =	vst.idx.msk $0xffff, v7;
	v1 =	vmul.f32 v56, v32  }
0x185: {  	v0 =	vimm.s32 $0x7;
	[tilespmem:v37+s28+$0x0] =	vst.idx.msk $0xffff, v55;
	v7 =	vadd.s32 v31, v27;
	v37 =	vld [tilespmem:s30+$0x70]  }
0x186: {  	v63 =	vmul.f32 v44, v62;
	v56 =	vld [tilespmem:s22+$0xFFFFFE70];
	v44 =	vperm.xlane v52, v0;
	[tilespmem:v61+s28+$0x0] =	vst.idx.msk $0xffff, v1  }
0x187: {  	v1 =	vadd.s32 v13, v2;
	v2 =	vld [tilespmem:s29+$0x120]  }
0x188: {  	v12 =	vadd.s32 v13, v12;
	[tilespmem:v22+s28+$0x0] =	vst.idx.msk $0xffff, v63;
	v22 =	vmul.f32 v57, v44  }
0x189: {  	s15 =	simm.s32 $0x1A;
	s16 =	simm.s32 $0x42;
	v59 =	vadd.s32 v29, v42;
	v55 =	vld [tilespmem:s0+$0xFFFFFF20]  }
0x18a: {  	v61 =	vmov s15;
	v63 =	vmov s16;
	[tilespmem:v7+s28+$0x0] =	vst.idx.msk $0xffff, v22;
	v7 =	vmul.f32 v37, v43  }
0x18b: {  	v57 =	vshrl.u32 v61, $0x3;
	v22 =	vadd.s32 v29, v17;
	v37 =	vmul.f32 v56, v60;
	v43 =	vld [tilespmem:s31+$0xFFFFFFD0]  }
0x18c: {  	v58 =	vshrl.u32 v63, $0x3;
	v60 =	vshll.u32 v57, v3;
	[tilespmem:v1+s28+$0x0] =	vst.idx.msk $0xffff, v7;
	v1 =	vmul.f32 v2, v32  }
0x18d: {  	v57 =	vshll.u32 v58, v3;
	v63 =	vbroadcast v60, $0x0;
	[tilespmem:v12+s28+$0x0] =	vst.idx.msk $0xffff, v37;
	v2 =	vadd.s32 v4, v27;
	v7 =	vld [tilespmem:s30+$0x80]  }
0x18e: {  	v49 =	vmovc v19;
	v19 =	vimm.s32 $0xA;
	v60 =	vbroadcast v57, $0x0;
	v12 =	vmul.f32 v55, v62;
	v37 =	vld [tilespmem:s22+$0xFFFFFE80];
	[tilespmem:v59+s28+$0x0] =	vst.idx.msk $0xffff, v1  }
0x18f: {  	v58 =	vperm.xlane v51, v19;
	v55 =	vadd.s32 v14, v63;
	v61 =	vld [tilespmem:s29+$0x130]  }
0x190: {  	v1 =	vadd.s32 v14, v60;
	[tilespmem:v22+s28+$0x0] =	vst.idx.msk $0xffff, v12;
	v12 =	vmul.f32 v43, v44  }
0x191: {  	v42 =	vadd.s32 v30, v42;
	v59 =	vperm.xlane v54, v45;
	v22 =	vld [tilespmem:s0+$0xFFFFFF30]  }
0x192: {  	[tilespmem:v2+s28+$0x0] =	vst.idx.msk $0xffff, v12;
	v2 =	vmul.f32 v7, v58  }
0x193: {  	s17 =	simm.s32 $0xD;
	v7 =	vadd.s32 v30, v17;
	v12 =	vmul.f32 v37, v59;
	v17 =	vld [tilespmem:s31+$0xFFFFFFE0]  }
0x194: {  	s18 =	simm.s32 $0x35;
	v57 =	vmov s17;
	[tilespmem:v55+s28+$0x0] =	vst.idx.msk $0xffff, v2;
	v2 =	vmul.f32 v61, v32  }
0x195: {  	v43 =	vmov s18;
	v61 =	vshrl.u32 v57, $0x3;
	[tilespmem:v1+s28+$0x0] =	vst.idx.msk $0xffff, v12;
	v1 =	vadd.s32 v49, v27;
	v12 =	vld [tilespmem:s30+$0x90]  }
0x196: {  	v37 =	vshrl.u32 v43, $0x3;
	v32 =	vshll.u32 v61, v3;
	v22 =	vmul.f32 v22, v62;
	v45 =	vld [tilespmem:s22+$0xFFFFFE90];
	[tilespmem:v42+s28+$0x0] =	vst.idx.msk $0xffff, v2  }
0x197: {  	v19 =	vmovc v49;
	v49 =	vadd.s32 v15, v63;
	v2 =	vshll.u32 v37, v3;
	v56 =	vbroadcast v32, $0x0;
	v42 =	vld [tilespmem:s29+$0x140]  }
0x198: {  	[tilespmem:v7+s28+$0x0] =	vst.idx.msk $0xffff, v22;
	v7 =	vadd.s32 v15, v60;
	v17 =	vmul.f32 v17, v44  }
0x199: {  	v0 =	vimm.s32 $0xD;
	v62 =	vbroadcast v2, $0x0;
	v2 =	vld [tilespmem:s0+$0xFFFFFF40];
	v22 =	vadd.s32 v33, v56  }
0x19a: {  	v57 =	vperm.xlane v50, v0;
	[tilespmem:v1+s28+$0x0] =	vst.idx.msk $0xffff, v17;
	v1 =	vmul.f32 v12, v58  }
0x19b: {  	v0 =	vimm.s32 $0x5;
	v32 =	vadd.s32 v33, v62;
	v12 =	vmul.f32 v45, v59;
	v43 =	vld [tilespmem:s31+$0xFFFFFFF0]  }
0x19c: {  	v61 =	vperm.xlane v53, v0;
	[tilespmem:v49+s28+$0x0] =	vst.idx.msk $0xffff, v1;
	v1 =	vmul.f32 v42, v57  }
0x19d: {  	[tilespmem:v7+s28+$0x0] =	vst.idx.msk $0xffff, v12;
	v12 =	vld [tilespmem:s30+$0xA0];
	v7 =	vadd.s32 v25, v27  }
0x19e: {  	s2 =	smov.u32 s22;
	s21 =	simm.s32 $0x28;
	v0 =	vimm.s32 $0xE;
	v2 =	vmul.f32 v2, v61;
	v17 =	vld [tilespmem:s22+$0xFFFFFEA0];
	[tilespmem:v22+s28+$0x0] =	vst.idx.msk $0xffff, v1  }
0x19f: {  	s19 =	simm.s32 $0x50;
	s5 =	simm.s32 $0x4F;
	s15 =	sadd.s32 $0x10, s1;
	v37 =	vadd.s32 v16, v60;
	v45 =	vmov s21;
	v27 =	vadd.s32 v16, v63;
	v22 =	vld [tilespmem:s29+$0x150]  }
0x1a0: {  	s14 =	simm.s32 $0x3F;
	s1 =	simm.s32 $0x6F;
	s16 =	simm.s32 $0xF;
	v45 =	vshrl.u32 v45, $0x3;
	v42 =	vld [tilespmem:s15+$0x0];
	v1 =	vmov s19;
	[tilespmem:v32+s28+$0x0] =	vst.idx.msk $0xffff, v2;
	v2 =	vmul.f32 v43, v44  }
0x1a1: {  	s17 =	simm.s32 $0x5F;
	s18 =	simm.s32 $0x2F;
	v49 =	vmovc v25;
	v25 =	vmovc v4;
	s19 =	simm.s32 $0x1F;
	v55 =	vshrl.u32 v1, $0x3;
	v43 =	vshll.u32 v45, v3;
	v1 =	vadd.s32 v34, v56;
	v32 =	vld [tilespmem:s0+$0xFFFFFF50]  }
.LBB2_3:
0x1a2: {  	p0 =	sne.s32 s1, $0x7F;
	v55 =	vshll.u32 v55, v3;
	[tilespmem:v7+s28+$0x0] =	vst.idx.msk $0xffff, v2;
	v7 =	vbroadcast v43, $0x0;
	v12 =	vmul.f32 v12, v58  }
0x1a3: {  	s22 =	sadd.s32 $0x400, s22;
	v43 =	vadd.s32 v34, v62;
	v2 =	vbroadcast v55, $0x0;
	v17 =	vmul.f32 v17, v59;
	v44 =	vld [tilespmem:s31+$0x0]  }
0x1a4: {  	v4 =	vimm.s32 $0x8;
	v45 =	vld [tilespmem:s22+$0xFFFFFE00];
	[tilespmem:v27+s28+$0x0] =	vst.idx.msk $0xffff, v12;
	v12 =	vmul.f32 v22, v57  }
0x1a5: {  	vm0 =	veq.s32 v42, $0x0;
	v27 =	vadd.s32 v48, v2;
	[tilespmem:v37+s28+$0x0] =	vst.idx.msk $0xffff, v17;
	v37 =	vadd.s32 v48, v7;
	v42 =	vld [tilespmem:s30+$0xB0]  }
0x1a6: {  	v17 =	vperm.xlane v52, v4;
	v55 =	vsel vm0, $0x0, v46;
	v46 =	vld [tilespmem:s2+$0xFFFFFEB0];
	v32 =	vmul.f32 v32, v61;
	[tilespmem:v1+s28+$0x0] =	vst.idx.msk $0xffff, v12  }
0x1a7: {  	s4 =	sadd.s32 $0xFFFFFFFC, s19;
	v1 =	vadd.s32 v18, v63;
	v22 =	vperm.xlane v55, v47;
	v12 =	vld [tilespmem:s29+$0x160]  }
0x1a8: {  	v60 =	vadd.s32 v18, v60;
	[tilespmem:v43+s28+$0x0] =	vst.idx.msk $0xffff, v32;
	v32 =	vmul.f32 v44, v17;
	v43 =	vmov s4  }
0x1a9: {  	v63 =	vadd.s32 v35, v56;
	s4 =	sadd.s32 $0xFFFFFFF4, s5;
	v44 =	vmul.f32 v45, v22;
	v45 =	vld [tilespmem:s0+$0xFFFFFF60];
	v43 =	vshrl.u32 v43, $0x3  }
0x1aa: {  	v47 =	vmov s4;
	[tilespmem:v37+s28+$0x0] =	vst.idx.msk $0xffff, v32;
	v32 =	vmul.f32 v42, v58;
	v37 =	vshll.u32 v43, v3  }
0x1ab: {  	v42 =	vshrl.u32 v47, $0x3;
	[tilespmem:v27+s28+$0x0] =	vst.idx.msk $0xffff, v44;
	v27 =	vmul.f32 v46, v59;
	v44 =	vadd.s32 v35, v62;
	v46 =	vld [tilespmem:s31+$0x10]  }
0x1ac: {  	v42 =	vshll.u32 v42, v3;
	v47 =	vld [tilespmem:s22+$0xFFFFFE10];
	[tilespmem:v1+s28+$0x0] =	vst.idx.msk $0xffff, v32;
	v1 =	vmul.f32 v12, v57  }
0x1ad: {  	v43 =	vbroadcast v37, $0x0;
	v12 =	vbroadcast v42, $0x0;
	v42 =	vadd.s32 v5, v7;
	[tilespmem:v60+s28+$0x0] =	vst.idx.msk $0xffff, v27;
	v58 =	vld [tilespmem:s30+$0xC0]  }
0x1ae: {  	v37 =	vadd.s32 v5, v2;
	v59 =	vld [tilespmem:s2+$0xFFFFFEC0];
	v27 =	vmul.f32 v45, v61;
	[tilespmem:v63+s28+$0x0] =	vst.idx.msk $0xffff, v1  }
0x1af: {  	v4 =	vimm.s32 $0xB;
	v1 =	vadd.s32 v20, v12;
	v45 =	vadd.s32 v20, v43;
	v60 =	vld [tilespmem:s29+$0x170]  }
0x1b0: {  	v32 =	vperm.xlane v51, v4;
	v4 =	vimm.s32 $0x3;
	[tilespmem:v44+s28+$0x0] =	vst.idx.msk $0xffff, v27;
	v44 =	vmul.f32 v46, v17  }
0x1b1: {  	v56 =	vadd.s32 v36, v56;
	v27 =	vperm.xlane v54, v4;
	v46 =	vmul.f32 v47, v22;
	v47 =	vld [tilespmem:s0+$0xFFFFFF70]  }
0x1b2: {  	s4 =	sadd.s32 $0xFFFFFFFF, s16;
	[tilespmem:v42+s28+$0x0] =	vst.idx.msk $0xffff, v44;
	v42 =	vmul.f32 v58, v32  }
0x1b3: {  	v44 =	vadd.s32 v36, v62;
	v58 =	vmov s4;
	[tilespmem:v37+s28+$0x0] =	vst.idx.msk $0xffff, v46;
	v37 =	vmul.f32 v59, v27;
	v46 =	vld [tilespmem:s31+$0x20]  }
0x1b4: {  	s4 =	sadd.s32 $0xFFFFFFF7, s14;
	v59 =	vld [tilespmem:s22+$0xFFFFFE20];
	[tilespmem:v45+s28+$0x0] =	vst.idx.msk $0xffff, v42;
	v42 =	vmul.f32 v60, v57;
	v45 =	vshrl.u32 v58, $0x3  }
0x1b5: {  	v57 =	vadd.s32 v6, v7;
	[tilespmem:v1+s28+$0x0] =	vst.idx.msk $0xffff, v37;
	v1 =	vmov s4;
	v58 =	vld [tilespmem:s30+$0xD0];
	v37 =	vshll.u32 v45, v3  }
0x1b6: {  	v45 =	vadd.s32 v6, v2;
	v60 =	vld [tilespmem:s2+$0xFFFFFED0];
	v47 =	vmul.f32 v47, v61;
	v1 =	vshrl.u32 v1, $0x3;
	[tilespmem:v56+s28+$0x0] =	vst.idx.msk $0xffff, v42  }
0x1b7: {  	v56 =	vadd.s32 v21, v43;
	v37 =	vbroadcast v37, $0x0;
	v1 =	vshll.u32 v1, v3;
	v61 =	vld [tilespmem:s29+$0x180]  }
0x1b8: {  	v62 =	vadd.s32 v21, v12;
	[tilespmem:v44+s28+$0x0] =	vst.idx.msk $0xffff, v47;
	v44 =	vmul.f32 v46, v17  }
0x1b9: {  	v42 =	vbroadcast v1, $0x0;
	v46 =	vmul.f32 v59, v22;
	v47 =	vld [tilespmem:s0+$0xFFFFFF80];
	v59 =	vadd.s32 v38, v37  }
0x1ba: {  	v63 =	vperm.xlane v50, v0;
	[tilespmem:v57+s28+$0x0] =	vst.idx.msk $0xffff, v44;
	v44 =	vmul.f32 v58, v32  }
0x1bb: {  	v1 =	vimm.s32 $0x6;
	[tilespmem:v45+s28+$0x0] =	vst.idx.msk $0xffff, v46;
	v45 =	vmul.f32 v60, v27;
	v46 =	vadd.s32 v38, v42;
	v57 =	vld [tilespmem:s31+$0x30]  }
0x1bc: {  	v1 =	vperm.xlane v53, v1;
	v58 =	vld [tilespmem:s22+$0xFFFFFE30];
	[tilespmem:v56+s28+$0x0] =	vst.idx.msk $0xffff, v44;
	v44 =	vmul.f32 v61, v63  }
0x1bd: {  	v7 =	vadd.s32 v8, v7;
	s4 =	sadd.s32 $0xFFFFFFFA, s18;
	[tilespmem:v62+s28+$0x0] =	vst.idx.msk $0xffff, v45;
	v45 =	vld [tilespmem:s30+$0xE0]  }
0x1be: {  	s21 =	sadd.s32 $0xFFFFFFF2, s17;
	v2 =	vadd.s32 v8, v2;
	v56 =	vmov s4;
	v61 =	vld [tilespmem:s2+$0xFFFFFEE0];
	v47 =	vmul.f32 v47, v1;
	[tilespmem:v59+s28+$0x0] =	vst.idx.msk $0xffff, v44  }
0x1bf: {  	v4 =	vmovc v48;
	v56 =	vshrl.u32 v56, $0x3;
	v44 =	vmov s21;
	v59 =	vadd.s32 v23, v43;
	v62 =	vld [tilespmem:s29+$0x190]  }
0x1c0: {  	v48 =	vadd.s32 v23, v12;
	v44 =	vshrl.u32 v44, $0x3;
	[tilespmem:v46+s28+$0x0] =	vst.idx.msk $0xffff, v47;
	v17 =	vmul.f32 v57, v17  }
0x1c1: {  	v47 =	vshll.u32 v56, v3;
	v57 =	vadd.s32 v39, v37;
	v22 =	vmul.f32 v58, v22;
	v46 =	vld [tilespmem:s0+$0xFFFFFF90]  }
0x1c2: {  	v44 =	vshll.u32 v44, v3;
	v60 =	vbroadcast v47, $0x0;
	[tilespmem:v7+s28+$0x0] =	vst.idx.msk $0xffff, v17;
	v7 =	vmul.f32 v45, v32  }
0x1c3: {  	v56 =	vbroadcast v44, $0x0;
	v17 =	vadd.s32 v39, v42;
	[tilespmem:v2+s28+$0x0] =	vst.idx.msk $0xffff, v22;
	v2 =	vmul.f32 v61, v27;
	v22 =	vld [tilespmem:s31+$0x40]  }
0x1c4: {  	v44 =	vld [tilespmem:s22+$0xFFFFFE40];
	[tilespmem:v59+s28+$0x0] =	vst.idx.msk $0xffff, v7;
	v7 =	vmul.f32 v62, v63  }
0x1c5: {  	v58 =	vimm.s32 $0x9;
	v45 =	vadd.s32 v9, v56;
	[tilespmem:v48+s28+$0x0] =	vst.idx.msk $0xffff, v2;
	v2 =	vadd.s32 v9, v60;
	v47 =	vld [tilespmem:s30+$0xF0]  }
0x1c6: {  	v58 =	vperm.xlane v52, v58;
	v48 =	vld [tilespmem:s2+$0xFFFFFEF0];
	v46 =	vmul.f32 v46, v1;
	[tilespmem:v57+s28+$0x0] =	vst.idx.msk $0xffff, v7;
	v7 =	vimm.s32 $0x1  }
0x1c7: {  	s4 =	sadd.s32 $0xFFFFFFFD, s19;
	v59 =	vperm.xlane v55, v7;
	v7 =	vadd.s32 v24, v43;
	v43 =	vld [tilespmem:s29+$0x1A0]  }
0x1c8: {  	v12 =	vadd.s32 v24, v12;
	[tilespmem:v17+s28+$0x0] =	vst.idx.msk $0xffff, v46;
	v17 =	vmul.f32 v22, v58;
	v22 =	vmov s4  }
0x1c9: {  	v61 =	vadd.s32 v40, v37;
	s4 =	sadd.s32 $0xFFFFFFF5, s5;
	v44 =	vmul.f32 v44, v59;
	v46 =	vld [tilespmem:s0+$0xFFFFFFA0];
	v22 =	vshrl.u32 v22, $0x3  }
0x1ca: {  	v57 =	vmov s4;
	[tilespmem:v2+s28+$0x0] =	vst.idx.msk $0xffff, v17;
	v2 =	vmul.f32 v47, v32;
	v17 =	vshll.u32 v22, v3  }
0x1cb: {  	v32 =	vadd.s32 v40, v42;
	[tilespmem:v45+s28+$0x0] =	vst.idx.msk $0xffff, v44;
	v22 =	vmul.f32 v48, v27;
	v27 =	vshrl.u32 v57, $0x3;
	v44 =	vld [tilespmem:s31+$0x50]  }
0x1cc: {  	v45 =	vld [tilespmem:s22+$0xFFFFFE50];
	v27 =	vshll.u32 v27, v3;
	[tilespmem:v7+s28+$0x0] =	vst.idx.msk $0xffff, v2;
	v2 =	vmul.f32 v43, v63  }
0x1cd: {  	v17 =	vbroadcast v17, $0x0;
	v7 =	vadd.s32 v10, v60;
	[tilespmem:v12+s28+$0x0] =	vst.idx.msk $0xffff, v22;
	v57 =	vbroadcast v27, $0x0;
	v12 =	vld [tilespmem:s30+$0x100]  }
0x1ce: {  	v22 =	vadd.s32 v10, v56;
	v27 =	vld [tilespmem:s2+$0xFFFFFF00];
	v43 =	vmul.f32 v46, v1;
	[tilespmem:v61+s28+$0x0] =	vst.idx.msk $0xffff, v2  }
0x1cf: {  	v46 =	vadd.s32 v26, v17;
	v2 =	vadd.s32 v26, v57;
	v47 =	vld [tilespmem:s29+$0x1B0]  }
0x1d0: {  	[tilespmem:v32+s28+$0x0] =	vst.idx.msk $0xffff, v43;
	v43 =	vimm.s32 $0xC  }
0x1d1: {  	v32 =	vmul.f32 v44, v58;
	v44 =	vimm.s32 $0x4;
	v62 =	vperm.xlane v51, v43  }
0x1d2: {  	v37 =	vadd.s32 v41, v37;
	v43 =	vmul.f32 v45, v59;
	v61 =	vperm.xlane v54, v44;
	v44 =	vld [tilespmem:s0+$0xFFFFFFB0]  }
0x1d3: {  	[tilespmem:v7+s28+$0x0] =	vst.idx.msk $0xffff, v32;
	v7 =	vmul.f32 v12, v62  }
0x1d4: {  	v12 =	vmul.f32 v27, v61;
	v32 =	vmov s16;
	s16 =	smov.u32 s19;
	s19 =	smov.u32 s18;
	s18 =	smov.u32 s14;
	[tilespmem:v22+s28+$0x0] =	vst.idx.msk $0xffff, v43;
	v22 =	vadd.s32 v41, v42;
	v27 =	vld [tilespmem:s31+$0x60]  }
0x1d5: {  	s14 =	smov.u32 s5;
	s5 =	smov.u32 s17;
	s4 =	sadd.s32 $0xFFFFFFF8, s18;
	v32 =	vshrl.u32 v32, $0x3;
	v42 =	vld [tilespmem:s22+$0xFFFFFE60];
	[tilespmem:v46+s28+$0x0] =	vst.idx.msk $0xffff, v7;
	v7 =	vmul.f32 v47, v63  }
0x1d6: {  	s17 =	smov.u32 s1;
	v43 =	vadd.s32 v11, v60;
	[tilespmem:v2+s28+$0x0] =	vst.idx.msk $0xffff, v12;
	v2 =	vmov s4;
	v45 =	vld [tilespmem:s30+$0x110];
	v12 =	vshll.u32 v32, v3  }
0x1d7: {  	v32 =	vadd.s32 v11, v56;
	v46 =	vld [tilespmem:s2+$0xFFFFFF10];
	v1 =	vmul.f32 v44, v1;
	v2 =	vshrl.u32 v2, $0x3;
	[tilespmem:v37+s28+$0x0] =	vst.idx.msk $0xffff, v7  }
0x1d8: {  	v37 =	vadd.s32 v28, v17;
	v7 =	vbroadcast v12, $0x0;
	v2 =	vshll.u32 v2, v3;
	v44 =	vld [tilespmem:s29+$0x1C0]  }
0x1d9: {  	v47 =	vadd.s32 v28, v57;
	[tilespmem:v22+s28+$0x0] =	vst.idx.msk $0xffff, v1;
	v1 =	vmul.f32 v27, v58  }
0x1da: {  	v12 =	vbroadcast v2, $0x0;
	v22 =	vmul.f32 v42, v59;
	v27 =	vld [tilespmem:s0+$0xFFFFFFC0];
	v42 =	vadd.s32 v31, v7  }
0x1db: {  	[tilespmem:v43+s28+$0x0] =	vst.idx.msk $0xffff, v1;
	v1 =	vimm.s32 $0xF  }
0x1dc: {  	v43 =	vmul.f32 v45, v62;
	v2 =	vperm.xlane v50, v1;
	v50 =	vmov v51  }
0x1dd: {  	v51 =	vmovc v52;
	v1 =	vimm.s32 $0x7;
	[tilespmem:v32+s28+$0x0] =	vst.idx.msk $0xffff, v22;
	v22 =	vmul.f32 v46, v61;
	v32 =	vadd.s32 v31, v12;
	v45 =	vld [tilespmem:s31+$0x70]  }
0x1de: {  	v52 =	vmov v53;
	v1 =	vperm.xlane v53, v1;
	v46 =	vld [tilespmem:s22+$0xFFFFFE70];
	[tilespmem:v37+s28+$0x0] =	vst.idx.msk $0xffff, v43;
	v37 =	vmul.f32 v44, v2  }
0x1df: {  	s4 =	sadd.s32 $0xFFFFFFFB, s19;
	v53 =	vmov v54;
	v54 =	vmov v55;
	[tilespmem:v47+s28+$0x0] =	vst.idx.msk $0xffff, v22;
	v22 =	vadd.s32 v13, v60;
	v43 =	vld [tilespmem:s30+$0x120]  }
0x1e0: {  	s21 =	sadd.s32 $0xFFFFFFF3, s5;
	v48 =	vmov s4;
	v44 =	vadd.s32 v13, v56;
	v27 =	vmul.f32 v27, v1;
	v47 =	vld [tilespmem:s2+$0xFFFFFF20];
	[tilespmem:v42+s28+$0x0] =	vst.idx.msk $0xffff, v37  }
0x1e1: {  	v37 =	vmov s21;
	v42 =	vshrl.u32 v48, $0x3;
	v48 =	vadd.s32 v29, v17;
	v55 =	vld [tilespmem:s29+$0x1D0]  }
0x1e2: {  	v56 =	vadd.s32 v29, v57;
	v37 =	vshrl.u32 v37, $0x3;
	[tilespmem:v32+s28+$0x0] =	vst.idx.msk $0xffff, v27;
	v27 =	vmul.f32 v45, v58  }
0x1e3: {  	v42 =	vshll.u32 v42, v3;
	v32 =	vmul.f32 v46, v59;
	v45 =	vld [tilespmem:s0+$0xFFFFFFD0];
	v46 =	vadd.s32 v25, v7  }
0x1e4: {  	v37 =	vshll.u32 v37, v3;
	v63 =	vbroadcast v42, $0x0;
	[tilespmem:v22+s28+$0x0] =	vst.idx.msk $0xffff, v27;
	v22 =	vmul.f32 v43, v62  }
0x1e5: {  	v60 =	vbroadcast v37, $0x0;
	[tilespmem:v44+s28+$0x0] =	vst.idx.msk $0xffff, v32;
	v27 =	vmul.f32 v47, v61;
	v32 =	vadd.s32 v25, v12;
	v37 =	vld [tilespmem:s31+$0x80]  }
0x1e6: {  	v42 =	vld [tilespmem:s22+$0xFFFFFE80];
	[tilespmem:v48+s28+$0x0] =	vst.idx.msk $0xffff, v22;
	v22 =	vmul.f32 v55, v2  }
0x1e7: {  	v43 =	vadd.s32 v14, v60;
	v48 =	vimm.s32 $0xA;
	[tilespmem:v56+s28+$0x0] =	vst.idx.msk $0xffff, v27;
	v27 =	vadd.s32 v14, v63;
	v44 =	vld [tilespmem:s30+$0x130]  }
0x1e8: {  	v58 =	vperm.xlane v51, v48;
	v47 =	vld [tilespmem:s2+$0xFFFFFF30];
	v45 =	vmul.f32 v45, v1;
	[tilespmem:v46+s28+$0x0] =	vst.idx.msk $0xffff, v22;
	v22 =	vimm.s32 $0x2  }
0x1e9: {  	s4 =	sadd.s32 $0xFFFFFFFE, s16;
	v17 =	vadd.s32 v30, v17;
	v59 =	vperm.xlane v54, v22;
	v22 =	vld [tilespmem:s29+$0x1E0]  }
0x1ea: {  	v46 =	vadd.s32 v30, v57;
	[tilespmem:v32+s28+$0x0] =	vst.idx.msk $0xffff, v45;
	v32 =	vmul.f32 v37, v58;
	v37 =	vmov s4  }
0x1eb: {  	v48 =	vadd.s32 v19, v7;
	s4 =	sadd.s32 $0xFFFFFFF6, s14;
	v42 =	vmul.f32 v42, v59;
	v45 =	vld [tilespmem:s0+$0xFFFFFFE0];
	v37 =	vshrl.u32 v37, $0x3  }
0x1ec: {  	v55 =	vmov s4;
	[tilespmem:v27+s28+$0x0] =	vst.idx.msk $0xffff, v32;
	v27 =	vmul.f32 v44, v62;
	v32 =	vshll.u32 v37, v3  }
0x1ed: {  	[tilespmem:v43+s28+$0x0] =	vst.idx.msk $0xffff, v42;
	v37 =	vmul.f32 v47, v61;
	v42 =	vshrl.u32 v55, $0x3;
	v43 =	vadd.s32 v19, v12;
	v44 =	vld [tilespmem:s31+$0x90]  }
0x1ee: {  	v47 =	vld [tilespmem:s22+$0xFFFFFE90];
	v42 =	vshll.u32 v42, v3;
	[tilespmem:v17+s28+$0x0] =	vst.idx.msk $0xffff, v27;
	v17 =	vmul.f32 v22, v2  }
0x1ef: {  	v56 =	vbroadcast v32, $0x0;
	v22 =	vadd.s32 v15, v63;
	[tilespmem:v46+s28+$0x0] =	vst.idx.msk $0xffff, v37;
	v62 =	vbroadcast v42, $0x0;
	v27 =	vld [tilespmem:s30+$0x140]  }
0x1f0: {  	v32 =	vadd.s32 v15, v60;
	v37 =	vld [tilespmem:s2+$0xFFFFFF40];
	v42 =	vmul.f32 v45, v1;
	[tilespmem:v48+s28+$0x0] =	vst.idx.msk $0xffff, v17  }
0x1f1: {  	v46 =	vadd.s32 v33, v56;
	v45 =	vadd.s32 v33, v62;
	v48 =	vld [tilespmem:s29+$0x1F0];
	s29 =	smov.u32 s30;
	s30 =	smov.u32 s31;
	s31 =	smov.u32 s0  }
0x1f2: {  	[tilespmem:v43+s28+$0x0] =	vst.idx.msk $0xffff, v42;
	v17 =	vmul.f32 v44, v58;
	v42 =	vimm.s32 $0xD  }
0x1f3: {  	s0 =	smov.u32 s2;
	s2 =	smov.u32 s22;
	v43 =	vimm.s32 $0x5;
	v44 =	vadd.s32 v49, v7;
	v57 =	vperm.xlane v50, v42  }
0x1f4: {  	v42 =	vmul.f32 v47, v59;
	v47 =	vimm.s32 $0x0;
	v61 =	vperm.xlane v53, v43;
	v43 =	vld [tilespmem:s31+$0xFFFFFFF0]  }
0x1f5: {  	[tilespmem:v22+s28+$0x0] =	vst.idx.msk $0xffff, v17;
	v22 =	vmul.f32 v27, v57  }
.Ltmp0:
0x1f6: {  	v7 =	vadd.s32 v49, v12;
	v27 =	vmul.f32 v37, v61;
	[tilespmem:v32+s28+$0x0] =	vst.idx.msk $0xffff, v42;
	v12 =	vld [tilespmem:s30+$0xA0];
	(pc) =	sbr.rel @p0 .LBB2_3-.Ltmp0, $4  }
0x1f7: {  	s21 =	sadd.s32 $0xFFFFFFF9, s18;
	s4 =	sadd.s32 $0xFFFFFFF1, s1;
	v37 =	vadd.s32 v16, v60;
	v32 =	vmul.f32 v48, v2;
	v48 =	vmov v4;
	v17 =	vld [tilespmem:s22+$0xFFFFFEA0];
	[tilespmem:v46+s28+$0x0] =	vst.idx.msk $0xffff, v22  }
0x1f8: {  	s15 =	sadd.s32 $0x10, s15;
	v46 =	vmov s4;
	[tilespmem:v45+s28+$0x0] =	vst.idx.msk $0xffff, v27;
	v45 =	vmov s21;
	v27 =	vadd.s32 v16, v63;
	v22 =	vld [tilespmem:s29+$0x150]  }
0x1f9: {  	v55 =	vshrl.u32 v46, $0x3;
	v42 =	vld [tilespmem:s15+$0x0];
	v2 =	vmul.f32 v43, v1;
	v1 =	vshrl.u32 v45, $0x3;
	[tilespmem:v44+s28+$0x0] =	vst.idx.msk $0xffff, v32  }
0x1fa: {  	s1 =	sadd.s32 $0x10, s1;
	v46 =	vimm.f32 $8.000000000e+00;
	v32 =	vld [tilespmem:s0+$0xFFFFFF50];
	v43 =	vshll.u32 v1, v3;
	v1 =	vadd.s32 v34, v56  }
0x1fb: {  	_ = 	snop  }
0x1fc: {  	v44 =	vshll.u32 v55, v3;
	s22 =	sadd.s32 $0x400, s22  }
0x1fd: {  	v44 =	vbroadcast v44, $0x0;
	v45 =	vld [tilespmem:s22+$0xFFFFFE00]  }
0x1fe: {  	v12 =	vmul.f32 v12, v58;
	v22 =	vmul.f32 v22, v57;
	vm0 =	veq.s32 v42, $0x0  }
0x1ff: {  	[tilespmem:v7+s28+$0x0] =	vst.idx.msk $0xffff, v2;
	v0 =	vbroadcast v43, $0x0;
	v42 =	vadd.s32 v48, v44;
	v55 =	vsel vm0, $0x0, v46  }
0x200: {  	v2 =	vmul.f32 v17, v59;
	v17 =	vld [tilespmem:s31+$0x0];
	[tilespmem:v1+s28+$0x0] =	vst.idx.msk $0xffff, v22;
	v7 =	vperm.xlane v55, v47  }
0x201: {  	[tilespmem:v27+s28+$0x0] =	vst.idx.msk $0xffff, v12;
	v12 =	vadd.s32 v34, v62;
	v22 =	vld [tilespmem:s29+$0x160]  }
0x202: {  	[tilespmem:v37+s28+$0x0] =	vst.idx.msk $0xffff, v2;
	v2 =	vld [tilespmem:s30+$0xB0];
	v37 =	vadd.s32 v48, v0;
	v27 =	vmul.f32 v45, v7;
	v45 =	vmovc v0;
	v0 =	vimm.s32 $0x8  }
0x203: {  	v43 =	vld [tilespmem:s2+$0xFFFFFEB0];
	v46 =	vadd.s32 v35, v56;
	v0 =	vperm.xlane v52, v0  }
0x204: {  	v63 =	vadd.s32 v18, v63;
	[tilespmem:v42+s28+$0x0] =	vst.idx.msk $0xffff, v27;
	v27 =	vmul.f32 v32, v61  }
0x205: {  	s1 =	sadd.s32 $0xFFFFFFFC, s19;
	v32 =	vadd.s32 v18, v60;
	v42 =	vld [tilespmem:s22+$0xFFFFFE10];
	v1 =	vmul.f32 v17, v0  }
0x206: {  	v17 =	vmov s1;
	v22 =	vmul.f32 v22, v57;
	[tilespmem:v12+s28+$0x0] =	vst.idx.msk $0xffff, v27  }
0x207: {  	s4 =	sadd.s32 $0xFFFFFFF4, s5;
	v2 =	vmul.f32 v2, v58;
	v12 =	vshrl.u32 v17, $0x3;
	v17 =	vadd.s32 v5, v44;
	v27 =	vld [tilespmem:s0+$0xFFFFFF60];
	[tilespmem:v37+s28+$0x0] =	vst.idx.msk $0xffff, v1  }
0x208: {  	v58 =	vmov s4;
	v1 =	vmul.f32 v43, v59;
	[tilespmem:v46+s28+$0x0] =	vst.idx.msk $0xffff, v22;
	v47 =	vld [tilespmem:s31+$0x10]  }
0x209: {  	v60 =	vshrl.u32 v58, $0x3;
	[tilespmem:v63+s28+$0x0] =	vst.idx.msk $0xffff, v2;
	v12 =	vshll.u32 v12, v3;
	v43 =	vadd.s32 v35, v62;
	v58 =	vld [tilespmem:s29+$0x170]  }
0x20a: {  	v2 =	vshll.u32 v60, v3;
	v59 =	vbroadcast v12, $0x0;
	[tilespmem:v32+s28+$0x0] =	vst.idx.msk $0xffff, v1;
	v1 =	vld [tilespmem:s30+$0xC0];
	v12 =	vmul.f32 v42, v7  }
0x20b: {  	v2 =	vbroadcast v2, $0x0;
	v32 =	vadd.s32 v5, v45;
	v37 =	vld [tilespmem:s2+$0xFFFFFEC0]  }
0x20c: {  	v42 =	vadd.s32 v20, v59;
	[tilespmem:v17+s28+$0x0] =	vst.idx.msk $0xffff, v12;
	v12 =	vmul.f32 v27, v61;
	v27 =	vimm.s32 $0xB  }
0x20d: {  	v46 =	vimm.s32 $0x3;
	v17 =	vadd.s32 v20, v2;
	v60 =	vperm.xlane v51, v27  }
0x20e: {  	v63 =	vmov v45;
	v45 =	vperm.xlane v54, v46;
	v22 =	vmul.f32 v47, v0;
	[tilespmem:v43+s28+$0x0] =	vst.idx.msk $0xffff, v12  }
0x20f: {  	v27 =	vld [tilespmem:s22+$0xFFFFFE20];
	v1 =	vmul.f32 v1, v60;
	[tilespmem:$0x1FFE0] =	vst v58  }
0x210: {  	[tilespmem:v32+s28+$0x0] =	vst.idx.msk $0xffff, v22;
	v22 =	vmul.f32 v37, v45  }
0x211: {  	[tilespmem:v42+s28+$0x0] =	vst.idx.msk $0xffff, v1  }
0x212: {  	[tilespmem:v17+s28+$0x0] =	vst.idx.msk $0xffff, v22;
	v17 =	vld [tilespmem:s30+$0xD0]  }
0x213: {  	v12 =	vadd.s32 v6, v44;
	_ =	sdelay $0x2  }
0x214: {  	v58 =	vld [tilespmem:s0+$0xFFFFFF70];
	v1 =	vmul.f32 v27, v7  }
0x215: {  	v47 =	vld [tilespmem:s31+$0x20];
	[tilespmem:$0x1FFD0] =	vst v17  }
0x216: {  	[tilespmem:v12+s28+$0x0] =	vst.idx.msk $0xffff, v1  }
0x217: {  	v1 =	vld [tilespmem:s22+$0xFFFFFE30];
	_ =	sdelay $0x1  }
0x218: {  	v12 =	vadd.s32 v8, v44;
	_ =	sdelay $0x1  }
0x219: {  	s15 =	sadd.s32 $0xFFFFFFF2, s17  }
0x21a: {  	v17 =	vmov s15;
	v1 =	vmul.f32 v1, v7  }
0x21b: {  	v7 =	vshrl.u32 v17, $0x3  }
0x21c: {  	v7 =	vshll.u32 v7, v3;
	[tilespmem:v12+s28+$0x0] =	vst.idx.msk $0xffff, v1  }
0x21d: {  	v1 =	vbroadcast v7, $0x0;
	v7 =	vld [tilespmem:s22+$0xFFFFFE40];
	_ =	sdelay $0x1  }
0x21e: {  	v17 =	vimm.s32 $0x1;
	v12 =	vadd.s32 v9, v1  }
0x21f: {  	v17 =	vperm.xlane v55, v17;
	_ =	sdelay $0x1  }
0x220: {  	v7 =	vmul.f32 v7, v17;
	_ =	sdelay $0x1  }
0x221: {  	[tilespmem:v12+s28+$0x0] =	vst.idx.msk $0xffff, v7  }
0x222: {  	v7 =	vld [tilespmem:s22+$0xFFFFFE50];
	_ =	sdelay $0x1  }
0x223: {  	v12 =	vadd.s32 v10, v1;
	_ =	sdelay $0x2  }
0x224: {  	v7 =	vmul.f32 v7, v17;
	_ =	sdelay $0x1  }
0x225: {  	[tilespmem:v12+s28+$0x0] =	vst.idx.msk $0xffff, v7  }
0x226: {  	v7 =	vld [tilespmem:s22+$0xFFFFFE60];
	_ =	sdelay $0x1  }
0x227: {  	v12 =	vadd.s32 v11, v1;
	_ =	sdelay $0x2  }
0x228: {  	v7 =	vmul.f32 v7, v17;
	_ =	sdelay $0x1  }
0x229: {  	[tilespmem:v12+s28+$0x0] =	vst.idx.msk $0xffff, v7  }
0x22a: {  	v7 =	vld [tilespmem:s22+$0xFFFFFE70];
	_ =	sdelay $0x1  }
0x22b: {  	v1 =	vadd.s32 v13, v1;
	_ =	sdelay $0x1  }
0x22c: {  	s21 =	sadd.s32 $0xFFFFFFF3, s17  }
0x22d: {  	v12 =	vmov s21;
	v7 =	vmul.f32 v7, v17  }
0x22e: {  	v12 =	vshrl.u32 v12, $0x3  }
0x22f: {  	v12 =	vshll.u32 v12, v3;
	[tilespmem:v1+s28+$0x0] =	vst.idx.msk $0xffff, v7  }
0x230: {  	v1 =	vbroadcast v12, $0x0;
	v7 =	vld [tilespmem:s22+$0xFFFFFE80];
	_ =	sdelay $0x1  }
0x231: {  	v17 =	vimm.s32 $0x2;
	v12 =	vadd.s32 v14, v1  }
0x232: {  	v17 =	vperm.xlane v55, v17;
	_ =	sdelay $0x1  }
0x233: {  	v7 =	vmul.f32 v7, v17;
	_ =	sdelay $0x1  }
0x234: {  	[tilespmem:v12+s28+$0x0] =	vst.idx.msk $0xffff, v7  }
0x235: {  	v7 =	vld [tilespmem:s22+$0xFFFFFE90];
	_ =	sdelay $0x1  }
0x236: {  	v12 =	vadd.s32 v15, v1;
	_ =	sdelay $0x2  }
0x237: {  	v7 =	vmul.f32 v7, v17;
	_ =	sdelay $0x1  }
0x238: {  	[tilespmem:v12+s28+$0x0] =	vst.idx.msk $0xffff, v7  }
0x239: {  	v7 =	vld [tilespmem:s22+$0xFFFFFEA0];
	_ =	sdelay $0x1  }
0x23a: {  	v12 =	vadd.s32 v16, v1;
	_ =	sdelay $0x2  }
0x23b: {  	v7 =	vmul.f32 v7, v17;
	_ =	sdelay $0x1  }
0x23c: {  	[tilespmem:v12+s28+$0x0] =	vst.idx.msk $0xffff, v7  }
0x23d: {  	v7 =	vld [tilespmem:s22+$0xFFFFFEB0];
	_ =	sdelay $0x1  }
0x23e: {  	v1 =	vadd.s32 v18, v1;
	_ =	sdelay $0x1  }
0x23f: {  	s4 =	sadd.s32 $0xFFFFFFF4, s17  }
0x240: {  	v12 =	vmov s4;
	v7 =	vmul.f32 v7, v17  }
0x241: {  	v12 =	vshrl.u32 v12, $0x3  }
0x242: {  	v12 =	vshll.u32 v12, v3;
	[tilespmem:v1+s28+$0x0] =	vst.idx.msk $0xffff, v7  }
0x243: {  	v1 =	vbroadcast v12, $0x0;
	v7 =	vld [tilespmem:s22+$0xFFFFFEC0];
	_ =	sdelay $0x1  }
0x244: {  	v12 =	vadd.s32 v20, v1  }
0x245: {  	v17 =	vperm.xlane v55, v46;
	_ =	sdelay $0x1  }
0x246: {  	v7 =	vmul.f32 v7, v17  }
0x247: {  	v22 =	vld [tilespmem:s2+$0xFFFFFED0]  }
0x248: {  	[tilespmem:v12+s28+$0x0] =	vst.idx.msk $0xffff, v7  }
0x249: {  	v12 =	vadd.s32 v21, v2;
	v7 =	vld [tilespmem:s22+$0xFFFFFED0];
	_ =	sdelay $0x1  }
0x24a: {  	v27 =	vadd.s32 v21, v1  }
0x24b: {  	v22 =	vmul.f32 v22, v45;
	_ =	sdelay $0x1  }
0x24c: {  	[tilespmem:v12+s28+$0x0] =	vst.idx.msk $0xffff, v22;
	v7 =	vmul.f32 v7, v17  }
0x24d: {  	v12 =	vld [tilespmem:s2+$0xFFFFFEE0]  }
0x24e: {  	[tilespmem:v27+s28+$0x0] =	vst.idx.msk $0xffff, v7  }
0x24f: {  	v22 =	vadd.s32 v23, v2;
	v7 =	vld [tilespmem:s22+$0xFFFFFEE0];
	_ =	sdelay $0x1  }
0x250: {  	v27 =	vadd.s32 v23, v1  }
0x251: {  	v12 =	vmul.f32 v12, v45;
	_ =	sdelay $0x1  }
0x252: {  	[tilespmem:v22+s28+$0x0] =	vst.idx.msk $0xffff, v12;
	v7 =	vmul.f32 v7, v17  }
0x253: {  	v12 =	vld [tilespmem:s2+$0xFFFFFEF0]  }
0x254: {  	[tilespmem:v27+s28+$0x0] =	vst.idx.msk $0xffff, v7  }
0x255: {  	v2 =	vadd.s32 v24, v2;
	v7 =	vld [tilespmem:s22+$0xFFFFFEF0];
	_ =	sdelay $0x1  }
0x256: {  	s15 =	sadd.s32 $0xFFFFFFF5, s5;
	v1 =	vadd.s32 v24, v1  }
0x257: {  	v22 =	vmov s15;
	v12 =	vmul.f32 v12, v45  }
0x258: {  	s21 =	sadd.s32 $0xFFFFFFF5, s17;
	v22 =	vshrl.u32 v22, $0x3  }
0x259: {  	v27 =	vmov s21;
	[tilespmem:v2+s28+$0x0] =	vst.idx.msk $0xffff, v12;
	v7 =	vmul.f32 v7, v17;
	v17 =	vshll.u32 v22, v3  }
0x25a: {  	v2 =	vshrl.u32 v27, $0x3;
	v12 =	vbroadcast v17, $0x0;
	v17 =	vld [tilespmem:s2+$0xFFFFFF00]  }
0x25b: {  	v2 =	vshll.u32 v2, v3;
	[tilespmem:v1+s28+$0x0] =	vst.idx.msk $0xffff, v7  }
0x25c: {  	v43 =	vimm.s32 $0x4;
	v1 =	vbroadcast v2, $0x0;
	v2 =	vld [tilespmem:s22+$0xFFFFFF00];
	v7 =	vadd.s32 v26, v12  }
0x25d: {  	v22 =	vperm.xlane v54, v43  }
0x25e: {  	v27 =	vadd.s32 v26, v1  }
0x25f: {  	v32 =	vperm.xlane v55, v43;
	v17 =	vmul.f32 v17, v22;
	_ =	sdelay $0x1  }
0x260: {  	v2 =	vmul.f32 v2, v32;
	[tilespmem:v7+s28+$0x0] =	vst.idx.msk $0xffff, v17  }
0x261: {  	v7 =	vld [tilespmem:s2+$0xFFFFFF10]  }
0x262: {  	[tilespmem:v27+s28+$0x0] =	vst.idx.msk $0xffff, v2  }
0x263: {  	v17 =	vadd.s32 v28, v12;
	v2 =	vld [tilespmem:s22+$0xFFFFFF10];
	_ =	sdelay $0x1  }
0x264: {  	v27 =	vadd.s32 v28, v1  }
0x265: {  	v7 =	vmul.f32 v7, v22;
	_ =	sdelay $0x1  }
0x266: {  	v2 =	vmul.f32 v2, v32;
	[tilespmem:v17+s28+$0x0] =	vst.idx.msk $0xffff, v7  }
0x267: {  	v7 =	vld [tilespmem:s2+$0xFFFFFF20]  }
0x268: {  	[tilespmem:v27+s28+$0x0] =	vst.idx.msk $0xffff, v2  }
0x269: {  	v17 =	vadd.s32 v29, v12;
	v2 =	vld [tilespmem:s22+$0xFFFFFF20];
	_ =	sdelay $0x1  }
0x26a: {  	v27 =	vadd.s32 v29, v1  }
0x26b: {  	v7 =	vmul.f32 v7, v22;
	_ =	sdelay $0x1  }
0x26c: {  	v2 =	vmul.f32 v2, v32;
	[tilespmem:v17+s28+$0x0] =	vst.idx.msk $0xffff, v7  }
0x26d: {  	v7 =	vld [tilespmem:s2+$0xFFFFFF30]  }
0x26e: {  	[tilespmem:v27+s28+$0x0] =	vst.idx.msk $0xffff, v2  }
0x26f: {  	v12 =	vadd.s32 v30, v12;
	v2 =	vld [tilespmem:s22+$0xFFFFFF30];
	_ =	sdelay $0x1  }
0x270: {  	s4 =	sadd.s32 $0xFFFFFFF6, s5;
	v1 =	vadd.s32 v30, v1  }
0x271: {  	v17 =	vmov s4;
	v7 =	vmul.f32 v7, v22  }
0x272: {  	s15 =	sadd.s32 $0xFFFFFFF6, s17;
	v17 =	vshrl.u32 v17, $0x3  }
0x273: {  	v17 =	vshll.u32 v17, v3;
	v22 =	vmov s15;
	v2 =	vmul.f32 v2, v32;
	[tilespmem:v12+s28+$0x0] =	vst.idx.msk $0xffff, v7  }
0x274: {  	v7 =	vshrl.u32 v22, $0x3;
	v12 =	vbroadcast v17, $0x0;
	v17 =	vld [tilespmem:s2+$0xFFFFFF40]  }
0x275: {  	v7 =	vshll.u32 v7, v3;
	[tilespmem:v1+s28+$0x0] =	vst.idx.msk $0xffff, v2  }
0x276: {  	v44 =	vimm.s32 $0x5;
	v1 =	vbroadcast v7, $0x0;
	v7 =	vadd.s32 v33, v12;
	v2 =	vld [tilespmem:s22+$0xFFFFFF40]  }
0x277: {  	v22 =	vperm.xlane v54, v44  }
0x278: {  	v27 =	vadd.s32 v33, v1  }
0x279: {  	v32 =	vperm.xlane v55, v44;
	v17 =	vmul.f32 v17, v22;
	_ =	sdelay $0x1  }
0x27a: {  	v2 =	vmul.f32 v2, v32;
	[tilespmem:v7+s28+$0x0] =	vst.idx.msk $0xffff, v17  }
0x27b: {  	v7 =	vld [tilespmem:s2+$0xFFFFFF50]  }
0x27c: {  	[tilespmem:v27+s28+$0x0] =	vst.idx.msk $0xffff, v2  }
0x27d: {  	v17 =	vadd.s32 v34, v12;
	v2 =	vld [tilespmem:s22+$0xFFFFFF50];
	_ =	sdelay $0x1  }
0x27e: {  	v27 =	vadd.s32 v34, v1  }
0x27f: {  	v7 =	vmul.f32 v7, v22;
	_ =	sdelay $0x1  }
0x280: {  	v2 =	vmul.f32 v2, v32;
	[tilespmem:v17+s28+$0x0] =	vst.idx.msk $0xffff, v7  }
0x281: {  	v7 =	vld [tilespmem:s2+$0xFFFFFF60]  }
0x282: {  	[tilespmem:v27+s28+$0x0] =	vst.idx.msk $0xffff, v2  }
0x283: {  	v17 =	vadd.s32 v35, v12;
	v2 =	vld [tilespmem:s22+$0xFFFFFF60];
	_ =	sdelay $0x1  }
0x284: {  	v27 =	vadd.s32 v35, v1  }
0x285: {  	v7 =	vmul.f32 v7, v22;
	_ =	sdelay $0x1  }
0x286: {  	v45 =	vadd.s32 v36, v62;
	v2 =	vmul.f32 v2, v32;
	[tilespmem:v17+s28+$0x0] =	vst.idx.msk $0xffff, v7  }
0x287: {  	s21 =	sadd.s32 $0xFFFFFFF7, s14;
	v7 =	vld [tilespmem:s2+$0xFFFFFF70]  }
0x288: {  	v17 =	vmov s21;
	[tilespmem:v27+s28+$0x0] =	vst.idx.msk $0xffff, v2  }
0x289: {  	v12 =	vadd.s32 v36, v12;
	v17 =	vshrl.u32 v17, $0x3;
	v27 =	vmul.f32 v58, v61;
	v2 =	vld [tilespmem:s22+$0xFFFFFF70]  }
0x28a: {  	v17 =	vshll.u32 v17, v3  }
0x28b: {  	s4 =	sadd.s32 $0xFFFFFFF7, s5;
	v1 =	vadd.s32 v36, v1;
	v17 =	vbroadcast v17, $0x0;
	[tilespmem:v45+s28+$0x0] =	vst.idx.msk $0xffff, v27  }
0x28c: {  	v46 =	vmov s4;
	v27 =	vld [tilespmem:s0+$0xFFFFFF80];
	v7 =	vmul.f32 v7, v22  }
0x28d: {  	v62 =	vimm.s32 $0x6;
	s15 =	sadd.s32 $0xFFFFFFF7, s17;
	v61 =	vadd.s32 v38, v17;
	v22 =	vshrl.u32 v46, $0x3  }
0x28e: {  	v58 =	vmov s15;
	v22 =	vshll.u32 v22, v3;
	v2 =	vmul.f32 v2, v32;
	[tilespmem:v12+s28+$0x0] =	vst.idx.msk $0xffff, v7  }
0x28f: {  	v7 =	vshrl.u32 v58, $0x3;
	v12 =	vperm.xlane v53, v62;
	v22 =	vbroadcast v22, $0x0;
	v46 =	vld [tilespmem:s2+$0xFFFFFF80]  }
0x290: {  	v7 =	vshll.u32 v7, v3;
	[tilespmem:v1+s28+$0x0] =	vst.idx.msk $0xffff, v2  }
0x291: {  	v2 =	vbroadcast v7, $0x0;
	v7 =	vmul.f32 v27, v12;
	v27 =	vadd.s32 v38, v22;
	v1 =	vld [tilespmem:s22+$0xFFFFFF80]  }
0x292: {  	v42 =	vperm.xlane v54, v62  }
0x293: {  	v58 =	vadd.s32 v38, v2;
	[tilespmem:v61+s28+$0x0] =	vst.idx.msk $0xffff, v7  }
0x294: {  	v7 =	vperm.xlane v55, v62;
	v32 =	vld [tilespmem:s0+$0xFFFFFF90];
	v37 =	vmul.f32 v46, v42;
	_ =	sdelay $0x1  }
0x295: {  	v61 =	vadd.s32 v39, v17;
	v1 =	vmul.f32 v1, v7;
	[tilespmem:v27+s28+$0x0] =	vst.idx.msk $0xffff, v37  }
0x296: {  	v27 =	vld [tilespmem:s2+$0xFFFFFF90]  }
0x297: {  	[tilespmem:v58+s28+$0x0] =	vst.idx.msk $0xffff, v1  }
0x298: {  	v62 =	vadd.s32 v39, v22;
	v32 =	vmul.f32 v32, v12;
	v1 =	vld [tilespmem:s22+$0xFFFFFF90];
	_ =	sdelay $0x1  }
0x299: {  	v58 =	vadd.s32 v39, v2;
	[tilespmem:v61+s28+$0x0] =	vst.idx.msk $0xffff, v32  }
0x29a: {  	v32 =	vld [tilespmem:s0+$0xFFFFFFA0];
	v27 =	vmul.f32 v27, v42;
	_ =	sdelay $0x1  }
0x29b: {  	v61 =	vadd.s32 v40, v17;
	v1 =	vmul.f32 v1, v7;
	[tilespmem:v62+s28+$0x0] =	vst.idx.msk $0xffff, v27  }
0x29c: {  	v27 =	vld [tilespmem:s2+$0xFFFFFFA0]  }
0x29d: {  	[tilespmem:v58+s28+$0x0] =	vst.idx.msk $0xffff, v1  }
0x29e: {  	v62 =	vadd.s32 v40, v22;
	v32 =	vmul.f32 v32, v12;
	v1 =	vld [tilespmem:s22+$0xFFFFFFA0];
	_ =	sdelay $0x1  }
0x29f: {  	v45 =	vadd.s32 v40, v2;
	[tilespmem:v61+s28+$0x0] =	vst.idx.msk $0xffff, v32  }
0x2a0: {  	v32 =	vld [tilespmem:s0+$0xFFFFFFB0];
	v27 =	vmul.f32 v27, v42;
	_ =	sdelay $0x1  }
0x2a1: {  	v17 =	vadd.s32 v41, v17;
	v1 =	vmul.f32 v1, v7;
	[tilespmem:v62+s28+$0x0] =	vst.idx.msk $0xffff, v27  }
0x2a2: {  	v27 =	vld [tilespmem:s2+$0xFFFFFFB0]  }
0x2a3: {  	s21 =	sadd.s32 $0xFFFFFFF8, s14;
	[tilespmem:v45+s28+$0x0] =	vst.idx.msk $0xffff, v1  }
0x2a4: {  	v46 =	vmov s21;
	v22 =	vadd.s32 v41, v22;
	v12 =	vmul.f32 v32, v12;
	v1 =	vld [tilespmem:s22+$0xFFFFFFB0]  }
0x2a5: {  	s4 =	sadd.s32 $0xFFFFFFF8, s5;
	v58 =	vshrl.u32 v46, $0x3  }
0x2a6: {  	v2 =	vadd.s32 v41, v2;
	v61 =	vmov s4;
	v32 =	vshll.u32 v58, v3;
	[tilespmem:v17+s28+$0x0] =	vst.idx.msk $0xffff, v12  }
0x2a7: {  	s15 =	sadd.s32 $0xFFFFFFF8, s17;
	v17 =	vbroadcast v32, $0x0;
	v32 =	vshrl.u32 v61, $0x3;
	v12 =	vld [tilespmem:s0+$0xFFFFFFC0];
	v27 =	vmul.f32 v27, v42  }
0x2a8: {  	v62 =	vmov s15;
	v32 =	vshll.u32 v32, v3  }
0x2a9: {  	v45 =	vmovc v31;
	v1 =	vmul.f32 v1, v7;
	v7 =	vadd.s32 v31, v17;
	[tilespmem:v22+s28+$0x0] =	vst.idx.msk $0xffff, v27;
	v31 =	vimm.s32 $0x7  }
0x2aa: {  	v32 =	vbroadcast v32, $0x0;
	v22 =	vshrl.u32 v62, $0x3;
	v27 =	vperm.xlane v53, v31;
	v46 =	vld [tilespmem:s2+$0xFFFFFFC0]  }
0x2ab: {  	v22 =	vshll.u32 v22, v3;
	[tilespmem:v2+s28+$0x0] =	vst.idx.msk $0xffff, v1  }
0x2ac: {  	v2 =	vbroadcast v22, $0x0;
	v22 =	vadd.s32 v45, v32;
	v1 =	vld [tilespmem:s22+$0xFFFFFFC0];
	v12 =	vmul.f32 v12, v27  }
0x2ad: {  	v42 =	vperm.xlane v54, v31  }
0x2ae: {  	v43 =	vadd.s32 v45, v2;
	[tilespmem:v7+s28+$0x0] =	vst.idx.msk $0xffff, v12  }
0x2af: {  	v7 =	vperm.xlane v55, v31;
	v12 =	vld [tilespmem:s0+$0xFFFFFFD0];
	v37 =	vmul.f32 v46, v42;
	_ =	sdelay $0x1  }
0x2b0: {  	v58 =	vadd.s32 v25, v17;
	v1 =	vmul.f32 v1, v7;
	[tilespmem:v22+s28+$0x0] =	vst.idx.msk $0xffff, v37  }
0x2b1: {  	v22 =	vld [tilespmem:s2+$0xFFFFFFD0]  }
0x2b2: {  	[tilespmem:v43+s28+$0x0] =	vst.idx.msk $0xffff, v1  }
0x2b3: {  	v61 =	vadd.s32 v25, v32;
	v1 =	vld [tilespmem:s22+$0xFFFFFFD0];
	v12 =	vmul.f32 v12, v27;
	_ =	sdelay $0x1  }
0x2b4: {  	v62 =	vadd.s32 v25, v2;
	[tilespmem:v58+s28+$0x0] =	vst.idx.msk $0xffff, v12  }
0x2b5: {  	v12 =	vld [tilespmem:s0+$0xFFFFFFE0];
	v22 =	vmul.f32 v22, v42;
	_ =	sdelay $0x1  }
0x2b6: {  	v58 =	vadd.s32 v19, v17;
	v1 =	vmul.f32 v1, v7;
	[tilespmem:v61+s28+$0x0] =	vst.idx.msk $0xffff, v22  }
0x2b7: {  	v22 =	vld [tilespmem:s2+$0xFFFFFFE0]  }
0x2b8: {  	[tilespmem:v62+s28+$0x0] =	vst.idx.msk $0xffff, v1  }
0x2b9: {  	v61 =	vadd.s32 v19, v32;
	v1 =	vld [tilespmem:s22+$0xFFFFFFE0];
	v12 =	vmul.f32 v12, v27;
	_ =	sdelay $0x1  }
0x2ba: {  	v62 =	vadd.s32 v19, v2;
	[tilespmem:v58+s28+$0x0] =	vst.idx.msk $0xffff, v12  }
0x2bb: {  	v12 =	vld [tilespmem:s0+$0xFFFFFFF0];
	v22 =	vmul.f32 v22, v42;
	_ =	sdelay $0x1  }
0x2bc: {  	v17 =	vadd.s32 v49, v17;
	v1 =	vmul.f32 v1, v7;
	[tilespmem:v61+s28+$0x0] =	vst.idx.msk $0xffff, v22  }
0x2bd: {  	v22 =	vld [tilespmem:s2+$0xFFFFFFF0]  }
0x2be: {  	s21 =	sadd.s32 $0xFFFFFFF9, s14;
	[tilespmem:v62+s28+$0x0] =	vst.idx.msk $0xffff, v1  }
0x2bf: {  	v43 =	vmov s21;
	v1 =	vld [tilespmem:s22+$0xFFFFFFF0];
	v12 =	vmul.f32 v12, v27;
	v27 =	vadd.s32 v49, v32  }
0x2c0: {  	s4 =	sadd.s32 $0xFFFFFFF9, s5;
	v44 =	vshrl.u32 v43, $0x3  }
0x2c1: {  	v45 =	vmov s4;
	v2 =	vadd.s32 v49, v2;
	v32 =	vshll.u32 v44, v3;
	[tilespmem:v17+s28+$0x0] =	vst.idx.msk $0xffff, v12  }
0x2c2: {  	v12 =	vbroadcast v32, $0x0;
	v32 =	vshrl.u32 v45, $0x3;
	v17 =	vld [tilespmem:s0+$0x0];
	v22 =	vmul.f32 v22, v42  }
0x2c3: {  	s15 =	sadd.s32 $0xFFFFFFF9, s17;
	v31 =	vimm.s32 $0x8;
	v32 =	vshll.u32 v32, v3  }
0x2c4: {  	v46 =	vmov s15;
	v1 =	vmul.f32 v1, v7;
	v7 =	vadd.s32 v48, v12;
	[tilespmem:v27+s28+$0x0] =	vst.idx.msk $0xffff, v22  }
0x2c5: {  	v32 =	vbroadcast v32, $0x0;
	v22 =	vshrl.u32 v46, $0x3;
	v27 =	vperm.xlane v53, v31;
	v58 =	vld [tilespmem:s2+$0x0]  }
0x2c6: {  	v22 =	vshll.u32 v22, v3;
	[tilespmem:v2+s28+$0x0] =	vst.idx.msk $0xffff, v1  }
0x2c7: {  	v1 =	vbroadcast v22, $0x0;
	v22 =	vadd.s32 v48, v32;
	v2 =	vld [tilespmem:s22+$0x0];
	v17 =	vmul.f32 v17, v27  }
0x2c8: {  	v42 =	vperm.xlane v54, v31  }
0x2c9: {  	v31 =	vimm.s32 $0x8;
	v61 =	vadd.s32 v48, v1;
	[tilespmem:v7+s28+$0x0] =	vst.idx.msk $0xffff, v17  }
0x2ca: {  	v7 =	vperm.xlane v55, v31;
	v17 =	vld [tilespmem:s0+$0x10];
	v37 =	vmul.f32 v58, v42;
	_ =	sdelay $0x1  }
0x2cb: {  	v62 =	vadd.s32 v5, v12;
	v2 =	vmul.f32 v2, v7;
	[tilespmem:v22+s28+$0x0] =	vst.idx.msk $0xffff, v37  }
0x2cc: {  	v22 =	vld [tilespmem:s2+$0x10]  }
0x2cd: {  	[tilespmem:v61+s28+$0x0] =	vst.idx.msk $0xffff, v2  }
0x2ce: {  	v48 =	vadd.s32 v5, v32;
	v2 =	vld [tilespmem:s22+$0x10];
	v17 =	vmul.f32 v17, v27;
	_ =	sdelay $0x1  }
0x2cf: {  	v58 =	vadd.s32 v5, v1;
	[tilespmem:v62+s28+$0x0] =	vst.idx.msk $0xffff, v17  }
0x2d0: {  	v17 =	vld [tilespmem:s0+$0x20];
	v22 =	vmul.f32 v22, v42  }
0x2d1: {  	v61 =	vadd.s32 v6, v63  }
0x2d2: {  	v62 =	vadd.s32 v6, v12;
	v2 =	vmul.f32 v2, v7;
	[tilespmem:v48+s28+$0x0] =	vst.idx.msk $0xffff, v22  }
0x2d3: {  	v22 =	vld [tilespmem:s2+$0x20]  }
0x2d4: {  	[tilespmem:v58+s28+$0x0] =	vst.idx.msk $0xffff, v2;
	v2 =	vmul.f32 v47, v0  }
0x2d5: {  	v58 =	vadd.s32 v6, v32;
	v48 =	vld [tilespmem:s22+$0x20];
	v17 =	vmul.f32 v17, v27  }
0x2d6: {  	[tilespmem:v61+s28+$0x0] =	vst.idx.msk $0xffff, v2  }
0x2d7: {  	v2 =	vadd.s32 v6, v1;
	v44 =	vld [tilespmem:s31+$0x30];
	[tilespmem:v62+s28+$0x0] =	vst.idx.msk $0xffff, v17  }
0x2d8: {  	v17 =	vld [tilespmem:s0+$0x30];
	v22 =	vmul.f32 v22, v42  }
0x2d9: {  	v61 =	vadd.s32 v8, v63  }
0x2da: {  	v37 =	vmul.f32 v48, v7;
	[tilespmem:v58+s28+$0x0] =	vst.idx.msk $0xffff, v22  }
0x2db: {  	s4 =	sadd.s32 $0xFFFFFFFA, s14;
	s21 =	sadd.s32 $0xFFFFFFFA, s18;
	v12 =	vadd.s32 v8, v12;
	v47 =	vimm.s32 $0x9;
	v43 =	vld [tilespmem:s2+$0x30]  }
0x2dc: {  	v63 =	vmov s4;
	v62 =	vmov s21;
	[tilespmem:v2+s28+$0x0] =	vst.idx.msk $0xffff, v37;
	v2 =	vmul.f32 v44, v0  }
0x2dd: {  	v46 =	vshrl.u32 v62, $0x3;
	v37 =	vld [tilespmem:s22+$0x30];
	v17 =	vmul.f32 v17, v27;
	v27 =	vadd.s32 v8, v32  }
0x2de: {  	s15 =	sadd.s32 $0xFFFFFFFA, s5;
	v1 =	vadd.s32 v8, v1;
	v22 =	vshll.u32 v46, v3;
	v48 =	vshrl.u32 v63, $0x3;
	[tilespmem:v61+s28+$0x0] =	vst.idx.msk $0xffff, v2  }
0x2df: {  	v22 =	vbroadcast v22, $0x0;
	v32 =	vshll.u32 v48, v3;
	v61 =	vmov s15;
	v58 =	vld [tilespmem:s31+$0x40]  }
0x2e0: {  	[tilespmem:v12+s28+$0x0] =	vst.idx.msk $0xffff, v17;
	v12 =	vbroadcast v32, $0x0;
	v32 =	vshrl.u32 v61, $0x3;
	v42 =	vmul.f32 v43, v42  }
0x2e1: {  	v45 =	vperm.xlane v52, v47;
	s21 =	sadd.s32 $0xFFFFFFFA, s17;
	v2 =	vadd.s32 v9, v22;
	v17 =	vld [tilespmem:s0+$0x40];
	v32 =	vshll.u32 v32, v3  }
0x2e2: {  	v62 =	vmov s21;
	v63 =	vadd.s32 v9, v12;
	v7 =	vmul.f32 v37, v7;
	[tilespmem:v27+s28+$0x0] =	vst.idx.msk $0xffff, v42  }
0x2e3: {  	v32 =	vbroadcast v32, $0x0;
	v27 =	vshrl.u32 v62, $0x3;
	v42 =	vperm.xlane v53, v47;
	v48 =	vld [tilespmem:s2+$0x40]  }
0x2e4: {  	v27 =	vshll.u32 v27, v3;
	[tilespmem:v1+s28+$0x0] =	vst.idx.msk $0xffff, v7;
	v1 =	vmul.f32 v58, v45  }
0x2e5: {  	v7 =	vbroadcast v27, $0x0;
	v58 =	vadd.s32 v9, v32;
	v27 =	vld [tilespmem:s22+$0x40]  }
0x2e6: {  	v17 =	vmul.f32 v17, v42;
	[tilespmem:v2+s28+$0x0] =	vst.idx.msk $0xffff, v1;
	v1 =	vperm.xlane v54, v47  }
0x2e7: {  	v2 =	vadd.s32 v9, v7;
	v61 =	vld [tilespmem:s31+$0x50]  }
0x2e8: {  	[tilespmem:v63+s28+$0x0] =	vst.idx.msk $0xffff, v17;
	v17 =	vperm.xlane v55, v47;
	v43 =	vmul.f32 v48, v1  }
0x2e9: {  	v62 =	vadd.s32 v10, v22  }
0x2ea: {  	v37 =	vld [tilespmem:s0+$0x50];
	v27 =	vmul.f32 v27, v17;
	[tilespmem:v58+s28+$0x0] =	vst.idx.msk $0xffff, v43  }
0x2eb: {  	v43 =	vld [tilespmem:s2+$0x50]  }
0x2ec: {  	v63 =	vadd.s32 v10, v12;
	[tilespmem:v2+s28+$0x0] =	vst.idx.msk $0xffff, v27;
	v2 =	vmul.f32 v61, v45  }
0x2ed: {  	v58 =	vadd.s32 v10, v32;
	v27 =	vld [tilespmem:s22+$0x50]  }
0x2ee: {  	[tilespmem:v62+s28+$0x0] =	vst.idx.msk $0xffff, v2  }
0x2ef: {  	v37 =	vmul.f32 v37, v42;
	v2 =	vadd.s32 v10, v7;
	v61 =	vld [tilespmem:s31+$0x60]  }
0x2f0: {  	v43 =	vmul.f32 v43, v1  }
0x2f1: {  	v62 =	vadd.s32 v11, v22;
	[tilespmem:v63+s28+$0x0] =	vst.idx.msk $0xffff, v37  }
0x2f2: {  	v37 =	vld [tilespmem:s0+$0x60];
	v27 =	vmul.f32 v27, v17;
	[tilespmem:v58+s28+$0x0] =	vst.idx.msk $0xffff, v43  }
0x2f3: {  	v43 =	vld [tilespmem:s2+$0x60]  }
0x2f4: {  	v63 =	vadd.s32 v11, v12;
	[tilespmem:v2+s28+$0x0] =	vst.idx.msk $0xffff, v27;
	v2 =	vmul.f32 v61, v45  }
0x2f5: {  	v58 =	vadd.s32 v11, v32;
	v27 =	vld [tilespmem:s22+$0x60]  }
0x2f6: {  	[tilespmem:v62+s28+$0x0] =	vst.idx.msk $0xffff, v2  }
0x2f7: {  	v37 =	vmul.f32 v37, v42;
	v2 =	vadd.s32 v11, v7;
	v61 =	vld [tilespmem:s31+$0x70]  }
0x2f8: {  	v43 =	vmul.f32 v43, v1  }
0x2f9: {  	v22 =	vadd.s32 v13, v22;
	[tilespmem:v63+s28+$0x0] =	vst.idx.msk $0xffff, v37  }
0x2fa: {  	v37 =	vld [tilespmem:s0+$0x70];
	v27 =	vmul.f32 v27, v17;
	[tilespmem:v58+s28+$0x0] =	vst.idx.msk $0xffff, v43  }
0x2fb: {  	s4 =	sadd.s32 $0xFFFFFFFB, s18;
	v44 =	vld [tilespmem:s2+$0x70]  }
0x2fc: {  	v12 =	vadd.s32 v13, v12;
	v62 =	vmov s4;
	[tilespmem:v2+s28+$0x0] =	vst.idx.msk $0xffff, v27;
	v2 =	vmul.f32 v61, v45  }
0x2fd: {  	s21 =	sadd.s32 $0xFFFFFFFB, s5;
	v32 =	vadd.s32 v13, v32;
	v7 =	vadd.s32 v13, v7;
	v47 =	vshrl.u32 v62, $0x3;
	v48 =	vld [tilespmem:s22+$0x70]  }
0x2fe: {  	s15 =	sadd.s32 $0xFFFFFFFB, s14;
	v62 =	vmov s21;
	v63 =	vshll.u32 v47, v3;
	v47 =	vimm.s32 $0xA;
	[tilespmem:v22+s28+$0x0] =	vst.idx.msk $0xffff, v2  }
0x2ff: {  	v58 =	vmov s15;
	v27 =	vbroadcast v63, $0x0;
	v37 =	vmul.f32 v37, v42;
	v61 =	vld [tilespmem:s31+$0x80]  }
0x300: {  	v45 =	vperm.xlane v52, v47;
	v22 =	vshrl.u32 v58, $0x3;
	v1 =	vmul.f32 v44, v1  }
0x301: {  	v2 =	vadd.s32 v14, v27;
	v22 =	vshll.u32 v22, v3;
	[tilespmem:v12+s28+$0x0] =	vst.idx.msk $0xffff, v37;
	v37 =	vshrl.u32 v62, $0x3  }
0x302: {  	v12 =	vbroadcast v22, $0x0;
	v22 =	vld [tilespmem:s0+$0x80];
	v37 =	vshll.u32 v37, v3;
	v17 =	vmul.f32 v48, v17;
	[tilespmem:v32+s28+$0x0] =	vst.idx.msk $0xffff, v1  }
0x303: {  	s4 =	sadd.s32 $0xFFFFFFFB, s17;
	v37 =	vbroadcast v37, $0x0;
	v58 =	vld [tilespmem:s2+$0x80]  }
0x304: {  	v63 =	vmov s4;
	v48 =	vadd.s32 v14, v12;
	[tilespmem:v7+s28+$0x0] =	vst.idx.msk $0xffff, v17;
	v7 =	vmul.f32 v61, v45  }
0x305: {  	v1 =	vshrl.u32 v63, $0x3;
	v32 =	vperm.xlane v53, v47;
	v61 =	vadd.s32 v14, v37  }
0x306: {  	v1 =	vshll.u32 v1, v3;
	[tilespmem:v2+s28+$0x0] =	vst.idx.msk $0xffff, v7;
	v2 =	vperm.xlane v54, v47  }
0x307: {  	v1 =	vbroadcast v1, $0x0;
	v17 =	vld [tilespmem:s22+$0x80];
	v22 =	vmul.f32 v22, v32  }
0x308: {  	v44 =	vmul.f32 v58, v2  }
0x309: {  	v7 =	vadd.s32 v14, v1;
	v62 =	vld [tilespmem:s31+$0x90];
	[tilespmem:v48+s28+$0x0] =	vst.idx.msk $0xffff, v22  }
0x30a: {  	v22 =	vperm.xlane v55, v47;
	v43 =	vld [tilespmem:s0+$0x90];
	[tilespmem:v61+s28+$0x0] =	vst.idx.msk $0xffff, v44  }
0x30b: {  	v63 =	vadd.s32 v15, v27;
	v42 =	vld [tilespmem:s2+$0x90]  }
0x30c: {  	v58 =	vadd.s32 v15, v12;
	v17 =	vmul.f32 v17, v22  }
0x30d: {  	v61 =	vadd.s32 v15, v37  }
0x30e: {  	[tilespmem:v7+s28+$0x0] =	vst.idx.msk $0xffff, v17;
	v7 =	vmul.f32 v62, v45  }
0x30f: {  	v17 =	vld [tilespmem:s22+$0x90];
	v43 =	vmul.f32 v43, v32  }
0x310: {  	[tilespmem:v63+s28+$0x0] =	vst.idx.msk $0xffff, v7;
	v42 =	vmul.f32 v42, v2  }
0x311: {  	v7 =	vadd.s32 v15, v1;
	[tilespmem:v58+s28+$0x0] =	vst.idx.msk $0xffff, v43  }
0x312: {  	v46 =	vld [tilespmem:s31+$0xA0];
	[tilespmem:v61+s28+$0x0] =	vst.idx.msk $0xffff, v42  }
0x313: {  	v0 =	vld [tilespmem:$0x1FFD0]  }
0x314: {  	v48 =	vadd.s32 v16, v27;
	v17 =	vmul.f32 v17, v22  }
0x315: {  	v62 =	vadd.s32 v21, v59;
	v63 =	vld [tilespmem:s0+$0xA0]  }
0x316: {  	[tilespmem:v7+s28+$0x0] =	vst.idx.msk $0xffff, v17  }
0x317: {  	v58 =	vadd.s32 v16, v12;
	v7 =	vmul.f32 v46, v45;
	v17 =	vld [tilespmem:s22+$0xA0]  }
0x318: {  	v44 =	vld [tilespmem:s2+$0xA0];
	v61 =	vmul.f32 v0, v60  }
0x319: {  	[tilespmem:v48+s28+$0x0] =	vst.idx.msk $0xffff, v7;
	v7 =	vadd.s32 v16, v1  }
0x31a: {  	v43 =	vadd.s32 v16, v37;
	[tilespmem:v62+s28+$0x0] =	vst.idx.msk $0xffff, v61;
	v62 =	vmul.f32 v63, v32  }
0x31b: {  	v63 =	vld [tilespmem:s30+$0xE0]  }
0x31c: {  	v61 =	vld [tilespmem:s31+$0xB0];
	v17 =	vmul.f32 v17, v22;
	[tilespmem:v58+s28+$0x0] =	vst.idx.msk $0xffff, v62  }
0x31d: {  	s15 =	sadd.s32 $0xFFFFFFFC, s18;
	v44 =	vmul.f32 v44, v2;
	v42 =	vld [tilespmem:s0+$0xB0]  }
0x31e: {  	v27 =	vadd.s32 v18, v27;
	v62 =	vmov s15;
	[tilespmem:v7+s28+$0x0] =	vst.idx.msk $0xffff, v17  }
0x31f: {  	v12 =	vadd.s32 v18, v12;
	[tilespmem:v43+s28+$0x0] =	vst.idx.msk $0xffff, v44;
	v48 =	vshrl.u32 v62, $0x3;
	v58 =	vld [tilespmem:s22+$0xB0]  }
0x320: {  	v43 =	vmul.f32 v63, v60;
	v63 =	vshll.u32 v48, v3;
	v48 =	vld [tilespmem:s2+$0xB0]  }
0x321: {  	s21 =	sadd.s32 $0xFFFFFFFC, s14;
	v37 =	vadd.s32 v18, v37;
	v1 =	vadd.s32 v18, v1;
	v17 =	vmul.f32 v61, v45  }
0x322: {  	v0 =	vimm.s32 $0xB;
	v61 =	vmov s21;
	v32 =	vmul.f32 v42, v32  }
0x323: {  	v47 =	vperm.xlane v52, v0;
	v7 =	vadd.s32 v23, v59;
	[tilespmem:v27+s28+$0x0] =	vst.idx.msk $0xffff, v17;
	v27 =	vshrl.u32 v61, $0x3  }
0x324: {  	s4 =	sadd.s32 $0xFFFFFFFC, s5;
	v44 =	vbroadcast v63, $0x0;
	v62 =	vld [tilespmem:s31+$0xC0];
	v27 =	vshll.u32 v27, v3;
	v22 =	vmul.f32 v58, v22;
	[tilespmem:v12+s28+$0x0] =	vst.idx.msk $0xffff, v32  }
0x325: {  	s15 =	sadd.s32 $0xFFFFFFFC, s17;
	v63 =	vmov s4;
	v27 =	vbroadcast v27, $0x0;
	v12 =	vld [tilespmem:s0+$0xC0];
	v2 =	vmul.f32 v48, v2  }
0x326: {  	v17 =	vadd.s32 v20, v44;
	v32 =	vshrl.u32 v63, $0x3;
	v48 =	vmov s15  }
0x327: {  	v58 =	vadd.s32 v20, v27;
	v32 =	vshll.u32 v32, v3;
	[tilespmem:v37+s28+$0x0] =	vst.idx.msk $0xffff, v2;
	v2 =	vshrl.u32 v48, $0x3  }
0x328: {  	[tilespmem:v1+s28+$0x0] =	vst.idx.msk $0xffff, v22;
	v32 =	vbroadcast v32, $0x0;
	v37 =	vperm.xlane v53, v0;
	v61 =	vld [tilespmem:s2+$0xC0];
	v2 =	vshll.u32 v2, v3  }
0x329: {  	[tilespmem:v7+s28+$0x0] =	vst.idx.msk $0xffff, v43;
	v22 =	vld [tilespmem:s22+$0xC0];
	v1 =	vmul.f32 v62, v47;
	v2 =	vbroadcast v2, $0x0  }
0x32a: {  	v42 =	vld [tilespmem:s30+$0xF0];
	v0 =	vimm.s32 $0xB;
	v7 =	vmul.f32 v12, v37;
	v12 =	vadd.s32 v20, v32  }
0x32b: {  	[tilespmem:v17+s28+$0x0] =	vst.idx.msk $0xffff, v1;
	v1 =	vperm.xlane v54, v0;
	v17 =	vadd.s32 v20, v2  }
0x32c: {  	v45 =	vadd.s32 v24, v59;
	v43 =	vld [tilespmem:s31+$0xD0];
	[tilespmem:v58+s28+$0x0] =	vst.idx.msk $0xffff, v7;
	v7 =	vperm.xlane v55, v0  }
0x32d: {  	v48 =	vld [tilespmem:s0+$0xD0];
	v46 =	vmul.f32 v61, v1  }
0x32e: {  	v58 =	vadd.s32 v21, v44;
	v22 =	vmul.f32 v22, v7  }
0x32f: {  	s21 =	sadd.s32 $0xFFFFFFFD, s19;
	v42 =	vmul.f32 v42, v60;
	v61 =	vadd.s32 v21, v27;
	[tilespmem:v12+s28+$0x0] =	vst.idx.msk $0xffff, v46  }
0x330: {  	v59 =	vmov s21;
	v46 =	vld [tilespmem:s2+$0xD0];
	[tilespmem:v17+s28+$0x0] =	vst.idx.msk $0xffff, v22  }
0x331: {  	[tilespmem:v45+s28+$0x0] =	vst.idx.msk $0xffff, v42;
	v12 =	vshrl.u32 v59, $0x3;
	v17 =	vmul.f32 v43, v47;
	v22 =	vld [tilespmem:s22+$0xD0]  }
0x332: {  	v12 =	vshll.u32 v12, v3;
	v43 =	vadd.s32 v21, v32;
	v62 =	vmul.f32 v48, v37  }
0x333: {  	v45 =	vld [tilespmem:s30+$0x100];
	v12 =	vbroadcast v12, $0x0;
	[tilespmem:v58+s28+$0x0] =	vst.idx.msk $0xffff, v17;
	v17 =	vadd.s32 v21, v2  }
0x334: {  	v48 =	vld [tilespmem:s31+$0xE0];
	[tilespmem:v61+s28+$0x0] =	vst.idx.msk $0xffff, v62  }
0x335: {  	v0 =	vimm.s32 $0xC;
	v42 =	vadd.s32 v26, v12;
	v58 =	vld [tilespmem:s0+$0xE0];
	v46 =	vmul.f32 v46, v1  }
0x336: {  	v60 =	vadd.s32 v23, v44;
	v59 =	vperm.xlane v51, v0;
	v22 =	vmul.f32 v22, v7  }
0x337: {  	v61 =	vadd.s32 v23, v27;
	[tilespmem:v43+s28+$0x0] =	vst.idx.msk $0xffff, v46  }
0x338: {  	v63 =	vmul.f32 v45, v59;
	v45 =	vld [tilespmem:s2+$0xE0];
	[tilespmem:v17+s28+$0x0] =	vst.idx.msk $0xffff, v22  }
0x339: {  	v17 =	vmul.f32 v48, v47;
	v22 =	vld [tilespmem:s22+$0xE0]  }
0x33a: {  	v43 =	vadd.s32 v23, v32;
	[tilespmem:v42+s28+$0x0] =	vst.idx.msk $0xffff, v63;
	v62 =	vmul.f32 v58, v37  }
0x33b: {  	v63 =	vld [tilespmem:s30+$0x110];
	[tilespmem:v60+s28+$0x0] =	vst.idx.msk $0xffff, v17;
	v17 =	vadd.s32 v23, v2  }
0x33c: {  	v60 =	vld [tilespmem:s31+$0xF0];
	[tilespmem:v61+s28+$0x0] =	vst.idx.msk $0xffff, v62  }
0x33d: {  	s4 =	sadd.s32 $0xFFFFFFFD, s18;
	v42 =	vld [tilespmem:s0+$0xF0];
	v45 =	vmul.f32 v45, v1  }
0x33e: {  	v44 =	vadd.s32 v24, v44;
	v62 =	vmov s4;
	v22 =	vmul.f32 v22, v7  }
0x33f: {  	v27 =	vadd.s32 v24, v27;
	v58 =	vshrl.u32 v62, $0x3;
	[tilespmem:v43+s28+$0x0] =	vst.idx.msk $0xffff, v45  }
0x340: {  	v43 =	vmul.f32 v63, v59;
	v63 =	vshll.u32 v58, v3;
	v58 =	vld [tilespmem:s2+$0xF0];
	[tilespmem:v17+s28+$0x0] =	vst.idx.msk $0xffff, v22  }
0x341: {  	s15 =	sadd.s32 $0xFFFFFFFD, s14;
	v32 =	vadd.s32 v24, v32;
	v22 =	vmul.f32 v60, v47;
	v60 =	vld [tilespmem:s22+$0xF0]  }
0x342: {  	v48 =	vperm.xlane v52, v0;
	v61 =	vmov s15;
	v37 =	vmul.f32 v42, v37  }
0x343: {  	s21 =	sadd.s32 $0xFFFFFFFD, s5;
	v2 =	vadd.s32 v24, v2;
	v62 =	vshrl.u32 v61, $0x3;
	v45 =	vbroadcast v63, $0x0;
	[tilespmem:v44+s28+$0x0] =	vst.idx.msk $0xffff, v22  }
0x344: {  	v17 =	vadd.s32 v28, v12;
	v63 =	vmov s21;
	v42 =	vshll.u32 v62, v3;
	v44 =	vld [tilespmem:s31+$0x100];
	[tilespmem:v27+s28+$0x0] =	vst.idx.msk $0xffff, v37  }
0x345: {  	s4 =	sadd.s32 $0xFFFFFFFD, s17;
	v22 =	vadd.s32 v26, v45;
	v37 =	vbroadcast v42, $0x0;
	v27 =	vld [tilespmem:s0+$0x100];
	v1 =	vmul.f32 v58, v1  }
0x346: {  	v42 =	vshrl.u32 v63, $0x3;
	v58 =	vmov s4;
	v7 =	vmul.f32 v60, v7  }
0x347: {  	v42 =	vshll.u32 v42, v3;
	v60 =	vadd.s32 v26, v37;
	[tilespmem:v32+s28+$0x0] =	vst.idx.msk $0xffff, v1;
	v1 =	vshrl.u32 v58, $0x3  }
0x348: {  	v42 =	vbroadcast v42, $0x0;
	v32 =	vperm.xlane v53, v0;
	v61 =	vld [tilespmem:s2+$0x100];
	v1 =	vshll.u32 v1, v3;
	[tilespmem:v2+s28+$0x0] =	vst.idx.msk $0xffff, v7  }
0x349: {  	v2 =	vmul.f32 v44, v48;
	v7 =	vld [tilespmem:s22+$0x100];
	v1 =	vbroadcast v1, $0x0  }
0x34a: {  	[tilespmem:v17+s28+$0x0] =	vst.idx.msk $0xffff, v43;
	v17 =	vmul.f32 v27, v32;
	v27 =	vadd.s32 v26, v42  }
0x34b: {  	v43 =	vld [tilespmem:s30+$0x120];
	[tilespmem:v22+s28+$0x0] =	vst.idx.msk $0xffff, v2;
	v2 =	vperm.xlane v54, v0;
	v22 =	vadd.s32 v26, v1  }
0x34c: {  	v44 =	vld [tilespmem:s31+$0x110];
	[tilespmem:v60+s28+$0x0] =	vst.idx.msk $0xffff, v17;
	v17 =	vperm.xlane v55, v0  }
0x34d: {  	v47 =	vadd.s32 v29, v12;
	v58 =	vld [tilespmem:s0+$0x110];
	v46 =	vmul.f32 v61, v2  }
0x34e: {  	v60 =	vadd.s32 v28, v45;
	v7 =	vmul.f32 v7, v17  }
0x34f: {  	v61 =	vadd.s32 v28, v37;
	[tilespmem:v27+s28+$0x0] =	vst.idx.msk $0xffff, v46  }
0x350: {  	v27 =	vmul.f32 v43, v59;
	v62 =	vld [tilespmem:s2+$0x110];
	[tilespmem:v22+s28+$0x0] =	vst.idx.msk $0xffff, v7  }
0x351: {  	v7 =	vmul.f32 v44, v48;
	v22 =	vld [tilespmem:s22+$0x110]  }
0x352: {  	v44 =	vadd.s32 v28, v42;
	[tilespmem:v47+s28+$0x0] =	vst.idx.msk $0xffff, v27;
	v27 =	vmul.f32 v58, v32  }
0x353: {  	v46 =	vld [tilespmem:s30+$0x130];
	[tilespmem:v60+s28+$0x0] =	vst.idx.msk $0xffff, v7;
	v7 =	vadd.s32 v28, v1  }
0x354: {  	v47 =	vld [tilespmem:s31+$0x120];
	[tilespmem:v61+s28+$0x0] =	vst.idx.msk $0xffff, v27  }
0x355: {  	v12 =	vadd.s32 v30, v12;
	v27 =	vld [tilespmem:s0+$0x120];
	v43 =	vmul.f32 v62, v2  }
0x356: {  	v58 =	vadd.s32 v29, v45;
	v22 =	vmul.f32 v22, v17  }
0x357: {  	v60 =	vadd.s32 v29, v37;
	[tilespmem:v44+s28+$0x0] =	vst.idx.msk $0xffff, v43  }
0x358: {  	v63 =	vmul.f32 v46, v59;
	v44 =	vld [tilespmem:s2+$0x120];
	[tilespmem:v7+s28+$0x0] =	vst.idx.msk $0xffff, v22  }
0x359: {  	v7 =	vmul.f32 v47, v48;
	v22 =	vld [tilespmem:s22+$0x120]  }
0x35a: {  	[tilespmem:v12+s28+$0x0] =	vst.idx.msk $0xffff, v63;
	v12 =	vmul.f32 v27, v32;
	v27 =	vadd.s32 v29, v42  }
0x35b: {  	s15 =	sadd.s32 $0xFFFFFFFE, s19;
	v46 =	vld [tilespmem:s30+$0x140];
	[tilespmem:v58+s28+$0x0] =	vst.idx.msk $0xffff, v7;
	v7 =	vadd.s32 v29, v1  }
0x35c: {  	v0 =	vimm.s32 $0xD;
	v59 =	vmov s15;
	v61 =	vld [tilespmem:s31+$0x130];
	[tilespmem:v60+s28+$0x0] =	vst.idx.msk $0xffff, v12  }
0x35d: {  	v45 =	vadd.s32 v30, v45;
	v43 =	vshrl.u32 v59, $0x3;
	v62 =	vld [tilespmem:s0+$0x130];
	v44 =	vmul.f32 v44, v2  }
0x35e: {  	s21 =	sadd.s32 $0xFFFFFFFE, s18;
	v12 =	vshll.u32 v43, v3;
	v43 =	vperm.xlane v51, v0;
	v22 =	vmul.f32 v22, v17  }
0x35f: {  	v37 =	vadd.s32 v30, v37;
	v63 =	vmov s21;
	v12 =	vbroadcast v12, $0x0;
	[tilespmem:v27+s28+$0x0] =	vst.idx.msk $0xffff, v44  }
0x360: {  	v59 =	vshrl.u32 v63, $0x3;
	v27 =	vmul.f32 v46, v43;
	v46 =	vld [tilespmem:s2+$0x130];
	[tilespmem:v7+s28+$0x0] =	vst.idx.msk $0xffff, v22  }
0x361: {  	s4 =	sadd.s32 $0xFFFFFFFE, s14;
	v42 =	vadd.s32 v30, v42;
	v7 =	vadd.s32 v33, v12;
	v22 =	vmul.f32 v61, v48;
	v60 =	vld [tilespmem:s22+$0x130]  }
0x362: {  	v59 =	vshll.u32 v59, v3;
	v61 =	vmov s4;
	v32 =	vmul.f32 v62, v32  }
0x363: {  	s15 =	sadd.s32 $0xFFFFFFFE, s5;
	v1 =	vadd.s32 v30, v1;
	v44 =	vbroadcast v59, $0x0;
	[tilespmem:v45+s28+$0x0] =	vst.idx.msk $0xffff, v22;
	v62 =	vshrl.u32 v61, $0x3  }
0x364: {  	v58 =	vperm.xlane v52, v0;
	v59 =	vmov s15;
	v63 =	vld [tilespmem:s31+$0x140];
	v45 =	vshll.u32 v62, v3;
	[tilespmem:v37+s28+$0x0] =	vst.idx.msk $0xffff, v32  }
0x365: {  	s21 =	sadd.s32 $0xFFFFFFFE, s17;
	v22 =	vadd.s32 v33, v44;
	v37 =	vbroadcast v45, $0x0;
	v32 =	vld [tilespmem:s0+$0x140];
	v2 =	vmul.f32 v46, v2  }
0x366: {  	[tilespmem:v7+s28+$0x0] =	vst.idx.msk $0xffff, v27;
	v7 =	vshrl.u32 v59, $0x3;
	v27 =	vmov s21;
	v17 =	vmul.f32 v60, v17  }
0x367: {  	v60 =	vld [tilespmem:s30+$0x150];
	v61 =	vadd.s32 v33, v37;
	v7 =	vshll.u32 v7, v3;
	[tilespmem:v42+s28+$0x0] =	vst.idx.msk $0xffff, v2;
	v2 =	vshrl.u32 v27, $0x3  }
0x368: {  	v27 =	vperm.xlane v53, v0;
	v7 =	vbroadcast v7, $0x0;
	v42 =	vld [tilespmem:s2+$0x140];
	v2 =	vshll.u32 v2, v3;
	[tilespmem:v1+s28+$0x0] =	vst.idx.msk $0xffff, v17  }
0x369: {  	v1 =	vadd.s32 v34, v12;
	v17 =	vmul.f32 v63, v58;
	v62 =	vld [tilespmem:s22+$0x140];
	v2 =	vbroadcast v2, $0x0  }
0x36a: {  	v48 =	vadd.s32 v33, v7;
	v32 =	vmul.f32 v32, v27  }
0x36b: {  	[tilespmem:v22+s28+$0x0] =	vst.idx.msk $0xffff, v17;
	v17 =	vperm.xlane v54, v0;
	v22 =	vadd.s32 v33, v2  }
0x36c: {  	v45 =	vmul.f32 v60, v43;
	[tilespmem:v61+s28+$0x0] =	vst.idx.msk $0xffff, v32;
	v32 =	vperm.xlane v55, v0  }
0x36d: {  	v42 =	vmul.f32 v42, v17  }
0x36e: {  	[tilespmem:v1+s28+$0x0] =	vst.idx.msk $0xffff, v45;
	v45 =	vmul.f32 v62, v32  }
0x36f: {  	v59 =	vld [tilespmem:s31+$0x150];
	[tilespmem:v48+s28+$0x0] =	vst.idx.msk $0xffff, v42  }
0x370: {  	v46 =	vld [tilespmem:s0+$0x150];
	[tilespmem:v22+s28+$0x0] =	vst.idx.msk $0xffff, v45  }
0x371: {  	v1 =	vadd.s32 v34, v44;
	v0 =	vld [tilespmem:$0x1FFE0]  }
0x372: {  	v60 =	vadd.s32 v34, v37;
	v47 =	vld [tilespmem:s30+$0x160]  }
0x373: {  	v42 =	vadd.s32 v36, v56;
	v48 =	vld [tilespmem:s2+$0x150]  }
0x374: {  	v22 =	vadd.s32 v35, v12;
	v63 =	vmul.f32 v59, v58;
	v61 =	vld [tilespmem:s22+$0x150]  }
0x375: {  	v59 =	vadd.s32 v34, v7;
	v46 =	vmul.f32 v46, v27  }
0x376: {  	[tilespmem:v1+s28+$0x0] =	vst.idx.msk $0xffff, v63;
	v1 =	vadd.s32 v34, v2;
	v62 =	vmul.f32 v0, v57  }
0x377: {  	v63 =	vmul.f32 v47, v43;
	v47 =	vld [tilespmem:s31+$0x160];
	[tilespmem:v60+s28+$0x0] =	vst.idx.msk $0xffff, v46  }
0x378: {  	v46 =	vmul.f32 v48, v17;
	[tilespmem:v42+s28+$0x0] =	vst.idx.msk $0xffff, v62;
	v42 =	vld [tilespmem:s0+$0x160]  }
0x379: {  	s4 =	sadd.s32 $0xFFFFFFFF, s16;
	[tilespmem:v22+s28+$0x0] =	vst.idx.msk $0xffff, v63;
	v22 =	vadd.s32 v35, v44;
	v45 =	vmul.f32 v61, v32  }
0x37a: {  	v56 =	vmov s4;
	v60 =	vadd.s32 v35, v37;
	v57 =	vld [tilespmem:s30+$0x170];
	[tilespmem:v59+s28+$0x0] =	vst.idx.msk $0xffff, v46  }
0x37b: {  	v12 =	vadd.s32 v36, v12;
	v61 =	vshrl.u32 v56, $0x3;
	v56 =	vld [tilespmem:s2+$0x160];
	[tilespmem:v1+s28+$0x0] =	vst.idx.msk $0xffff, v45  }
0x37c: {  	v37 =	vadd.s32 v36, v37;
	v0 =	vimm.s32 $0xE;
	v45 =	vmul.f32 v47, v58;
	v46 =	vld [tilespmem:s22+$0x160]  }
0x37d: {  	s15 =	sadd.s32 $0xFFFFFFFF, s19;
	v1 =	vshll.u32 v61, v3;
	v47 =	vadd.s32 v35, v7;
	v42 =	vmul.f32 v42, v27  }
0x37e: {  	v61 =	vmov s15;
	v48 =	vld [tilespmem:s29+$0x180];
	v1 =	vbroadcast v1, $0x0;
	[tilespmem:v22+s28+$0x0] =	vst.idx.msk $0xffff, v45;
	v22 =	vadd.s32 v35, v2  }
0x37f: {  	v59 =	vperm.xlane v50, v0;
	v43 =	vmul.f32 v57, v43;
	v57 =	vshrl.u32 v61, $0x3;
	v61 =	vld [tilespmem:s31+$0x170];
	[tilespmem:v60+s28+$0x0] =	vst.idx.msk $0xffff, v42  }
0x380: {  	v45 =	vadd.s32 v38, v1;
	v62 =	vshll.u32 v57, v3;
	v56 =	vmul.f32 v56, v17;
	v57 =	vld [tilespmem:s0+$0x170]  }
0x381: {  	s21 =	sadd.s32 $0xFFFFFFFF, s18;
	[tilespmem:v12+s28+$0x0] =	vst.idx.msk $0xffff, v43;
	v12 =	vadd.s32 v36, v44;
	v60 =	vmul.f32 v46, v32  }
0x382: {  	v63 =	vmov s21;
	v7 =	vadd.s32 v36, v7;
	v2 =	vadd.s32 v36, v2;
	v46 =	vld [tilespmem:s30+$0x180];
	[tilespmem:v47+s28+$0x0] =	vst.idx.msk $0xffff, v56  }
0x383: {  	v43 =	vshrl.u32 v63, $0x3;
	v42 =	vmul.f32 v48, v59;
	v48 =	vbroadcast v62, $0x0;
	v56 =	vld [tilespmem:s2+$0x170];
	[tilespmem:v22+s28+$0x0] =	vst.idx.msk $0xffff, v60  }
0x384: {  	s4 =	sadd.s32 $0xFFFFFFFF, s14;
	v43 =	vshll.u32 v43, v3;
	v47 =	vperm.xlane v51, v0;
	v44 =	vmul.f32 v61, v58;
	v58 =	vld [tilespmem:s22+$0x170]  }
0x385: {  	v43 =	vbroadcast v43, $0x0;
	v60 =	vmov s4;
	[tilespmem:v45+s28+$0x0] =	vst.idx.msk $0xffff, v42;
	v27 =	vmul.f32 v57, v27  }
0x386: {  	s15 =	sadd.s32 $0xFFFFFFFF, s5;
	v22 =	vadd.s32 v38, v48;
	v42 =	vperm.xlane v52, v0;
	[tilespmem:v12+s28+$0x0] =	vst.idx.msk $0xffff, v44;
	v12 =	vshrl.u32 v60, $0x3  }
0x387: {  	v44 =	vmov s15;
	v60 =	vld [tilespmem:s31+$0x180];
	v12 =	vshll.u32 v12, v3;
	v46 =	vmul.f32 v46, v47;
	[tilespmem:v37+s28+$0x0] =	vst.idx.msk $0xffff, v27  }
0x388: {  	s21 =	sadd.s32 $0xFFFFFFFF, s17;
	v44 =	vshrl.u32 v44, $0x3;
	v12 =	vbroadcast v12, $0x0;
	v17 =	vmul.f32 v56, v17;
	v37 =	vld [tilespmem:s0+$0x180]  }
0x389: {  	v57 =	vmov s21;
	v27 =	vadd.s32 v38, v43;
	v32 =	vmul.f32 v58, v32  }
0x38a: {  	v45 =	vld [tilespmem:s29+$0x190];
	v44 =	vshll.u32 v44, v3;
	v56 =	vadd.s32 v38, v12;
	[tilespmem:v7+s28+$0x0] =	vst.idx.msk $0xffff, v17;
	v7 =	vshrl.u32 v57, $0x3  }
0x38b: {  	v44 =	vbroadcast v44, $0x0;
	v17 =	vperm.xlane v53, v0;
	v57 =	vld [tilespmem:s2+$0x180];
	v7 =	vshll.u32 v7, v3;
	[tilespmem:v2+s28+$0x0] =	vst.idx.msk $0xffff, v32  }
0x38c: {  	v62 =	vmul.f32 v60, v42;
	v2 =	vadd.s32 v39, v1;
	v7 =	vbroadcast v7, $0x0;
	v58 =	vld [tilespmem:s22+$0x180]  }
0x38d: {  	[tilespmem:v22+s28+$0x0] =	vst.idx.msk $0xffff, v46;
	v22 =	vmul.f32 v37, v17;
	v37 =	vadd.s32 v38, v44  }
0x38e: {  	v46 =	vld [tilespmem:s30+$0x190];
	v32 =	vadd.s32 v38, v7;
	[tilespmem:v27+s28+$0x0] =	vst.idx.msk $0xffff, v62;
	v27 =	vperm.xlane v54, v0  }
0x38f: {  	v45 =	vmul.f32 v45, v59;
	v60 =	vld [tilespmem:s31+$0x190];
	[tilespmem:v56+s28+$0x0] =	vst.idx.msk $0xffff, v22;
	v22 =	vperm.xlane v55, v0  }
0x390: {  	v57 =	vmul.f32 v57, v27;
	v56 =	vadd.s32 v39, v48  }
0x391: {  	[tilespmem:v2+s28+$0x0] =	vst.idx.msk $0xffff, v45;
	v2 =	vadd.s32 v39, v43;
	v61 =	vld [tilespmem:s0+$0x190];
	v45 =	vmul.f32 v58, v22  }
0x392: {  	v58 =	vld [tilespmem:s29+$0x1A0];
	[tilespmem:v37+s28+$0x0] =	vst.idx.msk $0xffff, v57  }
0x393: {  	v62 =	vadd.s32 v39, v12;
	v63 =	vmul.f32 v46, v47;
	v46 =	vld [tilespmem:s2+$0x190];
	[tilespmem:v32+s28+$0x0] =	vst.idx.msk $0xffff, v45  }
0x394: {  	v32 =	vadd.s32 v40, v1;
	v45 =	vmul.f32 v60, v42;
	v57 =	vld [tilespmem:s22+$0x190]  }
0x395: {  	[tilespmem:v56+s28+$0x0] =	vst.idx.msk $0xffff, v63;
	v56 =	vadd.s32 v39, v44  }
0x396: {  	v37 =	vmul.f32 v61, v17;
	v60 =	vld [tilespmem:s30+$0x1A0];
	[tilespmem:v2+s28+$0x0] =	vst.idx.msk $0xffff, v45;
	v2 =	vadd.s32 v39, v7  }
0x397: {  	v45 =	vmul.f32 v58, v59;
	v58 =	vld [tilespmem:s31+$0x1A0]  }
0x398: {  	[tilespmem:v62+s28+$0x0] =	vst.idx.msk $0xffff, v37;
	v37 =	vadd.s32 v40, v48;
	v46 =	vmul.f32 v46, v27  }
0x399: {  	v61 =	vld [tilespmem:s0+$0x1A0];
	[tilespmem:v32+s28+$0x0] =	vst.idx.msk $0xffff, v45;
	v32 =	vadd.s32 v40, v43;
	v45 =	vmul.f32 v57, v22  }
0x39a: {  	v57 =	vld [tilespmem:s29+$0x1B0];
	[tilespmem:v56+s28+$0x0] =	vst.idx.msk $0xffff, v46  }
0x39b: {  	v62 =	vadd.s32 v40, v12;
	v63 =	vmul.f32 v60, v47;
	v56 =	vld [tilespmem:s2+$0x1A0];
	[tilespmem:v2+s28+$0x0] =	vst.idx.msk $0xffff, v45  }
0x39c: {  	v1 =	vadd.s32 v41, v1;
	v2 =	vmul.f32 v58, v42;
	v45 =	vld [tilespmem:s22+$0x1A0]  }
0x39d: {  	v46 =	vadd.s32 v40, v44;
	[tilespmem:v37+s28+$0x0] =	vst.idx.msk $0xffff, v63  }
0x39e: {  	v0 =	vimm.s32 $0xF;
	v37 =	vmul.f32 v61, v17;
	[tilespmem:v32+s28+$0x0] =	vst.idx.msk $0xffff, v2;
	v2 =	vadd.s32 v40, v7  }
0x39f: {  	v50 =	vperm.xlane v50, v0;
	v57 =	vmul.f32 v57, v59  }
0x3a0: {  	v48 =	vadd.s32 v41, v48;
	v58 =	vld [tilespmem:s30+$0x1B0];
	[tilespmem:v62+s28+$0x0] =	vst.idx.msk $0xffff, v37;
	v56 =	vmul.f32 v56, v27  }
0x3a1: {  	v12 =	vadd.s32 v41, v12;
	v62 =	vld [tilespmem:s0+$0x1B0];
	[tilespmem:v1+s28+$0x0] =	vst.idx.msk $0xffff, v57;
	v57 =	vmul.f32 v45, v22  }
0x3a2: {  	v43 =	vadd.s32 v41, v43;
	v60 =	vmov s19;
	v63 =	vmov s5;
	v59 =	vld [tilespmem:s31+$0x1B0];
	[tilespmem:v46+s28+$0x0] =	vst.idx.msk $0xffff, v56  }
0x3a3: {  	v44 =	vadd.s32 v41, v44;
	v32 =	vmov s16;
	v61 =	vmov s14;
	v46 =	vld [tilespmem:s29+$0x1C0];
	[tilespmem:v2+s28+$0x0] =	vst.idx.msk $0xffff, v57  }
0x3a4: {  	v7 =	vadd.s32 v41, v7;
	v37 =	vmov s18;
	v1 =	vshrl.u32 v32, $0x3;
	v31 =	vld [tilespmem:$0x1FFF0]  }
0x3a5: {  	v37 =	vshrl.u32 v37, $0x3;
	v2 =	vmul.f32 v58, v47;
	v58 =	vshrl.u32 v60, $0x3;
	v60 =	vld [tilespmem:s2+$0x1B0]  }
0x3a6: {  	v45 =	vmov s17;
	v1 =	vshll.u32 v1, v3;
	v17 =	vmul.f32 v62, v17;
	v62 =	vld [tilespmem:s22+$0x1B0]  }
0x3a7: {  	v37 =	vshll.u32 v37, v3;
	v1 =	vbroadcast v1, $0x0;
	v42 =	vmul.f32 v59, v42  }
0x3a8: {  	v59 =	vshrl.u32 v63, $0x3;
	v32 =	vshll.u32 v58, v3;
	v58 =	vshrl.u32 v61, $0x3;
	[tilespmem:v48+s28+$0x0] =	vst.idx.msk $0xffff, v2  }
0x3a9: {  	v32 =	vbroadcast v32, $0x0;
	[tilespmem:v43+s28+$0x0] =	vst.idx.msk $0xffff, v42;
	v43 =	vperm.xlane v51, v0;
	v57 =	vadd.s32 v31, v1  }
0x3aa: {  	v47 =	vshll.u32 v59, v3;
	v42 =	vld [tilespmem:s30+$0x1C0];
	v2 =	vmul.f32 v46, v50;
	v27 =	vmul.f32 v60, v27  }
0x3ab: {  	v37 =	vbroadcast v37, $0x0;
	[tilespmem:v12+s28+$0x0] =	vst.idx.msk $0xffff, v17;
	v12 =	vld [tilespmem:s31+$0x1C0];
	v17 =	vshll.u32 v58, v3;
	v22 =	vmul.f32 v62, v22  }
0x3ac: {  	v60 =	vld [tilespmem:s0+$0x1C0];
	v17 =	vbroadcast v17, $0x0;
	v46 =	vadd.s32 v31, v32;
	[tilespmem:v44+s28+$0x0] =	vst.idx.msk $0xffff, v27;
	v27 =	vshrl.u32 v45, $0x3  }
0x3ad: {  	v47 =	vbroadcast v47, $0x0;
	v61 =	vadd.s32 v31, v37;
	v62 =	vld [tilespmem:s2+$0x1C0];
	v27 =	vshll.u32 v27, v3;
	[tilespmem:v7+s28+$0x0] =	vst.idx.msk $0xffff, v22  }
0x3ae: {  	v7 =	vadd.s32 v31, v17;
	v27 =	vbroadcast v27, $0x0;
	v22 =	vld [tilespmem:s22+$0x1C0];
	[tilespmem:v57+s28+$0x0] =	vst.idx.msk $0xffff, v2;
	v2 =	vperm.xlane v52, v0  }
0x3af: {  	v51 =	vperm.xlane v53, v0;
	v42 =	vmul.f32 v42, v43;
	v52 =	vadd.s32 v31, v47  }
0x3b0: {  	v53 =	vperm.xlane v54, v0;
	v54 =	vadd.s32 v31, v27;
	v12 =	vmul.f32 v12, v2  }
0x3b1: {  	v59 =	vmul.f32 v60, v51;
	[tilespmem:v46+s28+$0x0] =	vst.idx.msk $0xffff, v42;
	v46 =	vperm.xlane v55, v0;
	v63 =	vld [tilespmem:s29+$0x1D0]  }
0x3b2: {  	v60 =	vld [tilespmem:s30+$0x1D0];
	[tilespmem:v61+s28+$0x0] =	vst.idx.msk $0xffff, v12;
	v12 =	vmul.f32 v62, v53  }
0x3b3: {  	[tilespmem:v7+s28+$0x0] =	vst.idx.msk $0xffff, v59;
	v61 =	vadd.s32 v25, v1;
	v7 =	vmul.f32 v22, v46;
	v62 =	vld [tilespmem:s31+$0x1D0]  }
0x3b4: {  	v22 =	vadd.s32 v25, v32;
	v42 =	vld [tilespmem:s0+$0x1D0];
	[tilespmem:v52+s28+$0x0] =	vst.idx.msk $0xffff, v12  }
0x3b5: {  	v12 =	vadd.s32 v25, v37;
	[tilespmem:v54+s28+$0x0] =	vst.idx.msk $0xffff, v7;
	v52 =	vld [tilespmem:s2+$0x1D0]  }
0x3b6: {  	v7 =	vmul.f32 v63, v50;
	v54 =	vadd.s32 v25, v17;
	v63 =	vld [tilespmem:s22+$0x1D0]  }
0x3b7: {  	v56 =	vadd.s32 v25, v47;
	v48 =	vmul.f32 v60, v43  }
0x3b8: {  	v59 =	vadd.s32 v25, v27;
	[tilespmem:v61+s28+$0x0] =	vst.idx.msk $0xffff, v7;
	v7 =	vmul.f32 v62, v2  }
0x3b9: {  	[tilespmem:v22+s28+$0x0] =	vst.idx.msk $0xffff, v48;
	v22 =	vmul.f32 v42, v51;
	v60 =	vld [tilespmem:s29+$0x1E0]  }
0x3ba: {  	v61 =	vld [tilespmem:s30+$0x1E0];
	[tilespmem:v12+s28+$0x0] =	vst.idx.msk $0xffff, v7;
	v7 =	vmul.f32 v52, v53  }
0x3bb: {  	[tilespmem:v54+s28+$0x0] =	vst.idx.msk $0xffff, v22;
	v12 =	vadd.s32 v19, v1;
	v22 =	vmul.f32 v63, v46;
	v62 =	vld [tilespmem:s31+$0x1E0]  }
0x3bc: {  	v63 =	vadd.s32 v19, v32;
	v54 =	vld [tilespmem:s0+$0x1E0];
	[tilespmem:v56+s28+$0x0] =	vst.idx.msk $0xffff, v7  }
0x3bd: {  	v7 =	vadd.s32 v19, v37;
	[tilespmem:v59+s28+$0x0] =	vst.idx.msk $0xffff, v22;
	v55 =	vld [tilespmem:s2+$0x1E0]  }
0x3be: {  	v44 =	vadd.s32 v19, v17;
	v22 =	vmul.f32 v60, v50;
	v60 =	vld [tilespmem:s22+$0x1E0]  }
0x3bf: {  	v42 =	vmul.f32 v61, v43;
	v61 =	vadd.s32 v19, v47  }
0x3c0: {  	[tilespmem:v12+s28+$0x0] =	vst.idx.msk $0xffff, v22;
	v22 =	vadd.s32 v19, v27;
	v12 =	vmul.f32 v62, v2  }
0x3c1: {  	[tilespmem:v63+s28+$0x0] =	vst.idx.msk $0xffff, v42;
	v63 =	vmul.f32 v54, v51;
	v62 =	vld [tilespmem:s29+$0x1F0]  }
0x3c2: {  	v52 =	vld [tilespmem:s30+$0x1F0];
	[tilespmem:v7+s28+$0x0] =	vst.idx.msk $0xffff, v12;
	v7 =	vmul.f32 v55, v53  }
0x3c3: {  	v1 =	vadd.s32 v49, v1;
	[tilespmem:v44+s28+$0x0] =	vst.idx.msk $0xffff, v63;
	v58 =	vmul.f32 v60, v46;
	v12 =	vld [tilespmem:s31+$0x1F0]  }
0x3c4: {  	v59 =	vld [tilespmem:s0+$0x1F0];
	[tilespmem:v61+s28+$0x0] =	vst.idx.msk $0xffff, v7;
	v7 =	vadd.s32 v49, v32  }
0x3c5: {  	[tilespmem:v22+s28+$0x0] =	vst.idx.msk $0xffff, v58;
	v22 =	vadd.s32 v49, v37;
	v60 =	vld [tilespmem:s2+$0x1F0]  }
0x3c6: {  	v17 =	vadd.s32 v49, v17;
	v61 =	vmul.f32 v62, v50;
	v62 =	vld [tilespmem:s22+$0x1F0]  }
0x3c7: {  	v63 =	vadd.s32 v49, v47;
	v43 =	vmul.f32 v52, v43  }
0x3c8: {  	[tilespmem:v1+s28+$0x0] =	vst.idx.msk $0xffff, v61;
	v1 =	vmul.f32 v12, v2;
	v2 =	vadd.s32 v49, v27  }
0x3c9: {  	[tilespmem:v7+s28+$0x0] =	vst.idx.msk $0xffff, v43;
	v7 =	vmul.f32 v59, v51  }
0x3ca: {  	[tilespmem:v22+s28+$0x0] =	vst.idx.msk $0xffff, v1;
	v1 =	vmul.f32 v60, v53  }
0x3cb: {  	s4 =	sshll.u32 s25, $0xF;
	[tilespmem:v17+s28+$0x0] =	vst.idx.msk $0xffff, v7;
	v7 =	vmul.f32 v62, v46  }
0x3cc: {  	s5 =	rddreg [dreg:$0x1];
	s0 =	sor.u32 s6, s4;
	[tilespmem:v63+s28+$0x0] =	vst.idx.msk $0xffff, v1  }
0x3cd: {  	s1 =	sadd.s32 s5, s0;
	[tilespmem:v2+s28+$0x0] =	vst.idx.msk $0xffff, v7  }
0x3ce: {  	[hbm4b:s1+s3] =	stream.linear.scatter [tilespmem:s28], [sflag:$0x2], $0x80, $0x38;
	[tilespmem:$0x16C00] =	vst v63  }
0x3cf: {  	s14 =	sadd.s32 $0xE488, s26;
	s4 =	sadd.s32 $0x10, s1  }
0x3d0: {  	[hbm4b:s4+s3] =	stream.linear.scatter [tilespmem:s14], [sflag:$0x2], $0x80, $0x38;
	[tilespmem:$0x16C00] =	vst v63  }
0x3d1: {  	s15 =	sadd.s32 $0xE510, s26;
	s16 =	sadd.s32 $0x20, s1  }
0x3d2: {  	[hbm4b:s16+s3] =	stream.linear.scatter [tilespmem:s15], [sflag:$0x2], $0x80, $0x38;
	[tilespmem:$0x16C00] =	vst v63  }
0x3d3: {  	s17 =	sadd.s32 $0xE598, s26;
	s18 =	sadd.s32 $0x30, s1  }
0x3d4: {  	[hbm4b:s18+s3] =	stream.linear.scatter [tilespmem:s17], [sflag:$0x2], $0x80, $0x38;
	[tilespmem:$0x16C00] =	vst v63  }
0x3d5: {  	s19 =	sadd.s32 $0xE620, s26;
	s21 =	sadd.s32 $0x40, s1  }
0x3d6: {  	[hbm4b:s21+s3] =	stream.linear.scatter [tilespmem:s19], [sflag:$0x2], $0x80, $0x38;
	[tilespmem:$0x16C00] =	vst v63  }
0x3d7: {  	s22 =	sadd.s32 $0xE6A8, s26;
	s28 =	sadd.s32 $0x50, s1  }
0x3d8: {  	[hbm4b:s28+s3] =	stream.linear.scatter [tilespmem:s22], [sflag:$0x2], $0x80, $0x38;
	[tilespmem:$0x16C00] =	vst v63  }
0x3d9: {  	s29 =	sadd.s32 $0xE730, s26;
	s30 =	sadd.s32 $0x60, s1  }
0x3da: {  	[hbm4b:s30+s3] =	stream.linear.scatter [tilespmem:s29], [sflag:$0x2], $0x80, $0x38;
	[tilespmem:$0x16C00] =	vst v63  }
0x3db: {  	s31 =	sadd.s32 $0xE7B8, s26;
	s1 =	sadd.s32 $0x70, s1  }
0x3dc: {  	[hbm4b:s1+s3] =	stream.linear.scatter [tilespmem:s31], [sflag:$0x2], $0x80, $0x38;
	[tilespmem:$0x16C00] =	vst v63  }
0x3dd: {  	s4 =	sadd.s32 $0xE840, s26;
	s1 =	sadd.s32 s0, s7  }
0x3de: {  	[hbm4b:s1+s3] =	stream.linear.scatter [tilespmem:s4], [sflag:$0x2], $0x80, $0x38;
	[tilespmem:$0x16C00] =	vst v63  }
0x3df: {  	s5 =	sadd.s32 $0xE8C8, s26;
	s14 =	sadd.s32 $0x10, s1  }
0x3e0: {  	[hbm4b:s14+s3] =	stream.linear.scatter [tilespmem:s5], [sflag:$0x2], $0x80, $0x38;
	[tilespmem:$0x16C00] =	vst v63  }
0x3e1: {  	s15 =	sadd.s32 $0xE950, s26;
	s16 =	sadd.s32 $0x20, s1  }
0x3e2: {  	[hbm4b:s16+s3] =	stream.linear.scatter [tilespmem:s15], [sflag:$0x2], $0x80, $0x38;
	[tilespmem:$0x16C00] =	vst v63  }
0x3e3: {  	s17 =	sadd.s32 $0xE9D8, s26;
	s18 =	sadd.s32 $0x30, s1  }
0x3e4: {  	[hbm4b:s18+s3] =	stream.linear.scatter [tilespmem:s17], [sflag:$0x2], $0x80, $0x38;
	[tilespmem:$0x16C00] =	vst v63  }
0x3e5: {  	s19 =	sadd.s32 $0xEA60, s26;
	s21 =	sadd.s32 $0x40, s1  }
0x3e6: {  	[hbm4b:s21+s3] =	stream.linear.scatter [tilespmem:s19], [sflag:$0x2], $0x80, $0x38;
	[tilespmem:$0x16C00] =	vst v63  }
0x3e7: {  	s22 =	sadd.s32 $0xEAE8, s26;
	s28 =	sadd.s32 $0x50, s1  }
0x3e8: {  	[hbm4b:s28+s3] =	stream.linear.scatter [tilespmem:s22], [sflag:$0x2], $0x80, $0x38;
	[tilespmem:$0x16C00] =	vst v63  }
0x3e9: {  	s29 =	sadd.s32 $0xEB70, s26;
	s30 =	sadd.s32 $0x60, s1  }
0x3ea: {  	[hbm4b:s30+s3] =	stream.linear.scatter [tilespmem:s29], [sflag:$0x2], $0x80, $0x38;
	[tilespmem:$0x16C00] =	vst v63  }
0x3eb: {  	s31 =	sadd.s32 $0xEBF8, s26;
	s1 =	sadd.s32 $0x70, s1  }
0x3ec: {  	[hbm4b:s1+s3] =	stream.linear.scatter [tilespmem:s31], [sflag:$0x2], $0x80, $0x38;
	[tilespmem:$0x16C00] =	vst v63  }
0x3ed: {  	s4 =	sadd.s32 $0xEC80, s26;
	s1 =	sadd.s32 s0, s8  }
0x3ee: {  	[hbm4b:s1+s3] =	stream.linear.scatter [tilespmem:s4], [sflag:$0x2], $0x80, $0x38;
	[tilespmem:$0x16C00] =	vst v63  }
0x3ef: {  	s5 =	sadd.s32 $0xED08, s26;
	s14 =	sadd.s32 $0x10, s1  }
0x3f0: {  	[hbm4b:s14+s3] =	stream.linear.scatter [tilespmem:s5], [sflag:$0x2], $0x80, $0x38;
	[tilespmem:$0x16C00] =	vst v63  }
0x3f1: {  	s15 =	sadd.s32 $0xED90, s26;
	s16 =	sadd.s32 $0x20, s1  }
0x3f2: {  	[hbm4b:s16+s3] =	stream.linear.scatter [tilespmem:s15], [sflag:$0x2], $0x80, $0x38;
	[tilespmem:$0x16C00] =	vst v63  }
0x3f3: {  	s17 =	sadd.s32 $0xEE18, s26;
	s18 =	sadd.s32 $0x30, s1  }
0x3f4: {  	[hbm4b:s18+s3] =	stream.linear.scatter [tilespmem:s17], [sflag:$0x2], $0x80, $0x38;
	[tilespmem:$0x16C00] =	vst v63  }
0x3f5: {  	s19 =	sadd.s32 $0xEEA0, s26;
	s21 =	sadd.s32 $0x40, s1  }
0x3f6: {  	[hbm4b:s21+s3] =	stream.linear.scatter [tilespmem:s19], [sflag:$0x2], $0x80, $0x38;
	[tilespmem:$0x16C00] =	vst v63  }
0x3f7: {  	s22 =	sadd.s32 $0xEF28, s26;
	s28 =	sadd.s32 $0x50, s1  }
0x3f8: {  	[hbm4b:s28+s3] =	stream.linear.scatter [tilespmem:s22], [sflag:$0x2], $0x80, $0x38;
	[tilespmem:$0x16C00] =	vst v63  }
0x3f9: {  	s29 =	sadd.s32 $0xEFB0, s26;
	s30 =	sadd.s32 $0x60, s1  }
0x3fa: {  	[hbm4b:s30+s3] =	stream.linear.scatter [tilespmem:s29], [sflag:$0x2], $0x80, $0x38;
	[tilespmem:$0x16C00] =	vst v63  }
0x3fb: {  	s31 =	sadd.s32 $0xF038, s26;
	s1 =	sadd.s32 $0x70, s1  }
0x3fc: {  	[hbm4b:s1+s3] =	stream.linear.scatter [tilespmem:s31], [sflag:$0x2], $0x80, $0x38;
	[tilespmem:$0x16C00] =	vst v63  }
0x3fd: {  	s4 =	sadd.s32 $0xF0C0, s26;
	s1 =	sadd.s32 s0, s9  }
0x3fe: {  	[hbm4b:s1+s3] =	stream.linear.scatter [tilespmem:s4], [sflag:$0x2], $0x80, $0x38;
	[tilespmem:$0x16C00] =	vst v63  }
0x3ff: {  	s5 =	sadd.s32 $0xF148, s26;
	s14 =	sadd.s32 $0x10, s1  }
0x400: {  	[hbm4b:s14+s3] =	stream.linear.scatter [tilespmem:s5], [sflag:$0x2], $0x80, $0x38;
	[tilespmem:$0x16C00] =	vst v63  }
0x401: {  	s15 =	sadd.s32 $0xF1D0, s26;
	s16 =	sadd.s32 $0x20, s1  }
0x402: {  	[hbm4b:s16+s3] =	stream.linear.scatter [tilespmem:s15], [sflag:$0x2], $0x80, $0x38;
	[tilespmem:$0x16C00] =	vst v63  }
0x403: {  	s17 =	sadd.s32 $0xF258, s26;
	s18 =	sadd.s32 $0x30, s1  }
0x404: {  	[hbm4b:s18+s3] =	stream.linear.scatter [tilespmem:s17], [sflag:$0x2], $0x80, $0x38;
	[tilespmem:$0x16C00] =	vst v63  }
0x405: {  	s19 =	sadd.s32 $0xF2E0, s26;
	s21 =	sadd.s32 $0x40, s1  }
0x406: {  	[hbm4b:s21+s3] =	stream.linear.scatter [tilespmem:s19], [sflag:$0x2], $0x80, $0x38;
	[tilespmem:$0x16C00] =	vst v63  }
0x407: {  	s22 =	sadd.s32 $0xF368, s26;
	s28 =	sadd.s32 $0x50, s1  }
0x408: {  	[hbm4b:s28+s3] =	stream.linear.scatter [tilespmem:s22], [sflag:$0x2], $0x80, $0x38;
	[tilespmem:$0x16C00] =	vst v63  }
0x409: {  	s29 =	sadd.s32 $0xF3F0, s26;
	s30 =	sadd.s32 $0x60, s1  }
0x40a: {  	[hbm4b:s30+s3] =	stream.linear.scatter [tilespmem:s29], [sflag:$0x2], $0x80, $0x38;
	[tilespmem:$0x16C00] =	vst v63  }
0x40b: {  	s31 =	sadd.s32 $0xF478, s26;
	s1 =	sadd.s32 $0x70, s1  }
0x40c: {  	[hbm4b:s1+s3] =	stream.linear.scatter [tilespmem:s31], [sflag:$0x2], $0x80, $0x38;
	[tilespmem:$0x16C00] =	vst v63  }
0x40d: {  	s4 =	sadd.s32 $0xF500, s26;
	s1 =	sadd.s32 s0, s10  }
0x40e: {  	[hbm4b:s1+s3] =	stream.linear.scatter [tilespmem:s4], [sflag:$0x2], $0x80, $0x38;
	[tilespmem:$0x16C00] =	vst v63  }
0x40f: {  	s5 =	sadd.s32 $0xF588, s26;
	s14 =	sadd.s32 $0x10, s1  }
0x410: {  	[hbm4b:s14+s3] =	stream.linear.scatter [tilespmem:s5], [sflag:$0x2], $0x80, $0x38;
	[tilespmem:$0x16C00] =	vst v63  }
0x411: {  	s15 =	sadd.s32 $0xF610, s26;
	s16 =	sadd.s32 $0x20, s1  }
0x412: {  	[hbm4b:s16+s3] =	stream.linear.scatter [tilespmem:s15], [sflag:$0x2], $0x80, $0x38;
	[tilespmem:$0x16C00] =	vst v63  }
0x413: {  	s17 =	sadd.s32 $0xF698, s26;
	s18 =	sadd.s32 $0x30, s1  }
0x414: {  	[hbm4b:s18+s3] =	stream.linear.scatter [tilespmem:s17], [sflag:$0x2], $0x80, $0x38;
	[tilespmem:$0x16C00] =	vst v63  }
0x415: {  	s19 =	sadd.s32 $0xF720, s26;
	s21 =	sadd.s32 $0x40, s1  }
0x416: {  	[hbm4b:s21+s3] =	stream.linear.scatter [tilespmem:s19], [sflag:$0x2], $0x80, $0x38;
	[tilespmem:$0x16C00] =	vst v63  }
0x417: {  	s22 =	sadd.s32 $0xF7A8, s26;
	s28 =	sadd.s32 $0x50, s1  }
0x418: {  	[hbm4b:s28+s3] =	stream.linear.scatter [tilespmem:s22], [sflag:$0x2], $0x80, $0x38;
	[tilespmem:$0x16C00] =	vst v63  }
0x419: {  	s29 =	sadd.s32 $0xF830, s26;
	s30 =	sadd.s32 $0x60, s1  }
0x41a: {  	[hbm4b:s30+s3] =	stream.linear.scatter [tilespmem:s29], [sflag:$0x2], $0x80, $0x38;
	[tilespmem:$0x16C00] =	vst v63  }
0x41b: {  	s31 =	sadd.s32 $0xF8B8, s26;
	s1 =	sadd.s32 $0x70, s1  }
0x41c: {  	[hbm4b:s1+s3] =	stream.linear.scatter [tilespmem:s31], [sflag:$0x2], $0x80, $0x38;
	[tilespmem:$0x16C00] =	vst v63  }
0x41d: {  	s4 =	sadd.s32 $0xF940, s26;
	s1 =	sadd.s32 s0, s11  }
0x41e: {  	[hbm4b:s1+s3] =	stream.linear.scatter [tilespmem:s4], [sflag:$0x2], $0x80, $0x38;
	[tilespmem:$0x16C00] =	vst v63  }
0x41f: {  	s5 =	sadd.s32 $0xF9C8, s26;
	s14 =	sadd.s32 $0x10, s1  }
0x420: {  	[hbm4b:s14+s3] =	stream.linear.scatter [tilespmem:s5], [sflag:$0x2], $0x80, $0x38;
	[tilespmem:$0x16C00] =	vst v63  }
0x421: {  	s15 =	sadd.s32 $0xFA50, s26;
	s16 =	sadd.s32 $0x20, s1  }
0x422: {  	[hbm4b:s16+s3] =	stream.linear.scatter [tilespmem:s15], [sflag:$0x2], $0x80, $0x38;
	[tilespmem:$0x16C00] =	vst v63  }
0x423: {  	s17 =	sadd.s32 $0xFAD8, s26;
	s18 =	sadd.s32 $0x30, s1  }
0x424: {  	[hbm4b:s18+s3] =	stream.linear.scatter [tilespmem:s17], [sflag:$0x2], $0x80, $0x38;
	[tilespmem:$0x16C00] =	vst v63  }
0x425: {  	s19 =	sadd.s32 $0xFB60, s26;
	s21 =	sadd.s32 $0x40, s1  }
0x426: {  	[hbm4b:s21+s3] =	stream.linear.scatter [tilespmem:s19], [sflag:$0x2], $0x80, $0x38;
	[tilespmem:$0x16C00] =	vst v63  }
0x427: {  	s22 =	sadd.s32 $0xFBE8, s26;
	s28 =	sadd.s32 $0x50, s1  }
0x428: {  	[hbm4b:s28+s3] =	stream.linear.scatter [tilespmem:s22], [sflag:$0x2], $0x80, $0x38;
	[tilespmem:$0x16C00] =	vst v63  }
0x429: {  	s29 =	sadd.s32 $0xFC70, s26;
	s30 =	sadd.s32 $0x60, s1  }
0x42a: {  	[hbm4b:s30+s3] =	stream.linear.scatter [tilespmem:s29], [sflag:$0x2], $0x80, $0x38;
	[tilespmem:$0x16C00] =	vst v63  }
0x42b: {  	s31 =	sadd.s32 $0xFCF8, s26;
	s1 =	sadd.s32 $0x70, s1  }
0x42c: {  	[hbm4b:s1+s3] =	stream.linear.scatter [tilespmem:s31], [sflag:$0x2], $0x80, $0x38;
	[tilespmem:$0x16C00] =	vst v63  }
0x42d: {  	s4 =	sadd.s32 $0xFD80, s26;
	s1 =	sadd.s32 s0, s12  }
0x42e: {  	[hbm4b:s1+s3] =	stream.linear.scatter [tilespmem:s4], [sflag:$0x2], $0x80, $0x38;
	[tilespmem:$0x16C00] =	vst v63  }
0x42f: {  	s5 =	sadd.s32 $0xFE08, s26;
	s14 =	sadd.s32 $0x10, s1  }
0x430: {  	[hbm4b:s14+s3] =	stream.linear.scatter [tilespmem:s5], [sflag:$0x2], $0x80, $0x38;
	[tilespmem:$0x16C00] =	vst v63  }
0x431: {  	s15 =	sadd.s32 $0xFE90, s26;
	s16 =	sadd.s32 $0x20, s1  }
0x432: {  	[hbm4b:s16+s3] =	stream.linear.scatter [tilespmem:s15], [sflag:$0x2], $0x80, $0x38;
	[tilespmem:$0x16C00] =	vst v63  }
0x433: {  	s17 =	sadd.s32 $0xFF18, s26;
	s18 =	sadd.s32 $0x30, s1  }
0x434: {  	[hbm4b:s18+s3] =	stream.linear.scatter [tilespmem:s17], [sflag:$0x2], $0x80, $0x38;
	[tilespmem:$0x16C00] =	vst v63  }
0x435: {  	s19 =	sadd.s32 $0xFFA0, s26;
	s21 =	sadd.s32 $0x40, s1  }
0x436: {  	[hbm4b:s21+s3] =	stream.linear.scatter [tilespmem:s19], [sflag:$0x2], $0x80, $0x38;
	[tilespmem:$0x16C00] =	vst v63  }
0x437: {  	s22 =	sadd.s32 $0x10028, s26;
	s28 =	sadd.s32 $0x50, s1  }
0x438: {  	[hbm4b:s28+s3] =	stream.linear.scatter [tilespmem:s22], [sflag:$0x2], $0x80, $0x38;
	[tilespmem:$0x16C00] =	vst v63  }
0x439: {  	s29 =	sadd.s32 $0x100B0, s26;
	s30 =	sadd.s32 $0x60, s1  }
0x43a: {  	[hbm4b:s30+s3] =	stream.linear.scatter [tilespmem:s29], [sflag:$0x2], $0x80, $0x38;
	[tilespmem:$0x16C00] =	vst v63  }
0x43b: {  	s31 =	sadd.s32 $0x10138, s26;
	s1 =	sadd.s32 $0x70, s1  }
0x43c: {  	[hbm4b:s1+s3] =	stream.linear.scatter [tilespmem:s31], [sflag:$0x2], $0x80, $0x38;
	[tilespmem:$0x16C00] =	vst v63  }
0x43d: {  	s0 =	sadd.s32 s0, s13;
	s4 =	sadd.s32 $0x101C0, s26  }
0x43e: {  	[hbm4b:s0+s3] =	stream.linear.scatter [tilespmem:s4], [sflag:$0x2], $0x80, $0x38;
	[tilespmem:$0x16C00] =	vst v63  }
0x43f: {  	s5 =	sadd.s32 $0x10248, s26;
	s14 =	sadd.s32 $0x10, s0  }
0x440: {  	[hbm4b:s14+s3] =	stream.linear.scatter [tilespmem:s5], [sflag:$0x2], $0x80, $0x38;
	[tilespmem:$0x16C00] =	vst v63  }
0x441: {  	s15 =	sadd.s32 $0x102D0, s26;
	s16 =	sadd.s32 $0x20, s0  }
0x442: {  	[hbm4b:s16+s3] =	stream.linear.scatter [tilespmem:s15], [sflag:$0x2], $0x80, $0x38;
	[tilespmem:$0x16C00] =	vst v63  }
0x443: {  	s17 =	sadd.s32 $0x10358, s26;
	s18 =	sadd.s32 $0x30, s0  }
0x444: {  	[hbm4b:s18+s3] =	stream.linear.scatter [tilespmem:s17], [sflag:$0x2], $0x80, $0x38;
	[tilespmem:$0x16C00] =	vst v63  }
0x445: {  	s19 =	sadd.s32 $0x103E0, s26;
	s21 =	sadd.s32 $0x40, s0  }
0x446: {  	[hbm4b:s21+s3] =	stream.linear.scatter [tilespmem:s19], [sflag:$0x2], $0x80, $0x38;
	[tilespmem:$0x16C00] =	vst v63  }
0x447: {  	s22 =	sadd.s32 $0x10468, s26;
	s28 =	sadd.s32 $0x50, s0  }
0x448: {  	[hbm4b:s28+s3] =	stream.linear.scatter [tilespmem:s22], [sflag:$0x2], $0x80, $0x38;
	[tilespmem:$0x16C00] =	vst v63  }
0x449: {  	s29 =	sadd.s32 $0x104F0, s26;
	s30 =	sadd.s32 $0x60, s0  }
0x44a: {  	[hbm4b:s30+s3] =	stream.linear.scatter [tilespmem:s29], [sflag:$0x2], $0x80, $0x38;
	[tilespmem:$0x16C00] =	vst v63  }
0x44b: {  	p0 =	slt.u32 s25, $0x2;
	s31 =	sadd.s32 $0x10578, s26;
	s0 =	sadd.s32 $0x70, s0  }
0x44c: {  	[hbm4b:s0+s3] =	stream.linear.scatter [tilespmem:s31], [sflag:$0x2], $0x80, $0x38;
	[tilespmem:$0x16C00] =	vst v63  }
0x44d: {  	s0 =	simm.s32 @!p0 $0x2  }
0x44e: {  	_ =	swait.ge @!p0 [sflag:s0], $0x400  }
0x44f: {  	[sflag:s0] =	ssyncset.done @!p0 $0x0  }
0x450: {  	[sflag:s0] =	ssyncadd.s32 @!p0 $0xFFFFFC00  }
0x451: {  	_ =	swait.ge @!p0 [sflag:s0], $0x400  }
0x452: {  	[sflag:s0] =	ssyncset.done @!p0 $0x0  }
0x453: {  	[sflag:s0] =	ssyncadd.s32 @!p0 $0xFFFFFC00  }
0x454: {  	_ =	swait.ge @!p0 [sflag:s0], $0x400  }
0x455: {  	[sflag:s0] =	ssyncset.done @!p0 $0x0  }
0x456: {  	[sflag:s0] =	ssyncadd.s32 @!p0 $0xFFFFFC00  }
0x457: {  	_ =	swait.ge @!p0 [sflag:s0], $0x400  }
0x458: {  	[sflag:s0] =	ssyncset.done @!p0 $0x0  }
0x459: {  	[sflag:s0] =	ssyncadd.s32 @!p0 $0xFFFFFC00  }
0x45a: {  	_ =	swait.ge @!p0 [sflag:s0], $0x400  }
0x45b: {  	[sflag:s0] =	ssyncset.done @!p0 $0x0  }
0x45c: {  	[sflag:s0] =	ssyncadd.s32 @!p0 $0xFFFFFC00  }
0x45d: {  	_ =	swait.ge @!p0 [sflag:s0], $0x400  }
0x45e: {  	[sflag:s0] =	ssyncset.done @!p0 $0x0  }
0x45f: {  	[sflag:s0] =	ssyncadd.s32 @!p0 $0xFFFFFC00  }
0x460: {  	_ =	swait.ge @!p0 [sflag:s0], $0x400  }
0x461: {  	[sflag:s0] =	ssyncset.done @!p0 $0x0  }
0x462: {  	[sflag:s0] =	ssyncadd.s32 @!p0 $0xFFFFFC00  }
0x463: {  	p1 =	sgt.u32 @!p0 s25, $0xC5;
	_ =	swait.ge @!p0 [sflag:s0], $0x400  }
0x464: {  	p1 =	por p0, !p1;
	[sflag:s0] =	ssyncset.done @!p0 $0x0  }
0x465: {  	[sflag:s0] =	ssyncadd.s32 @!p0 $0xFFFFFC00;
	s0 =	sadd.s32 @p1 $0x2, s25;
	s25 =	sadd.s32 $0x1, s25  }
0x466: {  	p0 =	sne.s32 s25, $0xC8  }
.Ltmp1:
0x467: {  	_ = 	snop;
	(pc) =	sbr.rel @p0 .LBB2_2-.Ltmp1, $4  }
0x468: {  	s24 =	sadd.s32 $0x80, s24;
	s23 =	sadd.s32 $0x1, s23;
	v45 =	vimm.s32 $0x2;
	v57 =	vmovc v25;
	v0 =	vimm.s32 $0x3;
	v25 =	vimm.s32 $0x5;
	s1 =	sshll.u32 @p1 s0, $0xD  }
0x469: {  	v56 =	vimm.s32 $0x6;
	v47 =	vimm.s32 $0x0;
	v44 =	vimm.s32 $0x1;
	s4 =	simm.s32 @p1 $0x80;
	s0 =	sshll.u32 @p1 s0, $0x7;
	s1 =	sand.u32 @p1 $0x6000, s1  }
0x46a: {  	v48 =	vmovc v4;
	v55 =	vimm.s32 $0x7;
	v37 =	vimm.s32 $0x4;
	v58 =	vimm.s32 $0x9;
	s2 =	rddreg @p1 [dreg:$0x3];
	s0 =	sand.u32 @p1 $0x3FFFFF80, s0;
	s1 =	sadd.s32 @p1 $0x6400, s1  }
0x46b: {  	v4 =	vmovc v57;
	v54 =	vmovc v49;
	v61 =	vimm.s32 $0x8;
	v59 =	vimm.s32 $0xA;
	v46 =	vimm.f32 $8.000000000e+00;
	[tilespmem:s1], [sflag:$0x1] =	stream.indirect.gather @p1 [hbm4b:s2+s4], $0x40, s0, s4, $0xb8;
	[tilespmem:$0x16C00] =	vst v63  }
0x46c: {  	s1 =	simm.s32 $0x2  }
0x46d: {  	_ =	swait.ge [sflag:s1], $0x400  }
0x46e: {  	[sflag:s1] =	ssyncset.done $0x0  }
0x46f: {  	[sflag:s1] =	ssyncadd.s32 $0xFFFFFC00  }
0x470: {  	_ =	swait.ge [sflag:s1], $0x400  }
0x471: {  	[sflag:s1] =	ssyncset.done $0x0  }
0x472: {  	[sflag:s1] =	ssyncadd.s32 $0xFFFFFC00  }
0x473: {  	_ =	swait.ge [sflag:s1], $0x400  }
0x474: {  	[sflag:s1] =	ssyncset.done $0x0  }
0x475: {  	[sflag:s1] =	ssyncadd.s32 $0xFFFFFC00  }
0x476: {  	_ =	swait.ge [sflag:s1], $0x400  }
0x477: {  	[sflag:s1] =	ssyncset.done $0x0  }
0x478: {  	[sflag:s1] =	ssyncadd.s32 $0xFFFFFC00  }
0x479: {  	_ =	swait.ge [sflag:s1], $0x400  }
0x47a: {  	[sflag:s1] =	ssyncset.done $0x0  }
0x47b: {  	[sflag:s1] =	ssyncadd.s32 $0xFFFFFC00  }
0x47c: {  	_ =	swait.ge [sflag:s1], $0x400  }
0x47d: {  	[sflag:s1] =	ssyncset.done $0x0  }
0x47e: {  	[sflag:s1] =	ssyncadd.s32 $0xFFFFFC00  }
0x47f: {  	_ =	swait.ge [sflag:s1], $0x400  }
0x480: {  	[sflag:s1] =	ssyncset.done $0x0  }
0x481: {  	[sflag:s1] =	ssyncadd.s32 $0xFFFFFC00  }
0x482: {  	_ =	swait.ge [sflag:s1], $0x400  }
0x483: {  	[sflag:s1] =	ssyncset.done $0x0  }
0x484: {  	[sflag:s1] =	ssyncadd.s32 $0xFFFFFC00  }
0x485: {  	_ =	swait.ge [sflag:s1], $0x400  }
0x486: {  	[sflag:s1] =	ssyncset.done $0x0  }
0x487: {  	[sflag:s1] =	ssyncadd.s32 $0xFFFFFC00  }
0x488: {  	_ =	swait.ge [sflag:s1], $0x400  }
0x489: {  	[sflag:s1] =	ssyncset.done $0x0  }
0x48a: {  	[sflag:s1] =	ssyncadd.s32 $0xFFFFFC00  }
0x48b: {  	_ =	swait.ge [sflag:s1], $0x400  }
0x48c: {  	[sflag:s1] =	ssyncset.done $0x0  }
0x48d: {  	[sflag:s1] =	ssyncadd.s32 $0xFFFFFC00  }
0x48e: {  	_ =	swait.ge [sflag:s1], $0x400  }
0x48f: {  	[sflag:s1] =	ssyncset.done $0x0  }
0x490: {  	[sflag:s1] =	ssyncadd.s32 $0xFFFFFC00  }
0x491: {  	_ =	swait.ge [sflag:s1], $0x400  }
0x492: {  	[sflag:s1] =	ssyncset.done $0x0  }
0x493: {  	[sflag:s1] =	ssyncadd.s32 $0xFFFFFC00  }
0x494: {  	_ =	swait.ge [sflag:s1], $0x400  }
0x495: {  	[sflag:s1] =	ssyncset.done $0x0  }
0x496: {  	[sflag:s1] =	ssyncadd.s32 $0xFFFFFC00  }
0x497: {  	_ =	swait.ge [sflag:s1], $0x400  }
0x498: {  	[sflag:s1] =	ssyncset.done $0x0  }
0x499: {  	[sflag:s1] =	ssyncadd.s32 $0xFFFFFC00  }
0x49a: {  	_ =	swait.ge [sflag:s1], $0x400  }
0x49b: {  	s2 =	rddreg [dreg:$0x6]  }
0x49c: {  	s0 =	rddreg [dreg:$0x5];
	s2 =	sadd.s32 $0x1, s2  }
0x49d: {  	p0 =	sne.s32 s2, s0  }
.Ltmp2:
0x49e: {  	_ = 	snop;
	(pc) =	sbr.rel @p0 .LBB2_1-.Ltmp2, $3  }
0x49f: {  	_ =	sdelay $0x1  }
0x4a0: {  	[sflag:s1] =	ssyncset.done $0x0  }
0x4a1: {  	[sflag:s1] =	ssyncadd.s32 $0xFFFFFC00  }
0x4a2: {  	_ =	sfence.sel $0x180000  }
0x4a3: {  	[bflag:$0x0] =	sbarrier.arrive $0xFFFF  }
0x4a4: {  	_ =	strace $0x90000047  }
0x4a5: {  	s0 =	stileid.u32;
	[bflag:$0x2] =	sbarrier.arrive $0xFFFF  }
0x4a6: {  	p0 =	sne.s32 s0, $0x0;
	s0 =	rddreg [dreg:$0x2]  }
0x4a7: {  	s0 =	sadd.s32 @!p0 $0x100000, s0  }
0x4a8: {  	[sflag:s0] =	ssyncadd.tile.s32 @!p0 $0x1;
	_ =	shalt  }
.Lfunc_end2:
_tile_overlayer_lowered:
.L_overlay_start_2:
0x4a9: {  	(tag) =	ssettag $0x2  }
0x4aa: {  	s0 =	rddreg [dreg:$0x0];
	s2 =	stileid.u32  }
0x4ab: {  	s1 =	rddreg [dreg:$0x1];
	p0 =	sne.s32 s2, $0x0  }
0x4ac: {  	s3 =	rddreg [dreg:$0x2];
	[bflag:$0x3] =	sbarrier.arrive $0xFFFF;
	s2 =	simm.s32 @!p0 $0x1C03  }
0x4ad: {  	[timem:s3], [sflag:s2] =	dma.local @!p0 [hbm:s0], s1  }
0x4ae: {  	s0 =	simm.s32 @!p0 $0x3  }
0x4af: {  	_ =	swait.ge @!p0 [sflag:s0], s1  }
0x4b0: {  	s1 =	ssub.s32 @!p0 $0x0, s1;
	[sflag:s0] =	ssyncset.done @!p0 $0x0  }
0x4b1: {  	[sflag:s0] =	ssyncadd.s32 @!p0 s1  }
0x4b2: {  	[bflag:$0x3] =	sbarrier.arrive $0xFFFF  }
0x4b3: {  	_ =	shalt  }

</sc_bundles>
